<compile_context>
chip_gen: v7x
topology: tpu7x:2x2x1
jax: 0.10.2.dev20260603
libtpu: 0.0.44.dev20260713+nightly
codegen_flags: <defaults>
</compile_context>

<pallas_src>
import functools

import jax
import jax.numpy as jnp
from jax import lax
from jax.experimental import pallas as pl
from jax.experimental.pallas import tpu as pltpu
from jax.experimental.pallas import tpu_sc as plsc

_NUM_BLUEPRINTS = 1_000_000
_NULL_IDX = _NUM_BLUEPRINTS
_D = 32
_L = 16
_BCHUNK = 256
_RING = 6
_AHEAD = 3
_NC = 2
_NS = 16
_NW = _NC * _NS


def _make_kernel(s, b):
    b_per_w = b // _NW
    chunks = b_per_w // _BCHUNK
    assert s > 2 * _RING
    rounds = (s - _AHEAD) // _RING
    tail0 = _AHEAD + _RING * rounds

    mesh = plsc.VectorSubcoreMesh(
        core_axis_name="c", subcore_axis_name="s",
        num_cores=_NC, num_subcores=_NS)

    @functools.partial(
        pl.kernel,
        out_type=jax.ShapeDtypeStruct((s, b, _D), jnp.float32),
        mesh=mesh,
        compiler_params=pltpu.CompilerParams(use_tc_tiling_on_sc=False),
        scratch_types=[
            pltpu.VMEM((2, s, _BCHUNK), jnp.int32),
            pltpu.VMEM((_RING, _BCHUNK, _D), jnp.float32),
        ]
        + [pltpu.SemaphoreType.DMA] * (2 * _RING),
    )
    def k(table_hbm, idx_hbm, out_hbm, idx_v, rows_v, *sems):
        gsems = sems[:_RING]
        ssems = sems[_RING:]
        wid = lax.axis_index("s") * _NC + lax.axis_index("c")

        def remap(islot):
            def body(j, carry):
                for l in range(_BCHUNK // _L):
                    v = idx_v[islot, j, pl.ds(l * _L, _L)]
                    v = jnp.where(v < 0, jnp.int32(_NULL_IDX), v)
                    idx_v[islot, j, pl.ds(l * _L, _L)] = v
                return carry
            lax.fori_loop(0, s, body, 0)

        def gather(islot, sidx, slot):
            for h in range(2):
                pltpu.async_copy(
                    table_hbm.at[idx_v.at[islot, sidx, pl.ds(h * 128, 128)]],
                    rows_v.at[slot, pl.ds(h * 128, 128)], gsems[slot])

        def g_wait(islot, sidx, slot):
            for h in range(2):
                pltpu.make_async_copy(
                    table_hbm.at[idx_v.at[islot, sidx, pl.ds(h * 128, 128)]],
                    rows_v.at[slot, pl.ds(h * 128, 128)], gsems[slot]).wait()

        def store(sidx, b0, slot):
            return pltpu.async_copy(
                rows_v.at[slot],
                out_hbm.at[sidx, pl.ds(b0, _BCHUNK)],
                ssems[slot])

        def st_wait(sidx, b0, slot):
            pltpu.make_async_copy(
                rows_v.at[slot],
                out_hbm.at[sidx, pl.ds(b0, _BCHUNK)],
                ssems[slot]).wait()

        def step(t, slot, nslot, has_prev, islot, b0):
            g_wait(islot, t, slot)
            store(t, b0, slot)
            if has_prev:
                st_wait(t - (_RING - _AHEAD), b0, nslot)

                @pl.when(t + _AHEAD < s)
                def _():
                    gather(islot, t + _AHEAD, nslot)
            else:
                gather(islot, t + _AHEAD, nslot)

        for c in range(chunks):
            b0 = wid * b_per_w + c * _BCHUNK
            islot = c % 2
            pltpu.sync_copy(idx_hbm.at[:, pl.ds(b0, _BCHUNK)],
                            idx_v.at[islot])
            remap(islot)

            for u in range(_AHEAD):
                gather(islot, u, u)

            for t in range(_AHEAD):
                step(t, t % _RING, (t + _AHEAD) % _RING, False, islot, b0)

            def round_body(r, carry, islot=islot, b0=b0):
                base = _AHEAD + r * _RING
                for u in range(_RING):
                    slot = (_AHEAD + u) % _RING
                    nslot = (2 * _AHEAD + u) % _RING
                    step(base + u, slot, nslot, True, islot, b0)
                return carry

            lax.fori_loop(0, rounds, round_body, 0)

            for t in range(tail0, s):
                step(t, t % _RING, (t + _AHEAD) % _RING, True, islot, b0)
            for t in range(s - _AHEAD, s):
                st_wait(t, b0, t % _RING)

    return k


def kernel(blueprint_indices, embedding_weight):
    b, s = blueprint_indices.shape
    idx_t = jnp.transpose(blueprint_indices.astype(jnp.int32))
    out_t = _make_kernel(s, b)(embedding_weight, idx_t)
    return jnp.transpose(out_t, (1, 0, 2))

# --- scband reference (transcript-rebuilt; emitter-appended) ---
"""Pipeline reference for scband-blueprint-embedding-79250736546699 (READ-ONLY COPY).

The authoritative reference and input builder live on the scoring server;
editing this copy changes nothing except your own understanding.
"""

import jax, jax.numpy as jnp
import numpy as np

NUM_BLUEPRINTS = 1000000
EMBED_DIM = 32
NULL_IDX = NUM_BLUEPRINTS  # -1 maps to the extra (last) row of the table


def setup_inputs(seed: int = 0) -> dict:
    key = jax.random.key(seed)
    k_idx, k_w = jax.random.split(key)
    blueprint_indices = jax.random.randint(k_idx, (16384, 100), 0, NUM_BLUEPRINTS, dtype=jnp.int64)
    # embedding table: (num_blueprints + 1) x embed_dim, init N(0, 0.02)
    embedding_weight = jax.random.normal(k_w, (NUM_BLUEPRINTS + 1, EMBED_DIM), dtype=jnp.float32) * 0.02
    return {"blueprint_indices": blueprint_indices, "embedding_weight": embedding_weight}


def reference(blueprint_indices, embedding_weight):
    # Inactive slots (index < 0) map to the trainable null embedding row.
    null_idx = jnp.asarray(NULL_IDX, dtype=blueprint_indices.dtype)
    safe_idx = jnp.where(blueprint_indices < 0, null_idx, blueprint_indices)
    # Embedding lookup -> gather
    return jnp.take(embedding_weight, safe_idx, axis=0)

if __name__ == "__main__":
    import jax
    _d = setup_inputs()
    print(jax.jit(kernel)(*tuple(_d.values())))

</pallas_src>

<mosaic_0001>
#map = affine_map<(d0, d1) -> (0, 0)>
#map1 = affine_map<(d0, d1) -> (0, 0, 0)>
module attributes {stable_mosaic.version = 14 : i64} {
  func.func @k(%arg0: i32, %arg1: i32, %arg2: memref<1000001x32xf32, #tpu.memory_space<hbm>>, %arg3: memref<100x16384xi32, #tpu.memory_space<hbm>>, %arg4: memref<100x16384x32xf32, #tpu.memory_space<hbm>>, %arg5: memref<2x100x256xi32, #tpu.memory_space<vmem>>, %arg6: memref<6x256x32xf32, #tpu.memory_space<vmem>>, %arg7: memref<!tpu.dma_semaphore, #tpu.memory_space<semaphore_mem>>, %arg8: memref<!tpu.dma_semaphore, #tpu.memory_space<semaphore_mem>>, %arg9: memref<!tpu.dma_semaphore, #tpu.memory_space<semaphore_mem>>, %arg10: memref<!tpu.dma_semaphore, #tpu.memory_space<semaphore_mem>>, %arg11: memref<!tpu.dma_semaphore, #tpu.memory_space<semaphore_mem>>, %arg12: memref<!tpu.dma_semaphore, #tpu.memory_space<semaphore_mem>>, %arg13: memref<!tpu.dma_semaphore, #tpu.memory_space<semaphore_mem>>, %arg14: memref<!tpu.dma_semaphore, #tpu.memory_space<semaphore_mem>>, %arg15: memref<!tpu.dma_semaphore, #tpu.memory_space<semaphore_mem>>, %arg16: memref<!tpu.dma_semaphore, #tpu.memory_space<semaphore_mem>>, %arg17: memref<!tpu.dma_semaphore, #tpu.memory_space<semaphore_mem>>, %arg18: memref<!tpu.dma_semaphore, #tpu.memory_space<semaphore_mem>>) attributes {dimension_semantics = [#tpu.dimension_semantics<core_parallel>, #tpu.dimension_semantics<subcore_parallel>], iteration_bounds = array<i64: 2, 16>, scalar_prefetch = 0 : i64, scratch_operands = 14 : i64, tpu.core_type = #tpu.core_type<sc_vector_subcore>, window_params = [{transform_indices = #map}, {transform_indices = #map}, {transform_indices = #map1}]} {
    %mul3A = arith.constant 2 : i32
    %mul3A_0 = arith.muli %arg1, %mul3A : i32
    %add3A = arith.addi %mul3A_0, %arg0 : i32
    %mul3A_1 = arith.constant 512 : i32
    %mul3A_2 = arith.muli %add3A, %mul3A_1 : i32
    %add3A_3 = arith.constant 0 : i32
    %add3A_4 = arith.addi %mul3A_2, %add3A_3 : i32
    %run_scoped3A = arith.constant 0 : i32
    "tpu.region"() ({
      %run_scoped3A_807 = tpu.sem_alloc : memref<!tpu.dma_semaphore, #tpu.memory_space<semaphore_mem>>
      %dma_start3A_808 = arith.constant 0 : i32
      %dma_start3A_809 = arith.constant 0 : i32
      %dma_start3A_810 = tpu.memref_slice %arg5[%run_scoped3A, %dma_start3A_808, %dma_start3A_809] : memref<2x100x256xi32, #tpu.memory_space<vmem>> -> memref<1x100x256xi32, #tpu.memory_space<vmem>>
      %dma_start3A_811 = tpu.memref_squeeze %dma_start3A_810 : memref<1x100x256xi32, #tpu.memory_space<vmem>> -> memref<100x256xi32, #tpu.memory_space<vmem>>
      %dma_start3A_812 = arith.constant 0 : i32
      %dma_start3A_813 = tpu.memref_slice %arg3[%dma_start3A_812, %add3A_4] : memref<100x16384xi32, #tpu.memory_space<hbm>> -> memref<100x256xi32, #tpu.memory_space<hbm>>
      %dma_start3A_814 = arith.constant 0 : i32
      %dma_start3A_815 = arith.constant 0 : i32
      %dma_start3A_816 = tpu.memref_slice %arg5[%run_scoped3A, %dma_start3A_814, %dma_start3A_815] : memref<2x100x256xi32, #tpu.memory_space<vmem>> -> memref<1x100x256xi32, #tpu.memory_space<vmem>>
      %dma_start3A_817 = tpu.memref_squeeze %dma_start3A_816 : memref<1x100x256xi32, #tpu.memory_space<vmem>> -> memref<100x256xi32, #tpu.memory_space<vmem>>
      %dma_start3A_818 = arith.constant 0 : i32
      %dma_start3A_819 = tpu.memref_slice %arg3[%dma_start3A_818, %add3A_4] : memref<100x16384xi32, #tpu.memory_space<hbm>> -> memref<100x256xi32, #tpu.memory_space<hbm>>
      tpu.enqueue_dma source(%dma_start3A_819 : memref<100x256xi32, #tpu.memory_space<hbm>>) target(%dma_start3A_817 : memref<100x256xi32, #tpu.memory_space<vmem>>) target_semaphore(%run_scoped3A_807 : memref<!tpu.dma_semaphore, #tpu.memory_space<semaphore_mem>>)
      %dma_wait3A_820 = arith.constant 0 : i32
      %dma_wait3A_821 = arith.constant 0 : i32
      %dma_wait3A_822 = tpu.memref_slice %arg5[%run_scoped3A, %dma_wait3A_820, %dma_wait3A_821] : memref<2x100x256xi32, #tpu.memory_space<vmem>> -> memref<1x100x256xi32, #tpu.memory_space<vmem>>
      %dma_wait3A_823 = tpu.memref_squeeze %dma_wait3A_822 : memref<1x100x256xi32, #tpu.memory_space<vmem>> -> memref<100x256xi32, #tpu.memory_space<vmem>>
      %dma_wait3A_824 = arith.constant 0 : i32
      %dma_wait3A_825 = tpu.memref_slice %arg3[%dma_wait3A_824, %add3A_4] : memref<100x16384xi32, #tpu.memory_space<hbm>> -> memref<100x256xi32, #tpu.memory_space<hbm>>
      %dma_wait3A_826 = arith.constant 0 : i32
      %dma_wait3A_827 = arith.constant 0 : i32
      %dma_wait3A_828 = tpu.memref_slice %arg5[%run_scoped3A, %dma_wait3A_826, %dma_wait3A_827] : memref<2x100x256xi32, #tpu.memory_space<vmem>> -> memref<1x100x256xi32, #tpu.memory_space<vmem>>
      %dma_wait3A_829 = tpu.memref_squeeze %dma_wait3A_828 : memref<1x100x256xi32, #tpu.memory_space<vmem>> -> memref<100x256xi32, #tpu.memory_space<vmem>>
      %dma_wait3A_830 = arith.constant 0 : i32
      %dma_wait3A_831 = tpu.memref_slice %arg3[%dma_wait3A_830, %add3A_4] : memref<100x16384xi32, #tpu.memory_space<hbm>> -> memref<100x256xi32, #tpu.memory_space<hbm>>
      tpu.wait_dma2 semaphore(%run_scoped3A_807 : memref<!tpu.dma_semaphore, #tpu.memory_space<semaphore_mem>>) src(%dma_wait3A_831 : memref<100x256xi32, #tpu.memory_space<hbm>>) dst(%dma_wait3A_829 : memref<100x256xi32, #tpu.memory_space<vmem>>)
      tpu.yield
    }) : () -> ()
    %scan3A = arith.constant 0 : i32
    %scan3A_5 = arith.constant 0 : i32
    %scan3A_6 = arith.constant 100 : i32
    %scan3A_7 = arith.addi %scan3A_5, %scan3A_6 : i32
    %scan3A_8 = arith.constant 1 : i32
    scf.for %scan3A_807 = %scan3A_5 to %scan3A_7 step %scan3A_8  : i32 {
      %get3A = arith.constant 0 : i32
      %get3A_808 = arith.index_cast %get3A : i32 to index
      %get3A_809 = arith.index_cast %scan3A_807 : i32 to index
      %get3A_810 = arith.constant 0 : index
      %get3A_811 = tpu.vector_load %arg5[%get3A_808, %get3A_809, %get3A_810] {strides = array<i32>} : memref<2x100x256xi32, #tpu.memory_space<vmem>>, vector<1x1x16xi32>,
      %get3A_812 = vector.shape_cast %get3A_811 : vector<1x1x16xi32> to vector<16xi32>
      %lt3A = arith.constant 0 : i32
      %lt3A_813 = vector.broadcast %lt3A : i32 to vector<16xi32>
      %lt3A_814 = arith.cmpi slt, %get3A_812, %lt3A_813 : vector<16xi32>
      %jit3A = arith.constant 1000000 : i32
      %broadcast_in_dim3A = vector.broadcast %jit3A : i32 to vector<16xi32>
      %select_n3A = arith.select %lt3A_814, %broadcast_in_dim3A, %get3A_812 : vector<16xi1>, vector<16xi32>
      %swap3A = arith.constant 0 : i32
      %swap3A_815 = arith.index_cast %swap3A : i32 to index
      %swap3A_816 = arith.index_cast %scan3A_807 : i32 to index
      %swap3A_817 = arith.constant 0 : index
      %swap3A_818 = tpu.vector_load %arg5[%swap3A_815, %swap3A_816, %swap3A_817] {strides = array<i32>} : memref<2x100x256xi32, #tpu.memory_space<vmem>>, vector<1x1x16xi32>,
      %swap3A_819 = vector.shape_cast %swap3A_818 : vector<1x1x16xi32> to vector<16xi32>
      %swap3A_820 = vector.shape_cast %select_n3A : vector<16xi32> to vector<1x1x16xi32>
      tpu.vector_store %arg5[%swap3A_815, %swap3A_816, %swap3A_817], %swap3A_820 {strides = array<i32>} : memref<2x100x256xi32, #tpu.memory_space<vmem>>, vector<1x1x16xi32>,
      %get3A_821 = arith.constant 0 : i32
      %get3A_822 = arith.index_cast %get3A_821 : i32 to index
      %get3A_823 = arith.index_cast %scan3A_807 : i32 to index
      %get3A_824 = arith.constant 16 : index
      %get3A_825 = tpu.vector_load %arg5[%get3A_822, %get3A_823, %get3A_824] {strides = array<i32>} : memref<2x100x256xi32, #tpu.memory_space<vmem>>, vector<1x1x16xi32>,
      %get3A_826 = vector.shape_cast %get3A_825 : vector<1x1x16xi32> to vector<16xi32>
      %lt3A_827 = arith.constant 0 : i32
      %lt3A_828 = vector.broadcast %lt3A_827 : i32 to vector<16xi32>
      %lt3A_829 = arith.cmpi slt, %get3A_826, %lt3A_828 : vector<16xi32>
      %jit3A_830 = arith.constant 1000000 : i32
      %broadcast_in_dim3A_831 = vector.broadcast %jit3A_830 : i32 to vector<16xi32>
      %select_n3A_832 = arith.select %lt3A_829, %broadcast_in_dim3A_831, %get3A_826 : vector<16xi1>, vector<16xi32>
      %swap3A_833 = arith.constant 0 : i32
      %swap3A_834 = arith.index_cast %swap3A_833 : i32 to index
      %swap3A_835 = arith.index_cast %scan3A_807 : i32 to index
      %swap3A_836 = arith.constant 16 : index
      %swap3A_837 = tpu.vector_load %arg5[%swap3A_834, %swap3A_835, %swap3A_836] {strides = array<i32>} : memref<2x100x256xi32, #tpu.memory_space<vmem>>, vector<1x1x16xi32>,
      %swap3A_838 = vector.shape_cast %swap3A_837 : vector<1x1x16xi32> to vector<16xi32>
      %swap3A_839 = vector.shape_cast %select_n3A_832 : vector<16xi32> to vector<1x1x16xi32>
      tpu.vector_store %arg5[%swap3A_834, %swap3A_835, %swap3A_836], %swap3A_839 {strides = array<i32>} : memref<2x100x256xi32, #tpu.memory_space<vmem>>, vector<1x1x16xi32>,
      %get3A_840 = arith.constant 0 : i32
      %get3A_841 = arith.index_cast %get3A_840 : i32 to index
      %get3A_842 = arith.index_cast %scan3A_807 : i32 to index
      %get3A_843 = arith.constant 32 : index
      %get3A_844 = tpu.vector_load %arg5[%get3A_841, %get3A_842, %get3A_843] {strides = array<i32>} : memref<2x100x256xi32, #tpu.memory_space<vmem>>, vector<1x1x16xi32>,
      %get3A_845 = vector.shape_cast %get3A_844 : vector<1x1x16xi32> to vector<16xi32>
      %lt3A_846 = arith.constant 0 : i32
      %lt3A_847 = vector.broadcast %lt3A_846 : i32 to vector<16xi32>
      %lt3A_848 = arith.cmpi slt, %get3A_845, %lt3A_847 : vector<16xi32>
      %jit3A_849 = arith.constant 1000000 : i32
      %broadcast_in_dim3A_850 = vector.broadcast %jit3A_849 : i32 to vector<16xi32>
      %select_n3A_851 = arith.select %lt3A_848, %broadcast_in_dim3A_850, %get3A_845 : vector<16xi1>, vector<16xi32>
      %swap3A_852 = arith.constant 0 : i32
      %swap3A_853 = arith.index_cast %swap3A_852 : i32 to index
      %swap3A_854 = arith.index_cast %scan3A_807 : i32 to index
      %swap3A_855 = arith.constant 32 : index
      %swap3A_856 = tpu.vector_load %arg5[%swap3A_853, %swap3A_854, %swap3A_855] {strides = array<i32>} : memref<2x100x256xi32, #tpu.memory_space<vmem>>, vector<1x1x16xi32>,
      %swap3A_857 = vector.shape_cast %swap3A_856 : vector<1x1x16xi32> to vector<16xi32>
      %swap3A_858 = vector.shape_cast %select_n3A_851 : vector<16xi32> to vector<1x1x16xi32>
      tpu.vector_store %arg5[%swap3A_853, %swap3A_854, %swap3A_855], %swap3A_858 {strides = array<i32>} : memref<2x100x256xi32, #tpu.memory_space<vmem>>, vector<1x1x16xi32>,
      %get3A_859 = arith.constant 0 : i32
      %get3A_860 = arith.index_cast %get3A_859 : i32 to index
      %get3A_861 = arith.index_cast %scan3A_807 : i32 to index
      %get3A_862 = arith.constant 48 : index
      %get3A_863 = tpu.vector_load %arg5[%get3A_860, %get3A_861, %get3A_862] {strides = array<i32>} : memref<2x100x256xi32, #tpu.memory_space<vmem>>, vector<1x1x16xi32>,
      %get3A_864 = vector.shape_cast %get3A_863 : vector<1x1x16xi32> to vector<16xi32>
      %lt3A_865 = arith.constant 0 : i32
      %lt3A_866 = vector.broadcast %lt3A_865 : i32 to vector<16xi32>
      %lt3A_867 = arith.cmpi slt, %get3A_864, %lt3A_866 : vector<16xi32>
      %jit3A_868 = arith.constant 1000000 : i32
      %broadcast_in_dim3A_869 = vector.broadcast %jit3A_868 : i32 to vector<16xi32>
      %select_n3A_870 = arith.select %lt3A_867, %broadcast_in_dim3A_869, %get3A_864 : vector<16xi1>, vector<16xi32>
      %swap3A_871 = arith.constant 0 : i32
      %swap3A_872 = arith.index_cast %swap3A_871 : i32 to index
      %swap3A_873 = arith.index_cast %scan3A_807 : i32 to index
      %swap3A_874 = arith.constant 48 : index
      %swap3A_875 = tpu.vector_load %arg5[%swap3A_872, %swap3A_873, %swap3A_874] {strides = array<i32>} : memref<2x100x256xi32, #tpu.memory_space<vmem>>, vector<1x1x16xi32>,
      %swap3A_876 = vector.shape_cast %swap3A_875 : vector<1x1x16xi32> to vector<16xi32>
      %swap3A_877 = vector.shape_cast %select_n3A_870 : vector<16xi32> to vector<1x1x16xi32>
      tpu.vector_store %arg5[%swap3A_872, %swap3A_873, %swap3A_874], %swap3A_877 {strides = array<i32>} : memref<2x100x256xi32, #tpu.memory_space<vmem>>, vector<1x1x16xi32>,
      %get3A_878 = arith.constant 0 : i32
      %get3A_879 = arith.index_cast %get3A_878 : i32 to index
      %get3A_880 = arith.index_cast %scan3A_807 : i32 to index
      %get3A_881 = arith.constant 64 : index
      %get3A_882 = tpu.vector_load %arg5[%get3A_879, %get3A_880, %get3A_881] {strides = array<i32>} : memref<2x100x256xi32, #tpu.memory_space<vmem>>, vector<1x1x16xi32>,
      %get3A_883 = vector.shape_cast %get3A_882 : vector<1x1x16xi32> to vector<16xi32>
      %lt3A_884 = arith.constant 0 : i32
      %lt3A_885 = vector.broadcast %lt3A_884 : i32 to vector<16xi32>
      %lt3A_886 = arith.cmpi slt, %get3A_883, %lt3A_885 : vector<16xi32>
      %jit3A_887 = arith.constant 1000000 : i32
      %broadcast_in_dim3A_888 = vector.broadcast %jit3A_887 : i32 to vector<16xi32>
      %select_n3A_889 = arith.select %lt3A_886, %broadcast_in_dim3A_888, %get3A_883 : vector<16xi1>, vector<16xi32>
      %swap3A_890 = arith.constant 0 : i32
      %swap3A_891 = arith.index_cast %swap3A_890 : i32 to index
      %swap3A_892 = arith.index_cast %scan3A_807 : i32 to index
      %swap3A_893 = arith.constant 64 : index
      %swap3A_894 = tpu.vector_load %arg5[%swap3A_891, %swap3A_892, %swap3A_893] {strides = array<i32>} : memref<2x100x256xi32, #tpu.memory_space<vmem>>, vector<1x1x16xi32>,
      %swap3A_895 = vector.shape_cast %swap3A_894 : vector<1x1x16xi32> to vector<16xi32>
      %swap3A_896 = vector.shape_cast %select_n3A_889 : vector<16xi32> to vector<1x1x16xi32>
      tpu.vector_store %arg5[%swap3A_891, %swap3A_892, %swap3A_893], %swap3A_896 {strides = array<i32>} : memref<2x100x256xi32, #tpu.memory_space<vmem>>, vector<1x1x16xi32>,
      %get3A_897 = arith.constant 0 : i32
      %get3A_898 = arith.index_cast %get3A_897 : i32 to index
      %get3A_899 = arith.index_cast %scan3A_807 : i32 to index
      %get3A_900 = arith.constant 80 : index
      %get3A_901 = tpu.vector_load %arg5[%get3A_898, %get3A_899, %get3A_900] {strides = array<i32>} : memref<2x100x256xi32, #tpu.memory_space<vmem>>, vector<1x1x16xi32>,
      %get3A_902 = vector.shape_cast %get3A_901 : vector<1x1x16xi32> to vector<16xi32>
      %lt3A_903 = arith.constant 0 : i32
      %lt3A_904 = vector.broadcast %lt3A_903 : i32 to vector<16xi32>
      %lt3A_905 = arith.cmpi slt, %get3A_902, %lt3A_904 : vector<16xi32>
      %jit3A_906 = arith.constant 1000000 : i32
      %broadcast_in_dim3A_907 = vector.broadcast %jit3A_906 : i32 to vector<16xi32>
      %select_n3A_908 = arith.select %lt3A_905, %broadcast_in_dim3A_907, %get3A_902 : vector<16xi1>, vector<16xi32>
      %swap3A_909 = arith.constant 0 : i32
      %swap3A_910 = arith.index_cast %swap3A_909 : i32 to index
      %swap3A_911 = arith.index_cast %scan3A_807 : i32 to index
      %swap3A_912 = arith.constant 80 : index
      %swap3A_913 = tpu.vector_load %arg5[%swap3A_910, %swap3A_911, %swap3A_912] {strides = array<i32>} : memref<2x100x256xi32, #tpu.memory_space<vmem>>, vector<1x1x16xi32>,
      %swap3A_914 = vector.shape_cast %swap3A_913 : vector<1x1x16xi32> to vector<16xi32>
      %swap3A_915 = vector.shape_cast %select_n3A_908 : vector<16xi32> to vector<1x1x16xi32>
      tpu.vector_store %arg5[%swap3A_910, %swap3A_911, %swap3A_912], %swap3A_915 {strides = array<i32>} : memref<2x100x256xi32, #tpu.memory_space<vmem>>, vector<1x1x16xi32>,
      %get3A_916 = arith.constant 0 : i32
      %get3A_917 = arith.index_cast %get3A_916 : i32 to index
      %get3A_918 = arith.index_cast %scan3A_807 : i32 to index
      %get3A_919 = arith.constant 96 : index
      %get3A_920 = tpu.vector_load %arg5[%get3A_917, %get3A_918, %get3A_919] {strides = array<i32>} : memref<2x100x256xi32, #tpu.memory_space<vmem>>, vector<1x1x16xi32>,
      %get3A_921 = vector.shape_cast %get3A_920 : vector<1x1x16xi32> to vector<16xi32>
      %lt3A_922 = arith.constant 0 : i32
      %lt3A_923 = vector.broadcast %lt3A_922 : i32 to vector<16xi32>
      %lt3A_924 = arith.cmpi slt, %get3A_921, %lt3A_923 : vector<16xi32>
      %jit3A_925 = arith.constant 1000000 : i32
      %broadcast_in_dim3A_926 = vector.broadcast %jit3A_925 : i32 to vector<16xi32>
      %select_n3A_927 = arith.select %lt3A_924, %broadcast_in_dim3A_926, %get3A_921 : vector<16xi1>, vector<16xi32>
      %swap3A_928 = arith.constant 0 : i32
      %swap3A_929 = arith.index_cast %swap3A_928 : i32 to index
      %swap3A_930 = arith.index_cast %scan3A_807 : i32 to index
      %swap3A_931 = arith.constant 96 : index
      %swap3A_932 = tpu.vector_load %arg5[%swap3A_929, %swap3A_930, %swap3A_931] {strides = array<i32>} : memref<2x100x256xi32, #tpu.memory_space<vmem>>, vector<1x1x16xi32>,
      %swap3A_933 = vector.shape_cast %swap3A_932 : vector<1x1x16xi32> to vector<16xi32>
      %swap3A_934 = vector.shape_cast %select_n3A_927 : vector<16xi32> to vector<1x1x16xi32>
      tpu.vector_store %arg5[%swap3A_929, %swap3A_930, %swap3A_931], %swap3A_934 {strides = array<i32>} : memref<2x100x256xi32, #tpu.memory_space<vmem>>, vector<1x1x16xi32>,
      %get3A_935 = arith.constant 0 : i32
      %get3A_936 = arith.index_cast %get3A_935 : i32 to index
      %get3A_937 = arith.index_cast %scan3A_807 : i32 to index
      %get3A_938 = arith.constant 112 : index
      %get3A_939 = tpu.vector_load %arg5[%get3A_936, %get3A_937, %get3A_938] {strides = array<i32>} : memref<2x100x256xi32, #tpu.memory_space<vmem>>, vector<1x1x16xi32>,
      %get3A_940 = vector.shape_cast %get3A_939 : vector<1x1x16xi32> to vector<16xi32>
      %lt3A_941 = arith.constant 0 : i32
      %lt3A_942 = vector.broadcast %lt3A_941 : i32 to vector<16xi32>
      %lt3A_943 = arith.cmpi slt, %get3A_940, %lt3A_942 : vector<16xi32>
      %jit3A_944 = arith.constant 1000000 : i32
      %broadcast_in_dim3A_945 = vector.broadcast %jit3A_944 : i32 to vector<16xi32>
      %select_n3A_946 = arith.select %lt3A_943, %broadcast_in_dim3A_945, %get3A_940 : vector<16xi1>, vector<16xi32>
      %swap3A_947 = arith.constant 0 : i32
      %swap3A_948 = arith.index_cast %swap3A_947 : i32 to index
      %swap3A_949 = arith.index_cast %scan3A_807 : i32 to index
      %swap3A_950 = arith.constant 112 : index
      %swap3A_951 = tpu.vector_load %arg5[%swap3A_948, %swap3A_949, %swap3A_950] {strides = array<i32>} : memref<2x100x256xi32, #tpu.memory_space<vmem>>, vector<1x1x16xi32>,
      %swap3A_952 = vector.shape_cast %swap3A_951 : vector<1x1x16xi32> to vector<16xi32>
      %swap3A_953 = vector.shape_cast %select_n3A_946 : vector<16xi32> to vector<1x1x16xi32>
      tpu.vector_store %arg5[%swap3A_948, %swap3A_949, %swap3A_950], %swap3A_953 {strides = array<i32>} : memref<2x100x256xi32, #tpu.memory_space<vmem>>, vector<1x1x16xi32>,
      %get3A_954 = arith.constant 0 : i32
      %get3A_955 = arith.index_cast %get3A_954 : i32 to index
      %get3A_956 = arith.index_cast %scan3A_807 : i32 to index
      %get3A_957 = arith.constant 128 : index
      %get3A_958 = tpu.vector_load %arg5[%get3A_955, %get3A_956, %get3A_957] {strides = array<i32>} : memref<2x100x256xi32, #tpu.memory_space<vmem>>, vector<1x1x16xi32>,
      %get3A_959 = vector.shape_cast %get3A_958 : vector<1x1x16xi32> to vector<16xi32>
      %lt3A_960 = arith.constant 0 : i32
      %lt3A_961 = vector.broadcast %lt3A_960 : i32 to vector<16xi32>
      %lt3A_962 = arith.cmpi slt, %get3A_959, %lt3A_961 : vector<16xi32>
      %jit3A_963 = arith.constant 1000000 : i32
      %broadcast_in_dim3A_964 = vector.broadcast %jit3A_963 : i32 to vector<16xi32>
      %select_n3A_965 = arith.select %lt3A_962, %broadcast_in_dim3A_964, %get3A_959 : vector<16xi1>, vector<16xi32>
      %swap3A_966 = arith.constant 0 : i32
      %swap3A_967 = arith.index_cast %swap3A_966 : i32 to index
      %swap3A_968 = arith.index_cast %scan3A_807 : i32 to index
      %swap3A_969 = arith.constant 128 : index
      %swap3A_970 = tpu.vector_load %arg5[%swap3A_967, %swap3A_968, %swap3A_969] {strides = array<i32>} : memref<2x100x256xi32, #tpu.memory_space<vmem>>, vector<1x1x16xi32>,
      %swap3A_971 = vector.shape_cast %swap3A_970 : vector<1x1x16xi32> to vector<16xi32>
      %swap3A_972 = vector.shape_cast %select_n3A_965 : vector<16xi32> to vector<1x1x16xi32>
      tpu.vector_store %arg5[%swap3A_967, %swap3A_968, %swap3A_969], %swap3A_972 {strides = array<i32>} : memref<2x100x256xi32, #tpu.memory_space<vmem>>, vector<1x1x16xi32>,
      %get3A_973 = arith.constant 0 : i32
      %get3A_974 = arith.index_cast %get3A_973 : i32 to index
      %get3A_975 = arith.index_cast %scan3A_807 : i32 to index
      %get3A_976 = arith.constant 144 : index
      %get3A_977 = tpu.vector_load %arg5[%get3A_974, %get3A_975, %get3A_976] {strides = array<i32>} : memref<2x100x256xi32, #tpu.memory_space<vmem>>, vector<1x1x16xi32>,
      %get3A_978 = vector.shape_cast %get3A_977 : vector<1x1x16xi32> to vector<16xi32>
      %lt3A_979 = arith.constant 0 : i32
      %lt3A_980 = vector.broadcast %lt3A_979 : i32 to vector<16xi32>
      %lt3A_981 = arith.cmpi slt, %get3A_978, %lt3A_980 : vector<16xi32>
      %jit3A_982 = arith.constant 1000000 : i32
      %broadcast_in_dim3A_983 = vector.broadcast %jit3A_982 : i32 to vector<16xi32>
      %select_n3A_984 = arith.select %lt3A_981, %broadcast_in_dim3A_983, %get3A_978 : vector<16xi1>, vector<16xi32>
      %swap3A_985 = arith.constant 0 : i32
      %swap3A_986 = arith.index_cast %swap3A_985 : i32 to index
      %swap3A_987 = arith.index_cast %scan3A_807 : i32 to index
      %swap3A_988 = arith.constant 144 : index
      %swap3A_989 = tpu.vector_load %arg5[%swap3A_986, %swap3A_987, %swap3A_988] {strides = array<i32>} : memref<2x100x256xi32, #tpu.memory_space<vmem>>, vector<1x1x16xi32>,
      %swap3A_990 = vector.shape_cast %swap3A_989 : vector<1x1x16xi32> to vector<16xi32>
      %swap3A_991 = vector.shape_cast %select_n3A_984 : vector<16xi32> to vector<1x1x16xi32>
      tpu.vector_store %arg5[%swap3A_986, %swap3A_987, %swap3A_988], %swap3A_991 {strides = array<i32>} : memref<2x100x256xi32, #tpu.memory_space<vmem>>, vector<1x1x16xi32>,
      %get3A_992 = arith.constant 0 : i32
      %get3A_993 = arith.index_cast %get3A_992 : i32 to index
      %get3A_994 = arith.index_cast %scan3A_807 : i32 to index
      %get3A_995 = arith.constant 160 : index
      %get3A_996 = tpu.vector_load %arg5[%get3A_993, %get3A_994, %get3A_995] {strides = array<i32>} : memref<2x100x256xi32, #tpu.memory_space<vmem>>, vector<1x1x16xi32>,
      %get3A_997 = vector.shape_cast %get3A_996 : vector<1x1x16xi32> to vector<16xi32>
      %lt3A_998 = arith.constant 0 : i32
      %lt3A_999 = vector.broadcast %lt3A_998 : i32 to vector<16xi32>
      %lt3A_1000 = arith.cmpi slt, %get3A_997, %lt3A_999 : vector<16xi32>
      %jit3A_1001 = arith.constant 1000000 : i32
      %broadcast_in_dim3A_1002 = vector.broadcast %jit3A_1001 : i32 to vector<16xi32>
      %select_n3A_1003 = arith.select %lt3A_1000, %broadcast_in_dim3A_1002, %get3A_997 : vector<16xi1>, vector<16xi32>
      %swap3A_1004 = arith.constant 0 : i32
      %swap3A_1005 = arith.index_cast %swap3A_1004 : i32 to index
      %swap3A_1006 = arith.index_cast %scan3A_807 : i32 to index
      %swap3A_1007 = arith.constant 160 : index
      %swap3A_1008 = tpu.vector_load %arg5[%swap3A_1005, %swap3A_1006, %swap3A_1007] {strides = array<i32>} : memref<2x100x256xi32, #tpu.memory_space<vmem>>, vector<1x1x16xi32>,
      %swap3A_1009 = vector.shape_cast %swap3A_1008 : vector<1x1x16xi32> to vector<16xi32>
      %swap3A_1010 = vector.shape_cast %select_n3A_1003 : vector<16xi32> to vector<1x1x16xi32>
      tpu.vector_store %arg5[%swap3A_1005, %swap3A_1006, %swap3A_1007], %swap3A_1010 {strides = array<i32>} : memref<2x100x256xi32, #tpu.memory_space<vmem>>, vector<1x1x16xi32>,
      %get3A_1011 = arith.constant 0 : i32
      %get3A_1012 = arith.index_cast %get3A_1011 : i32 to index
      %get3A_1013 = arith.index_cast %scan3A_807 : i32 to index
      %get3A_1014 = arith.constant 176 : index
      %get3A_1015 = tpu.vector_load %arg5[%get3A_1012, %get3A_1013, %get3A_1014] {strides = array<i32>} : memref<2x100x256xi32, #tpu.memory_space<vmem>>, vector<1x1x16xi32>,
      %get3A_1016 = vector.shape_cast %get3A_1015 : vector<1x1x16xi32> to vector<16xi32>
      %lt3A_1017 = arith.constant 0 : i32
      %lt3A_1018 = vector.broadcast %lt3A_1017 : i32 to vector<16xi32>
      %lt3A_1019 = arith.cmpi slt, %get3A_1016, %lt3A_1018 : vector<16xi32>
      %jit3A_1020 = arith.constant 1000000 : i32
      %broadcast_in_dim3A_1021 = vector.broadcast %jit3A_1020 : i32 to vector<16xi32>
      %select_n3A_1022 = arith.select %lt3A_1019, %broadcast_in_dim3A_1021, %get3A_1016 : vector<16xi1>, vector<16xi32>
      %swap3A_1023 = arith.constant 0 : i32
      %swap3A_1024 = arith.index_cast %swap3A_1023 : i32 to index
      %swap3A_1025 = arith.index_cast %scan3A_807 : i32 to index
      %swap3A_1026 = arith.constant 176 : index
      %swap3A_1027 = tpu.vector_load %arg5[%swap3A_1024, %swap3A_1025, %swap3A_1026] {strides = array<i32>} : memref<2x100x256xi32, #tpu.memory_space<vmem>>, vector<1x1x16xi32>,
      %swap3A_1028 = vector.shape_cast %swap3A_1027 : vector<1x1x16xi32> to vector<16xi32>
      %swap3A_1029 = vector.shape_cast %select_n3A_1022 : vector<16xi32> to vector<1x1x16xi32>
      tpu.vector_store %arg5[%swap3A_1024, %swap3A_1025, %swap3A_1026], %swap3A_1029 {strides = array<i32>} : memref<2x100x256xi32, #tpu.memory_space<vmem>>, vector<1x1x16xi32>,
      %get3A_1030 = arith.constant 0 : i32
      %get3A_1031 = arith.index_cast %get3A_1030 : i32 to index
      %get3A_1032 = arith.index_cast %scan3A_807 : i32 to index
      %get3A_1033 = arith.constant 192 : index
      %get3A_1034 = tpu.vector_load %arg5[%get3A_1031, %get3A_1032, %get3A_1033] {strides = array<i32>} : memref<2x100x256xi32, #tpu.memory_space<vmem>>, vector<1x1x16xi32>,
      %get3A_1035 = vector.shape_cast %get3A_1034 : vector<1x1x16xi32> to vector<16xi32>
      %lt3A_1036 = arith.constant 0 : i32
      %lt3A_1037 = vector.broadcast %lt3A_1036 : i32 to vector<16xi32>
      %lt3A_1038 = arith.cmpi slt, %get3A_1035, %lt3A_1037 : vector<16xi32>
      %jit3A_1039 = arith.constant 1000000 : i32
      %broadcast_in_dim3A_1040 = vector.broadcast %jit3A_1039 : i32 to vector<16xi32>
      %select_n3A_1041 = arith.select %lt3A_1038, %broadcast_in_dim3A_1040, %get3A_1035 : vector<16xi1>, vector<16xi32>
      %swap3A_1042 = arith.constant 0 : i32
      %swap3A_1043 = arith.index_cast %swap3A_1042 : i32 to index
      %swap3A_1044 = arith.index_cast %scan3A_807 : i32 to index
      %swap3A_1045 = arith.constant 192 : index
      %swap3A_1046 = tpu.vector_load %arg5[%swap3A_1043, %swap3A_1044, %swap3A_1045] {strides = array<i32>} : memref<2x100x256xi32, #tpu.memory_space<vmem>>, vector<1x1x16xi32>,
      %swap3A_1047 = vector.shape_cast %swap3A_1046 : vector<1x1x16xi32> to vector<16xi32>
      %swap3A_1048 = vector.shape_cast %select_n3A_1041 : vector<16xi32> to vector<1x1x16xi32>
      tpu.vector_store %arg5[%swap3A_1043, %swap3A_1044, %swap3A_1045], %swap3A_1048 {strides = array<i32>} : memref<2x100x256xi32, #tpu.memory_space<vmem>>, vector<1x1x16xi32>,
      %get3A_1049 = arith.constant 0 : i32
      %get3A_1050 = arith.index_cast %get3A_1049 : i32 to index
      %get3A_1051 = arith.index_cast %scan3A_807 : i32 to index
      %get3A_1052 = arith.constant 208 : index
      %get3A_1053 = tpu.vector_load %arg5[%get3A_1050, %get3A_1051, %get3A_1052] {strides = array<i32>} : memref<2x100x256xi32, #tpu.memory_space<vmem>>, vector<1x1x16xi32>,
      %get3A_1054 = vector.shape_cast %get3A_1053 : vector<1x1x16xi32> to vector<16xi32>
      %lt3A_1055 = arith.constant 0 : i32
      %lt3A_1056 = vector.broadcast %lt3A_1055 : i32 to vector<16xi32>
      %lt3A_1057 = arith.cmpi slt, %get3A_1054, %lt3A_1056 : vector<16xi32>
      %jit3A_1058 = arith.constant 1000000 : i32
      %broadcast_in_dim3A_1059 = vector.broadcast %jit3A_1058 : i32 to vector<16xi32>
      %select_n3A_1060 = arith.select %lt3A_1057, %broadcast_in_dim3A_1059, %get3A_1054 : vector<16xi1>, vector<16xi32>
      %swap3A_1061 = arith.constant 0 : i32
      %swap3A_1062 = arith.index_cast %swap3A_1061 : i32 to index
      %swap3A_1063 = arith.index_cast %scan3A_807 : i32 to index
      %swap3A_1064 = arith.constant 208 : index
      %swap3A_1065 = tpu.vector_load %arg5[%swap3A_1062, %swap3A_1063, %swap3A_1064] {strides = array<i32>} : memref<2x100x256xi32, #tpu.memory_space<vmem>>, vector<1x1x16xi32>,
      %swap3A_1066 = vector.shape_cast %swap3A_1065 : vector<1x1x16xi32> to vector<16xi32>
      %swap3A_1067 = vector.shape_cast %select_n3A_1060 : vector<16xi32> to vector<1x1x16xi32>
      tpu.vector_store %arg5[%swap3A_1062, %swap3A_1063, %swap3A_1064], %swap3A_1067 {strides = array<i32>} : memref<2x100x256xi32, #tpu.memory_space<vmem>>, vector<1x1x16xi32>,
      %get3A_1068 = arith.constant 0 : i32
      %get3A_1069 = arith.index_cast %get3A_1068 : i32 to index
      %get3A_1070 = arith.index_cast %scan3A_807 : i32 to index
      %get3A_1071 = arith.constant 224 : index
      %get3A_1072 = tpu.vector_load %arg5[%get3A_1069, %get3A_1070, %get3A_1071] {strides = array<i32>} : memref<2x100x256xi32, #tpu.memory_space<vmem>>, vector<1x1x16xi32>,
      %get3A_1073 = vector.shape_cast %get3A_1072 : vector<1x1x16xi32> to vector<16xi32>
      %lt3A_1074 = arith.constant 0 : i32
      %lt3A_1075 = vector.broadcast %lt3A_1074 : i32 to vector<16xi32>
      %lt3A_1076 = arith.cmpi slt, %get3A_1073, %lt3A_1075 : vector<16xi32>
      %jit3A_1077 = arith.constant 1000000 : i32
      %broadcast_in_dim3A_1078 = vector.broadcast %jit3A_1077 : i32 to vector<16xi32>
      %select_n3A_1079 = arith.select %lt3A_1076, %broadcast_in_dim3A_1078, %get3A_1073 : vector<16xi1>, vector<16xi32>
      %swap3A_1080 = arith.constant 0 : i32
      %swap3A_1081 = arith.index_cast %swap3A_1080 : i32 to index
      %swap3A_1082 = arith.index_cast %scan3A_807 : i32 to index
      %swap3A_1083 = arith.constant 224 : index
      %swap3A_1084 = tpu.vector_load %arg5[%swap3A_1081, %swap3A_1082, %swap3A_1083] {strides = array<i32>} : memref<2x100x256xi32, #tpu.memory_space<vmem>>, vector<1x1x16xi32>,
      %swap3A_1085 = vector.shape_cast %swap3A_1084 : vector<1x1x16xi32> to vector<16xi32>
      %swap3A_1086 = vector.shape_cast %select_n3A_1079 : vector<16xi32> to vector<1x1x16xi32>
      tpu.vector_store %arg5[%swap3A_1081, %swap3A_1082, %swap3A_1083], %swap3A_1086 {strides = array<i32>} : memref<2x100x256xi32, #tpu.memory_space<vmem>>, vector<1x1x16xi32>,
      %get3A_1087 = arith.constant 0 : i32
      %get3A_1088 = arith.index_cast %get3A_1087 : i32 to index
      %get3A_1089 = arith.index_cast %scan3A_807 : i32 to index
      %get3A_1090 = arith.constant 240 : index
      %get3A_1091 = tpu.vector_load %arg5[%get3A_1088, %get3A_1089, %get3A_1090] {strides = array<i32>} : memref<2x100x256xi32, #tpu.memory_space<vmem>>, vector<1x1x16xi32>,
      %get3A_1092 = vector.shape_cast %get3A_1091 : vector<1x1x16xi32> to vector<16xi32>
      %lt3A_1093 = arith.constant 0 : i32
      %lt3A_1094 = vector.broadcast %lt3A_1093 : i32 to vector<16xi32>
      %lt3A_1095 = arith.cmpi slt, %get3A_1092, %lt3A_1094 : vector<16xi32>
      %jit3A_1096 = arith.constant 1000000 : i32
      %broadcast_in_dim3A_1097 = vector.broadcast %jit3A_1096 : i32 to vector<16xi32>
      %select_n3A_1098 = arith.select %lt3A_1095, %broadcast_in_dim3A_1097, %get3A_1092 : vector<16xi1>, vector<16xi32>
      %swap3A_1099 = arith.constant 0 : i32
      %swap3A_1100 = arith.index_cast %swap3A_1099 : i32 to index
      %swap3A_1101 = arith.index_cast %scan3A_807 : i32 to index
      %swap3A_1102 = arith.constant 240 : index
      %swap3A_1103 = tpu.vector_load %arg5[%swap3A_1100, %swap3A_1101, %swap3A_1102] {strides = array<i32>} : memref<2x100x256xi32, #tpu.memory_space<vmem>>, vector<1x1x16xi32>,
      %swap3A_1104 = vector.shape_cast %swap3A_1103 : vector<1x1x16xi32> to vector<16xi32>
      %swap3A_1105 = vector.shape_cast %select_n3A_1098 : vector<16xi32> to vector<1x1x16xi32>
      tpu.vector_store %arg5[%swap3A_1100, %swap3A_1101, %swap3A_1102], %swap3A_1105 {strides = array<i32>} : memref<2x100x256xi32, #tpu.memory_space<vmem>>, vector<1x1x16xi32>,
    }
    %scan3A_9 = arith.constant 100 : i32
    %dma_start3A = arith.constant 0 : i32
    %dma_start3A_10 = arith.constant 0 : i32
    %dma_start3A_11 = arith.constant 0 : i32
    %dma_start3A_12 = arith.constant 0 : i32
    %dma_start3A_13 = arith.constant 0 : i32
    %dma_start3A_14 = tpu.memref_slice %arg6[%dma_start3A_11, %dma_start3A_12, %dma_start3A_13] : memref<6x256x32xf32, #tpu.memory_space<vmem>> -> memref<1x128x32xf32, #tpu.memory_space<vmem>>
    %dma_start3A_15 = tpu.memref_squeeze %dma_start3A_14 : memref<1x128x32xf32, #tpu.memory_space<vmem>> -> memref<128x32xf32, #tpu.memory_space<vmem>>
    %dma_start3A_16 = arith.constant 0 : i32
    %dma_start3A_17 = tpu.memref_slice %arg5[%dma_start3A, %dma_start3A_10, %dma_start3A_16] : memref<2x100x256xi32, #tpu.memory_space<vmem>> -> memref<1x1x128xi32, #tpu.memory_space<vmem>>
    %dma_start3A_18 = tpu.memref_squeeze %dma_start3A_17 : memref<1x1x128xi32, #tpu.memory_space<vmem>> -> memref<128xi32, #tpu.memory_space<vmem>>
    %dma_start3A_19 = arith.constant 0 : i32
    %dma_start3A_20 = arith.constant 0 : i32
    %dma_start3A_21 = tpu.memref_slice %arg2[%dma_start3A_19, %dma_start3A_20] : memref<1000001x32xf32, #tpu.memory_space<hbm>> -> memref<1000001x32xf32, #tpu.memory_space<hbm>>
    tpu.enqueue_indirect_dma source(%dma_start3A_21 : memref<1000001x32xf32, #tpu.memory_space<hbm>>) target(%dma_start3A_15 : memref<128x32xf32, #tpu.memory_space<vmem>>) offsets(%dma_start3A_18 : memref<128xi32, #tpu.memory_space<vmem>>) semaphore(%arg7 : memref<!tpu.dma_semaphore, #tpu.memory_space<semaphore_mem>>)
    %dma_start3A_22 = arith.constant 0 : i32
    %dma_start3A_23 = arith.constant 0 : i32
    %dma_start3A_24 = arith.constant 0 : i32
    %dma_start3A_25 = arith.constant 128 : i32
    %dma_start3A_26 = arith.constant 0 : i32
    %dma_start3A_27 = tpu.memref_slice %arg6[%dma_start3A_24, %dma_start3A_25, %dma_start3A_26] : memref<6x256x32xf32, #tpu.memory_space<vmem>> -> memref<1x128x32xf32, #tpu.memory_space<vmem>>
    %dma_start3A_28 = tpu.memref_squeeze %dma_start3A_27 : memref<1x128x32xf32, #tpu.memory_space<vmem>> -> memref<128x32xf32, #tpu.memory_space<vmem>>
    %dma_start3A_29 = arith.constant 128 : i32
    %dma_start3A_30 = tpu.memref_slice %arg5[%dma_start3A_22, %dma_start3A_23, %dma_start3A_29] : memref<2x100x256xi32, #tpu.memory_space<vmem>> -> memref<1x1x128xi32, #tpu.memory_space<vmem>>
    %dma_start3A_31 = tpu.memref_squeeze %dma_start3A_30 : memref<1x1x128xi32, #tpu.memory_space<vmem>> -> memref<128xi32, #tpu.memory_space<vmem>>
    %dma_start3A_32 = arith.constant 0 : i32
    %dma_start3A_33 = arith.constant 0 : i32
    %dma_start3A_34 = tpu.memref_slice %arg2[%dma_start3A_32, %dma_start3A_33] : memref<1000001x32xf32, #tpu.memory_space<hbm>> -> memref<1000001x32xf32, #tpu.memory_space<hbm>>
    tpu.enqueue_indirect_dma source(%dma_start3A_34 : memref<1000001x32xf32, #tpu.memory_space<hbm>>) target(%dma_start3A_28 : memref<128x32xf32, #tpu.memory_space<vmem>>) offsets(%dma_start3A_31 : memref<128xi32, #tpu.memory_space<vmem>>) semaphore(%arg7 : memref<!tpu.dma_semaphore, #tpu.memory_space<semaphore_mem>>)
    %dma_start3A_35 = arith.constant 0 : i32
    %dma_start3A_36 = arith.constant 1 : i32
    %dma_start3A_37 = arith.constant 1 : i32
    %dma_start3A_38 = arith.constant 0 : i32
    %dma_start3A_39 = arith.constant 0 : i32
    %dma_start3A_40 = tpu.memref_slice %arg6[%dma_start3A_37, %dma_start3A_38, %dma_start3A_39] : memref<6x256x32xf32, #tpu.memory_space<vmem>> -> memref<1x128x32xf32, #tpu.memory_space<vmem>>
    %dma_start3A_41 = tpu.memref_squeeze %dma_start3A_40 : memref<1x128x32xf32, #tpu.memory_space<vmem>> -> memref<128x32xf32, #tpu.memory_space<vmem>>
    %dma_start3A_42 = arith.constant 0 : i32
    %dma_start3A_43 = tpu.memref_slice %arg5[%dma_start3A_35, %dma_start3A_36, %dma_start3A_42] : memref<2x100x256xi32, #tpu.memory_space<vmem>> -> memref<1x1x128xi32, #tpu.memory_space<vmem>>
    %dma_start3A_44 = tpu.memref_squeeze %dma_start3A_43 : memref<1x1x128xi32, #tpu.memory_space<vmem>> -> memref<128xi32, #tpu.memory_space<vmem>>
    %dma_start3A_45 = arith.constant 0 : i32
    %dma_start3A_46 = arith.constant 0 : i32
    %dma_start3A_47 = tpu.memref_slice %arg2[%dma_start3A_45, %dma_start3A_46] : memref<1000001x32xf32, #tpu.memory_space<hbm>> -> memref<1000001x32xf32, #tpu.memory_space<hbm>>
    tpu.enqueue_indirect_dma source(%dma_start3A_47 : memref<1000001x32xf32, #tpu.memory_space<hbm>>) target(%dma_start3A_41 : memref<128x32xf32, #tpu.memory_space<vmem>>) offsets(%dma_start3A_44 : memref<128xi32, #tpu.memory_space<vmem>>) semaphore(%arg8 : memref<!tpu.dma_semaphore, #tpu.memory_space<semaphore_mem>>)
    %dma_start3A_48 = arith.constant 0 : i32
    %dma_start3A_49 = arith.constant 1 : i32
    %dma_start3A_50 = arith.constant 1 : i32
    %dma_start3A_51 = arith.constant 128 : i32
    %dma_start3A_52 = arith.constant 0 : i32
    %dma_start3A_53 = tpu.memref_slice %arg6[%dma_start3A_50, %dma_start3A_51, %dma_start3A_52] : memref<6x256x32xf32, #tpu.memory_space<vmem>> -> memref<1x128x32xf32, #tpu.memory_space<vmem>>
    %dma_start3A_54 = tpu.memref_squeeze %dma_start3A_53 : memref<1x128x32xf32, #tpu.memory_space<vmem>> -> memref<128x32xf32, #tpu.memory_space<vmem>>
    %dma_start3A_55 = arith.constant 128 : i32
    %dma_start3A_56 = tpu.memref_slice %arg5[%dma_start3A_48, %dma_start3A_49, %dma_start3A_55] : memref<2x100x256xi32, #tpu.memory_space<vmem>> -> memref<1x1x128xi32, #tpu.memory_space<vmem>>
    %dma_start3A_57 = tpu.memref_squeeze %dma_start3A_56 : memref<1x1x128xi32, #tpu.memory_space<vmem>> -> memref<128xi32, #tpu.memory_space<vmem>>
    %dma_start3A_58 = arith.constant 0 : i32
    %dma_start3A_59 = arith.constant 0 : i32
    %dma_start3A_60 = tpu.memref_slice %arg2[%dma_start3A_58, %dma_start3A_59] : memref<1000001x32xf32, #tpu.memory_space<hbm>> -> memref<1000001x32xf32, #tpu.memory_space<hbm>>
    tpu.enqueue_indirect_dma source(%dma_start3A_60 : memref<1000001x32xf32, #tpu.memory_space<hbm>>) target(%dma_start3A_54 : memref<128x32xf32, #tpu.memory_space<vmem>>) offsets(%dma_start3A_57 : memref<128xi32, #tpu.memory_space<vmem>>) semaphore(%arg8 : memref<!tpu.dma_semaphore, #tpu.memory_space<semaphore_mem>>)
    %dma_start3A_61 = arith.constant 0 : i32
    %dma_start3A_62 = arith.constant 2 : i32
    %dma_start3A_63 = arith.constant 2 : i32
    %dma_start3A_64 = arith.constant 0 : i32
    %dma_start3A_65 = arith.constant 0 : i32
    %dma_start3A_66 = tpu.memref_slice %arg6[%dma_start3A_63, %dma_start3A_64, %dma_start3A_65] : memref<6x256x32xf32, #tpu.memory_space<vmem>> -> memref<1x128x32xf32, #tpu.memory_space<vmem>>
    %dma_start3A_67 = tpu.memref_squeeze %dma_start3A_66 : memref<1x128x32xf32, #tpu.memory_space<vmem>> -> memref<128x32xf32, #tpu.memory_space<vmem>>
    %dma_start3A_68 = arith.constant 0 : i32
    %dma_start3A_69 = tpu.memref_slice %arg5[%dma_start3A_61, %dma_start3A_62, %dma_start3A_68] : memref<2x100x256xi32, #tpu.memory_space<vmem>> -> memref<1x1x128xi32, #tpu.memory_space<vmem>>
    %dma_start3A_70 = tpu.memref_squeeze %dma_start3A_69 : memref<1x1x128xi32, #tpu.memory_space<vmem>> -> memref<128xi32, #tpu.memory_space<vmem>>
    %dma_start3A_71 = arith.constant 0 : i32
    %dma_start3A_72 = arith.constant 0 : i32
    %dma_start3A_73 = tpu.memref_slice %arg2[%dma_start3A_71, %dma_start3A_72] : memref<1000001x32xf32, #tpu.memory_space<hbm>> -> memref<1000001x32xf32, #tpu.memory_space<hbm>>
    tpu.enqueue_indirect_dma source(%dma_start3A_73 : memref<1000001x32xf32, #tpu.memory_space<hbm>>) target(%dma_start3A_67 : memref<128x32xf32, #tpu.memory_space<vmem>>) offsets(%dma_start3A_70 : memref<128xi32, #tpu.memory_space<vmem>>) semaphore(%arg9 : memref<!tpu.dma_semaphore, #tpu.memory_space<semaphore_mem>>)
    %dma_start3A_74 = arith.constant 0 : i32
    %dma_start3A_75 = arith.constant 2 : i32
    %dma_start3A_76 = arith.constant 2 : i32
    %dma_start3A_77 = arith.constant 128 : i32
    %dma_start3A_78 = arith.constant 0 : i32
    %dma_start3A_79 = tpu.memref_slice %arg6[%dma_start3A_76, %dma_start3A_77, %dma_start3A_78] : memref<6x256x32xf32, #tpu.memory_space<vmem>> -> memref<1x128x32xf32, #tpu.memory_space<vmem>>
    %dma_start3A_80 = tpu.memref_squeeze %dma_start3A_79 : memref<1x128x32xf32, #tpu.memory_space<vmem>> -> memref<128x32xf32, #tpu.memory_space<vmem>>
    %dma_start3A_81 = arith.constant 128 : i32
    %dma_start3A_82 = tpu.memref_slice %arg5[%dma_start3A_74, %dma_start3A_75, %dma_start3A_81] : memref<2x100x256xi32, #tpu.memory_space<vmem>> -> memref<1x1x128xi32, #tpu.memory_space<vmem>>
    %dma_start3A_83 = tpu.memref_squeeze %dma_start3A_82 : memref<1x1x128xi32, #tpu.memory_space<vmem>> -> memref<128xi32, #tpu.memory_space<vmem>>
    %dma_start3A_84 = arith.constant 0 : i32
    %dma_start3A_85 = arith.constant 0 : i32
    %dma_start3A_86 = tpu.memref_slice %arg2[%dma_start3A_84, %dma_start3A_85] : memref<1000001x32xf32, #tpu.memory_space<hbm>> -> memref<1000001x32xf32, #tpu.memory_space<hbm>>
    tpu.enqueue_indirect_dma source(%dma_start3A_86 : memref<1000001x32xf32, #tpu.memory_space<hbm>>) target(%dma_start3A_80 : memref<128x32xf32, #tpu.memory_space<vmem>>) offsets(%dma_start3A_83 : memref<128xi32, #tpu.memory_space<vmem>>) semaphore(%arg9 : memref<!tpu.dma_semaphore, #tpu.memory_space<semaphore_mem>>)
    %dma_wait3A = arith.constant 0 : i32
    %dma_wait3A_87 = arith.constant 0 : i32
    %dma_wait3A_88 = arith.constant 0 : i32
    %dma_wait3A_89 = arith.constant 0 : i32
    %dma_wait3A_90 = arith.constant 0 : i32
    %dma_wait3A_91 = tpu.memref_slice %arg6[%dma_wait3A_88, %dma_wait3A_89, %dma_wait3A_90] : memref<6x256x32xf32, #tpu.memory_space<vmem>> -> memref<1x128x32xf32, #tpu.memory_space<vmem>>
    %dma_wait3A_92 = tpu.memref_squeeze %dma_wait3A_91 : memref<1x128x32xf32, #tpu.memory_space<vmem>> -> memref<128x32xf32, #tpu.memory_space<vmem>>
    %dma_wait3A_93 = arith.constant 0 : i32
    %dma_wait3A_94 = tpu.memref_slice %arg5[%dma_wait3A, %dma_wait3A_87, %dma_wait3A_93] : memref<2x100x256xi32, #tpu.memory_space<vmem>> -> memref<1x1x128xi32, #tpu.memory_space<vmem>>
    %dma_wait3A_95 = tpu.memref_squeeze %dma_wait3A_94 : memref<1x1x128xi32, #tpu.memory_space<vmem>> -> memref<128xi32, #tpu.memory_space<vmem>>
    %dma_wait3A_96 = arith.constant 0 : i32
    %dma_wait3A_97 = arith.constant 0 : i32
    %dma_wait3A_98 = tpu.memref_slice %arg2[%dma_wait3A_96, %dma_wait3A_97] : memref<1000001x32xf32, #tpu.memory_space<hbm>> -> memref<1000001x32xf32, #tpu.memory_space<hbm>>
    tpu.wait_indirect_dma semaphore(%arg7 : memref<!tpu.dma_semaphore, #tpu.memory_space<semaphore_mem>>) src(%dma_wait3A_98 : memref<1000001x32xf32, #tpu.memory_space<hbm>>) dst(%dma_wait3A_92 : memref<128x32xf32, #tpu.memory_space<vmem>>)
    %dma_wait3A_99 = arith.constant 0 : i32
    %dma_wait3A_100 = arith.constant 0 : i32
    %dma_wait3A_101 = arith.constant 0 : i32
    %dma_wait3A_102 = arith.constant 128 : i32
    %dma_wait3A_103 = arith.constant 0 : i32
    %dma_wait3A_104 = tpu.memref_slice %arg6[%dma_wait3A_101, %dma_wait3A_102, %dma_wait3A_103] : memref<6x256x32xf32, #tpu.memory_space<vmem>> -> memref<1x128x32xf32, #tpu.memory_space<vmem>>
    %dma_wait3A_105 = tpu.memref_squeeze %dma_wait3A_104 : memref<1x128x32xf32, #tpu.memory_space<vmem>> -> memref<128x32xf32, #tpu.memory_space<vmem>>
    %dma_wait3A_106 = arith.constant 128 : i32
    %dma_wait3A_107 = tpu.memref_slice %arg5[%dma_wait3A_99, %dma_wait3A_100, %dma_wait3A_106] : memref<2x100x256xi32, #tpu.memory_space<vmem>> -> memref<1x1x128xi32, #tpu.memory_space<vmem>>
    %dma_wait3A_108 = tpu.memref_squeeze %dma_wait3A_107 : memref<1x1x128xi32, #tpu.memory_space<vmem>> -> memref<128xi32, #tpu.memory_space<vmem>>
    %dma_wait3A_109 = arith.constant 0 : i32
    %dma_wait3A_110 = arith.constant 0 : i32
    %dma_wait3A_111 = tpu.memref_slice %arg2[%dma_wait3A_109, %dma_wait3A_110] : memref<1000001x32xf32, #tpu.memory_space<hbm>> -> memref<1000001x32xf32, #tpu.memory_space<hbm>>
    tpu.wait_indirect_dma semaphore(%arg7 : memref<!tpu.dma_semaphore, #tpu.memory_space<semaphore_mem>>) src(%dma_wait3A_111 : memref<1000001x32xf32, #tpu.memory_space<hbm>>) dst(%dma_wait3A_105 : memref<128x32xf32, #tpu.memory_space<vmem>>)
    %dma_start3A_112 = arith.constant 0 : i32
    %dma_start3A_113 = arith.constant 0 : i32
    %dma_start3A_114 = arith.constant 0 : i32
    %dma_start3A_115 = arith.constant 0 : i32
    %dma_start3A_116 = tpu.memref_slice %arg6[%dma_start3A_112, %dma_start3A_114, %dma_start3A_115] : memref<6x256x32xf32, #tpu.memory_space<vmem>> -> memref<1x256x32xf32, #tpu.memory_space<vmem>>
    %dma_start3A_117 = tpu.memref_squeeze %dma_start3A_116 : memref<1x256x32xf32, #tpu.memory_space<vmem>> -> memref<256x32xf32, #tpu.memory_space<vmem>>
    %dma_start3A_118 = arith.constant 0 : i32
    %dma_start3A_119 = tpu.memref_slice %arg4[%dma_start3A_113, %add3A_4, %dma_start3A_118] : memref<100x16384x32xf32, #tpu.memory_space<hbm>> -> memref<1x256x32xf32, #tpu.memory_space<hbm>>
    %dma_start3A_120 = tpu.memref_squeeze %dma_start3A_119 : memref<1x256x32xf32, #tpu.memory_space<hbm>> -> memref<256x32xf32, #tpu.memory_space<hbm>>
    %dma_start3A_121 = arith.constant 0 : i32
    %dma_start3A_122 = tpu.memref_slice %arg4[%dma_start3A_113, %add3A_4, %dma_start3A_121] : memref<100x16384x32xf32, #tpu.memory_space<hbm>> -> memref<1x256x32xf32, #tpu.memory_space<hbm>>
    %dma_start3A_123 = tpu.memref_squeeze %dma_start3A_122 : memref<1x256x32xf32, #tpu.memory_space<hbm>> -> memref<256x32xf32, #tpu.memory_space<hbm>>
    %dma_start3A_124 = arith.constant 0 : i32
    %dma_start3A_125 = arith.constant 0 : i32
    %dma_start3A_126 = tpu.memref_slice %arg6[%dma_start3A_112, %dma_start3A_124, %dma_start3A_125] : memref<6x256x32xf32, #tpu.memory_space<vmem>> -> memref<1x256x32xf32, #tpu.memory_space<vmem>>
    %dma_start3A_127 = tpu.memref_squeeze %dma_start3A_126 : memref<1x256x32xf32, #tpu.memory_space<vmem>> -> memref<256x32xf32, #tpu.memory_space<vmem>>
    tpu.enqueue_dma source(%dma_start3A_127 : memref<256x32xf32, #tpu.memory_space<vmem>>) target(%dma_start3A_123 : memref<256x32xf32, #tpu.memory_space<hbm>>) target_semaphore(%arg13 : memref<!tpu.dma_semaphore, #tpu.memory_space<semaphore_mem>>)
    %dma_start3A_128 = arith.constant 0 : i32
    %dma_start3A_129 = arith.constant 3 : i32
    %dma_start3A_130 = arith.constant 3 : i32
    %dma_start3A_131 = arith.constant 0 : i32
    %dma_start3A_132 = arith.constant 0 : i32
    %dma_start3A_133 = tpu.memref_slice %arg6[%dma_start3A_130, %dma_start3A_131, %dma_start3A_132] : memref<6x256x32xf32, #tpu.memory_space<vmem>> -> memref<1x128x32xf32, #tpu.memory_space<vmem>>
    %dma_start3A_134 = tpu.memref_squeeze %dma_start3A_133 : memref<1x128x32xf32, #tpu.memory_space<vmem>> -> memref<128x32xf32, #tpu.memory_space<vmem>>
    %dma_start3A_135 = arith.constant 0 : i32
    %dma_start3A_136 = tpu.memref_slice %arg5[%dma_start3A_128, %dma_start3A_129, %dma_start3A_135] : memref<2x100x256xi32, #tpu.memory_space<vmem>> -> memref<1x1x128xi32, #tpu.memory_space<vmem>>
    %dma_start3A_137 = tpu.memref_squeeze %dma_start3A_136 : memref<1x1x128xi32, #tpu.memory_space<vmem>> -> memref<128xi32, #tpu.memory_space<vmem>>
    %dma_start3A_138 = arith.constant 0 : i32
    %dma_start3A_139 = arith.constant 0 : i32
    %dma_start3A_140 = tpu.memref_slice %arg2[%dma_start3A_138, %dma_start3A_139] : memref<1000001x32xf32, #tpu.memory_space<hbm>> -> memref<1000001x32xf32, #tpu.memory_space<hbm>>
    tpu.enqueue_indirect_dma source(%dma_start3A_140 : memref<1000001x32xf32, #tpu.memory_space<hbm>>) target(%dma_start3A_134 : memref<128x32xf32, #tpu.memory_space<vmem>>) offsets(%dma_start3A_137 : memref<128xi32, #tpu.memory_space<vmem>>) semaphore(%arg10 : memref<!tpu.dma_semaphore, #tpu.memory_space<semaphore_mem>>)
    %dma_start3A_141 = arith.constant 0 : i32
    %dma_start3A_142 = arith.constant 3 : i32
    %dma_start3A_143 = arith.constant 3 : i32
    %dma_start3A_144 = arith.constant 128 : i32
    %dma_start3A_145 = arith.constant 0 : i32
    %dma_start3A_146 = tpu.memref_slice %arg6[%dma_start3A_143, %dma_start3A_144, %dma_start3A_145] : memref<6x256x32xf32, #tpu.memory_space<vmem>> -> memref<1x128x32xf32, #tpu.memory_space<vmem>>
    %dma_start3A_147 = tpu.memref_squeeze %dma_start3A_146 : memref<1x128x32xf32, #tpu.memory_space<vmem>> -> memref<128x32xf32, #tpu.memory_space<vmem>>
    %dma_start3A_148 = arith.constant 128 : i32
    %dma_start3A_149 = tpu.memref_slice %arg5[%dma_start3A_141, %dma_start3A_142, %dma_start3A_148] : memref<2x100x256xi32, #tpu.memory_space<vmem>> -> memref<1x1x128xi32, #tpu.memory_space<vmem>>
    %dma_start3A_150 = tpu.memref_squeeze %dma_start3A_149 : memref<1x1x128xi32, #tpu.memory_space<vmem>> -> memref<128xi32, #tpu.memory_space<vmem>>
    %dma_start3A_151 = arith.constant 0 : i32
    %dma_start3A_152 = arith.constant 0 : i32
    %dma_start3A_153 = tpu.memref_slice %arg2[%dma_start3A_151, %dma_start3A_152] : memref<1000001x32xf32, #tpu.memory_space<hbm>> -> memref<1000001x32xf32, #tpu.memory_space<hbm>>
    tpu.enqueue_indirect_dma source(%dma_start3A_153 : memref<1000001x32xf32, #tpu.memory_space<hbm>>) target(%dma_start3A_147 : memref<128x32xf32, #tpu.memory_space<vmem>>) offsets(%dma_start3A_150 : memref<128xi32, #tpu.memory_space<vmem>>) semaphore(%arg10 : memref<!tpu.dma_semaphore, #tpu.memory_space<semaphore_mem>>)
    %dma_wait3A_154 = arith.constant 0 : i32
    %dma_wait3A_155 = arith.constant 1 : i32
    %dma_wait3A_156 = arith.constant 1 : i32
    %dma_wait3A_157 = arith.constant 0 : i32
    %dma_wait3A_158 = arith.constant 0 : i32
    %dma_wait3A_159 = tpu.memref_slice %arg6[%dma_wait3A_156, %dma_wait3A_157, %dma_wait3A_158] : memref<6x256x32xf32, #tpu.memory_space<vmem>> -> memref<1x128x32xf32, #tpu.memory_space<vmem>>
    %dma_wait3A_160 = tpu.memref_squeeze %dma_wait3A_159 : memref<1x128x32xf32, #tpu.memory_space<vmem>> -> memref<128x32xf32, #tpu.memory_space<vmem>>
    %dma_wait3A_161 = arith.constant 0 : i32
    %dma_wait3A_162 = tpu.memref_slice %arg5[%dma_wait3A_154, %dma_wait3A_155, %dma_wait3A_161] : memref<2x100x256xi32, #tpu.memory_space<vmem>> -> memref<1x1x128xi32, #tpu.memory_space<vmem>>
    %dma_wait3A_163 = tpu.memref_squeeze %dma_wait3A_162 : memref<1x1x128xi32, #tpu.memory_space<vmem>> -> memref<128xi32, #tpu.memory_space<vmem>>
    %dma_wait3A_164 = arith.constant 0 : i32
    %dma_wait3A_165 = arith.constant 0 : i32
    %dma_wait3A_166 = tpu.memref_slice %arg2[%dma_wait3A_164, %dma_wait3A_165] : memref<1000001x32xf32, #tpu.memory_space<hbm>> -> memref<1000001x32xf32, #tpu.memory_space<hbm>>
    tpu.wait_indirect_dma semaphore(%arg8 : memref<!tpu.dma_semaphore, #tpu.memory_space<semaphore_mem>>) src(%dma_wait3A_166 : memref<1000001x32xf32, #tpu.memory_space<hbm>>) dst(%dma_wait3A_160 : memref<128x32xf32, #tpu.memory_space<vmem>>)
    %dma_wait3A_167 = arith.constant 0 : i32
    %dma_wait3A_168 = arith.constant 1 : i32
    %dma_wait3A_169 = arith.constant 1 : i32
    %dma_wait3A_170 = arith.constant 128 : i32
    %dma_wait3A_171 = arith.constant 0 : i32
    %dma_wait3A_172 = tpu.memref_slice %arg6[%dma_wait3A_169, %dma_wait3A_170, %dma_wait3A_171] : memref<6x256x32xf32, #tpu.memory_space<vmem>> -> memref<1x128x32xf32, #tpu.memory_space<vmem>>
    %dma_wait3A_173 = tpu.memref_squeeze %dma_wait3A_172 : memref<1x128x32xf32, #tpu.memory_space<vmem>> -> memref<128x32xf32, #tpu.memory_space<vmem>>
    %dma_wait3A_174 = arith.constant 128 : i32
    %dma_wait3A_175 = tpu.memref_slice %arg5[%dma_wait3A_167, %dma_wait3A_168, %dma_wait3A_174] : memref<2x100x256xi32, #tpu.memory_space<vmem>> -> memref<1x1x128xi32, #tpu.memory_space<vmem>>
    %dma_wait3A_176 = tpu.memref_squeeze %dma_wait3A_175 : memref<1x1x128xi32, #tpu.memory_space<vmem>> -> memref<128xi32, #tpu.memory_space<vmem>>
    %dma_wait3A_177 = arith.constant 0 : i32
    %dma_wait3A_178 = arith.constant 0 : i32
    %dma_wait3A_179 = tpu.memref_slice %arg2[%dma_wait3A_177, %dma_wait3A_178] : memref<1000001x32xf32, #tpu.memory_space<hbm>> -> memref<1000001x32xf32, #tpu.memory_space<hbm>>
    tpu.wait_indirect_dma semaphore(%arg8 : memref<!tpu.dma_semaphore, #tpu.memory_space<semaphore_mem>>) src(%dma_wait3A_179 : memref<1000001x32xf32, #tpu.memory_space<hbm>>) dst(%dma_wait3A_173 : memref<128x32xf32, #tpu.memory_space<vmem>>)
    %dma_start3A_180 = arith.constant 1 : i32
    %dma_start3A_181 = arith.constant 1 : i32
    %dma_start3A_182 = arith.constant 0 : i32
    %dma_start3A_183 = arith.constant 0 : i32
    %dma_start3A_184 = tpu.memref_slice %arg6[%dma_start3A_180, %dma_start3A_182, %dma_start3A_183] : memref<6x256x32xf32, #tpu.memory_space<vmem>> -> memref<1x256x32xf32, #tpu.memory_space<vmem>>
    %dma_start3A_185 = tpu.memref_squeeze %dma_start3A_184 : memref<1x256x32xf32, #tpu.memory_space<vmem>> -> memref<256x32xf32, #tpu.memory_space<vmem>>
    %dma_start3A_186 = arith.constant 0 : i32
    %dma_start3A_187 = tpu.memref_slice %arg4[%dma_start3A_181, %add3A_4, %dma_start3A_186] : memref<100x16384x32xf32, #tpu.memory_space<hbm>> -> memref<1x256x32xf32, #tpu.memory_space<hbm>>
    %dma_start3A_188 = tpu.memref_squeeze %dma_start3A_187 : memref<1x256x32xf32, #tpu.memory_space<hbm>> -> memref<256x32xf32, #tpu.memory_space<hbm>>
    %dma_start3A_189 = arith.constant 0 : i32
    %dma_start3A_190 = tpu.memref_slice %arg4[%dma_start3A_181, %add3A_4, %dma_start3A_189] : memref<100x16384x32xf32, #tpu.memory_space<hbm>> -> memref<1x256x32xf32, #tpu.memory_space<hbm>>
    %dma_start3A_191 = tpu.memref_squeeze %dma_start3A_190 : memref<1x256x32xf32, #tpu.memory_space<hbm>> -> memref<256x32xf32, #tpu.memory_space<hbm>>
    %dma_start3A_192 = arith.constant 0 : i32
    %dma_start3A_193 = arith.constant 0 : i32
    %dma_start3A_194 = tpu.memref_slice %arg6[%dma_start3A_180, %dma_start3A_192, %dma_start3A_193] : memref<6x256x32xf32, #tpu.memory_space<vmem>> -> memref<1x256x32xf32, #tpu.memory_space<vmem>>
    %dma_start3A_195 = tpu.memref_squeeze %dma_start3A_194 : memref<1x256x32xf32, #tpu.memory_space<vmem>> -> memref<256x32xf32, #tpu.memory_space<vmem>>
    tpu.enqueue_dma source(%dma_start3A_195 : memref<256x32xf32, #tpu.memory_space<vmem>>) target(%dma_start3A_191 : memref<256x32xf32, #tpu.memory_space<hbm>>) target_semaphore(%arg14 : memref<!tpu.dma_semaphore, #tpu.memory_space<semaphore_mem>>)
    %dma_start3A_196 = arith.constant 0 : i32
    %dma_start3A_197 = arith.constant 4 : i32
    %dma_start3A_198 = arith.constant 4 : i32
    %dma_start3A_199 = arith.constant 0 : i32
    %dma_start3A_200 = arith.constant 0 : i32
    %dma_start3A_201 = tpu.memref_slice %arg6[%dma_start3A_198, %dma_start3A_199, %dma_start3A_200] : memref<6x256x32xf32, #tpu.memory_space<vmem>> -> memref<1x128x32xf32, #tpu.memory_space<vmem>>
    %dma_start3A_202 = tpu.memref_squeeze %dma_start3A_201 : memref<1x128x32xf32, #tpu.memory_space<vmem>> -> memref<128x32xf32, #tpu.memory_space<vmem>>
    %dma_start3A_203 = arith.constant 0 : i32
    %dma_start3A_204 = tpu.memref_slice %arg5[%dma_start3A_196, %dma_start3A_197, %dma_start3A_203] : memref<2x100x256xi32, #tpu.memory_space<vmem>> -> memref<1x1x128xi32, #tpu.memory_space<vmem>>
    %dma_start3A_205 = tpu.memref_squeeze %dma_start3A_204 : memref<1x1x128xi32, #tpu.memory_space<vmem>> -> memref<128xi32, #tpu.memory_space<vmem>>
    %dma_start3A_206 = arith.constant 0 : i32
    %dma_start3A_207 = arith.constant 0 : i32
    %dma_start3A_208 = tpu.memref_slice %arg2[%dma_start3A_206, %dma_start3A_207] : memref<1000001x32xf32, #tpu.memory_space<hbm>> -> memref<1000001x32xf32, #tpu.memory_space<hbm>>
    tpu.enqueue_indirect_dma source(%dma_start3A_208 : memref<1000001x32xf32, #tpu.memory_space<hbm>>) target(%dma_start3A_202 : memref<128x32xf32, #tpu.memory_space<vmem>>) offsets(%dma_start3A_205 : memref<128xi32, #tpu.memory_space<vmem>>) semaphore(%arg11 : memref<!tpu.dma_semaphore, #tpu.memory_space<semaphore_mem>>)
    %dma_start3A_209 = arith.constant 0 : i32
    %dma_start3A_210 = arith.constant 4 : i32
    %dma_start3A_211 = arith.constant 4 : i32
    %dma_start3A_212 = arith.constant 128 : i32
    %dma_start3A_213 = arith.constant 0 : i32
    %dma_start3A_214 = tpu.memref_slice %arg6[%dma_start3A_211, %dma_start3A_212, %dma_start3A_213] : memref<6x256x32xf32, #tpu.memory_space<vmem>> -> memref<1x128x32xf32, #tpu.memory_space<vmem>>
    %dma_start3A_215 = tpu.memref_squeeze %dma_start3A_214 : memref<1x128x32xf32, #tpu.memory_space<vmem>> -> memref<128x32xf32, #tpu.memory_space<vmem>>
    %dma_start3A_216 = arith.constant 128 : i32
    %dma_start3A_217 = tpu.memref_slice %arg5[%dma_start3A_209, %dma_start3A_210, %dma_start3A_216] : memref<2x100x256xi32, #tpu.memory_space<vmem>> -> memref<1x1x128xi32, #tpu.memory_space<vmem>>
    %dma_start3A_218 = tpu.memref_squeeze %dma_start3A_217 : memref<1x1x128xi32, #tpu.memory_space<vmem>> -> memref<128xi32, #tpu.memory_space<vmem>>
    %dma_start3A_219 = arith.constant 0 : i32
    %dma_start3A_220 = arith.constant 0 : i32
    %dma_start3A_221 = tpu.memref_slice %arg2[%dma_start3A_219, %dma_start3A_220] : memref<1000001x32xf32, #tpu.memory_space<hbm>> -> memref<1000001x32xf32, #tpu.memory_space<hbm>>
    tpu.enqueue_indirect_dma source(%dma_start3A_221 : memref<1000001x32xf32, #tpu.memory_space<hbm>>) target(%dma_start3A_215 : memref<128x32xf32, #tpu.memory_space<vmem>>) offsets(%dma_start3A_218 : memref<128xi32, #tpu.memory_space<vmem>>) semaphore(%arg11 : memref<!tpu.dma_semaphore, #tpu.memory_space<semaphore_mem>>)
    %dma_wait3A_222 = arith.constant 0 : i32
    %dma_wait3A_223 = arith.constant 2 : i32
    %dma_wait3A_224 = arith.constant 2 : i32
    %dma_wait3A_225 = arith.constant 0 : i32
    %dma_wait3A_226 = arith.constant 0 : i32
    %dma_wait3A_227 = tpu.memref_slice %arg6[%dma_wait3A_224, %dma_wait3A_225, %dma_wait3A_226] : memref<6x256x32xf32, #tpu.memory_space<vmem>> -> memref<1x128x32xf32, #tpu.memory_space<vmem>>
    %dma_wait3A_228 = tpu.memref_squeeze %dma_wait3A_227 : memref<1x128x32xf32, #tpu.memory_space<vmem>> -> memref<128x32xf32, #tpu.memory_space<vmem>>
    %dma_wait3A_229 = arith.constant 0 : i32
    %dma_wait3A_230 = tpu.memref_slice %arg5[%dma_wait3A_222, %dma_wait3A_223, %dma_wait3A_229] : memref<2x100x256xi32, #tpu.memory_space<vmem>> -> memref<1x1x128xi32, #tpu.memory_space<vmem>>
    %dma_wait3A_231 = tpu.memref_squeeze %dma_wait3A_230 : memref<1x1x128xi32, #tpu.memory_space<vmem>> -> memref<128xi32, #tpu.memory_space<vmem>>
    %dma_wait3A_232 = arith.constant 0 : i32
    %dma_wait3A_233 = arith.constant 0 : i32
    %dma_wait3A_234 = tpu.memref_slice %arg2[%dma_wait3A_232, %dma_wait3A_233] : memref<1000001x32xf32, #tpu.memory_space<hbm>> -> memref<1000001x32xf32, #tpu.memory_space<hbm>>
    tpu.wait_indirect_dma semaphore(%arg9 : memref<!tpu.dma_semaphore, #tpu.memory_space<semaphore_mem>>) src(%dma_wait3A_234 : memref<1000001x32xf32, #tpu.memory_space<hbm>>) dst(%dma_wait3A_228 : memref<128x32xf32, #tpu.memory_space<vmem>>)
    %dma_wait3A_235 = arith.constant 0 : i32
    %dma_wait3A_236 = arith.constant 2 : i32
    %dma_wait3A_237 = arith.constant 2 : i32
    %dma_wait3A_238 = arith.constant 128 : i32
    %dma_wait3A_239 = arith.constant 0 : i32
    %dma_wait3A_240 = tpu.memref_slice %arg6[%dma_wait3A_237, %dma_wait3A_238, %dma_wait3A_239] : memref<6x256x32xf32, #tpu.memory_space<vmem>> -> memref<1x128x32xf32, #tpu.memory_space<vmem>>
    %dma_wait3A_241 = tpu.memref_squeeze %dma_wait3A_240 : memref<1x128x32xf32, #tpu.memory_space<vmem>> -> memref<128x32xf32, #tpu.memory_space<vmem>>
    %dma_wait3A_242 = arith.constant 128 : i32
    %dma_wait3A_243 = tpu.memref_slice %arg5[%dma_wait3A_235, %dma_wait3A_236, %dma_wait3A_242] : memref<2x100x256xi32, #tpu.memory_space<vmem>> -> memref<1x1x128xi32, #tpu.memory_space<vmem>>
    %dma_wait3A_244 = tpu.memref_squeeze %dma_wait3A_243 : memref<1x1x128xi32, #tpu.memory_space<vmem>> -> memref<128xi32, #tpu.memory_space<vmem>>
    %dma_wait3A_245 = arith.constant 0 : i32
    %dma_wait3A_246 = arith.constant 0 : i32
    %dma_wait3A_247 = tpu.memref_slice %arg2[%dma_wait3A_245, %dma_wait3A_246] : memref<1000001x32xf32, #tpu.memory_space<hbm>> -> memref<1000001x32xf32, #tpu.memory_space<hbm>>
    tpu.wait_indirect_dma semaphore(%arg9 : memref<!tpu.dma_semaphore, #tpu.memory_space<semaphore_mem>>) src(%dma_wait3A_247 : memref<1000001x32xf32, #tpu.memory_space<hbm>>) dst(%dma_wait3A_241 : memref<128x32xf32, #tpu.memory_space<vmem>>)
    %dma_start3A_248 = arith.constant 2 : i32
    %dma_start3A_249 = arith.constant 2 : i32
    %dma_start3A_250 = arith.constant 0 : i32
    %dma_start3A_251 = arith.constant 0 : i32
    %dma_start3A_252 = tpu.memref_slice %arg6[%dma_start3A_248, %dma_start3A_250, %dma_start3A_251] : memref<6x256x32xf32, #tpu.memory_space<vmem>> -> memref<1x256x32xf32, #tpu.memory_space<vmem>>
    %dma_start3A_253 = tpu.memref_squeeze %dma_start3A_252 : memref<1x256x32xf32, #tpu.memory_space<vmem>> -> memref<256x32xf32, #tpu.memory_space<vmem>>
    %dma_start3A_254 = arith.constant 0 : i32
    %dma_start3A_255 = tpu.memref_slice %arg4[%dma_start3A_249, %add3A_4, %dma_start3A_254] : memref<100x16384x32xf32, #tpu.memory_space<hbm>> -> memref<1x256x32xf32, #tpu.memory_space<hbm>>
    %dma_start3A_256 = tpu.memref_squeeze %dma_start3A_255 : memref<1x256x32xf32, #tpu.memory_space<hbm>> -> memref<256x32xf32, #tpu.memory_space<hbm>>
    %dma_start3A_257 = arith.constant 0 : i32
    %dma_start3A_258 = tpu.memref_slice %arg4[%dma_start3A_249, %add3A_4, %dma_start3A_257] : memref<100x16384x32xf32, #tpu.memory_space<hbm>> -> memref<1x256x32xf32, #tpu.memory_space<hbm>>
    %dma_start3A_259 = tpu.memref_squeeze %dma_start3A_258 : memref<1x256x32xf32, #tpu.memory_space<hbm>> -> memref<256x32xf32, #tpu.memory_space<hbm>>
    %dma_start3A_260 = arith.constant 0 : i32
    %dma_start3A_261 = arith.constant 0 : i32
    %dma_start3A_262 = tpu.memref_slice %arg6[%dma_start3A_248, %dma_start3A_260, %dma_start3A_261] : memref<6x256x32xf32, #tpu.memory_space<vmem>> -> memref<1x256x32xf32, #tpu.memory_space<vmem>>
    %dma_start3A_263 = tpu.memref_squeeze %dma_start3A_262 : memref<1x256x32xf32, #tpu.memory_space<vmem>> -> memref<256x32xf32, #tpu.memory_space<vmem>>
    tpu.enqueue_dma source(%dma_start3A_263 : memref<256x32xf32, #tpu.memory_space<vmem>>) target(%dma_start3A_259 : memref<256x32xf32, #tpu.memory_space<hbm>>) target_semaphore(%arg15 : memref<!tpu.dma_semaphore, #tpu.memory_space<semaphore_mem>>)
    %dma_start3A_264 = arith.constant 0 : i32
    %dma_start3A_265 = arith.constant 5 : i32
    %dma_start3A_266 = arith.constant 5 : i32
    %dma_start3A_267 = arith.constant 0 : i32
    %dma_start3A_268 = arith.constant 0 : i32
    %dma_start3A_269 = tpu.memref_slice %arg6[%dma_start3A_266, %dma_start3A_267, %dma_start3A_268] : memref<6x256x32xf32, #tpu.memory_space<vmem>> -> memref<1x128x32xf32, #tpu.memory_space<vmem>>
    %dma_start3A_270 = tpu.memref_squeeze %dma_start3A_269 : memref<1x128x32xf32, #tpu.memory_space<vmem>> -> memref<128x32xf32, #tpu.memory_space<vmem>>
    %dma_start3A_271 = arith.constant 0 : i32
    %dma_start3A_272 = tpu.memref_slice %arg5[%dma_start3A_264, %dma_start3A_265, %dma_start3A_271] : memref<2x100x256xi32, #tpu.memory_space<vmem>> -> memref<1x1x128xi32, #tpu.memory_space<vmem>>
    %dma_start3A_273 = tpu.memref_squeeze %dma_start3A_272 : memref<1x1x128xi32, #tpu.memory_space<vmem>> -> memref<128xi32, #tpu.memory_space<vmem>>
    %dma_start3A_274 = arith.constant 0 : i32
    %dma_start3A_275 = arith.constant 0 : i32
    %dma_start3A_276 = tpu.memref_slice %arg2[%dma_start3A_274, %dma_start3A_275] : memref<1000001x32xf32, #tpu.memory_space<hbm>> -> memref<1000001x32xf32, #tpu.memory_space<hbm>>
    tpu.enqueue_indirect_dma source(%dma_start3A_276 : memref<1000001x32xf32, #tpu.memory_space<hbm>>) target(%dma_start3A_270 : memref<128x32xf32, #tpu.memory_space<vmem>>) offsets(%dma_start3A_273 : memref<128xi32, #tpu.memory_space<vmem>>) semaphore(%arg12 : memref<!tpu.dma_semaphore, #tpu.memory_space<semaphore_mem>>)
    %dma_start3A_277 = arith.constant 0 : i32
    %dma_start3A_278 = arith.constant 5 : i32
    %dma_start3A_279 = arith.constant 5 : i32
    %dma_start3A_280 = arith.constant 128 : i32
    %dma_start3A_281 = arith.constant 0 : i32
    %dma_start3A_282 = tpu.memref_slice %arg6[%dma_start3A_279, %dma_start3A_280, %dma_start3A_281] : memref<6x256x32xf32, #tpu.memory_space<vmem>> -> memref<1x128x32xf32, #tpu.memory_space<vmem>>
    %dma_start3A_283 = tpu.memref_squeeze %dma_start3A_282 : memref<1x128x32xf32, #tpu.memory_space<vmem>> -> memref<128x32xf32, #tpu.memory_space<vmem>>
    %dma_start3A_284 = arith.constant 128 : i32
    %dma_start3A_285 = tpu.memref_slice %arg5[%dma_start3A_277, %dma_start3A_278, %dma_start3A_284] : memref<2x100x256xi32, #tpu.memory_space<vmem>> -> memref<1x1x128xi32, #tpu.memory_space<vmem>>
    %dma_start3A_286 = tpu.memref_squeeze %dma_start3A_285 : memref<1x1x128xi32, #tpu.memory_space<vmem>> -> memref<128xi32, #tpu.memory_space<vmem>>
    %dma_start3A_287 = arith.constant 0 : i32
    %dma_start3A_288 = arith.constant 0 : i32
    %dma_start3A_289 = tpu.memref_slice %arg2[%dma_start3A_287, %dma_start3A_288] : memref<1000001x32xf32, #tpu.memory_space<hbm>> -> memref<1000001x32xf32, #tpu.memory_space<hbm>>
    tpu.enqueue_indirect_dma source(%dma_start3A_289 : memref<1000001x32xf32, #tpu.memory_space<hbm>>) target(%dma_start3A_283 : memref<128x32xf32, #tpu.memory_space<vmem>>) offsets(%dma_start3A_286 : memref<128xi32, #tpu.memory_space<vmem>>) semaphore(%arg12 : memref<!tpu.dma_semaphore, #tpu.memory_space<semaphore_mem>>)
    %scan3A_290 = arith.constant 0 : i32
    %scan3A_291 = arith.constant 0 : i32
    %scan3A_292 = arith.constant 16 : i32
    %scan3A_293 = arith.addi %scan3A_291, %scan3A_292 : i32
    %scan3A_294 = arith.constant 1 : i32
    scf.for %scan3A_807 = %scan3A_291 to %scan3A_293 step %scan3A_294  : i32 {
      %mul3A_808 = arith.constant 6 : i32
      %mul3A_809 = arith.muli %scan3A_807, %mul3A_808 : i32
      %add3A_810 = arith.constant 3 : i32
      %add3A_811 = arith.addi %add3A_810, %mul3A_809 : i32
      %add3A_812 = arith.constant 0 : i32
      %add3A_813 = arith.addi %add3A_811, %add3A_812 : i32
      %dma_wait3A_814 = arith.constant 0 : i32
      %dma_wait3A_815 = arith.constant 3 : i32
      %dma_wait3A_816 = arith.constant 0 : i32
      %dma_wait3A_817 = arith.constant 0 : i32
      %dma_wait3A_818 = tpu.memref_slice %arg6[%dma_wait3A_815, %dma_wait3A_816, %dma_wait3A_817] : memref<6x256x32xf32, #tpu.memory_space<vmem>> -> memref<1x128x32xf32, #tpu.memory_space<vmem>>
      %dma_wait3A_819 = tpu.memref_squeeze %dma_wait3A_818 : memref<1x128x32xf32, #tpu.memory_space<vmem>> -> memref<128x32xf32, #tpu.memory_space<vmem>>
      %dma_wait3A_820 = arith.constant 0 : i32
      %dma_wait3A_821 = tpu.memref_slice %arg5[%dma_wait3A_814, %add3A_813, %dma_wait3A_820] : memref<2x100x256xi32, #tpu.memory_space<vmem>> -> memref<1x1x128xi32, #tpu.memory_space<vmem>>
      %dma_wait3A_822 = tpu.memref_squeeze %dma_wait3A_821 : memref<1x1x128xi32, #tpu.memory_space<vmem>> -> memref<128xi32, #tpu.memory_space<vmem>>
      %dma_wait3A_823 = arith.constant 0 : i32
      %dma_wait3A_824 = arith.constant 0 : i32
      %dma_wait3A_825 = tpu.memref_slice %arg2[%dma_wait3A_823, %dma_wait3A_824] : memref<1000001x32xf32, #tpu.memory_space<hbm>> -> memref<1000001x32xf32, #tpu.memory_space<hbm>>
      tpu.wait_indirect_dma semaphore(%arg10 : memref<!tpu.dma_semaphore, #tpu.memory_space<semaphore_mem>>) src(%dma_wait3A_825 : memref<1000001x32xf32, #tpu.memory_space<hbm>>) dst(%dma_wait3A_819 : memref<128x32xf32, #tpu.memory_space<vmem>>)
      %dma_wait3A_826 = arith.constant 0 : i32
      %dma_wait3A_827 = arith.constant 3 : i32
      %dma_wait3A_828 = arith.constant 128 : i32
      %dma_wait3A_829 = arith.constant 0 : i32
      %dma_wait3A_830 = tpu.memref_slice %arg6[%dma_wait3A_827, %dma_wait3A_828, %dma_wait3A_829] : memref<6x256x32xf32, #tpu.memory_space<vmem>> -> memref<1x128x32xf32, #tpu.memory_space<vmem>>
      %dma_wait3A_831 = tpu.memref_squeeze %dma_wait3A_830 : memref<1x128x32xf32, #tpu.memory_space<vmem>> -> memref<128x32xf32, #tpu.memory_space<vmem>>
      %dma_wait3A_832 = arith.constant 128 : i32
      %dma_wait3A_833 = tpu.memref_slice %arg5[%dma_wait3A_826, %add3A_813, %dma_wait3A_832] : memref<2x100x256xi32, #tpu.memory_space<vmem>> -> memref<1x1x128xi32, #tpu.memory_space<vmem>>
      %dma_wait3A_834 = tpu.memref_squeeze %dma_wait3A_833 : memref<1x1x128xi32, #tpu.memory_space<vmem>> -> memref<128xi32, #tpu.memory_space<vmem>>
      %dma_wait3A_835 = arith.constant 0 : i32
      %dma_wait3A_836 = arith.constant 0 : i32
      %dma_wait3A_837 = tpu.memref_slice %arg2[%dma_wait3A_835, %dma_wait3A_836] : memref<1000001x32xf32, #tpu.memory_space<hbm>> -> memref<1000001x32xf32, #tpu.memory_space<hbm>>
      tpu.wait_indirect_dma semaphore(%arg10 : memref<!tpu.dma_semaphore, #tpu.memory_space<semaphore_mem>>) src(%dma_wait3A_837 : memref<1000001x32xf32, #tpu.memory_space<hbm>>) dst(%dma_wait3A_831 : memref<128x32xf32, #tpu.memory_space<vmem>>)
      %dma_start3A_838 = arith.constant 3 : i32
      %dma_start3A_839 = arith.constant 0 : i32
      %dma_start3A_840 = arith.constant 0 : i32
      %dma_start3A_841 = tpu.memref_slice %arg6[%dma_start3A_838, %dma_start3A_839, %dma_start3A_840] : memref<6x256x32xf32, #tpu.memory_space<vmem>> -> memref<1x256x32xf32, #tpu.memory_space<vmem>>
      %dma_start3A_842 = tpu.memref_squeeze %dma_start3A_841 : memref<1x256x32xf32, #tpu.memory_space<vmem>> -> memref<256x32xf32, #tpu.memory_space<vmem>>
      %dma_start3A_843 = arith.constant 0 : i32
      %dma_start3A_844 = tpu.memref_slice %arg4[%add3A_813, %add3A_4, %dma_start3A_843] : memref<100x16384x32xf32, #tpu.memory_space<hbm>> -> memref<1x256x32xf32, #tpu.memory_space<hbm>>
      %dma_start3A_845 = tpu.memref_squeeze %dma_start3A_844 : memref<1x256x32xf32, #tpu.memory_space<hbm>> -> memref<256x32xf32, #tpu.memory_space<hbm>>
      %dma_start3A_846 = arith.constant 0 : i32
      %dma_start3A_847 = tpu.memref_slice %arg4[%add3A_813, %add3A_4, %dma_start3A_846] : memref<100x16384x32xf32, #tpu.memory_space<hbm>> -> memref<1x256x32xf32, #tpu.memory_space<hbm>>
      %dma_start3A_848 = tpu.memref_squeeze %dma_start3A_847 : memref<1x256x32xf32, #tpu.memory_space<hbm>> -> memref<256x32xf32, #tpu.memory_space<hbm>>
      %dma_start3A_849 = arith.constant 0 : i32
      %dma_start3A_850 = arith.constant 0 : i32
      %dma_start3A_851 = tpu.memref_slice %arg6[%dma_start3A_838, %dma_start3A_849, %dma_start3A_850] : memref<6x256x32xf32, #tpu.memory_space<vmem>> -> memref<1x256x32xf32, #tpu.memory_space<vmem>>
      %dma_start3A_852 = tpu.memref_squeeze %dma_start3A_851 : memref<1x256x32xf32, #tpu.memory_space<vmem>> -> memref<256x32xf32, #tpu.memory_space<vmem>>
      tpu.enqueue_dma source(%dma_start3A_852 : memref<256x32xf32, #tpu.memory_space<vmem>>) target(%dma_start3A_848 : memref<256x32xf32, #tpu.memory_space<hbm>>) target_semaphore(%arg16 : memref<!tpu.dma_semaphore, #tpu.memory_space<semaphore_mem>>)
      %sub3A = arith.constant 3 : i32
      %sub3A_853 = arith.subi %add3A_813, %sub3A : i32
      %dma_wait3A_854 = arith.constant 0 : i32
      %dma_wait3A_855 = arith.constant 0 : i32
      %dma_wait3A_856 = arith.constant 0 : i32
      %dma_wait3A_857 = tpu.memref_slice %arg6[%dma_wait3A_854, %dma_wait3A_855, %dma_wait3A_856] : memref<6x256x32xf32, #tpu.memory_space<vmem>> -> memref<1x256x32xf32, #tpu.memory_space<vmem>>
      %dma_wait3A_858 = tpu.memref_squeeze %dma_wait3A_857 : memref<1x256x32xf32, #tpu.memory_space<vmem>> -> memref<256x32xf32, #tpu.memory_space<vmem>>
      %dma_wait3A_859 = arith.constant 0 : i32
      %dma_wait3A_860 = tpu.memref_slice %arg4[%sub3A_853, %add3A_4, %dma_wait3A_859] : memref<100x16384x32xf32, #tpu.memory_space<hbm>> -> memref<1x256x32xf32, #tpu.memory_space<hbm>>
      %dma_wait3A_861 = tpu.memref_squeeze %dma_wait3A_860 : memref<1x256x32xf32, #tpu.memory_space<hbm>> -> memref<256x32xf32, #tpu.memory_space<hbm>>
      %dma_wait3A_862 = arith.constant 0 : i32
      %dma_wait3A_863 = tpu.memref_slice %arg4[%sub3A_853, %add3A_4, %dma_wait3A_862] : memref<100x16384x32xf32, #tpu.memory_space<hbm>> -> memref<1x256x32xf32, #tpu.memory_space<hbm>>
      %dma_wait3A_864 = tpu.memref_squeeze %dma_wait3A_863 : memref<1x256x32xf32, #tpu.memory_space<hbm>> -> memref<256x32xf32, #tpu.memory_space<hbm>>
      %dma_wait3A_865 = arith.constant 0 : i32
      %dma_wait3A_866 = arith.constant 0 : i32
      %dma_wait3A_867 = tpu.memref_slice %arg6[%dma_wait3A_854, %dma_wait3A_865, %dma_wait3A_866] : memref<6x256x32xf32, #tpu.memory_space<vmem>> -> memref<1x256x32xf32, #tpu.memory_space<vmem>>
      %dma_wait3A_868 = tpu.memref_squeeze %dma_wait3A_867 : memref<1x256x32xf32, #tpu.memory_space<vmem>> -> memref<256x32xf32, #tpu.memory_space<vmem>>
      tpu.wait_dma2 semaphore(%arg13 : memref<!tpu.dma_semaphore, #tpu.memory_space<semaphore_mem>>) src(%dma_wait3A_868 : memref<256x32xf32, #tpu.memory_space<vmem>>) dst(%dma_wait3A_864 : memref<256x32xf32, #tpu.memory_space<hbm>>)
      %add3A_869 = arith.constant 3 : i32
      %add3A_870 = arith.addi %add3A_813, %add3A_869 : i32
      %lt3A = arith.constant 100 : i32
      %lt3A_871 = arith.cmpi slt, %add3A_870, %lt3A : i32
      %convert_element_type3A = arith.extui %lt3A_871 : i1 to i32
      %cond3A = arith.constant 0 : i32
      %cond3A_872 = arith.cmpi ne, %convert_element_type3A, %cond3A : i32
      scf.if %cond3A_872 {
        %add3A_1198 = arith.constant 3 : i32
        %add3A_1199 = arith.addi %add3A_813, %add3A_1198 : i32
        %dma_start3A_1200 = arith.constant 0 : i32
        %dma_start3A_1201 = arith.constant 0 : i32
        %dma_start3A_1202 = arith.constant 0 : i32
        %dma_start3A_1203 = arith.constant 0 : i32
        %dma_start3A_1204 = tpu.memref_slice %arg6[%dma_start3A_1201, %dma_start3A_1202, %dma_start3A_1203] : memref<6x256x32xf32, #tpu.memory_space<vmem>> -> memref<1x128x32xf32, #tpu.memory_space<vmem>>
        %dma_start3A_1205 = tpu.memref_squeeze %dma_start3A_1204 : memref<1x128x32xf32, #tpu.memory_space<vmem>> -> memref<128x32xf32, #tpu.memory_space<vmem>>
        %dma_start3A_1206 = arith.constant 0 : i32
        %dma_start3A_1207 = tpu.memref_slice %arg5[%dma_start3A_1200, %add3A_1199, %dma_start3A_1206] : memref<2x100x256xi32, #tpu.memory_space<vmem>> -> memref<1x1x128xi32, #tpu.memory_space<vmem>>
        %dma_start3A_1208 = tpu.memref_squeeze %dma_start3A_1207 : memref<1x1x128xi32, #tpu.memory_space<vmem>> -> memref<128xi32, #tpu.memory_space<vmem>>
        %dma_start3A_1209 = arith.constant 0 : i32
        %dma_start3A_1210 = arith.constant 0 : i32
        %dma_start3A_1211 = tpu.memref_slice %arg2[%dma_start3A_1209, %dma_start3A_1210] : memref<1000001x32xf32, #tpu.memory_space<hbm>> -> memref<1000001x32xf32, #tpu.memory_space<hbm>>
        tpu.enqueue_indirect_dma source(%dma_start3A_1211 : memref<1000001x32xf32, #tpu.memory_space<hbm>>) target(%dma_start3A_1205 : memref<128x32xf32, #tpu.memory_space<vmem>>) offsets(%dma_start3A_1208 : memref<128xi32, #tpu.memory_space<vmem>>) semaphore(%arg7 : memref<!tpu.dma_semaphore, #tpu.memory_space<semaphore_mem>>)
        %dma_start3A_1212 = arith.constant 0 : i32
        %dma_start3A_1213 = arith.constant 0 : i32
        %dma_start3A_1214 = arith.constant 128 : i32
        %dma_start3A_1215 = arith.constant 0 : i32
        %dma_start3A_1216 = tpu.memref_slice %arg6[%dma_start3A_1213, %dma_start3A_1214, %dma_start3A_1215] : memref<6x256x32xf32, #tpu.memory_space<vmem>> -> memref<1x128x32xf32, #tpu.memory_space<vmem>>
        %dma_start3A_1217 = tpu.memref_squeeze %dma_start3A_1216 : memref<1x128x32xf32, #tpu.memory_space<vmem>> -> memref<128x32xf32, #tpu.memory_space<vmem>>
        %dma_start3A_1218 = arith.constant 128 : i32
        %dma_start3A_1219 = tpu.memref_slice %arg5[%dma_start3A_1212, %add3A_1199, %dma_start3A_1218] : memref<2x100x256xi32, #tpu.memory_space<vmem>> -> memref<1x1x128xi32, #tpu.memory_space<vmem>>
        %dma_start3A_1220 = tpu.memref_squeeze %dma_start3A_1219 : memref<1x1x128xi32, #tpu.memory_space<vmem>> -> memref<128xi32, #tpu.memory_space<vmem>>
        %dma_start3A_1221 = arith.constant 0 : i32
        %dma_start3A_1222 = arith.constant 0 : i32
        %dma_start3A_1223 = tpu.memref_slice %arg2[%dma_start3A_1221, %dma_start3A_1222] : memref<1000001x32xf32, #tpu.memory_space<hbm>> -> memref<1000001x32xf32, #tpu.memory_space<hbm>>
        tpu.enqueue_indirect_dma source(%dma_start3A_1223 : memref<1000001x32xf32, #tpu.memory_space<hbm>>) target(%dma_start3A_1217 : memref<128x32xf32, #tpu.memory_space<vmem>>) offsets(%dma_start3A_1220 : memref<128xi32, #tpu.memory_space<vmem>>) semaphore(%arg7 : memref<!tpu.dma_semaphore, #tpu.memory_space<semaphore_mem>>)
      } else {
      }
      %add3A_873 = arith.constant 1 : i32
      %add3A_874 = arith.addi %add3A_811, %add3A_873 : i32
      %dma_wait3A_875 = arith.constant 0 : i32
      %dma_wait3A_876 = arith.constant 4 : i32
      %dma_wait3A_877 = arith.constant 0 : i32
      %dma_wait3A_878 = arith.constant 0 : i32
      %dma_wait3A_879 = tpu.memref_slice %arg6[%dma_wait3A_876, %dma_wait3A_877, %dma_wait3A_878] : memref<6x256x32xf32, #tpu.memory_space<vmem>> -> memref<1x128x32xf32, #tpu.memory_space<vmem>>
      %dma_wait3A_880 = tpu.memref_squeeze %dma_wait3A_879 : memref<1x128x32xf32, #tpu.memory_space<vmem>> -> memref<128x32xf32, #tpu.memory_space<vmem>>
      %dma_wait3A_881 = arith.constant 0 : i32
      %dma_wait3A_882 = tpu.memref_slice %arg5[%dma_wait3A_875, %add3A_874, %dma_wait3A_881] : memref<2x100x256xi32, #tpu.memory_space<vmem>> -> memref<1x1x128xi32, #tpu.memory_space<vmem>>
      %dma_wait3A_883 = tpu.memref_squeeze %dma_wait3A_882 : memref<1x1x128xi32, #tpu.memory_space<vmem>> -> memref<128xi32, #tpu.memory_space<vmem>>
      %dma_wait3A_884 = arith.constant 0 : i32
      %dma_wait3A_885 = arith.constant 0 : i32
      %dma_wait3A_886 = tpu.memref_slice %arg2[%dma_wait3A_884, %dma_wait3A_885] : memref<1000001x32xf32, #tpu.memory_space<hbm>> -> memref<1000001x32xf32, #tpu.memory_space<hbm>>
      tpu.wait_indirect_dma semaphore(%arg11 : memref<!tpu.dma_semaphore, #tpu.memory_space<semaphore_mem>>) src(%dma_wait3A_886 : memref<1000001x32xf32, #tpu.memory_space<hbm>>) dst(%dma_wait3A_880 : memref<128x32xf32, #tpu.memory_space<vmem>>)
      %dma_wait3A_887 = arith.constant 0 : i32
      %dma_wait3A_888 = arith.constant 4 : i32
      %dma_wait3A_889 = arith.constant 128 : i32
      %dma_wait3A_890 = arith.constant 0 : i32
      %dma_wait3A_891 = tpu.memref_slice %arg6[%dma_wait3A_888, %dma_wait3A_889, %dma_wait3A_890] : memref<6x256x32xf32, #tpu.memory_space<vmem>> -> memref<1x128x32xf32, #tpu.memory_space<vmem>>
      %dma_wait3A_892 = tpu.memref_squeeze %dma_wait3A_891 : memref<1x128x32xf32, #tpu.memory_space<vmem>> -> memref<128x32xf32, #tpu.memory_space<vmem>>
      %dma_wait3A_893 = arith.constant 128 : i32
      %dma_wait3A_894 = tpu.memref_slice %arg5[%dma_wait3A_887, %add3A_874, %dma_wait3A_893] : memref<2x100x256xi32, #tpu.memory_space<vmem>> -> memref<1x1x128xi32, #tpu.memory_space<vmem>>
      %dma_wait3A_895 = tpu.memref_squeeze %dma_wait3A_894 : memref<1x1x128xi32, #tpu.memory_space<vmem>> -> memref<128xi32, #tpu.memory_space<vmem>>
      %dma_wait3A_896 = arith.constant 0 : i32
      %dma_wait3A_897 = arith.constant 0 : i32
      %dma_wait3A_898 = tpu.memref_slice %arg2[%dma_wait3A_896, %dma_wait3A_897] : memref<1000001x32xf32, #tpu.memory_space<hbm>> -> memref<1000001x32xf32, #tpu.memory_space<hbm>>
      tpu.wait_indirect_dma semaphore(%arg11 : memref<!tpu.dma_semaphore, #tpu.memory_space<semaphore_mem>>) src(%dma_wait3A_898 : memref<1000001x32xf32, #tpu.memory_space<hbm>>) dst(%dma_wait3A_892 : memref<128x32xf32, #tpu.memory_space<vmem>>)
      %dma_start3A_899 = arith.constant 4 : i32
      %dma_start3A_900 = arith.constant 0 : i32
      %dma_start3A_901 = arith.constant 0 : i32
      %dma_start3A_902 = tpu.memref_slice %arg6[%dma_start3A_899, %dma_start3A_900, %dma_start3A_901] : memref<6x256x32xf32, #tpu.memory_space<vmem>> -> memref<1x256x32xf32, #tpu.memory_space<vmem>>
      %dma_start3A_903 = tpu.memref_squeeze %dma_start3A_902 : memref<1x256x32xf32, #tpu.memory_space<vmem>> -> memref<256x32xf32, #tpu.memory_space<vmem>>
      %dma_start3A_904 = arith.constant 0 : i32
      %dma_start3A_905 = tpu.memref_slice %arg4[%add3A_874, %add3A_4, %dma_start3A_904] : memref<100x16384x32xf32, #tpu.memory_space<hbm>> -> memref<1x256x32xf32, #tpu.memory_space<hbm>>
      %dma_start3A_906 = tpu.memref_squeeze %dma_start3A_905 : memref<1x256x32xf32, #tpu.memory_space<hbm>> -> memref<256x32xf32, #tpu.memory_space<hbm>>
      %dma_start3A_907 = arith.constant 0 : i32
      %dma_start3A_908 = tpu.memref_slice %arg4[%add3A_874, %add3A_4, %dma_start3A_907] : memref<100x16384x32xf32, #tpu.memory_space<hbm>> -> memref<1x256x32xf32, #tpu.memory_space<hbm>>
      %dma_start3A_909 = tpu.memref_squeeze %dma_start3A_908 : memref<1x256x32xf32, #tpu.memory_space<hbm>> -> memref<256x32xf32, #tpu.memory_space<hbm>>
      %dma_start3A_910 = arith.constant 0 : i32
      %dma_start3A_911 = arith.constant 0 : i32
      %dma_start3A_912 = tpu.memref_slice %arg6[%dma_start3A_899, %dma_start3A_910, %dma_start3A_911] : memref<6x256x32xf32, #tpu.memory_space<vmem>> -> memref<1x256x32xf32, #tpu.memory_space<vmem>>
      %dma_start3A_913 = tpu.memref_squeeze %dma_start3A_912 : memref<1x256x32xf32, #tpu.memory_space<vmem>> -> memref<256x32xf32, #tpu.memory_space<vmem>>
      tpu.enqueue_dma source(%dma_start3A_913 : memref<256x32xf32, #tpu.memory_space<vmem>>) target(%dma_start3A_909 : memref<256x32xf32, #tpu.memory_space<hbm>>) target_semaphore(%arg17 : memref<!tpu.dma_semaphore, #tpu.memory_space<semaphore_mem>>)
      %sub3A_914 = arith.constant 3 : i32
      %sub3A_915 = arith.subi %add3A_874, %sub3A_914 : i32
      %dma_wait3A_916 = arith.constant 1 : i32
      %dma_wait3A_917 = arith.constant 0 : i32
      %dma_wait3A_918 = arith.constant 0 : i32
      %dma_wait3A_919 = tpu.memref_slice %arg6[%dma_wait3A_916, %dma_wait3A_917, %dma_wait3A_918] : memref<6x256x32xf32, #tpu.memory_space<vmem>> -> memref<1x256x32xf32, #tpu.memory_space<vmem>>
      %dma_wait3A_920 = tpu.memref_squeeze %dma_wait3A_919 : memref<1x256x32xf32, #tpu.memory_space<vmem>> -> memref<256x32xf32, #tpu.memory_space<vmem>>
      %dma_wait3A_921 = arith.constant 0 : i32
      %dma_wait3A_922 = tpu.memref_slice %arg4[%sub3A_915, %add3A_4, %dma_wait3A_921] : memref<100x16384x32xf32, #tpu.memory_space<hbm>> -> memref<1x256x32xf32, #tpu.memory_space<hbm>>
      %dma_wait3A_923 = tpu.memref_squeeze %dma_wait3A_922 : memref<1x256x32xf32, #tpu.memory_space<hbm>> -> memref<256x32xf32, #tpu.memory_space<hbm>>
      %dma_wait3A_924 = arith.constant 0 : i32
      %dma_wait3A_925 = tpu.memref_slice %arg4[%sub3A_915, %add3A_4, %dma_wait3A_924] : memref<100x16384x32xf32, #tpu.memory_space<hbm>> -> memref<1x256x32xf32, #tpu.memory_space<hbm>>
      %dma_wait3A_926 = tpu.memref_squeeze %dma_wait3A_925 : memref<1x256x32xf32, #tpu.memory_space<hbm>> -> memref<256x32xf32, #tpu.memory_space<hbm>>
      %dma_wait3A_927 = arith.constant 0 : i32
      %dma_wait3A_928 = arith.constant 0 : i32
      %dma_wait3A_929 = tpu.memref_slice %arg6[%dma_wait3A_916, %dma_wait3A_927, %dma_wait3A_928] : memref<6x256x32xf32, #tpu.memory_space<vmem>> -> memref<1x256x32xf32, #tpu.memory_space<vmem>>
      %dma_wait3A_930 = tpu.memref_squeeze %dma_wait3A_929 : memref<1x256x32xf32, #tpu.memory_space<vmem>> -> memref<256x32xf32, #tpu.memory_space<vmem>>
      tpu.wait_dma2 semaphore(%arg14 : memref<!tpu.dma_semaphore, #tpu.memory_space<semaphore_mem>>) src(%dma_wait3A_930 : memref<256x32xf32, #tpu.memory_space<vmem>>) dst(%dma_wait3A_926 : memref<256x32xf32, #tpu.memory_space<hbm>>)
      %add3A_931 = arith.constant 3 : i32
      %add3A_932 = arith.addi %add3A_874, %add3A_931 : i32
      %lt3A_933 = arith.constant 100 : i32
      %lt3A_934 = arith.cmpi slt, %add3A_932, %lt3A_933 : i32
      %convert_element_type3A_935 = arith.extui %lt3A_934 : i1 to i32
      %cond3A_936 = arith.constant 0 : i32
      %cond3A_937 = arith.cmpi ne, %convert_element_type3A_935, %cond3A_936 : i32
      scf.if %cond3A_937 {
        %add3A_1198 = arith.constant 3 : i32
        %add3A_1199 = arith.addi %add3A_874, %add3A_1198 : i32
        %dma_start3A_1200 = arith.constant 0 : i32
        %dma_start3A_1201 = arith.constant 1 : i32
        %dma_start3A_1202 = arith.constant 0 : i32
        %dma_start3A_1203 = arith.constant 0 : i32
        %dma_start3A_1204 = tpu.memref_slice %arg6[%dma_start3A_1201, %dma_start3A_1202, %dma_start3A_1203] : memref<6x256x32xf32, #tpu.memory_space<vmem>> -> memref<1x128x32xf32, #tpu.memory_space<vmem>>
        %dma_start3A_1205 = tpu.memref_squeeze %dma_start3A_1204 : memref<1x128x32xf32, #tpu.memory_space<vmem>> -> memref<128x32xf32, #tpu.memory_space<vmem>>
        %dma_start3A_1206 = arith.constant 0 : i32
        %dma_start3A_1207 = tpu.memref_slice %arg5[%dma_start3A_1200, %add3A_1199, %dma_start3A_1206] : memref<2x100x256xi32, #tpu.memory_space<vmem>> -> memref<1x1x128xi32, #tpu.memory_space<vmem>>
        %dma_start3A_1208 = tpu.memref_squeeze %dma_start3A_1207 : memref<1x1x128xi32, #tpu.memory_space<vmem>> -> memref<128xi32, #tpu.memory_space<vmem>>
        %dma_start3A_1209 = arith.constant 0 : i32
        %dma_start3A_1210 = arith.constant 0 : i32
        %dma_start3A_1211 = tpu.memref_slice %arg2[%dma_start3A_1209, %dma_start3A_1210] : memref<1000001x32xf32, #tpu.memory_space<hbm>> -> memref<1000001x32xf32, #tpu.memory_space<hbm>>
        tpu.enqueue_indirect_dma source(%dma_start3A_1211 : memref<1000001x32xf32, #tpu.memory_space<hbm>>) target(%dma_start3A_1205 : memref<128x32xf32, #tpu.memory_space<vmem>>) offsets(%dma_start3A_1208 : memref<128xi32, #tpu.memory_space<vmem>>) semaphore(%arg8 : memref<!tpu.dma_semaphore, #tpu.memory_space<semaphore_mem>>)
        %dma_start3A_1212 = arith.constant 0 : i32
        %dma_start3A_1213 = arith.constant 1 : i32
        %dma_start3A_1214 = arith.constant 128 : i32
        %dma_start3A_1215 = arith.constant 0 : i32
        %dma_start3A_1216 = tpu.memref_slice %arg6[%dma_start3A_1213, %dma_start3A_1214, %dma_start3A_1215] : memref<6x256x32xf32, #tpu.memory_space<vmem>> -> memref<1x128x32xf32, #tpu.memory_space<vmem>>
        %dma_start3A_1217 = tpu.memref_squeeze %dma_start3A_1216 : memref<1x128x32xf32, #tpu.memory_space<vmem>> -> memref<128x32xf32, #tpu.memory_space<vmem>>
        %dma_start3A_1218 = arith.constant 128 : i32
        %dma_start3A_1219 = tpu.memref_slice %arg5[%dma_start3A_1212, %add3A_1199, %dma_start3A_1218] : memref<2x100x256xi32, #tpu.memory_space<vmem>> -> memref<1x1x128xi32, #tpu.memory_space<vmem>>
        %dma_start3A_1220 = tpu.memref_squeeze %dma_start3A_1219 : memref<1x1x128xi32, #tpu.memory_space<vmem>> -> memref<128xi32, #tpu.memory_space<vmem>>
        %dma_start3A_1221 = arith.constant 0 : i32
        %dma_start3A_1222 = arith.constant 0 : i32
        %dma_start3A_1223 = tpu.memref_slice %arg2[%dma_start3A_1221, %dma_start3A_1222] : memref<1000001x32xf32, #tpu.memory_space<hbm>> -> memref<1000001x32xf32, #tpu.memory_space<hbm>>
        tpu.enqueue_indirect_dma source(%dma_start3A_1223 : memref<1000001x32xf32, #tpu.memory_space<hbm>>) target(%dma_start3A_1217 : memref<128x32xf32, #tpu.memory_space<vmem>>) offsets(%dma_start3A_1220 : memref<128xi32, #tpu.memory_space<vmem>>) semaphore(%arg8 : memref<!tpu.dma_semaphore, #tpu.memory_space<semaphore_mem>>)
      } else {
      }
      %add3A_938 = arith.constant 2 : i32
      %add3A_939 = arith.addi %add3A_811, %add3A_938 : i32
      %dma_wait3A_940 = arith.constant 0 : i32
      %dma_wait3A_941 = arith.constant 5 : i32
      %dma_wait3A_942 = arith.constant 0 : i32
      %dma_wait3A_943 = arith.constant 0 : i32
      %dma_wait3A_944 = tpu.memref_slice %arg6[%dma_wait3A_941, %dma_wait3A_942, %dma_wait3A_943] : memref<6x256x32xf32, #tpu.memory_space<vmem>> -> memref<1x128x32xf32, #tpu.memory_space<vmem>>
      %dma_wait3A_945 = tpu.memref_squeeze %dma_wait3A_944 : memref<1x128x32xf32, #tpu.memory_space<vmem>> -> memref<128x32xf32, #tpu.memory_space<vmem>>
      %dma_wait3A_946 = arith.constant 0 : i32
      %dma_wait3A_947 = tpu.memref_slice %arg5[%dma_wait3A_940, %add3A_939, %dma_wait3A_946] : memref<2x100x256xi32, #tpu.memory_space<vmem>> -> memref<1x1x128xi32, #tpu.memory_space<vmem>>
      %dma_wait3A_948 = tpu.memref_squeeze %dma_wait3A_947 : memref<1x1x128xi32, #tpu.memory_space<vmem>> -> memref<128xi32, #tpu.memory_space<vmem>>
      %dma_wait3A_949 = arith.constant 0 : i32
      %dma_wait3A_950 = arith.constant 0 : i32
      %dma_wait3A_951 = tpu.memref_slice %arg2[%dma_wait3A_949, %dma_wait3A_950] : memref<1000001x32xf32, #tpu.memory_space<hbm>> -> memref<1000001x32xf32, #tpu.memory_space<hbm>>
      tpu.wait_indirect_dma semaphore(%arg12 : memref<!tpu.dma_semaphore, #tpu.memory_space<semaphore_mem>>) src(%dma_wait3A_951 : memref<1000001x32xf32, #tpu.memory_space<hbm>>) dst(%dma_wait3A_945 : memref<128x32xf32, #tpu.memory_space<vmem>>)
      %dma_wait3A_952 = arith.constant 0 : i32
      %dma_wait3A_953 = arith.constant 5 : i32
      %dma_wait3A_954 = arith.constant 128 : i32
      %dma_wait3A_955 = arith.constant 0 : i32
      %dma_wait3A_956 = tpu.memref_slice %arg6[%dma_wait3A_953, %dma_wait3A_954, %dma_wait3A_955] : memref<6x256x32xf32, #tpu.memory_space<vmem>> -> memref<1x128x32xf32, #tpu.memory_space<vmem>>
      %dma_wait3A_957 = tpu.memref_squeeze %dma_wait3A_956 : memref<1x128x32xf32, #tpu.memory_space<vmem>> -> memref<128x32xf32, #tpu.memory_space<vmem>>
      %dma_wait3A_958 = arith.constant 128 : i32
      %dma_wait3A_959 = tpu.memref_slice %arg5[%dma_wait3A_952, %add3A_939, %dma_wait3A_958] : memref<2x100x256xi32, #tpu.memory_space<vmem>> -> memref<1x1x128xi32, #tpu.memory_space<vmem>>
      %dma_wait3A_960 = tpu.memref_squeeze %dma_wait3A_959 : memref<1x1x128xi32, #tpu.memory_space<vmem>> -> memref<128xi32, #tpu.memory_space<vmem>>
      %dma_wait3A_961 = arith.constant 0 : i32
      %dma_wait3A_962 = arith.constant 0 : i32
      %dma_wait3A_963 = tpu.memref_slice %arg2[%dma_wait3A_961, %dma_wait3A_962] : memref<1000001x32xf32, #tpu.memory_space<hbm>> -> memref<1000001x32xf32, #tpu.memory_space<hbm>>
      tpu.wait_indirect_dma semaphore(%arg12 : memref<!tpu.dma_semaphore, #tpu.memory_space<semaphore_mem>>) src(%dma_wait3A_963 : memref<1000001x32xf32, #tpu.memory_space<hbm>>) dst(%dma_wait3A_957 : memref<128x32xf32, #tpu.memory_space<vmem>>)
      %dma_start3A_964 = arith.constant 5 : i32
      %dma_start3A_965 = arith.constant 0 : i32
      %dma_start3A_966 = arith.constant 0 : i32
      %dma_start3A_967 = tpu.memref_slice %arg6[%dma_start3A_964, %dma_start3A_965, %dma_start3A_966] : memref<6x256x32xf32, #tpu.memory_space<vmem>> -> memref<1x256x32xf32, #tpu.memory_space<vmem>>
      %dma_start3A_968 = tpu.memref_squeeze %dma_start3A_967 : memref<1x256x32xf32, #tpu.memory_space<vmem>> -> memref<256x32xf32, #tpu.memory_space<vmem>>
      %dma_start3A_969 = arith.constant 0 : i32
      %dma_start3A_970 = tpu.memref_slice %arg4[%add3A_939, %add3A_4, %dma_start3A_969] : memref<100x16384x32xf32, #tpu.memory_space<hbm>> -> memref<1x256x32xf32, #tpu.memory_space<hbm>>
      %dma_start3A_971 = tpu.memref_squeeze %dma_start3A_970 : memref<1x256x32xf32, #tpu.memory_space<hbm>> -> memref<256x32xf32, #tpu.memory_space<hbm>>
      %dma_start3A_972 = arith.constant 0 : i32
      %dma_start3A_973 = tpu.memref_slice %arg4[%add3A_939, %add3A_4, %dma_start3A_972] : memref<100x16384x32xf32, #tpu.memory_space<hbm>> -> memref<1x256x32xf32, #tpu.memory_space<hbm>>
      %dma_start3A_974 = tpu.memref_squeeze %dma_start3A_973 : memref<1x256x32xf32, #tpu.memory_space<hbm>> -> memref<256x32xf32, #tpu.memory_space<hbm>>
      %dma_start3A_975 = arith.constant 0 : i32
      %dma_start3A_976 = arith.constant 0 : i32
      %dma_start3A_977 = tpu.memref_slice %arg6[%dma_start3A_964, %dma_start3A_975, %dma_start3A_976] : memref<6x256x32xf32, #tpu.memory_space<vmem>> -> memref<1x256x32xf32, #tpu.memory_space<vmem>>
      %dma_start3A_978 = tpu.memref_squeeze %dma_start3A_977 : memref<1x256x32xf32, #tpu.memory_space<vmem>> -> memref<256x32xf32, #tpu.memory_space<vmem>>
      tpu.enqueue_dma source(%dma_start3A_978 : memref<256x32xf32, #tpu.memory_space<vmem>>) target(%dma_start3A_974 : memref<256x32xf32, #tpu.memory_space<hbm>>) target_semaphore(%arg18 : memref<!tpu.dma_semaphore, #tpu.memory_space<semaphore_mem>>)
      %sub3A_979 = arith.constant 3 : i32
      %sub3A_980 = arith.subi %add3A_939, %sub3A_979 : i32
      %dma_wait3A_981 = arith.constant 2 : i32
      %dma_wait3A_982 = arith.constant 0 : i32
      %dma_wait3A_983 = arith.constant 0 : i32
      %dma_wait3A_984 = tpu.memref_slice %arg6[%dma_wait3A_981, %dma_wait3A_982, %dma_wait3A_983] : memref<6x256x32xf32, #tpu.memory_space<vmem>> -> memref<1x256x32xf32, #tpu.memory_space<vmem>>
      %dma_wait3A_985 = tpu.memref_squeeze %dma_wait3A_984 : memref<1x256x32xf32, #tpu.memory_space<vmem>> -> memref<256x32xf32, #tpu.memory_space<vmem>>
      %dma_wait3A_986 = arith.constant 0 : i32
      %dma_wait3A_987 = tpu.memref_slice %arg4[%sub3A_980, %add3A_4, %dma_wait3A_986] : memref<100x16384x32xf32, #tpu.memory_space<hbm>> -> memref<1x256x32xf32, #tpu.memory_space<hbm>>
      %dma_wait3A_988 = tpu.memref_squeeze %dma_wait3A_987 : memref<1x256x32xf32, #tpu.memory_space<hbm>> -> memref<256x32xf32, #tpu.memory_space<hbm>>
      %dma_wait3A_989 = arith.constant 0 : i32
      %dma_wait3A_990 = tpu.memref_slice %arg4[%sub3A_980, %add3A_4, %dma_wait3A_989] : memref<100x16384x32xf32, #tpu.memory_space<hbm>> -> memref<1x256x32xf32, #tpu.memory_space<hbm>>
      %dma_wait3A_991 = tpu.memref_squeeze %dma_wait3A_990 : memref<1x256x32xf32, #tpu.memory_space<hbm>> -> memref<256x32xf32, #tpu.memory_space<hbm>>
      %dma_wait3A_992 = arith.constant 0 : i32
      %dma_wait3A_993 = arith.constant 0 : i32
      %dma_wait3A_994 = tpu.memref_slice %arg6[%dma_wait3A_981, %dma_wait3A_992, %dma_wait3A_993] : memref<6x256x32xf32, #tpu.memory_space<vmem>> -> memref<1x256x32xf32, #tpu.memory_space<vmem>>
      %dma_wait3A_995 = tpu.memref_squeeze %dma_wait3A_994 : memref<1x256x32xf32, #tpu.memory_space<vmem>> -> memref<256x32xf32, #tpu.memory_space<vmem>>
      tpu.wait_dma2 semaphore(%arg15 : memref<!tpu.dma_semaphore, #tpu.memory_space<semaphore_mem>>) src(%dma_wait3A_995 : memref<256x32xf32, #tpu.memory_space<vmem>>) dst(%dma_wait3A_991 : memref<256x32xf32, #tpu.memory_space<hbm>>)
      %add3A_996 = arith.constant 3 : i32
      %add3A_997 = arith.addi %add3A_939, %add3A_996 : i32
      %lt3A_998 = arith.constant 100 : i32
      %lt3A_999 = arith.cmpi slt, %add3A_997, %lt3A_998 : i32
      %convert_element_type3A_1000 = arith.extui %lt3A_999 : i1 to i32
      %cond3A_1001 = arith.constant 0 : i32
      %cond3A_1002 = arith.cmpi ne, %convert_element_type3A_1000, %cond3A_1001 : i32
      scf.if %cond3A_1002 {
        %add3A_1198 = arith.constant 3 : i32
        %add3A_1199 = arith.addi %add3A_939, %add3A_1198 : i32
        %dma_start3A_1200 = arith.constant 0 : i32
        %dma_start3A_1201 = arith.constant 2 : i32
        %dma_start3A_1202 = arith.constant 0 : i32
        %dma_start3A_1203 = arith.constant 0 : i32
        %dma_start3A_1204 = tpu.memref_slice %arg6[%dma_start3A_1201, %dma_start3A_1202, %dma_start3A_1203] : memref<6x256x32xf32, #tpu.memory_space<vmem>> -> memref<1x128x32xf32, #tpu.memory_space<vmem>>
        %dma_start3A_1205 = tpu.memref_squeeze %dma_start3A_1204 : memref<1x128x32xf32, #tpu.memory_space<vmem>> -> memref<128x32xf32, #tpu.memory_space<vmem>>
        %dma_start3A_1206 = arith.constant 0 : i32
        %dma_start3A_1207 = tpu.memref_slice %arg5[%dma_start3A_1200, %add3A_1199, %dma_start3A_1206] : memref<2x100x256xi32, #tpu.memory_space<vmem>> -> memref<1x1x128xi32, #tpu.memory_space<vmem>>
        %dma_start3A_1208 = tpu.memref_squeeze %dma_start3A_1207 : memref<1x1x128xi32, #tpu.memory_space<vmem>> -> memref<128xi32, #tpu.memory_space<vmem>>
        %dma_start3A_1209 = arith.constant 0 : i32
        %dma_start3A_1210 = arith.constant 0 : i32
        %dma_start3A_1211 = tpu.memref_slice %arg2[%dma_start3A_1209, %dma_start3A_1210] : memref<1000001x32xf32, #tpu.memory_space<hbm>> -> memref<1000001x32xf32, #tpu.memory_space<hbm>>
        tpu.enqueue_indirect_dma source(%dma_start3A_1211 : memref<1000001x32xf32, #tpu.memory_space<hbm>>) target(%dma_start3A_1205 : memref<128x32xf32, #tpu.memory_space<vmem>>) offsets(%dma_start3A_1208 : memref<128xi32, #tpu.memory_space<vmem>>) semaphore(%arg9 : memref<!tpu.dma_semaphore, #tpu.memory_space<semaphore_mem>>)
        %dma_start3A_1212 = arith.constant 0 : i32
        %dma_start3A_1213 = arith.constant 2 : i32
        %dma_start3A_1214 = arith.constant 128 : i32
        %dma_start3A_1215 = arith.constant 0 : i32
        %dma_start3A_1216 = tpu.memref_slice %arg6[%dma_start3A_1213, %dma_start3A_1214, %dma_start3A_1215] : memref<6x256x32xf32, #tpu.memory_space<vmem>> -> memref<1x128x32xf32, #tpu.memory_space<vmem>>
        %dma_start3A_1217 = tpu.memref_squeeze %dma_start3A_1216 : memref<1x128x32xf32, #tpu.memory_space<vmem>> -> memref<128x32xf32, #tpu.memory_space<vmem>>
        %dma_start3A_1218 = arith.constant 128 : i32
        %dma_start3A_1219 = tpu.memref_slice %arg5[%dma_start3A_1212, %add3A_1199, %dma_start3A_1218] : memref<2x100x256xi32, #tpu.memory_space<vmem>> -> memref<1x1x128xi32, #tpu.memory_space<vmem>>
        %dma_start3A_1220 = tpu.memref_squeeze %dma_start3A_1219 : memref<1x1x128xi32, #tpu.memory_space<vmem>> -> memref<128xi32, #tpu.memory_space<vmem>>
        %dma_start3A_1221 = arith.constant 0 : i32
        %dma_start3A_1222 = arith.constant 0 : i32
        %dma_start3A_1223 = tpu.memref_slice %arg2[%dma_start3A_1221, %dma_start3A_1222] : memref<1000001x32xf32, #tpu.memory_space<hbm>> -> memref<1000001x32xf32, #tpu.memory_space<hbm>>
        tpu.enqueue_indirect_dma source(%dma_start3A_1223 : memref<1000001x32xf32, #tpu.memory_space<hbm>>) target(%dma_start3A_1217 : memref<128x32xf32, #tpu.memory_space<vmem>>) offsets(%dma_start3A_1220 : memref<128xi32, #tpu.memory_space<vmem>>) semaphore(%arg9 : memref<!tpu.dma_semaphore, #tpu.memory_space<semaphore_mem>>)
      } else {
      }
      %add3A_1003 = arith.constant 3 : i32
      %add3A_1004 = arith.addi %add3A_811, %add3A_1003 : i32
      %dma_wait3A_1005 = arith.constant 0 : i32
      %dma_wait3A_1006 = arith.constant 0 : i32
      %dma_wait3A_1007 = arith.constant 0 : i32
      %dma_wait3A_1008 = arith.constant 0 : i32
      %dma_wait3A_1009 = tpu.memref_slice %arg6[%dma_wait3A_1006, %dma_wait3A_1007, %dma_wait3A_1008] : memref<6x256x32xf32, #tpu.memory_space<vmem>> -> memref<1x128x32xf32, #tpu.memory_space<vmem>>
      %dma_wait3A_1010 = tpu.memref_squeeze %dma_wait3A_1009 : memref<1x128x32xf32, #tpu.memory_space<vmem>> -> memref<128x32xf32, #tpu.memory_space<vmem>>
      %dma_wait3A_1011 = arith.constant 0 : i32
      %dma_wait3A_1012 = tpu.memref_slice %arg5[%dma_wait3A_1005, %add3A_1004, %dma_wait3A_1011] : memref<2x100x256xi32, #tpu.memory_space<vmem>> -> memref<1x1x128xi32, #tpu.memory_space<vmem>>
      %dma_wait3A_1013 = tpu.memref_squeeze %dma_wait3A_1012 : memref<1x1x128xi32, #tpu.memory_space<vmem>> -> memref<128xi32, #tpu.memory_space<vmem>>
      %dma_wait3A_1014 = arith.constant 0 : i32
      %dma_wait3A_1015 = arith.constant 0 : i32
      %dma_wait3A_1016 = tpu.memref_slice %arg2[%dma_wait3A_1014, %dma_wait3A_1015] : memref<1000001x32xf32, #tpu.memory_space<hbm>> -> memref<1000001x32xf32, #tpu.memory_space<hbm>>
      tpu.wait_indirect_dma semaphore(%arg7 : memref<!tpu.dma_semaphore, #tpu.memory_space<semaphore_mem>>) src(%dma_wait3A_1016 : memref<1000001x32xf32, #tpu.memory_space<hbm>>) dst(%dma_wait3A_1010 : memref<128x32xf32, #tpu.memory_space<vmem>>)
      %dma_wait3A_1017 = arith.constant 0 : i32
      %dma_wait3A_1018 = arith.constant 0 : i32
      %dma_wait3A_1019 = arith.constant 128 : i32
      %dma_wait3A_1020 = arith.constant 0 : i32
      %dma_wait3A_1021 = tpu.memref_slice %arg6[%dma_wait3A_1018, %dma_wait3A_1019, %dma_wait3A_1020] : memref<6x256x32xf32, #tpu.memory_space<vmem>> -> memref<1x128x32xf32, #tpu.memory_space<vmem>>
      %dma_wait3A_1022 = tpu.memref_squeeze %dma_wait3A_1021 : memref<1x128x32xf32, #tpu.memory_space<vmem>> -> memref<128x32xf32, #tpu.memory_space<vmem>>
      %dma_wait3A_1023 = arith.constant 128 : i32
      %dma_wait3A_1024 = tpu.memref_slice %arg5[%dma_wait3A_1017, %add3A_1004, %dma_wait3A_1023] : memref<2x100x256xi32, #tpu.memory_space<vmem>> -> memref<1x1x128xi32, #tpu.memory_space<vmem>>
      %dma_wait3A_1025 = tpu.memref_squeeze %dma_wait3A_1024 : memref<1x1x128xi32, #tpu.memory_space<vmem>> -> memref<128xi32, #tpu.memory_space<vmem>>
      %dma_wait3A_1026 = arith.constant 0 : i32
      %dma_wait3A_1027 = arith.constant 0 : i32
      %dma_wait3A_1028 = tpu.memref_slice %arg2[%dma_wait3A_1026, %dma_wait3A_1027] : memref<1000001x32xf32, #tpu.memory_space<hbm>> -> memref<1000001x32xf32, #tpu.memory_space<hbm>>
      tpu.wait_indirect_dma semaphore(%arg7 : memref<!tpu.dma_semaphore, #tpu.memory_space<semaphore_mem>>) src(%dma_wait3A_1028 : memref<1000001x32xf32, #tpu.memory_space<hbm>>) dst(%dma_wait3A_1022 : memref<128x32xf32, #tpu.memory_space<vmem>>)
      %dma_start3A_1029 = arith.constant 0 : i32
      %dma_start3A_1030 = arith.constant 0 : i32
      %dma_start3A_1031 = arith.constant 0 : i32
      %dma_start3A_1032 = tpu.memref_slice %arg6[%dma_start3A_1029, %dma_start3A_1030, %dma_start3A_1031] : memref<6x256x32xf32, #tpu.memory_space<vmem>> -> memref<1x256x32xf32, #tpu.memory_space<vmem>>
      %dma_start3A_1033 = tpu.memref_squeeze %dma_start3A_1032 : memref<1x256x32xf32, #tpu.memory_space<vmem>> -> memref<256x32xf32, #tpu.memory_space<vmem>>
      %dma_start3A_1034 = arith.constant 0 : i32
      %dma_start3A_1035 = tpu.memref_slice %arg4[%add3A_1004, %add3A_4, %dma_start3A_1034] : memref<100x16384x32xf32, #tpu.memory_space<hbm>> -> memref<1x256x32xf32, #tpu.memory_space<hbm>>
      %dma_start3A_1036 = tpu.memref_squeeze %dma_start3A_1035 : memref<1x256x32xf32, #tpu.memory_space<hbm>> -> memref<256x32xf32, #tpu.memory_space<hbm>>
      %dma_start3A_1037 = arith.constant 0 : i32
      %dma_start3A_1038 = tpu.memref_slice %arg4[%add3A_1004, %add3A_4, %dma_start3A_1037] : memref<100x16384x32xf32, #tpu.memory_space<hbm>> -> memref<1x256x32xf32, #tpu.memory_space<hbm>>
      %dma_start3A_1039 = tpu.memref_squeeze %dma_start3A_1038 : memref<1x256x32xf32, #tpu.memory_space<hbm>> -> memref<256x32xf32, #tpu.memory_space<hbm>>
      %dma_start3A_1040 = arith.constant 0 : i32
      %dma_start3A_1041 = arith.constant 0 : i32
      %dma_start3A_1042 = tpu.memref_slice %arg6[%dma_start3A_1029, %dma_start3A_1040, %dma_start3A_1041] : memref<6x256x32xf32, #tpu.memory_space<vmem>> -> memref<1x256x32xf32, #tpu.memory_space<vmem>>
      %dma_start3A_1043 = tpu.memref_squeeze %dma_start3A_1042 : memref<1x256x32xf32, #tpu.memory_space<vmem>> -> memref<256x32xf32, #tpu.memory_space<vmem>>
      tpu.enqueue_dma source(%dma_start3A_1043 : memref<256x32xf32, #tpu.memory_space<vmem>>) target(%dma_start3A_1039 : memref<256x32xf32, #tpu.memory_space<hbm>>) target_semaphore(%arg13 : memref<!tpu.dma_semaphore, #tpu.memory_space<semaphore_mem>>)
      %sub3A_1044 = arith.constant 3 : i32
      %sub3A_1045 = arith.subi %add3A_1004, %sub3A_1044 : i32
      %dma_wait3A_1046 = arith.constant 3 : i32
      %dma_wait3A_1047 = arith.constant 0 : i32
      %dma_wait3A_1048 = arith.constant 0 : i32
      %dma_wait3A_1049 = tpu.memref_slice %arg6[%dma_wait3A_1046, %dma_wait3A_1047, %dma_wait3A_1048] : memref<6x256x32xf32, #tpu.memory_space<vmem>> -> memref<1x256x32xf32, #tpu.memory_space<vmem>>
      %dma_wait3A_1050 = tpu.memref_squeeze %dma_wait3A_1049 : memref<1x256x32xf32, #tpu.memory_space<vmem>> -> memref<256x32xf32, #tpu.memory_space<vmem>>
      %dma_wait3A_1051 = arith.constant 0 : i32
      %dma_wait3A_1052 = tpu.memref_slice %arg4[%sub3A_1045, %add3A_4, %dma_wait3A_1051] : memref<100x16384x32xf32, #tpu.memory_space<hbm>> -> memref<1x256x32xf32, #tpu.memory_space<hbm>>
      %dma_wait3A_1053 = tpu.memref_squeeze %dma_wait3A_1052 : memref<1x256x32xf32, #tpu.memory_space<hbm>> -> memref<256x32xf32, #tpu.memory_space<hbm>>
      %dma_wait3A_1054 = arith.constant 0 : i32
      %dma_wait3A_1055 = tpu.memref_slice %arg4[%sub3A_1045, %add3A_4, %dma_wait3A_1054] : memref<100x16384x32xf32, #tpu.memory_space<hbm>> -> memref<1x256x32xf32, #tpu.memory_space<hbm>>
      %dma_wait3A_1056 = tpu.memref_squeeze %dma_wait3A_1055 : memref<1x256x32xf32, #tpu.memory_space<hbm>> -> memref<256x32xf32, #tpu.memory_space<hbm>>
      %dma_wait3A_1057 = arith.constant 0 : i32
      %dma_wait3A_1058 = arith.constant 0 : i32
      %dma_wait3A_1059 = tpu.memref_slice %arg6[%dma_wait3A_1046, %dma_wait3A_1057, %dma_wait3A_1058] : memref<6x256x32xf32, #tpu.memory_space<vmem>> -> memref<1x256x32xf32, #tpu.memory_space<vmem>>
      %dma_wait3A_1060 = tpu.memref_squeeze %dma_wait3A_1059 : memref<1x256x32xf32, #tpu.memory_space<vmem>> -> memref<256x32xf32, #tpu.memory_space<vmem>>
      tpu.wait_dma2 semaphore(%arg16 : memref<!tpu.dma_semaphore, #tpu.memory_space<semaphore_mem>>) src(%dma_wait3A_1060 : memref<256x32xf32, #tpu.memory_space<vmem>>) dst(%dma_wait3A_1056 : memref<256x32xf32, #tpu.memory_space<hbm>>)
      %add3A_1061 = arith.constant 3 : i32
      %add3A_1062 = arith.addi %add3A_1004, %add3A_1061 : i32
      %lt3A_1063 = arith.constant 100 : i32
      %lt3A_1064 = arith.cmpi slt, %add3A_1062, %lt3A_1063 : i32
      %convert_element_type3A_1065 = arith.extui %lt3A_1064 : i1 to i32
      %cond3A_1066 = arith.constant 0 : i32
      %cond3A_1067 = arith.cmpi ne, %convert_element_type3A_1065, %cond3A_1066 : i32
      scf.if %cond3A_1067 {
        %add3A_1198 = arith.constant 3 : i32
        %add3A_1199 = arith.addi %add3A_1004, %add3A_1198 : i32
        %dma_start3A_1200 = arith.constant 0 : i32
        %dma_start3A_1201 = arith.constant 3 : i32
        %dma_start3A_1202 = arith.constant 0 : i32
        %dma_start3A_1203 = arith.constant 0 : i32
        %dma_start3A_1204 = tpu.memref_slice %arg6[%dma_start3A_1201, %dma_start3A_1202, %dma_start3A_1203] : memref<6x256x32xf32, #tpu.memory_space<vmem>> -> memref<1x128x32xf32, #tpu.memory_space<vmem>>
        %dma_start3A_1205 = tpu.memref_squeeze %dma_start3A_1204 : memref<1x128x32xf32, #tpu.memory_space<vmem>> -> memref<128x32xf32, #tpu.memory_space<vmem>>
        %dma_start3A_1206 = arith.constant 0 : i32
        %dma_start3A_1207 = tpu.memref_slice %arg5[%dma_start3A_1200, %add3A_1199, %dma_start3A_1206] : memref<2x100x256xi32, #tpu.memory_space<vmem>> -> memref<1x1x128xi32, #tpu.memory_space<vmem>>
        %dma_start3A_1208 = tpu.memref_squeeze %dma_start3A_1207 : memref<1x1x128xi32, #tpu.memory_space<vmem>> -> memref<128xi32, #tpu.memory_space<vmem>>
        %dma_start3A_1209 = arith.constant 0 : i32
        %dma_start3A_1210 = arith.constant 0 : i32
        %dma_start3A_1211 = tpu.memref_slice %arg2[%dma_start3A_1209, %dma_start3A_1210] : memref<1000001x32xf32, #tpu.memory_space<hbm>> -> memref<1000001x32xf32, #tpu.memory_space<hbm>>
        tpu.enqueue_indirect_dma source(%dma_start3A_1211 : memref<1000001x32xf32, #tpu.memory_space<hbm>>) target(%dma_start3A_1205 : memref<128x32xf32, #tpu.memory_space<vmem>>) offsets(%dma_start3A_1208 : memref<128xi32, #tpu.memory_space<vmem>>) semaphore(%arg10 : memref<!tpu.dma_semaphore, #tpu.memory_space<semaphore_mem>>)
        %dma_start3A_1212 = arith.constant 0 : i32
        %dma_start3A_1213 = arith.constant 3 : i32
        %dma_start3A_1214 = arith.constant 128 : i32
        %dma_start3A_1215 = arith.constant 0 : i32
        %dma_start3A_1216 = tpu.memref_slice %arg6[%dma_start3A_1213, %dma_start3A_1214, %dma_start3A_1215] : memref<6x256x32xf32, #tpu.memory_space<vmem>> -> memref<1x128x32xf32, #tpu.memory_space<vmem>>
        %dma_start3A_1217 = tpu.memref_squeeze %dma_start3A_1216 : memref<1x128x32xf32, #tpu.memory_space<vmem>> -> memref<128x32xf32, #tpu.memory_space<vmem>>
        %dma_start3A_1218 = arith.constant 128 : i32
        %dma_start3A_1219 = tpu.memref_slice %arg5[%dma_start3A_1212, %add3A_1199, %dma_start3A_1218] : memref<2x100x256xi32, #tpu.memory_space<vmem>> -> memref<1x1x128xi32, #tpu.memory_space<vmem>>
        %dma_start3A_1220 = tpu.memref_squeeze %dma_start3A_1219 : memref<1x1x128xi32, #tpu.memory_space<vmem>> -> memref<128xi32, #tpu.memory_space<vmem>>
        %dma_start3A_1221 = arith.constant 0 : i32
        %dma_start3A_1222 = arith.constant 0 : i32
        %dma_start3A_1223 = tpu.memref_slice %arg2[%dma_start3A_1221, %dma_start3A_1222] : memref<1000001x32xf32, #tpu.memory_space<hbm>> -> memref<1000001x32xf32, #tpu.memory_space<hbm>>
        tpu.enqueue_indirect_dma source(%dma_start3A_1223 : memref<1000001x32xf32, #tpu.memory_space<hbm>>) target(%dma_start3A_1217 : memref<128x32xf32, #tpu.memory_space<vmem>>) offsets(%dma_start3A_1220 : memref<128xi32, #tpu.memory_space<vmem>>) semaphore(%arg10 : memref<!tpu.dma_semaphore, #tpu.memory_space<semaphore_mem>>)
      } else {
      }
      %add3A_1068 = arith.constant 4 : i32
      %add3A_1069 = arith.addi %add3A_811, %add3A_1068 : i32
      %dma_wait3A_1070 = arith.constant 0 : i32
      %dma_wait3A_1071 = arith.constant 1 : i32
      %dma_wait3A_1072 = arith.constant 0 : i32
      %dma_wait3A_1073 = arith.constant 0 : i32
      %dma_wait3A_1074 = tpu.memref_slice %arg6[%dma_wait3A_1071, %dma_wait3A_1072, %dma_wait3A_1073] : memref<6x256x32xf32, #tpu.memory_space<vmem>> -> memref<1x128x32xf32, #tpu.memory_space<vmem>>
      %dma_wait3A_1075 = tpu.memref_squeeze %dma_wait3A_1074 : memref<1x128x32xf32, #tpu.memory_space<vmem>> -> memref<128x32xf32, #tpu.memory_space<vmem>>
      %dma_wait3A_1076 = arith.constant 0 : i32
      %dma_wait3A_1077 = tpu.memref_slice %arg5[%dma_wait3A_1070, %add3A_1069, %dma_wait3A_1076] : memref<2x100x256xi32, #tpu.memory_space<vmem>> -> memref<1x1x128xi32, #tpu.memory_space<vmem>>
      %dma_wait3A_1078 = tpu.memref_squeeze %dma_wait3A_1077 : memref<1x1x128xi32, #tpu.memory_space<vmem>> -> memref<128xi32, #tpu.memory_space<vmem>>
      %dma_wait3A_1079 = arith.constant 0 : i32
      %dma_wait3A_1080 = arith.constant 0 : i32
      %dma_wait3A_1081 = tpu.memref_slice %arg2[%dma_wait3A_1079, %dma_wait3A_1080] : memref<1000001x32xf32, #tpu.memory_space<hbm>> -> memref<1000001x32xf32, #tpu.memory_space<hbm>>
      tpu.wait_indirect_dma semaphore(%arg8 : memref<!tpu.dma_semaphore, #tpu.memory_space<semaphore_mem>>) src(%dma_wait3A_1081 : memref<1000001x32xf32, #tpu.memory_space<hbm>>) dst(%dma_wait3A_1075 : memref<128x32xf32, #tpu.memory_space<vmem>>)
      %dma_wait3A_1082 = arith.constant 0 : i32
      %dma_wait3A_1083 = arith.constant 1 : i32
      %dma_wait3A_1084 = arith.constant 128 : i32
      %dma_wait3A_1085 = arith.constant 0 : i32
      %dma_wait3A_1086 = tpu.memref_slice %arg6[%dma_wait3A_1083, %dma_wait3A_1084, %dma_wait3A_1085] : memref<6x256x32xf32, #tpu.memory_space<vmem>> -> memref<1x128x32xf32, #tpu.memory_space<vmem>>
      %dma_wait3A_1087 = tpu.memref_squeeze %dma_wait3A_1086 : memref<1x128x32xf32, #tpu.memory_space<vmem>> -> memref<128x32xf32, #tpu.memory_space<vmem>>
      %dma_wait3A_1088 = arith.constant 128 : i32
      %dma_wait3A_1089 = tpu.memref_slice %arg5[%dma_wait3A_1082, %add3A_1069, %dma_wait3A_1088] : memref<2x100x256xi32, #tpu.memory_space<vmem>> -> memref<1x1x128xi32, #tpu.memory_space<vmem>>
      %dma_wait3A_1090 = tpu.memref_squeeze %dma_wait3A_1089 : memref<1x1x128xi32, #tpu.memory_space<vmem>> -> memref<128xi32, #tpu.memory_space<vmem>>
      %dma_wait3A_1091 = arith.constant 0 : i32
      %dma_wait3A_1092 = arith.constant 0 : i32
      %dma_wait3A_1093 = tpu.memref_slice %arg2[%dma_wait3A_1091, %dma_wait3A_1092] : memref<1000001x32xf32, #tpu.memory_space<hbm>> -> memref<1000001x32xf32, #tpu.memory_space<hbm>>
      tpu.wait_indirect_dma semaphore(%arg8 : memref<!tpu.dma_semaphore, #tpu.memory_space<semaphore_mem>>) src(%dma_wait3A_1093 : memref<1000001x32xf32, #tpu.memory_space<hbm>>) dst(%dma_wait3A_1087 : memref<128x32xf32, #tpu.memory_space<vmem>>)
      %dma_start3A_1094 = arith.constant 1 : i32
      %dma_start3A_1095 = arith.constant 0 : i32
      %dma_start3A_1096 = arith.constant 0 : i32
      %dma_start3A_1097 = tpu.memref_slice %arg6[%dma_start3A_1094, %dma_start3A_1095, %dma_start3A_1096] : memref<6x256x32xf32, #tpu.memory_space<vmem>> -> memref<1x256x32xf32, #tpu.memory_space<vmem>>
      %dma_start3A_1098 = tpu.memref_squeeze %dma_start3A_1097 : memref<1x256x32xf32, #tpu.memory_space<vmem>> -> memref<256x32xf32, #tpu.memory_space<vmem>>
      %dma_start3A_1099 = arith.constant 0 : i32
      %dma_start3A_1100 = tpu.memref_slice %arg4[%add3A_1069, %add3A_4, %dma_start3A_1099] : memref<100x16384x32xf32, #tpu.memory_space<hbm>> -> memref<1x256x32xf32, #tpu.memory_space<hbm>>
      %dma_start3A_1101 = tpu.memref_squeeze %dma_start3A_1100 : memref<1x256x32xf32, #tpu.memory_space<hbm>> -> memref<256x32xf32, #tpu.memory_space<hbm>>
      %dma_start3A_1102 = arith.constant 0 : i32
      %dma_start3A_1103 = tpu.memref_slice %arg4[%add3A_1069, %add3A_4, %dma_start3A_1102] : memref<100x16384x32xf32, #tpu.memory_space<hbm>> -> memref<1x256x32xf32, #tpu.memory_space<hbm>>
      %dma_start3A_1104 = tpu.memref_squeeze %dma_start3A_1103 : memref<1x256x32xf32, #tpu.memory_space<hbm>> -> memref<256x32xf32, #tpu.memory_space<hbm>>
      %dma_start3A_1105 = arith.constant 0 : i32
      %dma_start3A_1106 = arith.constant 0 : i32
      %dma_start3A_1107 = tpu.memref_slice %arg6[%dma_start3A_1094, %dma_start3A_1105, %dma_start3A_1106] : memref<6x256x32xf32, #tpu.memory_space<vmem>> -> memref<1x256x32xf32, #tpu.memory_space<vmem>>
      %dma_start3A_1108 = tpu.memref_squeeze %dma_start3A_1107 : memref<1x256x32xf32, #tpu.memory_space<vmem>> -> memref<256x32xf32, #tpu.memory_space<vmem>>
      tpu.enqueue_dma source(%dma_start3A_1108 : memref<256x32xf32, #tpu.memory_space<vmem>>) target(%dma_start3A_1104 : memref<256x32xf32, #tpu.memory_space<hbm>>) target_semaphore(%arg14 : memref<!tpu.dma_semaphore, #tpu.memory_space<semaphore_mem>>)
      %sub3A_1109 = arith.constant 3 : i32
      %sub3A_1110 = arith.subi %add3A_1069, %sub3A_1109 : i32
      %dma_wait3A_1111 = arith.constant 4 : i32
      %dma_wait3A_1112 = arith.constant 0 : i32
      %dma_wait3A_1113 = arith.constant 0 : i32
      %dma_wait3A_1114 = tpu.memref_slice %arg6[%dma_wait3A_1111, %dma_wait3A_1112, %dma_wait3A_1113] : memref<6x256x32xf32, #tpu.memory_space<vmem>> -> memref<1x256x32xf32, #tpu.memory_space<vmem>>
      %dma_wait3A_1115 = tpu.memref_squeeze %dma_wait3A_1114 : memref<1x256x32xf32, #tpu.memory_space<vmem>> -> memref<256x32xf32, #tpu.memory_space<vmem>>
      %dma_wait3A_1116 = arith.constant 0 : i32
      %dma_wait3A_1117 = tpu.memref_slice %arg4[%sub3A_1110, %add3A_4, %dma_wait3A_1116] : memref<100x16384x32xf32, #tpu.memory_space<hbm>> -> memref<1x256x32xf32, #tpu.memory_space<hbm>>
      %dma_wait3A_1118 = tpu.memref_squeeze %dma_wait3A_1117 : memref<1x256x32xf32, #tpu.memory_space<hbm>> -> memref<256x32xf32, #tpu.memory_space<hbm>>
      %dma_wait3A_1119 = arith.constant 0 : i32
      %dma_wait3A_1120 = tpu.memref_slice %arg4[%sub3A_1110, %add3A_4, %dma_wait3A_1119] : memref<100x16384x32xf32, #tpu.memory_space<hbm>> -> memref<1x256x32xf32, #tpu.memory_space<hbm>>
      %dma_wait3A_1121 = tpu.memref_squeeze %dma_wait3A_1120 : memref<1x256x32xf32, #tpu.memory_space<hbm>> -> memref<256x32xf32, #tpu.memory_space<hbm>>
      %dma_wait3A_1122 = arith.constant 0 : i32
      %dma_wait3A_1123 = arith.constant 0 : i32
      %dma_wait3A_1124 = tpu.memref_slice %arg6[%dma_wait3A_1111, %dma_wait3A_1122, %dma_wait3A_1123] : memref<6x256x32xf32, #tpu.memory_space<vmem>> -> memref<1x256x32xf32, #tpu.memory_space<vmem>>
      %dma_wait3A_1125 = tpu.memref_squeeze %dma_wait3A_1124 : memref<1x256x32xf32, #tpu.memory_space<vmem>> -> memref<256x32xf32, #tpu.memory_space<vmem>>
      tpu.wait_dma2 semaphore(%arg17 : memref<!tpu.dma_semaphore, #tpu.memory_space<semaphore_mem>>) src(%dma_wait3A_1125 : memref<256x32xf32, #tpu.memory_space<vmem>>) dst(%dma_wait3A_1121 : memref<256x32xf32, #tpu.memory_space<hbm>>)
      %add3A_1126 = arith.constant 3 : i32
      %add3A_1127 = arith.addi %add3A_1069, %add3A_1126 : i32
      %lt3A_1128 = arith.constant 100 : i32
      %lt3A_1129 = arith.cmpi slt, %add3A_1127, %lt3A_1128 : i32
      %convert_element_type3A_1130 = arith.extui %lt3A_1129 : i1 to i32
      %cond3A_1131 = arith.constant 0 : i32
      %cond3A_1132 = arith.cmpi ne, %convert_element_type3A_1130, %cond3A_1131 : i32
      scf.if %cond3A_1132 {
        %add3A_1198 = arith.constant 3 : i32
        %add3A_1199 = arith.addi %add3A_1069, %add3A_1198 : i32
        %dma_start3A_1200 = arith.constant 0 : i32
        %dma_start3A_1201 = arith.constant 4 : i32
        %dma_start3A_1202 = arith.constant 0 : i32
        %dma_start3A_1203 = arith.constant 0 : i32
        %dma_start3A_1204 = tpu.memref_slice %arg6[%dma_start3A_1201, %dma_start3A_1202, %dma_start3A_1203] : memref<6x256x32xf32, #tpu.memory_space<vmem>> -> memref<1x128x32xf32, #tpu.memory_space<vmem>>
        %dma_start3A_1205 = tpu.memref_squeeze %dma_start3A_1204 : memref<1x128x32xf32, #tpu.memory_space<vmem>> -> memref<128x32xf32, #tpu.memory_space<vmem>>
        %dma_start3A_1206 = arith.constant 0 : i32
        %dma_start3A_1207 = tpu.memref_slice %arg5[%dma_start3A_1200, %add3A_1199, %dma_start3A_1206] : memref<2x100x256xi32, #tpu.memory_space<vmem>> -> memref<1x1x128xi32, #tpu.memory_space<vmem>>
        %dma_start3A_1208 = tpu.memref_squeeze %dma_start3A_1207 : memref<1x1x128xi32, #tpu.memory_space<vmem>> -> memref<128xi32, #tpu.memory_space<vmem>>
        %dma_start3A_1209 = arith.constant 0 : i32
        %dma_start3A_1210 = arith.constant 0 : i32
        %dma_start3A_1211 = tpu.memref_slice %arg2[%dma_start3A_1209, %dma_start3A_1210] : memref<1000001x32xf32, #tpu.memory_space<hbm>> -> memref<1000001x32xf32, #tpu.memory_space<hbm>>
        tpu.enqueue_indirect_dma source(%dma_start3A_1211 : memref<1000001x32xf32, #tpu.memory_space<hbm>>) target(%dma_start3A_1205 : memref<128x32xf32, #tpu.memory_space<vmem>>) offsets(%dma_start3A_1208 : memref<128xi32, #tpu.memory_space<vmem>>) semaphore(%arg11 : memref<!tpu.dma_semaphore, #tpu.memory_space<semaphore_mem>>)
        %dma_start3A_1212 = arith.constant 0 : i32
        %dma_start3A_1213 = arith.constant 4 : i32
        %dma_start3A_1214 = arith.constant 128 : i32
        %dma_start3A_1215 = arith.constant 0 : i32
        %dma_start3A_1216 = tpu.memref_slice %arg6[%dma_start3A_1213, %dma_start3A_1214, %dma_start3A_1215] : memref<6x256x32xf32, #tpu.memory_space<vmem>> -> memref<1x128x32xf32, #tpu.memory_space<vmem>>
        %dma_start3A_1217 = tpu.memref_squeeze %dma_start3A_1216 : memref<1x128x32xf32, #tpu.memory_space<vmem>> -> memref<128x32xf32, #tpu.memory_space<vmem>>
        %dma_start3A_1218 = arith.constant 128 : i32
        %dma_start3A_1219 = tpu.memref_slice %arg5[%dma_start3A_1212, %add3A_1199, %dma_start3A_1218] : memref<2x100x256xi32, #tpu.memory_space<vmem>> -> memref<1x1x128xi32, #tpu.memory_space<vmem>>
        %dma_start3A_1220 = tpu.memref_squeeze %dma_start3A_1219 : memref<1x1x128xi32, #tpu.memory_space<vmem>> -> memref<128xi32, #tpu.memory_space<vmem>>
        %dma_start3A_1221 = arith.constant 0 : i32
        %dma_start3A_1222 = arith.constant 0 : i32
        %dma_start3A_1223 = tpu.memref_slice %arg2[%dma_start3A_1221, %dma_start3A_1222] : memref<1000001x32xf32, #tpu.memory_space<hbm>> -> memref<1000001x32xf32, #tpu.memory_space<hbm>>
        tpu.enqueue_indirect_dma source(%dma_start3A_1223 : memref<1000001x32xf32, #tpu.memory_space<hbm>>) target(%dma_start3A_1217 : memref<128x32xf32, #tpu.memory_space<vmem>>) offsets(%dma_start3A_1220 : memref<128xi32, #tpu.memory_space<vmem>>) semaphore(%arg11 : memref<!tpu.dma_semaphore, #tpu.memory_space<semaphore_mem>>)
      } else {
      }
      %add3A_1133 = arith.constant 5 : i32
      %add3A_1134 = arith.addi %add3A_811, %add3A_1133 : i32
      %dma_wait3A_1135 = arith.constant 0 : i32
      %dma_wait3A_1136 = arith.constant 2 : i32
      %dma_wait3A_1137 = arith.constant 0 : i32
      %dma_wait3A_1138 = arith.constant 0 : i32
      %dma_wait3A_1139 = tpu.memref_slice %arg6[%dma_wait3A_1136, %dma_wait3A_1137, %dma_wait3A_1138] : memref<6x256x32xf32, #tpu.memory_space<vmem>> -> memref<1x128x32xf32, #tpu.memory_space<vmem>>
      %dma_wait3A_1140 = tpu.memref_squeeze %dma_wait3A_1139 : memref<1x128x32xf32, #tpu.memory_space<vmem>> -> memref<128x32xf32, #tpu.memory_space<vmem>>
      %dma_wait3A_1141 = arith.constant 0 : i32
      %dma_wait3A_1142 = tpu.memref_slice %arg5[%dma_wait3A_1135, %add3A_1134, %dma_wait3A_1141] : memref<2x100x256xi32, #tpu.memory_space<vmem>> -> memref<1x1x128xi32, #tpu.memory_space<vmem>>
      %dma_wait3A_1143 = tpu.memref_squeeze %dma_wait3A_1142 : memref<1x1x128xi32, #tpu.memory_space<vmem>> -> memref<128xi32, #tpu.memory_space<vmem>>
      %dma_wait3A_1144 = arith.constant 0 : i32
      %dma_wait3A_1145 = arith.constant 0 : i32
      %dma_wait3A_1146 = tpu.memref_slice %arg2[%dma_wait3A_1144, %dma_wait3A_1145] : memref<1000001x32xf32, #tpu.memory_space<hbm>> -> memref<1000001x32xf32, #tpu.memory_space<hbm>>
      tpu.wait_indirect_dma semaphore(%arg9 : memref<!tpu.dma_semaphore, #tpu.memory_space<semaphore_mem>>) src(%dma_wait3A_1146 : memref<1000001x32xf32, #tpu.memory_space<hbm>>) dst(%dma_wait3A_1140 : memref<128x32xf32, #tpu.memory_space<vmem>>)
      %dma_wait3A_1147 = arith.constant 0 : i32
      %dma_wait3A_1148 = arith.constant 2 : i32
      %dma_wait3A_1149 = arith.constant 128 : i32
      %dma_wait3A_1150 = arith.constant 0 : i32
      %dma_wait3A_1151 = tpu.memref_slice %arg6[%dma_wait3A_1148, %dma_wait3A_1149, %dma_wait3A_1150] : memref<6x256x32xf32, #tpu.memory_space<vmem>> -> memref<1x128x32xf32, #tpu.memory_space<vmem>>
      %dma_wait3A_1152 = tpu.memref_squeeze %dma_wait3A_1151 : memref<1x128x32xf32, #tpu.memory_space<vmem>> -> memref<128x32xf32, #tpu.memory_space<vmem>>
      %dma_wait3A_1153 = arith.constant 128 : i32
      %dma_wait3A_1154 = tpu.memref_slice %arg5[%dma_wait3A_1147, %add3A_1134, %dma_wait3A_1153] : memref<2x100x256xi32, #tpu.memory_space<vmem>> -> memref<1x1x128xi32, #tpu.memory_space<vmem>>
      %dma_wait3A_1155 = tpu.memref_squeeze %dma_wait3A_1154 : memref<1x1x128xi32, #tpu.memory_space<vmem>> -> memref<128xi32, #tpu.memory_space<vmem>>
      %dma_wait3A_1156 = arith.constant 0 : i32
      %dma_wait3A_1157 = arith.constant 0 : i32
      %dma_wait3A_1158 = tpu.memref_slice %arg2[%dma_wait3A_1156, %dma_wait3A_1157] : memref<1000001x32xf32, #tpu.memory_space<hbm>> -> memref<1000001x32xf32, #tpu.memory_space<hbm>>
      tpu.wait_indirect_dma semaphore(%arg9 : memref<!tpu.dma_semaphore, #tpu.memory_space<semaphore_mem>>) src(%dma_wait3A_1158 : memref<1000001x32xf32, #tpu.memory_space<hbm>>) dst(%dma_wait3A_1152 : memref<128x32xf32, #tpu.memory_space<vmem>>)
      %dma_start3A_1159 = arith.constant 2 : i32
      %dma_start3A_1160 = arith.constant 0 : i32
      %dma_start3A_1161 = arith.constant 0 : i32
      %dma_start3A_1162 = tpu.memref_slice %arg6[%dma_start3A_1159, %dma_start3A_1160, %dma_start3A_1161] : memref<6x256x32xf32, #tpu.memory_space<vmem>> -> memref<1x256x32xf32, #tpu.memory_space<vmem>>
      %dma_start3A_1163 = tpu.memref_squeeze %dma_start3A_1162 : memref<1x256x32xf32, #tpu.memory_space<vmem>> -> memref<256x32xf32, #tpu.memory_space<vmem>>
      %dma_start3A_1164 = arith.constant 0 : i32
      %dma_start3A_1165 = tpu.memref_slice %arg4[%add3A_1134, %add3A_4, %dma_start3A_1164] : memref<100x16384x32xf32, #tpu.memory_space<hbm>> -> memref<1x256x32xf32, #tpu.memory_space<hbm>>
      %dma_start3A_1166 = tpu.memref_squeeze %dma_start3A_1165 : memref<1x256x32xf32, #tpu.memory_space<hbm>> -> memref<256x32xf32, #tpu.memory_space<hbm>>
      %dma_start3A_1167 = arith.constant 0 : i32
      %dma_start3A_1168 = tpu.memref_slice %arg4[%add3A_1134, %add3A_4, %dma_start3A_1167] : memref<100x16384x32xf32, #tpu.memory_space<hbm>> -> memref<1x256x32xf32, #tpu.memory_space<hbm>>
      %dma_start3A_1169 = tpu.memref_squeeze %dma_start3A_1168 : memref<1x256x32xf32, #tpu.memory_space<hbm>> -> memref<256x32xf32, #tpu.memory_space<hbm>>
      %dma_start3A_1170 = arith.constant 0 : i32
      %dma_start3A_1171 = arith.constant 0 : i32
      %dma_start3A_1172 = tpu.memref_slice %arg6[%dma_start3A_1159, %dma_start3A_1170, %dma_start3A_1171] : memref<6x256x32xf32, #tpu.memory_space<vmem>> -> memref<1x256x32xf32, #tpu.memory_space<vmem>>
      %dma_start3A_1173 = tpu.memref_squeeze %dma_start3A_1172 : memref<1x256x32xf32, #tpu.memory_space<vmem>> -> memref<256x32xf32, #tpu.memory_space<vmem>>
      tpu.enqueue_dma source(%dma_start3A_1173 : memref<256x32xf32, #tpu.memory_space<vmem>>) target(%dma_start3A_1169 : memref<256x32xf32, #tpu.memory_space<hbm>>) target_semaphore(%arg15 : memref<!tpu.dma_semaphore, #tpu.memory_space<semaphore_mem>>)
      %sub3A_1174 = arith.constant 3 : i32
      %sub3A_1175 = arith.subi %add3A_1134, %sub3A_1174 : i32
      %dma_wait3A_1176 = arith.constant 5 : i32
      %dma_wait3A_1177 = arith.constant 0 : i32
      %dma_wait3A_1178 = arith.constant 0 : i32
      %dma_wait3A_1179 = tpu.memref_slice %arg6[%dma_wait3A_1176, %dma_wait3A_1177, %dma_wait3A_1178] : memref<6x256x32xf32, #tpu.memory_space<vmem>> -> memref<1x256x32xf32, #tpu.memory_space<vmem>>
      %dma_wait3A_1180 = tpu.memref_squeeze %dma_wait3A_1179 : memref<1x256x32xf32, #tpu.memory_space<vmem>> -> memref<256x32xf32, #tpu.memory_space<vmem>>
      %dma_wait3A_1181 = arith.constant 0 : i32
      %dma_wait3A_1182 = tpu.memref_slice %arg4[%sub3A_1175, %add3A_4, %dma_wait3A_1181] : memref<100x16384x32xf32, #tpu.memory_space<hbm>> -> memref<1x256x32xf32, #tpu.memory_space<hbm>>
      %dma_wait3A_1183 = tpu.memref_squeeze %dma_wait3A_1182 : memref<1x256x32xf32, #tpu.memory_space<hbm>> -> memref<256x32xf32, #tpu.memory_space<hbm>>
      %dma_wait3A_1184 = arith.constant 0 : i32
      %dma_wait3A_1185 = tpu.memref_slice %arg4[%sub3A_1175, %add3A_4, %dma_wait3A_1184] : memref<100x16384x32xf32, #tpu.memory_space<hbm>> -> memref<1x256x32xf32, #tpu.memory_space<hbm>>
      %dma_wait3A_1186 = tpu.memref_squeeze %dma_wait3A_1185 : memref<1x256x32xf32, #tpu.memory_space<hbm>> -> memref<256x32xf32, #tpu.memory_space<hbm>>
      %dma_wait3A_1187 = arith.constant 0 : i32
      %dma_wait3A_1188 = arith.constant 0 : i32
      %dma_wait3A_1189 = tpu.memref_slice %arg6[%dma_wait3A_1176, %dma_wait3A_1187, %dma_wait3A_1188] : memref<6x256x32xf32, #tpu.memory_space<vmem>> -> memref<1x256x32xf32, #tpu.memory_space<vmem>>
      %dma_wait3A_1190 = tpu.memref_squeeze %dma_wait3A_1189 : memref<1x256x32xf32, #tpu.memory_space<vmem>> -> memref<256x32xf32, #tpu.memory_space<vmem>>
      tpu.wait_dma2 semaphore(%arg18 : memref<!tpu.dma_semaphore, #tpu.memory_space<semaphore_mem>>) src(%dma_wait3A_1190 : memref<256x32xf32, #tpu.memory_space<vmem>>) dst(%dma_wait3A_1186 : memref<256x32xf32, #tpu.memory_space<hbm>>)
      %add3A_1191 = arith.constant 3 : i32
      %add3A_1192 = arith.addi %add3A_1134, %add3A_1191 : i32
      %lt3A_1193 = arith.constant 100 : i32
      %lt3A_1194 = arith.cmpi slt, %add3A_1192, %lt3A_1193 : i32
      %convert_element_type3A_1195 = arith.extui %lt3A_1194 : i1 to i32
      %cond3A_1196 = arith.constant 0 : i32
      %cond3A_1197 = arith.cmpi ne, %convert_element_type3A_1195, %cond3A_1196 : i32
      scf.if %cond3A_1197 {
        %add3A_1198 = arith.constant 3 : i32
        %add3A_1199 = arith.addi %add3A_1134, %add3A_1198 : i32
        %dma_start3A_1200 = arith.constant 0 : i32
        %dma_start3A_1201 = arith.constant 5 : i32
        %dma_start3A_1202 = arith.constant 0 : i32
        %dma_start3A_1203 = arith.constant 0 : i32
        %dma_start3A_1204 = tpu.memref_slice %arg6[%dma_start3A_1201, %dma_start3A_1202, %dma_start3A_1203] : memref<6x256x32xf32, #tpu.memory_space<vmem>> -> memref<1x128x32xf32, #tpu.memory_space<vmem>>
        %dma_start3A_1205 = tpu.memref_squeeze %dma_start3A_1204 : memref<1x128x32xf32, #tpu.memory_space<vmem>> -> memref<128x32xf32, #tpu.memory_space<vmem>>
        %dma_start3A_1206 = arith.constant 0 : i32
        %dma_start3A_1207 = tpu.memref_slice %arg5[%dma_start3A_1200, %add3A_1199, %dma_start3A_1206] : memref<2x100x256xi32, #tpu.memory_space<vmem>> -> memref<1x1x128xi32, #tpu.memory_space<vmem>>
        %dma_start3A_1208 = tpu.memref_squeeze %dma_start3A_1207 : memref<1x1x128xi32, #tpu.memory_space<vmem>> -> memref<128xi32, #tpu.memory_space<vmem>>
        %dma_start3A_1209 = arith.constant 0 : i32
        %dma_start3A_1210 = arith.constant 0 : i32
        %dma_start3A_1211 = tpu.memref_slice %arg2[%dma_start3A_1209, %dma_start3A_1210] : memref<1000001x32xf32, #tpu.memory_space<hbm>> -> memref<1000001x32xf32, #tpu.memory_space<hbm>>
        tpu.enqueue_indirect_dma source(%dma_start3A_1211 : memref<1000001x32xf32, #tpu.memory_space<hbm>>) target(%dma_start3A_1205 : memref<128x32xf32, #tpu.memory_space<vmem>>) offsets(%dma_start3A_1208 : memref<128xi32, #tpu.memory_space<vmem>>) semaphore(%arg12 : memref<!tpu.dma_semaphore, #tpu.memory_space<semaphore_mem>>)
        %dma_start3A_1212 = arith.constant 0 : i32
        %dma_start3A_1213 = arith.constant 5 : i32
        %dma_start3A_1214 = arith.constant 128 : i32
        %dma_start3A_1215 = arith.constant 0 : i32
        %dma_start3A_1216 = tpu.memref_slice %arg6[%dma_start3A_1213, %dma_start3A_1214, %dma_start3A_1215] : memref<6x256x32xf32, #tpu.memory_space<vmem>> -> memref<1x128x32xf32, #tpu.memory_space<vmem>>
        %dma_start3A_1217 = tpu.memref_squeeze %dma_start3A_1216 : memref<1x128x32xf32, #tpu.memory_space<vmem>> -> memref<128x32xf32, #tpu.memory_space<vmem>>
        %dma_start3A_1218 = arith.constant 128 : i32
        %dma_start3A_1219 = tpu.memref_slice %arg5[%dma_start3A_1212, %add3A_1199, %dma_start3A_1218] : memref<2x100x256xi32, #tpu.memory_space<vmem>> -> memref<1x1x128xi32, #tpu.memory_space<vmem>>
        %dma_start3A_1220 = tpu.memref_squeeze %dma_start3A_1219 : memref<1x1x128xi32, #tpu.memory_space<vmem>> -> memref<128xi32, #tpu.memory_space<vmem>>
        %dma_start3A_1221 = arith.constant 0 : i32
        %dma_start3A_1222 = arith.constant 0 : i32
        %dma_start3A_1223 = tpu.memref_slice %arg2[%dma_start3A_1221, %dma_start3A_1222] : memref<1000001x32xf32, #tpu.memory_space<hbm>> -> memref<1000001x32xf32, #tpu.memory_space<hbm>>
        tpu.enqueue_indirect_dma source(%dma_start3A_1223 : memref<1000001x32xf32, #tpu.memory_space<hbm>>) target(%dma_start3A_1217 : memref<128x32xf32, #tpu.memory_space<vmem>>) offsets(%dma_start3A_1220 : memref<128xi32, #tpu.memory_space<vmem>>) semaphore(%arg12 : memref<!tpu.dma_semaphore, #tpu.memory_space<semaphore_mem>>)
      } else {
      }
    }
    %scan3A_295 = arith.constant 16 : i32
    %dma_wait3A_296 = arith.constant 0 : i32
    %dma_wait3A_297 = arith.constant 99 : i32
    %dma_wait3A_298 = arith.constant 3 : i32
    %dma_wait3A_299 = arith.constant 0 : i32
    %dma_wait3A_300 = arith.constant 0 : i32
    %dma_wait3A_301 = tpu.memref_slice %arg6[%dma_wait3A_298, %dma_wait3A_299, %dma_wait3A_300] : memref<6x256x32xf32, #tpu.memory_space<vmem>> -> memref<1x128x32xf32, #tpu.memory_space<vmem>>
    %dma_wait3A_302 = tpu.memref_squeeze %dma_wait3A_301 : memref<1x128x32xf32, #tpu.memory_space<vmem>> -> memref<128x32xf32, #tpu.memory_space<vmem>>
    %dma_wait3A_303 = arith.constant 0 : i32
    %dma_wait3A_304 = tpu.memref_slice %arg5[%dma_wait3A_296, %dma_wait3A_297, %dma_wait3A_303] : memref<2x100x256xi32, #tpu.memory_space<vmem>> -> memref<1x1x128xi32, #tpu.memory_space<vmem>>
    %dma_wait3A_305 = tpu.memref_squeeze %dma_wait3A_304 : memref<1x1x128xi32, #tpu.memory_space<vmem>> -> memref<128xi32, #tpu.memory_space<vmem>>
    %dma_wait3A_306 = arith.constant 0 : i32
    %dma_wait3A_307 = arith.constant 0 : i32
    %dma_wait3A_308 = tpu.memref_slice %arg2[%dma_wait3A_306, %dma_wait3A_307] : memref<1000001x32xf32, #tpu.memory_space<hbm>> -> memref<1000001x32xf32, #tpu.memory_space<hbm>>
    tpu.wait_indirect_dma semaphore(%arg10 : memref<!tpu.dma_semaphore, #tpu.memory_space<semaphore_mem>>) src(%dma_wait3A_308 : memref<1000001x32xf32, #tpu.memory_space<hbm>>) dst(%dma_wait3A_302 : memref<128x32xf32, #tpu.memory_space<vmem>>)
    %dma_wait3A_309 = arith.constant 0 : i32
    %dma_wait3A_310 = arith.constant 99 : i32
    %dma_wait3A_311 = arith.constant 3 : i32
    %dma_wait3A_312 = arith.constant 128 : i32
    %dma_wait3A_313 = arith.constant 0 : i32
    %dma_wait3A_314 = tpu.memref_slice %arg6[%dma_wait3A_311, %dma_wait3A_312, %dma_wait3A_313] : memref<6x256x32xf32, #tpu.memory_space<vmem>> -> memref<1x128x32xf32, #tpu.memory_space<vmem>>
    %dma_wait3A_315 = tpu.memref_squeeze %dma_wait3A_314 : memref<1x128x32xf32, #tpu.memory_space<vmem>> -> memref<128x32xf32, #tpu.memory_space<vmem>>
    %dma_wait3A_316 = arith.constant 128 : i32
    %dma_wait3A_317 = tpu.memref_slice %arg5[%dma_wait3A_309, %dma_wait3A_310, %dma_wait3A_316] : memref<2x100x256xi32, #tpu.memory_space<vmem>> -> memref<1x1x128xi32, #tpu.memory_space<vmem>>
    %dma_wait3A_318 = tpu.memref_squeeze %dma_wait3A_317 : memref<1x1x128xi32, #tpu.memory_space<vmem>> -> memref<128xi32, #tpu.memory_space<vmem>>
    %dma_wait3A_319 = arith.constant 0 : i32
    %dma_wait3A_320 = arith.constant 0 : i32
    %dma_wait3A_321 = tpu.memref_slice %arg2[%dma_wait3A_319, %dma_wait3A_320] : memref<1000001x32xf32, #tpu.memory_space<hbm>> -> memref<1000001x32xf32, #tpu.memory_space<hbm>>
    tpu.wait_indirect_dma semaphore(%arg10 : memref<!tpu.dma_semaphore, #tpu.memory_space<semaphore_mem>>) src(%dma_wait3A_321 : memref<1000001x32xf32, #tpu.memory_space<hbm>>) dst(%dma_wait3A_315 : memref<128x32xf32, #tpu.memory_space<vmem>>)
    %dma_start3A_322 = arith.constant 3 : i32
    %dma_start3A_323 = arith.constant 99 : i32
    %dma_start3A_324 = arith.constant 0 : i32
    %dma_start3A_325 = arith.constant 0 : i32
    %dma_start3A_326 = tpu.memref_slice %arg6[%dma_start3A_322, %dma_start3A_324, %dma_start3A_325] : memref<6x256x32xf32, #tpu.memory_space<vmem>> -> memref<1x256x32xf32, #tpu.memory_space<vmem>>
    %dma_start3A_327 = tpu.memref_squeeze %dma_start3A_326 : memref<1x256x32xf32, #tpu.memory_space<vmem>> -> memref<256x32xf32, #tpu.memory_space<vmem>>
    %dma_start3A_328 = arith.constant 0 : i32
    %dma_start3A_329 = tpu.memref_slice %arg4[%dma_start3A_323, %add3A_4, %dma_start3A_328] : memref<100x16384x32xf32, #tpu.memory_space<hbm>> -> memref<1x256x32xf32, #tpu.memory_space<hbm>>
    %dma_start3A_330 = tpu.memref_squeeze %dma_start3A_329 : memref<1x256x32xf32, #tpu.memory_space<hbm>> -> memref<256x32xf32, #tpu.memory_space<hbm>>
    %dma_start3A_331 = arith.constant 0 : i32
    %dma_start3A_332 = tpu.memref_slice %arg4[%dma_start3A_323, %add3A_4, %dma_start3A_331] : memref<100x16384x32xf32, #tpu.memory_space<hbm>> -> memref<1x256x32xf32, #tpu.memory_space<hbm>>
    %dma_start3A_333 = tpu.memref_squeeze %dma_start3A_332 : memref<1x256x32xf32, #tpu.memory_space<hbm>> -> memref<256x32xf32, #tpu.memory_space<hbm>>
    %dma_start3A_334 = arith.constant 0 : i32
    %dma_start3A_335 = arith.constant 0 : i32
    %dma_start3A_336 = tpu.memref_slice %arg6[%dma_start3A_322, %dma_start3A_334, %dma_start3A_335] : memref<6x256x32xf32, #tpu.memory_space<vmem>> -> memref<1x256x32xf32, #tpu.memory_space<vmem>>
    %dma_start3A_337 = tpu.memref_squeeze %dma_start3A_336 : memref<1x256x32xf32, #tpu.memory_space<vmem>> -> memref<256x32xf32, #tpu.memory_space<vmem>>
    tpu.enqueue_dma source(%dma_start3A_337 : memref<256x32xf32, #tpu.memory_space<vmem>>) target(%dma_start3A_333 : memref<256x32xf32, #tpu.memory_space<hbm>>) target_semaphore(%arg16 : memref<!tpu.dma_semaphore, #tpu.memory_space<semaphore_mem>>)
    %dma_wait3A_338 = arith.constant 0 : i32
    %dma_wait3A_339 = arith.constant 96 : i32
    %dma_wait3A_340 = arith.constant 0 : i32
    %dma_wait3A_341 = arith.constant 0 : i32
    %dma_wait3A_342 = tpu.memref_slice %arg6[%dma_wait3A_338, %dma_wait3A_340, %dma_wait3A_341] : memref<6x256x32xf32, #tpu.memory_space<vmem>> -> memref<1x256x32xf32, #tpu.memory_space<vmem>>
    %dma_wait3A_343 = tpu.memref_squeeze %dma_wait3A_342 : memref<1x256x32xf32, #tpu.memory_space<vmem>> -> memref<256x32xf32, #tpu.memory_space<vmem>>
    %dma_wait3A_344 = arith.constant 0 : i32
    %dma_wait3A_345 = tpu.memref_slice %arg4[%dma_wait3A_339, %add3A_4, %dma_wait3A_344] : memref<100x16384x32xf32, #tpu.memory_space<hbm>> -> memref<1x256x32xf32, #tpu.memory_space<hbm>>
    %dma_wait3A_346 = tpu.memref_squeeze %dma_wait3A_345 : memref<1x256x32xf32, #tpu.memory_space<hbm>> -> memref<256x32xf32, #tpu.memory_space<hbm>>
    %dma_wait3A_347 = arith.constant 0 : i32
    %dma_wait3A_348 = tpu.memref_slice %arg4[%dma_wait3A_339, %add3A_4, %dma_wait3A_347] : memref<100x16384x32xf32, #tpu.memory_space<hbm>> -> memref<1x256x32xf32, #tpu.memory_space<hbm>>
    %dma_wait3A_349 = tpu.memref_squeeze %dma_wait3A_348 : memref<1x256x32xf32, #tpu.memory_space<hbm>> -> memref<256x32xf32, #tpu.memory_space<hbm>>
    %dma_wait3A_350 = arith.constant 0 : i32
    %dma_wait3A_351 = arith.constant 0 : i32
    %dma_wait3A_352 = tpu.memref_slice %arg6[%dma_wait3A_338, %dma_wait3A_350, %dma_wait3A_351] : memref<6x256x32xf32, #tpu.memory_space<vmem>> -> memref<1x256x32xf32, #tpu.memory_space<vmem>>
    %dma_wait3A_353 = tpu.memref_squeeze %dma_wait3A_352 : memref<1x256x32xf32, #tpu.memory_space<vmem>> -> memref<256x32xf32, #tpu.memory_space<vmem>>
    tpu.wait_dma2 semaphore(%arg13 : memref<!tpu.dma_semaphore, #tpu.memory_space<semaphore_mem>>) src(%dma_wait3A_353 : memref<256x32xf32, #tpu.memory_space<vmem>>) dst(%dma_wait3A_349 : memref<256x32xf32, #tpu.memory_space<hbm>>)
    %dma_wait3A_354 = arith.constant 1 : i32
    %dma_wait3A_355 = arith.constant 97 : i32
    %dma_wait3A_356 = arith.constant 0 : i32
    %dma_wait3A_357 = arith.constant 0 : i32
    %dma_wait3A_358 = tpu.memref_slice %arg6[%dma_wait3A_354, %dma_wait3A_356, %dma_wait3A_357] : memref<6x256x32xf32, #tpu.memory_space<vmem>> -> memref<1x256x32xf32, #tpu.memory_space<vmem>>
    %dma_wait3A_359 = tpu.memref_squeeze %dma_wait3A_358 : memref<1x256x32xf32, #tpu.memory_space<vmem>> -> memref<256x32xf32, #tpu.memory_space<vmem>>
    %dma_wait3A_360 = arith.constant 0 : i32
    %dma_wait3A_361 = tpu.memref_slice %arg4[%dma_wait3A_355, %add3A_4, %dma_wait3A_360] : memref<100x16384x32xf32, #tpu.memory_space<hbm>> -> memref<1x256x32xf32, #tpu.memory_space<hbm>>
    %dma_wait3A_362 = tpu.memref_squeeze %dma_wait3A_361 : memref<1x256x32xf32, #tpu.memory_space<hbm>> -> memref<256x32xf32, #tpu.memory_space<hbm>>
    %dma_wait3A_363 = arith.constant 0 : i32
    %dma_wait3A_364 = tpu.memref_slice %arg4[%dma_wait3A_355, %add3A_4, %dma_wait3A_363] : memref<100x16384x32xf32, #tpu.memory_space<hbm>> -> memref<1x256x32xf32, #tpu.memory_space<hbm>>
    %dma_wait3A_365 = tpu.memref_squeeze %dma_wait3A_364 : memref<1x256x32xf32, #tpu.memory_space<hbm>> -> memref<256x32xf32, #tpu.memory_space<hbm>>
    %dma_wait3A_366 = arith.constant 0 : i32
    %dma_wait3A_367 = arith.constant 0 : i32
    %dma_wait3A_368 = tpu.memref_slice %arg6[%dma_wait3A_354, %dma_wait3A_366, %dma_wait3A_367] : memref<6x256x32xf32, #tpu.memory_space<vmem>> -> memref<1x256x32xf32, #tpu.memory_space<vmem>>
    %dma_wait3A_369 = tpu.memref_squeeze %dma_wait3A_368 : memref<1x256x32xf32, #tpu.memory_space<vmem>> -> memref<256x32xf32, #tpu.memory_space<vmem>>
    tpu.wait_dma2 semaphore(%arg14 : memref<!tpu.dma_semaphore, #tpu.memory_space<semaphore_mem>>) src(%dma_wait3A_369 : memref<256x32xf32, #tpu.memory_space<vmem>>) dst(%dma_wait3A_365 : memref<256x32xf32, #tpu.memory_space<hbm>>)
    %dma_wait3A_370 = arith.constant 2 : i32
    %dma_wait3A_371 = arith.constant 98 : i32
    %dma_wait3A_372 = arith.constant 0 : i32
    %dma_wait3A_373 = arith.constant 0 : i32
    %dma_wait3A_374 = tpu.memref_slice %arg6[%dma_wait3A_370, %dma_wait3A_372, %dma_wait3A_373] : memref<6x256x32xf32, #tpu.memory_space<vmem>> -> memref<1x256x32xf32, #tpu.memory_space<vmem>>
    %dma_wait3A_375 = tpu.memref_squeeze %dma_wait3A_374 : memref<1x256x32xf32, #tpu.memory_space<vmem>> -> memref<256x32xf32, #tpu.memory_space<vmem>>
    %dma_wait3A_376 = arith.constant 0 : i32
    %dma_wait3A_377 = tpu.memref_slice %arg4[%dma_wait3A_371, %add3A_4, %dma_wait3A_376] : memref<100x16384x32xf32, #tpu.memory_space<hbm>> -> memref<1x256x32xf32, #tpu.memory_space<hbm>>
    %dma_wait3A_378 = tpu.memref_squeeze %dma_wait3A_377 : memref<1x256x32xf32, #tpu.memory_space<hbm>> -> memref<256x32xf32, #tpu.memory_space<hbm>>
    %dma_wait3A_379 = arith.constant 0 : i32
    %dma_wait3A_380 = tpu.memref_slice %arg4[%dma_wait3A_371, %add3A_4, %dma_wait3A_379] : memref<100x16384x32xf32, #tpu.memory_space<hbm>> -> memref<1x256x32xf32, #tpu.memory_space<hbm>>
    %dma_wait3A_381 = tpu.memref_squeeze %dma_wait3A_380 : memref<1x256x32xf32, #tpu.memory_space<hbm>> -> memref<256x32xf32, #tpu.memory_space<hbm>>
    %dma_wait3A_382 = arith.constant 0 : i32
    %dma_wait3A_383 = arith.constant 0 : i32
    %dma_wait3A_384 = tpu.memref_slice %arg6[%dma_wait3A_370, %dma_wait3A_382, %dma_wait3A_383] : memref<6x256x32xf32, #tpu.memory_space<vmem>> -> memref<1x256x32xf32, #tpu.memory_space<vmem>>
    %dma_wait3A_385 = tpu.memref_squeeze %dma_wait3A_384 : memref<1x256x32xf32, #tpu.memory_space<vmem>> -> memref<256x32xf32, #tpu.memory_space<vmem>>
    tpu.wait_dma2 semaphore(%arg15 : memref<!tpu.dma_semaphore, #tpu.memory_space<semaphore_mem>>) src(%dma_wait3A_385 : memref<256x32xf32, #tpu.memory_space<vmem>>) dst(%dma_wait3A_381 : memref<256x32xf32, #tpu.memory_space<hbm>>)
    %dma_wait3A_386 = arith.constant 3 : i32
    %dma_wait3A_387 = arith.constant 99 : i32
    %dma_wait3A_388 = arith.constant 0 : i32
    %dma_wait3A_389 = arith.constant 0 : i32
    %dma_wait3A_390 = tpu.memref_slice %arg6[%dma_wait3A_386, %dma_wait3A_388, %dma_wait3A_389] : memref<6x256x32xf32, #tpu.memory_space<vmem>> -> memref<1x256x32xf32, #tpu.memory_space<vmem>>
    %dma_wait3A_391 = tpu.memref_squeeze %dma_wait3A_390 : memref<1x256x32xf32, #tpu.memory_space<vmem>> -> memref<256x32xf32, #tpu.memory_space<vmem>>
    %dma_wait3A_392 = arith.constant 0 : i32
    %dma_wait3A_393 = tpu.memref_slice %arg4[%dma_wait3A_387, %add3A_4, %dma_wait3A_392] : memref<100x16384x32xf32, #tpu.memory_space<hbm>> -> memref<1x256x32xf32, #tpu.memory_space<hbm>>
    %dma_wait3A_394 = tpu.memref_squeeze %dma_wait3A_393 : memref<1x256x32xf32, #tpu.memory_space<hbm>> -> memref<256x32xf32, #tpu.memory_space<hbm>>
    %dma_wait3A_395 = arith.constant 0 : i32
    %dma_wait3A_396 = tpu.memref_slice %arg4[%dma_wait3A_387, %add3A_4, %dma_wait3A_395] : memref<100x16384x32xf32, #tpu.memory_space<hbm>> -> memref<1x256x32xf32, #tpu.memory_space<hbm>>
    %dma_wait3A_397 = tpu.memref_squeeze %dma_wait3A_396 : memref<1x256x32xf32, #tpu.memory_space<hbm>> -> memref<256x32xf32, #tpu.memory_space<hbm>>
    %dma_wait3A_398 = arith.constant 0 : i32
    %dma_wait3A_399 = arith.constant 0 : i32
    %dma_wait3A_400 = tpu.memref_slice %arg6[%dma_wait3A_386, %dma_wait3A_398, %dma_wait3A_399] : memref<6x256x32xf32, #tpu.memory_space<vmem>> -> memref<1x256x32xf32, #tpu.memory_space<vmem>>
    %dma_wait3A_401 = tpu.memref_squeeze %dma_wait3A_400 : memref<1x256x32xf32, #tpu.memory_space<vmem>> -> memref<256x32xf32, #tpu.memory_space<vmem>>
    tpu.wait_dma2 semaphore(%arg16 : memref<!tpu.dma_semaphore, #tpu.memory_space<semaphore_mem>>) src(%dma_wait3A_401 : memref<256x32xf32, #tpu.memory_space<vmem>>) dst(%dma_wait3A_397 : memref<256x32xf32, #tpu.memory_space<hbm>>)
    %mul3A_402 = arith.constant 512 : i32
    %mul3A_403 = arith.muli %add3A, %mul3A_402 : i32
    %add3A_404 = arith.constant 256 : i32
    %add3A_405 = arith.addi %mul3A_403, %add3A_404 : i32
    %run_scoped3A_406 = arith.constant 1 : i32
    "tpu.region"() ({
      %run_scoped3A_807 = tpu.sem_alloc : memref<!tpu.dma_semaphore, #tpu.memory_space<semaphore_mem>>
      %dma_start3A_808 = arith.constant 0 : i32
      %dma_start3A_809 = arith.constant 0 : i32
      %dma_start3A_810 = tpu.memref_slice %arg5[%run_scoped3A_406, %dma_start3A_808, %dma_start3A_809] : memref<2x100x256xi32, #tpu.memory_space<vmem>> -> memref<1x100x256xi32, #tpu.memory_space<vmem>>
      %dma_start3A_811 = tpu.memref_squeeze %dma_start3A_810 : memref<1x100x256xi32, #tpu.memory_space<vmem>> -> memref<100x256xi32, #tpu.memory_space<vmem>>
      %dma_start3A_812 = arith.constant 0 : i32
      %dma_start3A_813 = tpu.memref_slice %arg3[%dma_start3A_812, %add3A_405] : memref<100x16384xi32, #tpu.memory_space<hbm>> -> memref<100x256xi32, #tpu.memory_space<hbm>>
      %dma_start3A_814 = arith.constant 0 : i32
      %dma_start3A_815 = arith.constant 0 : i32
      %dma_start3A_816 = tpu.memref_slice %arg5[%run_scoped3A_406, %dma_start3A_814, %dma_start3A_815] : memref<2x100x256xi32, #tpu.memory_space<vmem>> -> memref<1x100x256xi32, #tpu.memory_space<vmem>>
      %dma_start3A_817 = tpu.memref_squeeze %dma_start3A_816 : memref<1x100x256xi32, #tpu.memory_space<vmem>> -> memref<100x256xi32, #tpu.memory_space<vmem>>
      %dma_start3A_818 = arith.constant 0 : i32
      %dma_start3A_819 = tpu.memref_slice %arg3[%dma_start3A_818, %add3A_405] : memref<100x16384xi32, #tpu.memory_space<hbm>> -> memref<100x256xi32, #tpu.memory_space<hbm>>
      tpu.enqueue_dma source(%dma_start3A_819 : memref<100x256xi32, #tpu.memory_space<hbm>>) target(%dma_start3A_817 : memref<100x256xi32, #tpu.memory_space<vmem>>) target_semaphore(%run_scoped3A_807 : memref<!tpu.dma_semaphore, #tpu.memory_space<semaphore_mem>>)
      %dma_wait3A_820 = arith.constant 0 : i32
      %dma_wait3A_821 = arith.constant 0 : i32
      %dma_wait3A_822 = tpu.memref_slice %arg5[%run_scoped3A_406, %dma_wait3A_820, %dma_wait3A_821] : memref<2x100x256xi32, #tpu.memory_space<vmem>> -> memref<1x100x256xi32, #tpu.memory_space<vmem>>
      %dma_wait3A_823 = tpu.memref_squeeze %dma_wait3A_822 : memref<1x100x256xi32, #tpu.memory_space<vmem>> -> memref<100x256xi32, #tpu.memory_space<vmem>>
      %dma_wait3A_824 = arith.constant 0 : i32
      %dma_wait3A_825 = tpu.memref_slice %arg3[%dma_wait3A_824, %add3A_405] : memref<100x16384xi32, #tpu.memory_space<hbm>> -> memref<100x256xi32, #tpu.memory_space<hbm>>
      %dma_wait3A_826 = arith.constant 0 : i32
      %dma_wait3A_827 = arith.constant 0 : i32
      %dma_wait3A_828 = tpu.memref_slice %arg5[%run_scoped3A_406, %dma_wait3A_826, %dma_wait3A_827] : memref<2x100x256xi32, #tpu.memory_space<vmem>> -> memref<1x100x256xi32, #tpu.memory_space<vmem>>
      %dma_wait3A_829 = tpu.memref_squeeze %dma_wait3A_828 : memref<1x100x256xi32, #tpu.memory_space<vmem>> -> memref<100x256xi32, #tpu.memory_space<vmem>>
      %dma_wait3A_830 = arith.constant 0 : i32
      %dma_wait3A_831 = tpu.memref_slice %arg3[%dma_wait3A_830, %add3A_405] : memref<100x16384xi32, #tpu.memory_space<hbm>> -> memref<100x256xi32, #tpu.memory_space<hbm>>
      tpu.wait_dma2 semaphore(%run_scoped3A_807 : memref<!tpu.dma_semaphore, #tpu.memory_space<semaphore_mem>>) src(%dma_wait3A_831 : memref<100x256xi32, #tpu.memory_space<hbm>>) dst(%dma_wait3A_829 : memref<100x256xi32, #tpu.memory_space<vmem>>)
      tpu.yield
    }) : () -> ()
    %scan3A_407 = arith.constant 0 : i32
    %scan3A_408 = arith.constant 0 : i32
    %scan3A_409 = arith.constant 100 : i32
    %scan3A_410 = arith.addi %scan3A_408, %scan3A_409 : i32
    %scan3A_411 = arith.constant 1 : i32
    scf.for %scan3A_807 = %scan3A_408 to %scan3A_410 step %scan3A_411  : i32 {
      %get3A = arith.constant 1 : i32
      %get3A_808 = arith.index_cast %get3A : i32 to index
      %get3A_809 = arith.index_cast %scan3A_807 : i32 to index
      %get3A_810 = arith.constant 0 : index
      %get3A_811 = tpu.vector_load %arg5[%get3A_808, %get3A_809, %get3A_810] {strides = array<i32>} : memref<2x100x256xi32, #tpu.memory_space<vmem>>, vector<1x1x16xi32>,
      %get3A_812 = vector.shape_cast %get3A_811 : vector<1x1x16xi32> to vector<16xi32>
      %lt3A = arith.constant 0 : i32
      %lt3A_813 = vector.broadcast %lt3A : i32 to vector<16xi32>
      %lt3A_814 = arith.cmpi slt, %get3A_812, %lt3A_813 : vector<16xi32>
      %jit3A = arith.constant 1000000 : i32
      %broadcast_in_dim3A = vector.broadcast %jit3A : i32 to vector<16xi32>
      %select_n3A = arith.select %lt3A_814, %broadcast_in_dim3A, %get3A_812 : vector<16xi1>, vector<16xi32>
      %swap3A = arith.constant 1 : i32
      %swap3A_815 = arith.index_cast %swap3A : i32 to index
      %swap3A_816 = arith.index_cast %scan3A_807 : i32 to index
      %swap3A_817 = arith.constant 0 : index
      %swap3A_818 = tpu.vector_load %arg5[%swap3A_815, %swap3A_816, %swap3A_817] {strides = array<i32>} : memref<2x100x256xi32, #tpu.memory_space<vmem>>, vector<1x1x16xi32>,
      %swap3A_819 = vector.shape_cast %swap3A_818 : vector<1x1x16xi32> to vector<16xi32>
      %swap3A_820 = vector.shape_cast %select_n3A : vector<16xi32> to vector<1x1x16xi32>
      tpu.vector_store %arg5[%swap3A_815, %swap3A_816, %swap3A_817], %swap3A_820 {strides = array<i32>} : memref<2x100x256xi32, #tpu.memory_space<vmem>>, vector<1x1x16xi32>,
      %get3A_821 = arith.constant 1 : i32
      %get3A_822 = arith.index_cast %get3A_821 : i32 to index
      %get3A_823 = arith.index_cast %scan3A_807 : i32 to index
      %get3A_824 = arith.constant 16 : index
      %get3A_825 = tpu.vector_load %arg5[%get3A_822, %get3A_823, %get3A_824] {strides = array<i32>} : memref<2x100x256xi32, #tpu.memory_space<vmem>>, vector<1x1x16xi32>,
      %get3A_826 = vector.shape_cast %get3A_825 : vector<1x1x16xi32> to vector<16xi32>
      %lt3A_827 = arith.constant 0 : i32
      %lt3A_828 = vector.broadcast %lt3A_827 : i32 to vector<16xi32>
      %lt3A_829 = arith.cmpi slt, %get3A_826, %lt3A_828 : vector<16xi32>
      %jit3A_830 = arith.constant 1000000 : i32
      %broadcast_in_dim3A_831 = vector.broadcast %jit3A_830 : i32 to vector<16xi32>
      %select_n3A_832 = arith.select %lt3A_829, %broadcast_in_dim3A_831, %get3A_826 : vector<16xi1>, vector<16xi32>
      %swap3A_833 = arith.constant 1 : i32
      %swap3A_834 = arith.index_cast %swap3A_833 : i32 to index
      %swap3A_835 = arith.index_cast %scan3A_807 : i32 to index
      %swap3A_836 = arith.constant 16 : index
      %swap3A_837 = tpu.vector_load %arg5[%swap3A_834, %swap3A_835, %swap3A_836] {strides = array<i32>} : memref<2x100x256xi32, #tpu.memory_space<vmem>>, vector<1x1x16xi32>,
      %swap3A_838 = vector.shape_cast %swap3A_837 : vector<1x1x16xi32> to vector<16xi32>
      %swap3A_839 = vector.shape_cast %select_n3A_832 : vector<16xi32> to vector<1x1x16xi32>
      tpu.vector_store %arg5[%swap3A_834, %swap3A_835, %swap3A_836], %swap3A_839 {strides = array<i32>} : memref<2x100x256xi32, #tpu.memory_space<vmem>>, vector<1x1x16xi32>,
      %get3A_840 = arith.constant 1 : i32
      %get3A_841 = arith.index_cast %get3A_840 : i32 to index
      %get3A_842 = arith.index_cast %scan3A_807 : i32 to index
      %get3A_843 = arith.constant 32 : index
      %get3A_844 = tpu.vector_load %arg5[%get3A_841, %get3A_842, %get3A_843] {strides = array<i32>} : memref<2x100x256xi32, #tpu.memory_space<vmem>>, vector<1x1x16xi32>,
      %get3A_845 = vector.shape_cast %get3A_844 : vector<1x1x16xi32> to vector<16xi32>
      %lt3A_846 = arith.constant 0 : i32
      %lt3A_847 = vector.broadcast %lt3A_846 : i32 to vector<16xi32>
      %lt3A_848 = arith.cmpi slt, %get3A_845, %lt3A_847 : vector<16xi32>
      %jit3A_849 = arith.constant 1000000 : i32
      %broadcast_in_dim3A_850 = vector.broadcast %jit3A_849 : i32 to vector<16xi32>
      %select_n3A_851 = arith.select %lt3A_848, %broadcast_in_dim3A_850, %get3A_845 : vector<16xi1>, vector<16xi32>
      %swap3A_852 = arith.constant 1 : i32
      %swap3A_853 = arith.index_cast %swap3A_852 : i32 to index
      %swap3A_854 = arith.index_cast %scan3A_807 : i32 to index
      %swap3A_855 = arith.constant 32 : index
      %swap3A_856 = tpu.vector_load %arg5[%swap3A_853, %swap3A_854, %swap3A_855] {strides = array<i32>} : memref<2x100x256xi32, #tpu.memory_space<vmem>>, vector<1x1x16xi32>,
      %swap3A_857 = vector.shape_cast %swap3A_856 : vector<1x1x16xi32> to vector<16xi32>
      %swap3A_858 = vector.shape_cast %select_n3A_851 : vector<16xi32> to vector<1x1x16xi32>
      tpu.vector_store %arg5[%swap3A_853, %swap3A_854, %swap3A_855], %swap3A_858 {strides = array<i32>} : memref<2x100x256xi32, #tpu.memory_space<vmem>>, vector<1x1x16xi32>,
      %get3A_859 = arith.constant 1 : i32
      %get3A_860 = arith.index_cast %get3A_859 : i32 to index
      %get3A_861 = arith.index_cast %scan3A_807 : i32 to index
      %get3A_862 = arith.constant 48 : index
      %get3A_863 = tpu.vector_load %arg5[%get3A_860, %get3A_861, %get3A_862] {strides = array<i32>} : memref<2x100x256xi32, #tpu.memory_space<vmem>>, vector<1x1x16xi32>,
      %get3A_864 = vector.shape_cast %get3A_863 : vector<1x1x16xi32> to vector<16xi32>
      %lt3A_865 = arith.constant 0 : i32
      %lt3A_866 = vector.broadcast %lt3A_865 : i32 to vector<16xi32>
      %lt3A_867 = arith.cmpi slt, %get3A_864, %lt3A_866 : vector<16xi32>
      %jit3A_868 = arith.constant 1000000 : i32
      %broadcast_in_dim3A_869 = vector.broadcast %jit3A_868 : i32 to vector<16xi32>
      %select_n3A_870 = arith.select %lt3A_867, %broadcast_in_dim3A_869, %get3A_864 : vector<16xi1>, vector<16xi32>
      %swap3A_871 = arith.constant 1 : i32
      %swap3A_872 = arith.index_cast %swap3A_871 : i32 to index
      %swap3A_873 = arith.index_cast %scan3A_807 : i32 to index
      %swap3A_874 = arith.constant 48 : index
      %swap3A_875 = tpu.vector_load %arg5[%swap3A_872, %swap3A_873, %swap3A_874] {strides = array<i32>} : memref<2x100x256xi32, #tpu.memory_space<vmem>>, vector<1x1x16xi32>,
      %swap3A_876 = vector.shape_cast %swap3A_875 : vector<1x1x16xi32> to vector<16xi32>
      %swap3A_877 = vector.shape_cast %select_n3A_870 : vector<16xi32> to vector<1x1x16xi32>
      tpu.vector_store %arg5[%swap3A_872, %swap3A_873, %swap3A_874], %swap3A_877 {strides = array<i32>} : memref<2x100x256xi32, #tpu.memory_space<vmem>>, vector<1x1x16xi32>,
      %get3A_878 = arith.constant 1 : i32
      %get3A_879 = arith.index_cast %get3A_878 : i32 to index
      %get3A_880 = arith.index_cast %scan3A_807 : i32 to index
      %get3A_881 = arith.constant 64 : index
      %get3A_882 = tpu.vector_load %arg5[%get3A_879, %get3A_880, %get3A_881] {strides = array<i32>} : memref<2x100x256xi32, #tpu.memory_space<vmem>>, vector<1x1x16xi32>,
      %get3A_883 = vector.shape_cast %get3A_882 : vector<1x1x16xi32> to vector<16xi32>
      %lt3A_884 = arith.constant 0 : i32
      %lt3A_885 = vector.broadcast %lt3A_884 : i32 to vector<16xi32>
      %lt3A_886 = arith.cmpi slt, %get3A_883, %lt3A_885 : vector<16xi32>
      %jit3A_887 = arith.constant 1000000 : i32
      %broadcast_in_dim3A_888 = vector.broadcast %jit3A_887 : i32 to vector<16xi32>
      %select_n3A_889 = arith.select %lt3A_886, %broadcast_in_dim3A_888, %get3A_883 : vector<16xi1>, vector<16xi32>
      %swap3A_890 = arith.constant 1 : i32
      %swap3A_891 = arith.index_cast %swap3A_890 : i32 to index
      %swap3A_892 = arith.index_cast %scan3A_807 : i32 to index
      %swap3A_893 = arith.constant 64 : index
      %swap3A_894 = tpu.vector_load %arg5[%swap3A_891, %swap3A_892, %swap3A_893] {strides = array<i32>} : memref<2x100x256xi32, #tpu.memory_space<vmem>>, vector<1x1x16xi32>,
      %swap3A_895 = vector.shape_cast %swap3A_894 : vector<1x1x16xi32> to vector<16xi32>
      %swap3A_896 = vector.shape_cast %select_n3A_889 : vector<16xi32> to vector<1x1x16xi32>
      tpu.vector_store %arg5[%swap3A_891, %swap3A_892, %swap3A_893], %swap3A_896 {strides = array<i32>} : memref<2x100x256xi32, #tpu.memory_space<vmem>>, vector<1x1x16xi32>,
      %get3A_897 = arith.constant 1 : i32
      %get3A_898 = arith.index_cast %get3A_897 : i32 to index
      %get3A_899 = arith.index_cast %scan3A_807 : i32 to index
      %get3A_900 = arith.constant 80 : index
      %get3A_901 = tpu.vector_load %arg5[%get3A_898, %get3A_899, %get3A_900] {strides = array<i32>} : memref<2x100x256xi32, #tpu.memory_space<vmem>>, vector<1x1x16xi32>,
      %get3A_902 = vector.shape_cast %get3A_901 : vector<1x1x16xi32> to vector<16xi32>
      %lt3A_903 = arith.constant 0 : i32
      %lt3A_904 = vector.broadcast %lt3A_903 : i32 to vector<16xi32>
      %lt3A_905 = arith.cmpi slt, %get3A_902, %lt3A_904 : vector<16xi32>
      %jit3A_906 = arith.constant 1000000 : i32
      %broadcast_in_dim3A_907 = vector.broadcast %jit3A_906 : i32 to vector<16xi32>
      %select_n3A_908 = arith.select %lt3A_905, %broadcast_in_dim3A_907, %get3A_902 : vector<16xi1>, vector<16xi32>
      %swap3A_909 = arith.constant 1 : i32
      %swap3A_910 = arith.index_cast %swap3A_909 : i32 to index
      %swap3A_911 = arith.index_cast %scan3A_807 : i32 to index
      %swap3A_912 = arith.constant 80 : index
      %swap3A_913 = tpu.vector_load %arg5[%swap3A_910, %swap3A_911, %swap3A_912] {strides = array<i32>} : memref<2x100x256xi32, #tpu.memory_space<vmem>>, vector<1x1x16xi32>,
      %swap3A_914 = vector.shape_cast %swap3A_913 : vector<1x1x16xi32> to vector<16xi32>
      %swap3A_915 = vector.shape_cast %select_n3A_908 : vector<16xi32> to vector<1x1x16xi32>
      tpu.vector_store %arg5[%swap3A_910, %swap3A_911, %swap3A_912], %swap3A_915 {strides = array<i32>} : memref<2x100x256xi32, #tpu.memory_space<vmem>>, vector<1x1x16xi32>,
      %get3A_916 = arith.constant 1 : i32
      %get3A_917 = arith.index_cast %get3A_916 : i32 to index
      %get3A_918 = arith.index_cast %scan3A_807 : i32 to index
      %get3A_919 = arith.constant 96 : index
      %get3A_920 = tpu.vector_load %arg5[%get3A_917, %get3A_918, %get3A_919] {strides = array<i32>} : memref<2x100x256xi32, #tpu.memory_space<vmem>>, vector<1x1x16xi32>,
      %get3A_921 = vector.shape_cast %get3A_920 : vector<1x1x16xi32> to vector<16xi32>
      %lt3A_922 = arith.constant 0 : i32
      %lt3A_923 = vector.broadcast %lt3A_922 : i32 to vector<16xi32>
      %lt3A_924 = arith.cmpi slt, %get3A_921, %lt3A_923 : vector<16xi32>
      %jit3A_925 = arith.constant 1000000 : i32
      %broadcast_in_dim3A_926 = vector.broadcast %jit3A_925 : i32 to vector<16xi32>
      %select_n3A_927 = arith.select %lt3A_924, %broadcast_in_dim3A_926, %get3A_921 : vector<16xi1>, vector<16xi32>
      %swap3A_928 = arith.constant 1 : i32
      %swap3A_929 = arith.index_cast %swap3A_928 : i32 to index
      %swap3A_930 = arith.index_cast %scan3A_807 : i32 to index
      %swap3A_931 = arith.constant 96 : index
      %swap3A_932 = tpu.vector_load %arg5[%swap3A_929, %swap3A_930, %swap3A_931] {strides = array<i32>} : memref<2x100x256xi32, #tpu.memory_space<vmem>>, vector<1x1x16xi32>,
      %swap3A_933 = vector.shape_cast %swap3A_932 : vector<1x1x16xi32> to vector<16xi32>
      %swap3A_934 = vector.shape_cast %select_n3A_927 : vector<16xi32> to vector<1x1x16xi32>
      tpu.vector_store %arg5[%swap3A_929, %swap3A_930, %swap3A_931], %swap3A_934 {strides = array<i32>} : memref<2x100x256xi32, #tpu.memory_space<vmem>>, vector<1x1x16xi32>,
      %get3A_935 = arith.constant 1 : i32
      %get3A_936 = arith.index_cast %get3A_935 : i32 to index
      %get3A_937 = arith.index_cast %scan3A_807 : i32 to index
      %get3A_938 = arith.constant 112 : index
      %get3A_939 = tpu.vector_load %arg5[%get3A_936, %get3A_937, %get3A_938] {strides = array<i32>} : memref<2x100x256xi32, #tpu.memory_space<vmem>>, vector<1x1x16xi32>,
      %get3A_940 = vector.shape_cast %get3A_939 : vector<1x1x16xi32> to vector<16xi32>
      %lt3A_941 = arith.constant 0 : i32
      %lt3A_942 = vector.broadcast %lt3A_941 : i32 to vector<16xi32>
      %lt3A_943 = arith.cmpi slt, %get3A_940, %lt3A_942 : vector<16xi32>
      %jit3A_944 = arith.constant 1000000 : i32
      %broadcast_in_dim3A_945 = vector.broadcast %jit3A_944 : i32 to vector<16xi32>
      %select_n3A_946 = arith.select %lt3A_943, %broadcast_in_dim3A_945, %get3A_940 : vector<16xi1>, vector<16xi32>
      %swap3A_947 = arith.constant 1 : i32
      %swap3A_948 = arith.index_cast %swap3A_947 : i32 to index
      %swap3A_949 = arith.index_cast %scan3A_807 : i32 to index
      %swap3A_950 = arith.constant 112 : index
      %swap3A_951 = tpu.vector_load %arg5[%swap3A_948, %swap3A_949, %swap3A_950] {strides = array<i32>} : memref<2x100x256xi32, #tpu.memory_space<vmem>>, vector<1x1x16xi32>,
      %swap3A_952 = vector.shape_cast %swap3A_951 : vector<1x1x16xi32> to vector<16xi32>
      %swap3A_953 = vector.shape_cast %select_n3A_946 : vector<16xi32> to vector<1x1x16xi32>
      tpu.vector_store %arg5[%swap3A_948, %swap3A_949, %swap3A_950], %swap3A_953 {strides = array<i32>} : memref<2x100x256xi32, #tpu.memory_space<vmem>>, vector<1x1x16xi32>,
      %get3A_954 = arith.constant 1 : i32
      %get3A_955 = arith.index_cast %get3A_954 : i32 to index
      %get3A_956 = arith.index_cast %scan3A_807 : i32 to index
      %get3A_957 = arith.constant 128 : index
      %get3A_958 = tpu.vector_load %arg5[%get3A_955, %get3A_956, %get3A_957] {strides = array<i32>} : memref<2x100x256xi32, #tpu.memory_space<vmem>>, vector<1x1x16xi32>,
      %get3A_959 = vector.shape_cast %get3A_958 : vector<1x1x16xi32> to vector<16xi32>
      %lt3A_960 = arith.constant 0 : i32
      %lt3A_961 = vector.broadcast %lt3A_960 : i32 to vector<16xi32>
      %lt3A_962 = arith.cmpi slt, %get3A_959, %lt3A_961 : vector<16xi32>
      %jit3A_963 = arith.constant 1000000 : i32
      %broadcast_in_dim3A_964 = vector.broadcast %jit3A_963 : i32 to vector<16xi32>
      %select_n3A_965 = arith.select %lt3A_962, %broadcast_in_dim3A_964, %get3A_959 : vector<16xi1>, vector<16xi32>
      %swap3A_966 = arith.constant 1 : i32
      %swap3A_967 = arith.index_cast %swap3A_966 : i32 to index
      %swap3A_968 = arith.index_cast %scan3A_807 : i32 to index
      %swap3A_969 = arith.constant 128 : index
      %swap3A_970 = tpu.vector_load %arg5[%swap3A_967, %swap3A_968, %swap3A_969] {strides = array<i32>} : memref<2x100x256xi32, #tpu.memory_space<vmem>>, vector<1x1x16xi32>,
      %swap3A_971 = vector.shape_cast %swap3A_970 : vector<1x1x16xi32> to vector<16xi32>
      %swap3A_972 = vector.shape_cast %select_n3A_965 : vector<16xi32> to vector<1x1x16xi32>
      tpu.vector_store %arg5[%swap3A_967, %swap3A_968, %swap3A_969], %swap3A_972 {strides = array<i32>} : memref<2x100x256xi32, #tpu.memory_space<vmem>>, vector<1x1x16xi32>,
      %get3A_973 = arith.constant 1 : i32
      %get3A_974 = arith.index_cast %get3A_973 : i32 to index
      %get3A_975 = arith.index_cast %scan3A_807 : i32 to index
      %get3A_976 = arith.constant 144 : index
      %get3A_977 = tpu.vector_load %arg5[%get3A_974, %get3A_975, %get3A_976] {strides = array<i32>} : memref<2x100x256xi32, #tpu.memory_space<vmem>>, vector<1x1x16xi32>,
      %get3A_978 = vector.shape_cast %get3A_977 : vector<1x1x16xi32> to vector<16xi32>
      %lt3A_979 = arith.constant 0 : i32
      %lt3A_980 = vector.broadcast %lt3A_979 : i32 to vector<16xi32>
      %lt3A_981 = arith.cmpi slt, %get3A_978, %lt3A_980 : vector<16xi32>
      %jit3A_982 = arith.constant 1000000 : i32
      %broadcast_in_dim3A_983 = vector.broadcast %jit3A_982 : i32 to vector<16xi32>
      %select_n3A_984 = arith.select %lt3A_981, %broadcast_in_dim3A_983, %get3A_978 : vector<16xi1>, vector<16xi32>
      %swap3A_985 = arith.constant 1 : i32
      %swap3A_986 = arith.index_cast %swap3A_985 : i32 to index
      %swap3A_987 = arith.index_cast %scan3A_807 : i32 to index
      %swap3A_988 = arith.constant 144 : index
      %swap3A_989 = tpu.vector_load %arg5[%swap3A_986, %swap3A_987, %swap3A_988] {strides = array<i32>} : memref<2x100x256xi32, #tpu.memory_space<vmem>>, vector<1x1x16xi32>,
      %swap3A_990 = vector.shape_cast %swap3A_989 : vector<1x1x16xi32> to vector<16xi32>
      %swap3A_991 = vector.shape_cast %select_n3A_984 : vector<16xi32> to vector<1x1x16xi32>
      tpu.vector_store %arg5[%swap3A_986, %swap3A_987, %swap3A_988], %swap3A_991 {strides = array<i32>} : memref<2x100x256xi32, #tpu.memory_space<vmem>>, vector<1x1x16xi32>,
      %get3A_992 = arith.constant 1 : i32
      %get3A_993 = arith.index_cast %get3A_992 : i32 to index
      %get3A_994 = arith.index_cast %scan3A_807 : i32 to index
      %get3A_995 = arith.constant 160 : index
      %get3A_996 = tpu.vector_load %arg5[%get3A_993, %get3A_994, %get3A_995] {strides = array<i32>} : memref<2x100x256xi32, #tpu.memory_space<vmem>>, vector<1x1x16xi32>,
      %get3A_997 = vector.shape_cast %get3A_996 : vector<1x1x16xi32> to vector<16xi32>
      %lt3A_998 = arith.constant 0 : i32
      %lt3A_999 = vector.broadcast %lt3A_998 : i32 to vector<16xi32>
      %lt3A_1000 = arith.cmpi slt, %get3A_997, %lt3A_999 : vector<16xi32>
      %jit3A_1001 = arith.constant 1000000 : i32
      %broadcast_in_dim3A_1002 = vector.broadcast %jit3A_1001 : i32 to vector<16xi32>
      %select_n3A_1003 = arith.select %lt3A_1000, %broadcast_in_dim3A_1002, %get3A_997 : vector<16xi1>, vector<16xi32>
      %swap3A_1004 = arith.constant 1 : i32
      %swap3A_1005 = arith.index_cast %swap3A_1004 : i32 to index
      %swap3A_1006 = arith.index_cast %scan3A_807 : i32 to index
      %swap3A_1007 = arith.constant 160 : index
      %swap3A_1008 = tpu.vector_load %arg5[%swap3A_1005, %swap3A_1006, %swap3A_1007] {strides = array<i32>} : memref<2x100x256xi32, #tpu.memory_space<vmem>>, vector<1x1x16xi32>,
      %swap3A_1009 = vector.shape_cast %swap3A_1008 : vector<1x1x16xi32> to vector<16xi32>
      %swap3A_1010 = vector.shape_cast %select_n3A_1003 : vector<16xi32> to vector<1x1x16xi32>
      tpu.vector_store %arg5[%swap3A_1005, %swap3A_1006, %swap3A_1007], %swap3A_1010 {strides = array<i32>} : memref<2x100x256xi32, #tpu.memory_space<vmem>>, vector<1x1x16xi32>,
      %get3A_1011 = arith.constant 1 : i32
      %get3A_1012 = arith.index_cast %get3A_1011 : i32 to index
      %get3A_1013 = arith.index_cast %scan3A_807 : i32 to index
      %get3A_1014 = arith.constant 176 : index
      %get3A_1015 = tpu.vector_load %arg5[%get3A_1012, %get3A_1013, %get3A_1014] {strides = array<i32>} : memref<2x100x256xi32, #tpu.memory_space<vmem>>, vector<1x1x16xi32>,
      %get3A_1016 = vector.shape_cast %get3A_1015 : vector<1x1x16xi32> to vector<16xi32>
      %lt3A_1017 = arith.constant 0 : i32
      %lt3A_1018 = vector.broadcast %lt3A_1017 : i32 to vector<16xi32>
      %lt3A_1019 = arith.cmpi slt, %get3A_1016, %lt3A_1018 : vector<16xi32>
      %jit3A_1020 = arith.constant 1000000 : i32
      %broadcast_in_dim3A_1021 = vector.broadcast %jit3A_1020 : i32 to vector<16xi32>
      %select_n3A_1022 = arith.select %lt3A_1019, %broadcast_in_dim3A_1021, %get3A_1016 : vector<16xi1>, vector<16xi32>
      %swap3A_1023 = arith.constant 1 : i32
      %swap3A_1024 = arith.index_cast %swap3A_1023 : i32 to index
      %swap3A_1025 = arith.index_cast %scan3A_807 : i32 to index
      %swap3A_1026 = arith.constant 176 : index
      %swap3A_1027 = tpu.vector_load %arg5[%swap3A_1024, %swap3A_1025, %swap3A_1026] {strides = array<i32>} : memref<2x100x256xi32, #tpu.memory_space<vmem>>, vector<1x1x16xi32>,
      %swap3A_1028 = vector.shape_cast %swap3A_1027 : vector<1x1x16xi32> to vector<16xi32>
      %swap3A_1029 = vector.shape_cast %select_n3A_1022 : vector<16xi32> to vector<1x1x16xi32>
      tpu.vector_store %arg5[%swap3A_1024, %swap3A_1025, %swap3A_1026], %swap3A_1029 {strides = array<i32>} : memref<2x100x256xi32, #tpu.memory_space<vmem>>, vector<1x1x16xi32>,
      %get3A_1030 = arith.constant 1 : i32
      %get3A_1031 = arith.index_cast %get3A_1030 : i32 to index
      %get3A_1032 = arith.index_cast %scan3A_807 : i32 to index
      %get3A_1033 = arith.constant 192 : index
      %get3A_1034 = tpu.vector_load %arg5[%get3A_1031, %get3A_1032, %get3A_1033] {strides = array<i32>} : memref<2x100x256xi32, #tpu.memory_space<vmem>>, vector<1x1x16xi32>,
      %get3A_1035 = vector.shape_cast %get3A_1034 : vector<1x1x16xi32> to vector<16xi32>
      %lt3A_1036 = arith.constant 0 : i32
      %lt3A_1037 = vector.broadcast %lt3A_1036 : i32 to vector<16xi32>
      %lt3A_1038 = arith.cmpi slt, %get3A_1035, %lt3A_1037 : vector<16xi32>
      %jit3A_1039 = arith.constant 1000000 : i32
      %broadcast_in_dim3A_1040 = vector.broadcast %jit3A_1039 : i32 to vector<16xi32>
      %select_n3A_1041 = arith.select %lt3A_1038, %broadcast_in_dim3A_1040, %get3A_1035 : vector<16xi1>, vector<16xi32>
      %swap3A_1042 = arith.constant 1 : i32
      %swap3A_1043 = arith.index_cast %swap3A_1042 : i32 to index
      %swap3A_1044 = arith.index_cast %scan3A_807 : i32 to index
      %swap3A_1045 = arith.constant 192 : index
      %swap3A_1046 = tpu.vector_load %arg5[%swap3A_1043, %swap3A_1044, %swap3A_1045] {strides = array<i32>} : memref<2x100x256xi32, #tpu.memory_space<vmem>>, vector<1x1x16xi32>,
      %swap3A_1047 = vector.shape_cast %swap3A_1046 : vector<1x1x16xi32> to vector<16xi32>
      %swap3A_1048 = vector.shape_cast %select_n3A_1041 : vector<16xi32> to vector<1x1x16xi32>
      tpu.vector_store %arg5[%swap3A_1043, %swap3A_1044, %swap3A_1045], %swap3A_1048 {strides = array<i32>} : memref<2x100x256xi32, #tpu.memory_space<vmem>>, vector<1x1x16xi32>,
      %get3A_1049 = arith.constant 1 : i32
      %get3A_1050 = arith.index_cast %get3A_1049 : i32 to index
      %get3A_1051 = arith.index_cast %scan3A_807 : i32 to index
      %get3A_1052 = arith.constant 208 : index
      %get3A_1053 = tpu.vector_load %arg5[%get3A_1050, %get3A_1051, %get3A_1052] {strides = array<i32>} : memref<2x100x256xi32, #tpu.memory_space<vmem>>, vector<1x1x16xi32>,
      %get3A_1054 = vector.shape_cast %get3A_1053 : vector<1x1x16xi32> to vector<16xi32>
      %lt3A_1055 = arith.constant 0 : i32
      %lt3A_1056 = vector.broadcast %lt3A_1055 : i32 to vector<16xi32>
      %lt3A_1057 = arith.cmpi slt, %get3A_1054, %lt3A_1056 : vector<16xi32>
      %jit3A_1058 = arith.constant 1000000 : i32
      %broadcast_in_dim3A_1059 = vector.broadcast %jit3A_1058 : i32 to vector<16xi32>
      %select_n3A_1060 = arith.select %lt3A_1057, %broadcast_in_dim3A_1059, %get3A_1054 : vector<16xi1>, vector<16xi32>
      %swap3A_1061 = arith.constant 1 : i32
      %swap3A_1062 = arith.index_cast %swap3A_1061 : i32 to index
      %swap3A_1063 = arith.index_cast %scan3A_807 : i32 to index
      %swap3A_1064 = arith.constant 208 : index
      %swap3A_1065 = tpu.vector_load %arg5[%swap3A_1062, %swap3A_1063, %swap3A_1064] {strides = array<i32>} : memref<2x100x256xi32, #tpu.memory_space<vmem>>, vector<1x1x16xi32>,
      %swap3A_1066 = vector.shape_cast %swap3A_1065 : vector<1x1x16xi32> to vector<16xi32>
      %swap3A_1067 = vector.shape_cast %select_n3A_1060 : vector<16xi32> to vector<1x1x16xi32>
      tpu.vector_store %arg5[%swap3A_1062, %swap3A_1063, %swap3A_1064], %swap3A_1067 {strides = array<i32>} : memref<2x100x256xi32, #tpu.memory_space<vmem>>, vector<1x1x16xi32>,
      %get3A_1068 = arith.constant 1 : i32
      %get3A_1069 = arith.index_cast %get3A_1068 : i32 to index
      %get3A_1070 = arith.index_cast %scan3A_807 : i32 to index
      %get3A_1071 = arith.constant 224 : index
      %get3A_1072 = tpu.vector_load %arg5[%get3A_1069, %get3A_1070, %get3A_1071] {strides = array<i32>} : memref<2x100x256xi32, #tpu.memory_space<vmem>>, vector<1x1x16xi32>,
      %get3A_1073 = vector.shape_cast %get3A_1072 : vector<1x1x16xi32> to vector<16xi32>
      %lt3A_1074 = arith.constant 0 : i32
      %lt3A_1075 = vector.broadcast %lt3A_1074 : i32 to vector<16xi32>
      %lt3A_1076 = arith.cmpi slt, %get3A_1073, %lt3A_1075 : vector<16xi32>
      %jit3A_1077 = arith.constant 1000000 : i32
      %broadcast_in_dim3A_1078 = vector.broadcast %jit3A_1077 : i32 to vector<16xi32>
      %select_n3A_1079 = arith.select %lt3A_1076, %broadcast_in_dim3A_1078, %get3A_1073 : vector<16xi1>, vector<16xi32>
      %swap3A_1080 = arith.constant 1 : i32
      %swap3A_1081 = arith.index_cast %swap3A_1080 : i32 to index
      %swap3A_1082 = arith.index_cast %scan3A_807 : i32 to index
      %swap3A_1083 = arith.constant 224 : index
      %swap3A_1084 = tpu.vector_load %arg5[%swap3A_1081, %swap3A_1082, %swap3A_1083] {strides = array<i32>} : memref<2x100x256xi32, #tpu.memory_space<vmem>>, vector<1x1x16xi32>,
      %swap3A_1085 = vector.shape_cast %swap3A_1084 : vector<1x1x16xi32> to vector<16xi32>
      %swap3A_1086 = vector.shape_cast %select_n3A_1079 : vector<16xi32> to vector<1x1x16xi32>
      tpu.vector_store %arg5[%swap3A_1081, %swap3A_1082, %swap3A_1083], %swap3A_1086 {strides = array<i32>} : memref<2x100x256xi32, #tpu.memory_space<vmem>>, vector<1x1x16xi32>,
      %get3A_1087 = arith.constant 1 : i32
      %get3A_1088 = arith.index_cast %get3A_1087 : i32 to index
      %get3A_1089 = arith.index_cast %scan3A_807 : i32 to index
      %get3A_1090 = arith.constant 240 : index
      %get3A_1091 = tpu.vector_load %arg5[%get3A_1088, %get3A_1089, %get3A_1090] {strides = array<i32>} : memref<2x100x256xi32, #tpu.memory_space<vmem>>, vector<1x1x16xi32>,
      %get3A_1092 = vector.shape_cast %get3A_1091 : vector<1x1x16xi32> to vector<16xi32>
      %lt3A_1093 = arith.constant 0 : i32
      %lt3A_1094 = vector.broadcast %lt3A_1093 : i32 to vector<16xi32>
      %lt3A_1095 = arith.cmpi slt, %get3A_1092, %lt3A_1094 : vector<16xi32>
      %jit3A_1096 = arith.constant 1000000 : i32
      %broadcast_in_dim3A_1097 = vector.broadcast %jit3A_1096 : i32 to vector<16xi32>
      %select_n3A_1098 = arith.select %lt3A_1095, %broadcast_in_dim3A_1097, %get3A_1092 : vector<16xi1>, vector<16xi32>
      %swap3A_1099 = arith.constant 1 : i32
      %swap3A_1100 = arith.index_cast %swap3A_1099 : i32 to index
      %swap3A_1101 = arith.index_cast %scan3A_807 : i32 to index
      %swap3A_1102 = arith.constant 240 : index
      %swap3A_1103 = tpu.vector_load %arg5[%swap3A_1100, %swap3A_1101, %swap3A_1102] {strides = array<i32>} : memref<2x100x256xi32, #tpu.memory_space<vmem>>, vector<1x1x16xi32>,
      %swap3A_1104 = vector.shape_cast %swap3A_1103 : vector<1x1x16xi32> to vector<16xi32>
      %swap3A_1105 = vector.shape_cast %select_n3A_1098 : vector<16xi32> to vector<1x1x16xi32>
      tpu.vector_store %arg5[%swap3A_1100, %swap3A_1101, %swap3A_1102], %swap3A_1105 {strides = array<i32>} : memref<2x100x256xi32, #tpu.memory_space<vmem>>, vector<1x1x16xi32>,
    }
    %scan3A_412 = arith.constant 100 : i32
    %dma_start3A_413 = arith.constant 1 : i32
    %dma_start3A_414 = arith.constant 0 : i32
    %dma_start3A_415 = arith.constant 0 : i32
    %dma_start3A_416 = arith.constant 0 : i32
    %dma_start3A_417 = arith.constant 0 : i32
    %dma_start3A_418 = tpu.memref_slice %arg6[%dma_start3A_415, %dma_start3A_416, %dma_start3A_417] : memref<6x256x32xf32, #tpu.memory_space<vmem>> -> memref<1x128x32xf32, #tpu.memory_space<vmem>>
    %dma_start3A_419 = tpu.memref_squeeze %dma_start3A_418 : memref<1x128x32xf32, #tpu.memory_space<vmem>> -> memref<128x32xf32, #tpu.memory_space<vmem>>
    %dma_start3A_420 = arith.constant 0 : i32
    %dma_start3A_421 = tpu.memref_slice %arg5[%dma_start3A_413, %dma_start3A_414, %dma_start3A_420] : memref<2x100x256xi32, #tpu.memory_space<vmem>> -> memref<1x1x128xi32, #tpu.memory_space<vmem>>
    %dma_start3A_422 = tpu.memref_squeeze %dma_start3A_421 : memref<1x1x128xi32, #tpu.memory_space<vmem>> -> memref<128xi32, #tpu.memory_space<vmem>>
    %dma_start3A_423 = arith.constant 0 : i32
    %dma_start3A_424 = arith.constant 0 : i32
    %dma_start3A_425 = tpu.memref_slice %arg2[%dma_start3A_423, %dma_start3A_424] : memref<1000001x32xf32, #tpu.memory_space<hbm>> -> memref<1000001x32xf32, #tpu.memory_space<hbm>>
    tpu.enqueue_indirect_dma source(%dma_start3A_425 : memref<1000001x32xf32, #tpu.memory_space<hbm>>) target(%dma_start3A_419 : memref<128x32xf32, #tpu.memory_space<vmem>>) offsets(%dma_start3A_422 : memref<128xi32, #tpu.memory_space<vmem>>) semaphore(%arg7 : memref<!tpu.dma_semaphore, #tpu.memory_space<semaphore_mem>>)
    %dma_start3A_426 = arith.constant 1 : i32
    %dma_start3A_427 = arith.constant 0 : i32
    %dma_start3A_428 = arith.constant 0 : i32
    %dma_start3A_429 = arith.constant 128 : i32
    %dma_start3A_430 = arith.constant 0 : i32
    %dma_start3A_431 = tpu.memref_slice %arg6[%dma_start3A_428, %dma_start3A_429, %dma_start3A_430] : memref<6x256x32xf32, #tpu.memory_space<vmem>> -> memref<1x128x32xf32, #tpu.memory_space<vmem>>
    %dma_start3A_432 = tpu.memref_squeeze %dma_start3A_431 : memref<1x128x32xf32, #tpu.memory_space<vmem>> -> memref<128x32xf32, #tpu.memory_space<vmem>>
    %dma_start3A_433 = arith.constant 128 : i32
    %dma_start3A_434 = tpu.memref_slice %arg5[%dma_start3A_426, %dma_start3A_427, %dma_start3A_433] : memref<2x100x256xi32, #tpu.memory_space<vmem>> -> memref<1x1x128xi32, #tpu.memory_space<vmem>>
    %dma_start3A_435 = tpu.memref_squeeze %dma_start3A_434 : memref<1x1x128xi32, #tpu.memory_space<vmem>> -> memref<128xi32, #tpu.memory_space<vmem>>
    %dma_start3A_436 = arith.constant 0 : i32
    %dma_start3A_437 = arith.constant 0 : i32
    %dma_start3A_438 = tpu.memref_slice %arg2[%dma_start3A_436, %dma_start3A_437] : memref<1000001x32xf32, #tpu.memory_space<hbm>> -> memref<1000001x32xf32, #tpu.memory_space<hbm>>
    tpu.enqueue_indirect_dma source(%dma_start3A_438 : memref<1000001x32xf32, #tpu.memory_space<hbm>>) target(%dma_start3A_432 : memref<128x32xf32, #tpu.memory_space<vmem>>) offsets(%dma_start3A_435 : memref<128xi32, #tpu.memory_space<vmem>>) semaphore(%arg7 : memref<!tpu.dma_semaphore, #tpu.memory_space<semaphore_mem>>)
    %dma_start3A_439 = arith.constant 1 : i32
    %dma_start3A_440 = arith.constant 1 : i32
    %dma_start3A_441 = arith.constant 1 : i32
    %dma_start3A_442 = arith.constant 0 : i32
    %dma_start3A_443 = arith.constant 0 : i32
    %dma_start3A_444 = tpu.memref_slice %arg6[%dma_start3A_441, %dma_start3A_442, %dma_start3A_443] : memref<6x256x32xf32, #tpu.memory_space<vmem>> -> memref<1x128x32xf32, #tpu.memory_space<vmem>>
    %dma_start3A_445 = tpu.memref_squeeze %dma_start3A_444 : memref<1x128x32xf32, #tpu.memory_space<vmem>> -> memref<128x32xf32, #tpu.memory_space<vmem>>
    %dma_start3A_446 = arith.constant 0 : i32
    %dma_start3A_447 = tpu.memref_slice %arg5[%dma_start3A_439, %dma_start3A_440, %dma_start3A_446] : memref<2x100x256xi32, #tpu.memory_space<vmem>> -> memref<1x1x128xi32, #tpu.memory_space<vmem>>
    %dma_start3A_448 = tpu.memref_squeeze %dma_start3A_447 : memref<1x1x128xi32, #tpu.memory_space<vmem>> -> memref<128xi32, #tpu.memory_space<vmem>>
    %dma_start3A_449 = arith.constant 0 : i32
    %dma_start3A_450 = arith.constant 0 : i32
    %dma_start3A_451 = tpu.memref_slice %arg2[%dma_start3A_449, %dma_start3A_450] : memref<1000001x32xf32, #tpu.memory_space<hbm>> -> memref<1000001x32xf32, #tpu.memory_space<hbm>>
    tpu.enqueue_indirect_dma source(%dma_start3A_451 : memref<1000001x32xf32, #tpu.memory_space<hbm>>) target(%dma_start3A_445 : memref<128x32xf32, #tpu.memory_space<vmem>>) offsets(%dma_start3A_448 : memref<128xi32, #tpu.memory_space<vmem>>) semaphore(%arg8 : memref<!tpu.dma_semaphore, #tpu.memory_space<semaphore_mem>>)
    %dma_start3A_452 = arith.constant 1 : i32
    %dma_start3A_453 = arith.constant 1 : i32
    %dma_start3A_454 = arith.constant 1 : i32
    %dma_start3A_455 = arith.constant 128 : i32
    %dma_start3A_456 = arith.constant 0 : i32
    %dma_start3A_457 = tpu.memref_slice %arg6[%dma_start3A_454, %dma_start3A_455, %dma_start3A_456] : memref<6x256x32xf32, #tpu.memory_space<vmem>> -> memref<1x128x32xf32, #tpu.memory_space<vmem>>
    %dma_start3A_458 = tpu.memref_squeeze %dma_start3A_457 : memref<1x128x32xf32, #tpu.memory_space<vmem>> -> memref<128x32xf32, #tpu.memory_space<vmem>>
    %dma_start3A_459 = arith.constant 128 : i32
    %dma_start3A_460 = tpu.memref_slice %arg5[%dma_start3A_452, %dma_start3A_453, %dma_start3A_459] : memref<2x100x256xi32, #tpu.memory_space<vmem>> -> memref<1x1x128xi32, #tpu.memory_space<vmem>>
    %dma_start3A_461 = tpu.memref_squeeze %dma_start3A_460 : memref<1x1x128xi32, #tpu.memory_space<vmem>> -> memref<128xi32, #tpu.memory_space<vmem>>
    %dma_start3A_462 = arith.constant 0 : i32
    %dma_start3A_463 = arith.constant 0 : i32
    %dma_start3A_464 = tpu.memref_slice %arg2[%dma_start3A_462, %dma_start3A_463] : memref<1000001x32xf32, #tpu.memory_space<hbm>> -> memref<1000001x32xf32, #tpu.memory_space<hbm>>
    tpu.enqueue_indirect_dma source(%dma_start3A_464 : memref<1000001x32xf32, #tpu.memory_space<hbm>>) target(%dma_start3A_458 : memref<128x32xf32, #tpu.memory_space<vmem>>) offsets(%dma_start3A_461 : memref<128xi32, #tpu.memory_space<vmem>>) semaphore(%arg8 : memref<!tpu.dma_semaphore, #tpu.memory_space<semaphore_mem>>)
    %dma_start3A_465 = arith.constant 1 : i32
    %dma_start3A_466 = arith.constant 2 : i32
    %dma_start3A_467 = arith.constant 2 : i32
    %dma_start3A_468 = arith.constant 0 : i32
    %dma_start3A_469 = arith.constant 0 : i32
    %dma_start3A_470 = tpu.memref_slice %arg6[%dma_start3A_467, %dma_start3A_468, %dma_start3A_469] : memref<6x256x32xf32, #tpu.memory_space<vmem>> -> memref<1x128x32xf32, #tpu.memory_space<vmem>>
    %dma_start3A_471 = tpu.memref_squeeze %dma_start3A_470 : memref<1x128x32xf32, #tpu.memory_space<vmem>> -> memref<128x32xf32, #tpu.memory_space<vmem>>
    %dma_start3A_472 = arith.constant 0 : i32
    %dma_start3A_473 = tpu.memref_slice %arg5[%dma_start3A_465, %dma_start3A_466, %dma_start3A_472] : memref<2x100x256xi32, #tpu.memory_space<vmem>> -> memref<1x1x128xi32, #tpu.memory_space<vmem>>
    %dma_start3A_474 = tpu.memref_squeeze %dma_start3A_473 : memref<1x1x128xi32, #tpu.memory_space<vmem>> -> memref<128xi32, #tpu.memory_space<vmem>>
    %dma_start3A_475 = arith.constant 0 : i32
    %dma_start3A_476 = arith.constant 0 : i32
    %dma_start3A_477 = tpu.memref_slice %arg2[%dma_start3A_475, %dma_start3A_476] : memref<1000001x32xf32, #tpu.memory_space<hbm>> -> memref<1000001x32xf32, #tpu.memory_space<hbm>>
    tpu.enqueue_indirect_dma source(%dma_start3A_477 : memref<1000001x32xf32, #tpu.memory_space<hbm>>) target(%dma_start3A_471 : memref<128x32xf32, #tpu.memory_space<vmem>>) offsets(%dma_start3A_474 : memref<128xi32, #tpu.memory_space<vmem>>) semaphore(%arg9 : memref<!tpu.dma_semaphore, #tpu.memory_space<semaphore_mem>>)
    %dma_start3A_478 = arith.constant 1 : i32
    %dma_start3A_479 = arith.constant 2 : i32
    %dma_start3A_480 = arith.constant 2 : i32
    %dma_start3A_481 = arith.constant 128 : i32
    %dma_start3A_482 = arith.constant 0 : i32
    %dma_start3A_483 = tpu.memref_slice %arg6[%dma_start3A_480, %dma_start3A_481, %dma_start3A_482] : memref<6x256x32xf32, #tpu.memory_space<vmem>> -> memref<1x128x32xf32, #tpu.memory_space<vmem>>
    %dma_start3A_484 = tpu.memref_squeeze %dma_start3A_483 : memref<1x128x32xf32, #tpu.memory_space<vmem>> -> memref<128x32xf32, #tpu.memory_space<vmem>>
    %dma_start3A_485 = arith.constant 128 : i32
    %dma_start3A_486 = tpu.memref_slice %arg5[%dma_start3A_478, %dma_start3A_479, %dma_start3A_485] : memref<2x100x256xi32, #tpu.memory_space<vmem>> -> memref<1x1x128xi32, #tpu.memory_space<vmem>>
    %dma_start3A_487 = tpu.memref_squeeze %dma_start3A_486 : memref<1x1x128xi32, #tpu.memory_space<vmem>> -> memref<128xi32, #tpu.memory_space<vmem>>
    %dma_start3A_488 = arith.constant 0 : i32
    %dma_start3A_489 = arith.constant 0 : i32
    %dma_start3A_490 = tpu.memref_slice %arg2[%dma_start3A_488, %dma_start3A_489] : memref<1000001x32xf32, #tpu.memory_space<hbm>> -> memref<1000001x32xf32, #tpu.memory_space<hbm>>
    tpu.enqueue_indirect_dma source(%dma_start3A_490 : memref<1000001x32xf32, #tpu.memory_space<hbm>>) target(%dma_start3A_484 : memref<128x32xf32, #tpu.memory_space<vmem>>) offsets(%dma_start3A_487 : memref<128xi32, #tpu.memory_space<vmem>>) semaphore(%arg9 : memref<!tpu.dma_semaphore, #tpu.memory_space<semaphore_mem>>)
    %dma_wait3A_491 = arith.constant 1 : i32
    %dma_wait3A_492 = arith.constant 0 : i32
    %dma_wait3A_493 = arith.constant 0 : i32
    %dma_wait3A_494 = arith.constant 0 : i32
    %dma_wait3A_495 = arith.constant 0 : i32
    %dma_wait3A_496 = tpu.memref_slice %arg6[%dma_wait3A_493, %dma_wait3A_494, %dma_wait3A_495] : memref<6x256x32xf32, #tpu.memory_space<vmem>> -> memref<1x128x32xf32, #tpu.memory_space<vmem>>
    %dma_wait3A_497 = tpu.memref_squeeze %dma_wait3A_496 : memref<1x128x32xf32, #tpu.memory_space<vmem>> -> memref<128x32xf32, #tpu.memory_space<vmem>>
    %dma_wait3A_498 = arith.constant 0 : i32
    %dma_wait3A_499 = tpu.memref_slice %arg5[%dma_wait3A_491, %dma_wait3A_492, %dma_wait3A_498] : memref<2x100x256xi32, #tpu.memory_space<vmem>> -> memref<1x1x128xi32, #tpu.memory_space<vmem>>
    %dma_wait3A_500 = tpu.memref_squeeze %dma_wait3A_499 : memref<1x1x128xi32, #tpu.memory_space<vmem>> -> memref<128xi32, #tpu.memory_space<vmem>>
    %dma_wait3A_501 = arith.constant 0 : i32
    %dma_wait3A_502 = arith.constant 0 : i32
    %dma_wait3A_503 = tpu.memref_slice %arg2[%dma_wait3A_501, %dma_wait3A_502] : memref<1000001x32xf32, #tpu.memory_space<hbm>> -> memref<1000001x32xf32, #tpu.memory_space<hbm>>
    tpu.wait_indirect_dma semaphore(%arg7 : memref<!tpu.dma_semaphore, #tpu.memory_space<semaphore_mem>>) src(%dma_wait3A_503 : memref<1000001x32xf32, #tpu.memory_space<hbm>>) dst(%dma_wait3A_497 : memref<128x32xf32, #tpu.memory_space<vmem>>)
    %dma_wait3A_504 = arith.constant 1 : i32
    %dma_wait3A_505 = arith.constant 0 : i32
    %dma_wait3A_506 = arith.constant 0 : i32
    %dma_wait3A_507 = arith.constant 128 : i32
    %dma_wait3A_508 = arith.constant 0 : i32
    %dma_wait3A_509 = tpu.memref_slice %arg6[%dma_wait3A_506, %dma_wait3A_507, %dma_wait3A_508] : memref<6x256x32xf32, #tpu.memory_space<vmem>> -> memref<1x128x32xf32, #tpu.memory_space<vmem>>
    %dma_wait3A_510 = tpu.memref_squeeze %dma_wait3A_509 : memref<1x128x32xf32, #tpu.memory_space<vmem>> -> memref<128x32xf32, #tpu.memory_space<vmem>>
    %dma_wait3A_511 = arith.constant 128 : i32
    %dma_wait3A_512 = tpu.memref_slice %arg5[%dma_wait3A_504, %dma_wait3A_505, %dma_wait3A_511] : memref<2x100x256xi32, #tpu.memory_space<vmem>> -> memref<1x1x128xi32, #tpu.memory_space<vmem>>
    %dma_wait3A_513 = tpu.memref_squeeze %dma_wait3A_512 : memref<1x1x128xi32, #tpu.memory_space<vmem>> -> memref<128xi32, #tpu.memory_space<vmem>>
    %dma_wait3A_514 = arith.constant 0 : i32
    %dma_wait3A_515 = arith.constant 0 : i32
    %dma_wait3A_516 = tpu.memref_slice %arg2[%dma_wait3A_514, %dma_wait3A_515] : memref<1000001x32xf32, #tpu.memory_space<hbm>> -> memref<1000001x32xf32, #tpu.memory_space<hbm>>
    tpu.wait_indirect_dma semaphore(%arg7 : memref<!tpu.dma_semaphore, #tpu.memory_space<semaphore_mem>>) src(%dma_wait3A_516 : memref<1000001x32xf32, #tpu.memory_space<hbm>>) dst(%dma_wait3A_510 : memref<128x32xf32, #tpu.memory_space<vmem>>)
    %dma_start3A_517 = arith.constant 0 : i32
    %dma_start3A_518 = arith.constant 0 : i32
    %dma_start3A_519 = arith.constant 0 : i32
    %dma_start3A_520 = arith.constant 0 : i32
    %dma_start3A_521 = tpu.memref_slice %arg6[%dma_start3A_517, %dma_start3A_519, %dma_start3A_520] : memref<6x256x32xf32, #tpu.memory_space<vmem>> -> memref<1x256x32xf32, #tpu.memory_space<vmem>>
    %dma_start3A_522 = tpu.memref_squeeze %dma_start3A_521 : memref<1x256x32xf32, #tpu.memory_space<vmem>> -> memref<256x32xf32, #tpu.memory_space<vmem>>
    %dma_start3A_523 = arith.constant 0 : i32
    %dma_start3A_524 = tpu.memref_slice %arg4[%dma_start3A_518, %add3A_405, %dma_start3A_523] : memref<100x16384x32xf32, #tpu.memory_space<hbm>> -> memref<1x256x32xf32, #tpu.memory_space<hbm>>
    %dma_start3A_525 = tpu.memref_squeeze %dma_start3A_524 : memref<1x256x32xf32, #tpu.memory_space<hbm>> -> memref<256x32xf32, #tpu.memory_space<hbm>>
    %dma_start3A_526 = arith.constant 0 : i32
    %dma_start3A_527 = tpu.memref_slice %arg4[%dma_start3A_518, %add3A_405, %dma_start3A_526] : memref<100x16384x32xf32, #tpu.memory_space<hbm>> -> memref<1x256x32xf32, #tpu.memory_space<hbm>>
    %dma_start3A_528 = tpu.memref_squeeze %dma_start3A_527 : memref<1x256x32xf32, #tpu.memory_space<hbm>> -> memref<256x32xf32, #tpu.memory_space<hbm>>
    %dma_start3A_529 = arith.constant 0 : i32
    %dma_start3A_530 = arith.constant 0 : i32
    %dma_start3A_531 = tpu.memref_slice %arg6[%dma_start3A_517, %dma_start3A_529, %dma_start3A_530] : memref<6x256x32xf32, #tpu.memory_space<vmem>> -> memref<1x256x32xf32, #tpu.memory_space<vmem>>
    %dma_start3A_532 = tpu.memref_squeeze %dma_start3A_531 : memref<1x256x32xf32, #tpu.memory_space<vmem>> -> memref<256x32xf32, #tpu.memory_space<vmem>>
    tpu.enqueue_dma source(%dma_start3A_532 : memref<256x32xf32, #tpu.memory_space<vmem>>) target(%dma_start3A_528 : memref<256x32xf32, #tpu.memory_space<hbm>>) target_semaphore(%arg13 : memref<!tpu.dma_semaphore, #tpu.memory_space<semaphore_mem>>)
    %dma_start3A_533 = arith.constant 1 : i32
    %dma_start3A_534 = arith.constant 3 : i32
    %dma_start3A_535 = arith.constant 3 : i32
    %dma_start3A_536 = arith.constant 0 : i32
    %dma_start3A_537 = arith.constant 0 : i32
    %dma_start3A_538 = tpu.memref_slice %arg6[%dma_start3A_535, %dma_start3A_536, %dma_start3A_537] : memref<6x256x32xf32, #tpu.memory_space<vmem>> -> memref<1x128x32xf32, #tpu.memory_space<vmem>>
    %dma_start3A_539 = tpu.memref_squeeze %dma_start3A_538 : memref<1x128x32xf32, #tpu.memory_space<vmem>> -> memref<128x32xf32, #tpu.memory_space<vmem>>
    %dma_start3A_540 = arith.constant 0 : i32
    %dma_start3A_541 = tpu.memref_slice %arg5[%dma_start3A_533, %dma_start3A_534, %dma_start3A_540] : memref<2x100x256xi32, #tpu.memory_space<vmem>> -> memref<1x1x128xi32, #tpu.memory_space<vmem>>
    %dma_start3A_542 = tpu.memref_squeeze %dma_start3A_541 : memref<1x1x128xi32, #tpu.memory_space<vmem>> -> memref<128xi32, #tpu.memory_space<vmem>>
    %dma_start3A_543 = arith.constant 0 : i32
    %dma_start3A_544 = arith.constant 0 : i32
    %dma_start3A_545 = tpu.memref_slice %arg2[%dma_start3A_543, %dma_start3A_544] : memref<1000001x32xf32, #tpu.memory_space<hbm>> -> memref<1000001x32xf32, #tpu.memory_space<hbm>>
    tpu.enqueue_indirect_dma source(%dma_start3A_545 : memref<1000001x32xf32, #tpu.memory_space<hbm>>) target(%dma_start3A_539 : memref<128x32xf32, #tpu.memory_space<vmem>>) offsets(%dma_start3A_542 : memref<128xi32, #tpu.memory_space<vmem>>) semaphore(%arg10 : memref<!tpu.dma_semaphore, #tpu.memory_space<semaphore_mem>>)
    %dma_start3A_546 = arith.constant 1 : i32
    %dma_start3A_547 = arith.constant 3 : i32
    %dma_start3A_548 = arith.constant 3 : i32
    %dma_start3A_549 = arith.constant 128 : i32
    %dma_start3A_550 = arith.constant 0 : i32
    %dma_start3A_551 = tpu.memref_slice %arg6[%dma_start3A_548, %dma_start3A_549, %dma_start3A_550] : memref<6x256x32xf32, #tpu.memory_space<vmem>> -> memref<1x128x32xf32, #tpu.memory_space<vmem>>
    %dma_start3A_552 = tpu.memref_squeeze %dma_start3A_551 : memref<1x128x32xf32, #tpu.memory_space<vmem>> -> memref<128x32xf32, #tpu.memory_space<vmem>>
    %dma_start3A_553 = arith.constant 128 : i32
    %dma_start3A_554 = tpu.memref_slice %arg5[%dma_start3A_546, %dma_start3A_547, %dma_start3A_553] : memref<2x100x256xi32, #tpu.memory_space<vmem>> -> memref<1x1x128xi32, #tpu.memory_space<vmem>>
    %dma_start3A_555 = tpu.memref_squeeze %dma_start3A_554 : memref<1x1x128xi32, #tpu.memory_space<vmem>> -> memref<128xi32, #tpu.memory_space<vmem>>
    %dma_start3A_556 = arith.constant 0 : i32
    %dma_start3A_557 = arith.constant 0 : i32
    %dma_start3A_558 = tpu.memref_slice %arg2[%dma_start3A_556, %dma_start3A_557] : memref<1000001x32xf32, #tpu.memory_space<hbm>> -> memref<1000001x32xf32, #tpu.memory_space<hbm>>
    tpu.enqueue_indirect_dma source(%dma_start3A_558 : memref<1000001x32xf32, #tpu.memory_space<hbm>>) target(%dma_start3A_552 : memref<128x32xf32, #tpu.memory_space<vmem>>) offsets(%dma_start3A_555 : memref<128xi32, #tpu.memory_space<vmem>>) semaphore(%arg10 : memref<!tpu.dma_semaphore, #tpu.memory_space<semaphore_mem>>)
    %dma_wait3A_559 = arith.constant 1 : i32
    %dma_wait3A_560 = arith.constant 1 : i32
    %dma_wait3A_561 = arith.constant 1 : i32
    %dma_wait3A_562 = arith.constant 0 : i32
    %dma_wait3A_563 = arith.constant 0 : i32
    %dma_wait3A_564 = tpu.memref_slice %arg6[%dma_wait3A_561, %dma_wait3A_562, %dma_wait3A_563] : memref<6x256x32xf32, #tpu.memory_space<vmem>> -> memref<1x128x32xf32, #tpu.memory_space<vmem>>
    %dma_wait3A_565 = tpu.memref_squeeze %dma_wait3A_564 : memref<1x128x32xf32, #tpu.memory_space<vmem>> -> memref<128x32xf32, #tpu.memory_space<vmem>>
    %dma_wait3A_566 = arith.constant 0 : i32
    %dma_wait3A_567 = tpu.memref_slice %arg5[%dma_wait3A_559, %dma_wait3A_560, %dma_wait3A_566] : memref<2x100x256xi32, #tpu.memory_space<vmem>> -> memref<1x1x128xi32, #tpu.memory_space<vmem>>
    %dma_wait3A_568 = tpu.memref_squeeze %dma_wait3A_567 : memref<1x1x128xi32, #tpu.memory_space<vmem>> -> memref<128xi32, #tpu.memory_space<vmem>>
    %dma_wait3A_569 = arith.constant 0 : i32
    %dma_wait3A_570 = arith.constant 0 : i32
    %dma_wait3A_571 = tpu.memref_slice %arg2[%dma_wait3A_569, %dma_wait3A_570] : memref<1000001x32xf32, #tpu.memory_space<hbm>> -> memref<1000001x32xf32, #tpu.memory_space<hbm>>
    tpu.wait_indirect_dma semaphore(%arg8 : memref<!tpu.dma_semaphore, #tpu.memory_space<semaphore_mem>>) src(%dma_wait3A_571 : memref<1000001x32xf32, #tpu.memory_space<hbm>>) dst(%dma_wait3A_565 : memref<128x32xf32, #tpu.memory_space<vmem>>)
    %dma_wait3A_572 = arith.constant 1 : i32
    %dma_wait3A_573 = arith.constant 1 : i32
    %dma_wait3A_574 = arith.constant 1 : i32
    %dma_wait3A_575 = arith.constant 128 : i32
    %dma_wait3A_576 = arith.constant 0 : i32
    %dma_wait3A_577 = tpu.memref_slice %arg6[%dma_wait3A_574, %dma_wait3A_575, %dma_wait3A_576] : memref<6x256x32xf32, #tpu.memory_space<vmem>> -> memref<1x128x32xf32, #tpu.memory_space<vmem>>
    %dma_wait3A_578 = tpu.memref_squeeze %dma_wait3A_577 : memref<1x128x32xf32, #tpu.memory_space<vmem>> -> memref<128x32xf32, #tpu.memory_space<vmem>>
    %dma_wait3A_579 = arith.constant 128 : i32
    %dma_wait3A_580 = tpu.memref_slice %arg5[%dma_wait3A_572, %dma_wait3A_573, %dma_wait3A_579] : memref<2x100x256xi32, #tpu.memory_space<vmem>> -> memref<1x1x128xi32, #tpu.memory_space<vmem>>
    %dma_wait3A_581 = tpu.memref_squeeze %dma_wait3A_580 : memref<1x1x128xi32, #tpu.memory_space<vmem>> -> memref<128xi32, #tpu.memory_space<vmem>>
    %dma_wait3A_582 = arith.constant 0 : i32
    %dma_wait3A_583 = arith.constant 0 : i32
    %dma_wait3A_584 = tpu.memref_slice %arg2[%dma_wait3A_582, %dma_wait3A_583] : memref<1000001x32xf32, #tpu.memory_space<hbm>> -> memref<1000001x32xf32, #tpu.memory_space<hbm>>
    tpu.wait_indirect_dma semaphore(%arg8 : memref<!tpu.dma_semaphore, #tpu.memory_space<semaphore_mem>>) src(%dma_wait3A_584 : memref<1000001x32xf32, #tpu.memory_space<hbm>>) dst(%dma_wait3A_578 : memref<128x32xf32, #tpu.memory_space<vmem>>)
    %dma_start3A_585 = arith.constant 1 : i32
    %dma_start3A_586 = arith.constant 1 : i32
    %dma_start3A_587 = arith.constant 0 : i32
    %dma_start3A_588 = arith.constant 0 : i32
    %dma_start3A_589 = tpu.memref_slice %arg6[%dma_start3A_585, %dma_start3A_587, %dma_start3A_588] : memref<6x256x32xf32, #tpu.memory_space<vmem>> -> memref<1x256x32xf32, #tpu.memory_space<vmem>>
    %dma_start3A_590 = tpu.memref_squeeze %dma_start3A_589 : memref<1x256x32xf32, #tpu.memory_space<vmem>> -> memref<256x32xf32, #tpu.memory_space<vmem>>
    %dma_start3A_591 = arith.constant 0 : i32
    %dma_start3A_592 = tpu.memref_slice %arg4[%dma_start3A_586, %add3A_405, %dma_start3A_591] : memref<100x16384x32xf32, #tpu.memory_space<hbm>> -> memref<1x256x32xf32, #tpu.memory_space<hbm>>
    %dma_start3A_593 = tpu.memref_squeeze %dma_start3A_592 : memref<1x256x32xf32, #tpu.memory_space<hbm>> -> memref<256x32xf32, #tpu.memory_space<hbm>>
    %dma_start3A_594 = arith.constant 0 : i32
    %dma_start3A_595 = tpu.memref_slice %arg4[%dma_start3A_586, %add3A_405, %dma_start3A_594] : memref<100x16384x32xf32, #tpu.memory_space<hbm>> -> memref<1x256x32xf32, #tpu.memory_space<hbm>>
    %dma_start3A_596 = tpu.memref_squeeze %dma_start3A_595 : memref<1x256x32xf32, #tpu.memory_space<hbm>> -> memref<256x32xf32, #tpu.memory_space<hbm>>
    %dma_start3A_597 = arith.constant 0 : i32
    %dma_start3A_598 = arith.constant 0 : i32
    %dma_start3A_599 = tpu.memref_slice %arg6[%dma_start3A_585, %dma_start3A_597, %dma_start3A_598] : memref<6x256x32xf32, #tpu.memory_space<vmem>> -> memref<1x256x32xf32, #tpu.memory_space<vmem>>
    %dma_start3A_600 = tpu.memref_squeeze %dma_start3A_599 : memref<1x256x32xf32, #tpu.memory_space<vmem>> -> memref<256x32xf32, #tpu.memory_space<vmem>>
    tpu.enqueue_dma source(%dma_start3A_600 : memref<256x32xf32, #tpu.memory_space<vmem>>) target(%dma_start3A_596 : memref<256x32xf32, #tpu.memory_space<hbm>>) target_semaphore(%arg14 : memref<!tpu.dma_semaphore, #tpu.memory_space<semaphore_mem>>)
    %dma_start3A_601 = arith.constant 1 : i32
    %dma_start3A_602 = arith.constant 4 : i32
    %dma_start3A_603 = arith.constant 4 : i32
    %dma_start3A_604 = arith.constant 0 : i32
    %dma_start3A_605 = arith.constant 0 : i32
    %dma_start3A_606 = tpu.memref_slice %arg6[%dma_start3A_603, %dma_start3A_604, %dma_start3A_605] : memref<6x256x32xf32, #tpu.memory_space<vmem>> -> memref<1x128x32xf32, #tpu.memory_space<vmem>>
    %dma_start3A_607 = tpu.memref_squeeze %dma_start3A_606 : memref<1x128x32xf32, #tpu.memory_space<vmem>> -> memref<128x32xf32, #tpu.memory_space<vmem>>
    %dma_start3A_608 = arith.constant 0 : i32
    %dma_start3A_609 = tpu.memref_slice %arg5[%dma_start3A_601, %dma_start3A_602, %dma_start3A_608] : memref<2x100x256xi32, #tpu.memory_space<vmem>> -> memref<1x1x128xi32, #tpu.memory_space<vmem>>
    %dma_start3A_610 = tpu.memref_squeeze %dma_start3A_609 : memref<1x1x128xi32, #tpu.memory_space<vmem>> -> memref<128xi32, #tpu.memory_space<vmem>>
    %dma_start3A_611 = arith.constant 0 : i32
    %dma_start3A_612 = arith.constant 0 : i32
    %dma_start3A_613 = tpu.memref_slice %arg2[%dma_start3A_611, %dma_start3A_612] : memref<1000001x32xf32, #tpu.memory_space<hbm>> -> memref<1000001x32xf32, #tpu.memory_space<hbm>>
    tpu.enqueue_indirect_dma source(%dma_start3A_613 : memref<1000001x32xf32, #tpu.memory_space<hbm>>) target(%dma_start3A_607 : memref<128x32xf32, #tpu.memory_space<vmem>>) offsets(%dma_start3A_610 : memref<128xi32, #tpu.memory_space<vmem>>) semaphore(%arg11 : memref<!tpu.dma_semaphore, #tpu.memory_space<semaphore_mem>>)
    %dma_start3A_614 = arith.constant 1 : i32
    %dma_start3A_615 = arith.constant 4 : i32
    %dma_start3A_616 = arith.constant 4 : i32
    %dma_start3A_617 = arith.constant 128 : i32
    %dma_start3A_618 = arith.constant 0 : i32
    %dma_start3A_619 = tpu.memref_slice %arg6[%dma_start3A_616, %dma_start3A_617, %dma_start3A_618] : memref<6x256x32xf32, #tpu.memory_space<vmem>> -> memref<1x128x32xf32, #tpu.memory_space<vmem>>
    %dma_start3A_620 = tpu.memref_squeeze %dma_start3A_619 : memref<1x128x32xf32, #tpu.memory_space<vmem>> -> memref<128x32xf32, #tpu.memory_space<vmem>>
    %dma_start3A_621 = arith.constant 128 : i32
    %dma_start3A_622 = tpu.memref_slice %arg5[%dma_start3A_614, %dma_start3A_615, %dma_start3A_621] : memref<2x100x256xi32, #tpu.memory_space<vmem>> -> memref<1x1x128xi32, #tpu.memory_space<vmem>>
    %dma_start3A_623 = tpu.memref_squeeze %dma_start3A_622 : memref<1x1x128xi32, #tpu.memory_space<vmem>> -> memref<128xi32, #tpu.memory_space<vmem>>
    %dma_start3A_624 = arith.constant 0 : i32
    %dma_start3A_625 = arith.constant 0 : i32
    %dma_start3A_626 = tpu.memref_slice %arg2[%dma_start3A_624, %dma_start3A_625] : memref<1000001x32xf32, #tpu.memory_space<hbm>> -> memref<1000001x32xf32, #tpu.memory_space<hbm>>
    tpu.enqueue_indirect_dma source(%dma_start3A_626 : memref<1000001x32xf32, #tpu.memory_space<hbm>>) target(%dma_start3A_620 : memref<128x32xf32, #tpu.memory_space<vmem>>) offsets(%dma_start3A_623 : memref<128xi32, #tpu.memory_space<vmem>>) semaphore(%arg11 : memref<!tpu.dma_semaphore, #tpu.memory_space<semaphore_mem>>)
    %dma_wait3A_627 = arith.constant 1 : i32
    %dma_wait3A_628 = arith.constant 2 : i32
    %dma_wait3A_629 = arith.constant 2 : i32
    %dma_wait3A_630 = arith.constant 0 : i32
    %dma_wait3A_631 = arith.constant 0 : i32
    %dma_wait3A_632 = tpu.memref_slice %arg6[%dma_wait3A_629, %dma_wait3A_630, %dma_wait3A_631] : memref<6x256x32xf32, #tpu.memory_space<vmem>> -> memref<1x128x32xf32, #tpu.memory_space<vmem>>
    %dma_wait3A_633 = tpu.memref_squeeze %dma_wait3A_632 : memref<1x128x32xf32, #tpu.memory_space<vmem>> -> memref<128x32xf32, #tpu.memory_space<vmem>>
    %dma_wait3A_634 = arith.constant 0 : i32
    %dma_wait3A_635 = tpu.memref_slice %arg5[%dma_wait3A_627, %dma_wait3A_628, %dma_wait3A_634] : memref<2x100x256xi32, #tpu.memory_space<vmem>> -> memref<1x1x128xi32, #tpu.memory_space<vmem>>
    %dma_wait3A_636 = tpu.memref_squeeze %dma_wait3A_635 : memref<1x1x128xi32, #tpu.memory_space<vmem>> -> memref<128xi32, #tpu.memory_space<vmem>>
    %dma_wait3A_637 = arith.constant 0 : i32
    %dma_wait3A_638 = arith.constant 0 : i32
    %dma_wait3A_639 = tpu.memref_slice %arg2[%dma_wait3A_637, %dma_wait3A_638] : memref<1000001x32xf32, #tpu.memory_space<hbm>> -> memref<1000001x32xf32, #tpu.memory_space<hbm>>
    tpu.wait_indirect_dma semaphore(%arg9 : memref<!tpu.dma_semaphore, #tpu.memory_space<semaphore_mem>>) src(%dma_wait3A_639 : memref<1000001x32xf32, #tpu.memory_space<hbm>>) dst(%dma_wait3A_633 : memref<128x32xf32, #tpu.memory_space<vmem>>)
    %dma_wait3A_640 = arith.constant 1 : i32
    %dma_wait3A_641 = arith.constant 2 : i32
    %dma_wait3A_642 = arith.constant 2 : i32
    %dma_wait3A_643 = arith.constant 128 : i32
    %dma_wait3A_644 = arith.constant 0 : i32
    %dma_wait3A_645 = tpu.memref_slice %arg6[%dma_wait3A_642, %dma_wait3A_643, %dma_wait3A_644] : memref<6x256x32xf32, #tpu.memory_space<vmem>> -> memref<1x128x32xf32, #tpu.memory_space<vmem>>
    %dma_wait3A_646 = tpu.memref_squeeze %dma_wait3A_645 : memref<1x128x32xf32, #tpu.memory_space<vmem>> -> memref<128x32xf32, #tpu.memory_space<vmem>>
    %dma_wait3A_647 = arith.constant 128 : i32
    %dma_wait3A_648 = tpu.memref_slice %arg5[%dma_wait3A_640, %dma_wait3A_641, %dma_wait3A_647] : memref<2x100x256xi32, #tpu.memory_space<vmem>> -> memref<1x1x128xi32, #tpu.memory_space<vmem>>
    %dma_wait3A_649 = tpu.memref_squeeze %dma_wait3A_648 : memref<1x1x128xi32, #tpu.memory_space<vmem>> -> memref<128xi32, #tpu.memory_space<vmem>>
    %dma_wait3A_650 = arith.constant 0 : i32
    %dma_wait3A_651 = arith.constant 0 : i32
    %dma_wait3A_652 = tpu.memref_slice %arg2[%dma_wait3A_650, %dma_wait3A_651] : memref<1000001x32xf32, #tpu.memory_space<hbm>> -> memref<1000001x32xf32, #tpu.memory_space<hbm>>
    tpu.wait_indirect_dma semaphore(%arg9 : memref<!tpu.dma_semaphore, #tpu.memory_space<semaphore_mem>>) src(%dma_wait3A_652 : memref<1000001x32xf32, #tpu.memory_space<hbm>>) dst(%dma_wait3A_646 : memref<128x32xf32, #tpu.memory_space<vmem>>)
    %dma_start3A_653 = arith.constant 2 : i32
    %dma_start3A_654 = arith.constant 2 : i32
    %dma_start3A_655 = arith.constant 0 : i32
    %dma_start3A_656 = arith.constant 0 : i32
    %dma_start3A_657 = tpu.memref_slice %arg6[%dma_start3A_653, %dma_start3A_655, %dma_start3A_656] : memref<6x256x32xf32, #tpu.memory_space<vmem>> -> memref<1x256x32xf32, #tpu.memory_space<vmem>>
    %dma_start3A_658 = tpu.memref_squeeze %dma_start3A_657 : memref<1x256x32xf32, #tpu.memory_space<vmem>> -> memref<256x32xf32, #tpu.memory_space<vmem>>
    %dma_start3A_659 = arith.constant 0 : i32
    %dma_start3A_660 = tpu.memref_slice %arg4[%dma_start3A_654, %add3A_405, %dma_start3A_659] : memref<100x16384x32xf32, #tpu.memory_space<hbm>> -> memref<1x256x32xf32, #tpu.memory_space<hbm>>
    %dma_start3A_661 = tpu.memref_squeeze %dma_start3A_660 : memref<1x256x32xf32, #tpu.memory_space<hbm>> -> memref<256x32xf32, #tpu.memory_space<hbm>>
    %dma_start3A_662 = arith.constant 0 : i32
    %dma_start3A_663 = tpu.memref_slice %arg4[%dma_start3A_654, %add3A_405, %dma_start3A_662] : memref<100x16384x32xf32, #tpu.memory_space<hbm>> -> memref<1x256x32xf32, #tpu.memory_space<hbm>>
    %dma_start3A_664 = tpu.memref_squeeze %dma_start3A_663 : memref<1x256x32xf32, #tpu.memory_space<hbm>> -> memref<256x32xf32, #tpu.memory_space<hbm>>
    %dma_start3A_665 = arith.constant 0 : i32
    %dma_start3A_666 = arith.constant 0 : i32
    %dma_start3A_667 = tpu.memref_slice %arg6[%dma_start3A_653, %dma_start3A_665, %dma_start3A_666] : memref<6x256x32xf32, #tpu.memory_space<vmem>> -> memref<1x256x32xf32, #tpu.memory_space<vmem>>
    %dma_start3A_668 = tpu.memref_squeeze %dma_start3A_667 : memref<1x256x32xf32, #tpu.memory_space<vmem>> -> memref<256x32xf32, #tpu.memory_space<vmem>>
    tpu.enqueue_dma source(%dma_start3A_668 : memref<256x32xf32, #tpu.memory_space<vmem>>) target(%dma_start3A_664 : memref<256x32xf32, #tpu.memory_space<hbm>>) target_semaphore(%arg15 : memref<!tpu.dma_semaphore, #tpu.memory_space<semaphore_mem>>)
    %dma_start3A_669 = arith.constant 1 : i32
    %dma_start3A_670 = arith.constant 5 : i32
    %dma_start3A_671 = arith.constant 5 : i32
    %dma_start3A_672 = arith.constant 0 : i32
    %dma_start3A_673 = arith.constant 0 : i32
    %dma_start3A_674 = tpu.memref_slice %arg6[%dma_start3A_671, %dma_start3A_672, %dma_start3A_673] : memref<6x256x32xf32, #tpu.memory_space<vmem>> -> memref<1x128x32xf32, #tpu.memory_space<vmem>>
    %dma_start3A_675 = tpu.memref_squeeze %dma_start3A_674 : memref<1x128x32xf32, #tpu.memory_space<vmem>> -> memref<128x32xf32, #tpu.memory_space<vmem>>
    %dma_start3A_676 = arith.constant 0 : i32
    %dma_start3A_677 = tpu.memref_slice %arg5[%dma_start3A_669, %dma_start3A_670, %dma_start3A_676] : memref<2x100x256xi32, #tpu.memory_space<vmem>> -> memref<1x1x128xi32, #tpu.memory_space<vmem>>
    %dma_start3A_678 = tpu.memref_squeeze %dma_start3A_677 : memref<1x1x128xi32, #tpu.memory_space<vmem>> -> memref<128xi32, #tpu.memory_space<vmem>>
    %dma_start3A_679 = arith.constant 0 : i32
    %dma_start3A_680 = arith.constant 0 : i32
    %dma_start3A_681 = tpu.memref_slice %arg2[%dma_start3A_679, %dma_start3A_680] : memref<1000001x32xf32, #tpu.memory_space<hbm>> -> memref<1000001x32xf32, #tpu.memory_space<hbm>>
    tpu.enqueue_indirect_dma source(%dma_start3A_681 : memref<1000001x32xf32, #tpu.memory_space<hbm>>) target(%dma_start3A_675 : memref<128x32xf32, #tpu.memory_space<vmem>>) offsets(%dma_start3A_678 : memref<128xi32, #tpu.memory_space<vmem>>) semaphore(%arg12 : memref<!tpu.dma_semaphore, #tpu.memory_space<semaphore_mem>>)
    %dma_start3A_682 = arith.constant 1 : i32
    %dma_start3A_683 = arith.constant 5 : i32
    %dma_start3A_684 = arith.constant 5 : i32
    %dma_start3A_685 = arith.constant 128 : i32
    %dma_start3A_686 = arith.constant 0 : i32
    %dma_start3A_687 = tpu.memref_slice %arg6[%dma_start3A_684, %dma_start3A_685, %dma_start3A_686] : memref<6x256x32xf32, #tpu.memory_space<vmem>> -> memref<1x128x32xf32, #tpu.memory_space<vmem>>
    %dma_start3A_688 = tpu.memref_squeeze %dma_start3A_687 : memref<1x128x32xf32, #tpu.memory_space<vmem>> -> memref<128x32xf32, #tpu.memory_space<vmem>>
    %dma_start3A_689 = arith.constant 128 : i32
    %dma_start3A_690 = tpu.memref_slice %arg5[%dma_start3A_682, %dma_start3A_683, %dma_start3A_689] : memref<2x100x256xi32, #tpu.memory_space<vmem>> -> memref<1x1x128xi32, #tpu.memory_space<vmem>>
    %dma_start3A_691 = tpu.memref_squeeze %dma_start3A_690 : memref<1x1x128xi32, #tpu.memory_space<vmem>> -> memref<128xi32, #tpu.memory_space<vmem>>
    %dma_start3A_692 = arith.constant 0 : i32
    %dma_start3A_693 = arith.constant 0 : i32
    %dma_start3A_694 = tpu.memref_slice %arg2[%dma_start3A_692, %dma_start3A_693] : memref<1000001x32xf32, #tpu.memory_space<hbm>> -> memref<1000001x32xf32, #tpu.memory_space<hbm>>
    tpu.enqueue_indirect_dma source(%dma_start3A_694 : memref<1000001x32xf32, #tpu.memory_space<hbm>>) target(%dma_start3A_688 : memref<128x32xf32, #tpu.memory_space<vmem>>) offsets(%dma_start3A_691 : memref<128xi32, #tpu.memory_space<vmem>>) semaphore(%arg12 : memref<!tpu.dma_semaphore, #tpu.memory_space<semaphore_mem>>)
    %scan3A_695 = arith.constant 0 : i32
    %scan3A_696 = arith.constant 0 : i32
    %scan3A_697 = arith.constant 16 : i32
    %scan3A_698 = arith.addi %scan3A_696, %scan3A_697 : i32
    %scan3A_699 = arith.constant 1 : i32
    scf.for %scan3A_807 = %scan3A_696 to %scan3A_698 step %scan3A_699  : i32 {
      %mul3A_808 = arith.constant 6 : i32
      %mul3A_809 = arith.muli %scan3A_807, %mul3A_808 : i32
      %add3A_810 = arith.constant 3 : i32
      %add3A_811 = arith.addi %add3A_810, %mul3A_809 : i32
      %add3A_812 = arith.constant 0 : i32
      %add3A_813 = arith.addi %add3A_811, %add3A_812 : i32
      %dma_wait3A_814 = arith.constant 1 : i32
      %dma_wait3A_815 = arith.constant 3 : i32
      %dma_wait3A_816 = arith.constant 0 : i32
      %dma_wait3A_817 = arith.constant 0 : i32
      %dma_wait3A_818 = tpu.memref_slice %arg6[%dma_wait3A_815, %dma_wait3A_816, %dma_wait3A_817] : memref<6x256x32xf32, #tpu.memory_space<vmem>> -> memref<1x128x32xf32, #tpu.memory_space<vmem>>
      %dma_wait3A_819 = tpu.memref_squeeze %dma_wait3A_818 : memref<1x128x32xf32, #tpu.memory_space<vmem>> -> memref<128x32xf32, #tpu.memory_space<vmem>>
      %dma_wait3A_820 = arith.constant 0 : i32
      %dma_wait3A_821 = tpu.memref_slice %arg5[%dma_wait3A_814, %add3A_813, %dma_wait3A_820] : memref<2x100x256xi32, #tpu.memory_space<vmem>> -> memref<1x1x128xi32, #tpu.memory_space<vmem>>
      %dma_wait3A_822 = tpu.memref_squeeze %dma_wait3A_821 : memref<1x1x128xi32, #tpu.memory_space<vmem>> -> memref<128xi32, #tpu.memory_space<vmem>>
      %dma_wait3A_823 = arith.constant 0 : i32
      %dma_wait3A_824 = arith.constant 0 : i32
      %dma_wait3A_825 = tpu.memref_slice %arg2[%dma_wait3A_823, %dma_wait3A_824] : memref<1000001x32xf32, #tpu.memory_space<hbm>> -> memref<1000001x32xf32, #tpu.memory_space<hbm>>
      tpu.wait_indirect_dma semaphore(%arg10 : memref<!tpu.dma_semaphore, #tpu.memory_space<semaphore_mem>>) src(%dma_wait3A_825 : memref<1000001x32xf32, #tpu.memory_space<hbm>>) dst(%dma_wait3A_819 : memref<128x32xf32, #tpu.memory_space<vmem>>)
      %dma_wait3A_826 = arith.constant 1 : i32
      %dma_wait3A_827 = arith.constant 3 : i32
      %dma_wait3A_828 = arith.constant 128 : i32
      %dma_wait3A_829 = arith.constant 0 : i32
      %dma_wait3A_830 = tpu.memref_slice %arg6[%dma_wait3A_827, %dma_wait3A_828, %dma_wait3A_829] : memref<6x256x32xf32, #tpu.memory_space<vmem>> -> memref<1x128x32xf32, #tpu.memory_space<vmem>>
      %dma_wait3A_831 = tpu.memref_squeeze %dma_wait3A_830 : memref<1x128x32xf32, #tpu.memory_space<vmem>> -> memref<128x32xf32, #tpu.memory_space<vmem>>
      %dma_wait3A_832 = arith.constant 128 : i32
      %dma_wait3A_833 = tpu.memref_slice %arg5[%dma_wait3A_826, %add3A_813, %dma_wait3A_832] : memref<2x100x256xi32, #tpu.memory_space<vmem>> -> memref<1x1x128xi32, #tpu.memory_space<vmem>>
      %dma_wait3A_834 = tpu.memref_squeeze %dma_wait3A_833 : memref<1x1x128xi32, #tpu.memory_space<vmem>> -> memref<128xi32, #tpu.memory_space<vmem>>
      %dma_wait3A_835 = arith.constant 0 : i32
      %dma_wait3A_836 = arith.constant 0 : i32
      %dma_wait3A_837 = tpu.memref_slice %arg2[%dma_wait3A_835, %dma_wait3A_836] : memref<1000001x32xf32, #tpu.memory_space<hbm>> -> memref<1000001x32xf32, #tpu.memory_space<hbm>>
      tpu.wait_indirect_dma semaphore(%arg10 : memref<!tpu.dma_semaphore, #tpu.memory_space<semaphore_mem>>) src(%dma_wait3A_837 : memref<1000001x32xf32, #tpu.memory_space<hbm>>) dst(%dma_wait3A_831 : memref<128x32xf32, #tpu.memory_space<vmem>>)
      %dma_start3A_838 = arith.constant 3 : i32
      %dma_start3A_839 = arith.constant 0 : i32
      %dma_start3A_840 = arith.constant 0 : i32
      %dma_start3A_841 = tpu.memref_slice %arg6[%dma_start3A_838, %dma_start3A_839, %dma_start3A_840] : memref<6x256x32xf32, #tpu.memory_space<vmem>> -> memref<1x256x32xf32, #tpu.memory_space<vmem>>
      %dma_start3A_842 = tpu.memref_squeeze %dma_start3A_841 : memref<1x256x32xf32, #tpu.memory_space<vmem>> -> memref<256x32xf32, #tpu.memory_space<vmem>>
      %dma_start3A_843 = arith.constant 0 : i32
      %dma_start3A_844 = tpu.memref_slice %arg4[%add3A_813, %add3A_405, %dma_start3A_843] : memref<100x16384x32xf32, #tpu.memory_space<hbm>> -> memref<1x256x32xf32, #tpu.memory_space<hbm>>
      %dma_start3A_845 = tpu.memref_squeeze %dma_start3A_844 : memref<1x256x32xf32, #tpu.memory_space<hbm>> -> memref<256x32xf32, #tpu.memory_space<hbm>>
      %dma_start3A_846 = arith.constant 0 : i32
      %dma_start3A_847 = tpu.memref_slice %arg4[%add3A_813, %add3A_405, %dma_start3A_846] : memref<100x16384x32xf32, #tpu.memory_space<hbm>> -> memref<1x256x32xf32, #tpu.memory_space<hbm>>
      %dma_start3A_848 = tpu.memref_squeeze %dma_start3A_847 : memref<1x256x32xf32, #tpu.memory_space<hbm>> -> memref<256x32xf32, #tpu.memory_space<hbm>>
      %dma_start3A_849 = arith.constant 0 : i32
      %dma_start3A_850 = arith.constant 0 : i32
      %dma_start3A_851 = tpu.memref_slice %arg6[%dma_start3A_838, %dma_start3A_849, %dma_start3A_850] : memref<6x256x32xf32, #tpu.memory_space<vmem>> -> memref<1x256x32xf32, #tpu.memory_space<vmem>>
      %dma_start3A_852 = tpu.memref_squeeze %dma_start3A_851 : memref<1x256x32xf32, #tpu.memory_space<vmem>> -> memref<256x32xf32, #tpu.memory_space<vmem>>
      tpu.enqueue_dma source(%dma_start3A_852 : memref<256x32xf32, #tpu.memory_space<vmem>>) target(%dma_start3A_848 : memref<256x32xf32, #tpu.memory_space<hbm>>) target_semaphore(%arg16 : memref<!tpu.dma_semaphore, #tpu.memory_space<semaphore_mem>>)
      %sub3A = arith.constant 3 : i32
      %sub3A_853 = arith.subi %add3A_813, %sub3A : i32
      %dma_wait3A_854 = arith.constant 0 : i32
      %dma_wait3A_855 = arith.constant 0 : i32
      %dma_wait3A_856 = arith.constant 0 : i32
      %dma_wait3A_857 = tpu.memref_slice %arg6[%dma_wait3A_854, %dma_wait3A_855, %dma_wait3A_856] : memref<6x256x32xf32, #tpu.memory_space<vmem>> -> memref<1x256x32xf32, #tpu.memory_space<vmem>>
      %dma_wait3A_858 = tpu.memref_squeeze %dma_wait3A_857 : memref<1x256x32xf32, #tpu.memory_space<vmem>> -> memref<256x32xf32, #tpu.memory_space<vmem>>
      %dma_wait3A_859 = arith.constant 0 : i32
      %dma_wait3A_860 = tpu.memref_slice %arg4[%sub3A_853, %add3A_405, %dma_wait3A_859] : memref<100x16384x32xf32, #tpu.memory_space<hbm>> -> memref<1x256x32xf32, #tpu.memory_space<hbm>>
      %dma_wait3A_861 = tpu.memref_squeeze %dma_wait3A_860 : memref<1x256x32xf32, #tpu.memory_space<hbm>> -> memref<256x32xf32, #tpu.memory_space<hbm>>
      %dma_wait3A_862 = arith.constant 0 : i32
      %dma_wait3A_863 = tpu.memref_slice %arg4[%sub3A_853, %add3A_405, %dma_wait3A_862] : memref<100x16384x32xf32, #tpu.memory_space<hbm>> -> memref<1x256x32xf32, #tpu.memory_space<hbm>>
      %dma_wait3A_864 = tpu.memref_squeeze %dma_wait3A_863 : memref<1x256x32xf32, #tpu.memory_space<hbm>> -> memref<256x32xf32, #tpu.memory_space<hbm>>
      %dma_wait3A_865 = arith.constant 0 : i32
      %dma_wait3A_866 = arith.constant 0 : i32
      %dma_wait3A_867 = tpu.memref_slice %arg6[%dma_wait3A_854, %dma_wait3A_865, %dma_wait3A_866] : memref<6x256x32xf32, #tpu.memory_space<vmem>> -> memref<1x256x32xf32, #tpu.memory_space<vmem>>
      %dma_wait3A_868 = tpu.memref_squeeze %dma_wait3A_867 : memref<1x256x32xf32, #tpu.memory_space<vmem>> -> memref<256x32xf32, #tpu.memory_space<vmem>>
      tpu.wait_dma2 semaphore(%arg13 : memref<!tpu.dma_semaphore, #tpu.memory_space<semaphore_mem>>) src(%dma_wait3A_868 : memref<256x32xf32, #tpu.memory_space<vmem>>) dst(%dma_wait3A_864 : memref<256x32xf32, #tpu.memory_space<hbm>>)
      %add3A_869 = arith.constant 3 : i32
      %add3A_870 = arith.addi %add3A_813, %add3A_869 : i32
      %lt3A = arith.constant 100 : i32
      %lt3A_871 = arith.cmpi slt, %add3A_870, %lt3A : i32
      %convert_element_type3A = arith.extui %lt3A_871 : i1 to i32
      %cond3A = arith.constant 0 : i32
      %cond3A_872 = arith.cmpi ne, %convert_element_type3A, %cond3A : i32
      scf.if %cond3A_872 {
        %add3A_1198 = arith.constant 3 : i32
        %add3A_1199 = arith.addi %add3A_813, %add3A_1198 : i32
        %dma_start3A_1200 = arith.constant 1 : i32
        %dma_start3A_1201 = arith.constant 0 : i32
        %dma_start3A_1202 = arith.constant 0 : i32
        %dma_start3A_1203 = arith.constant 0 : i32
        %dma_start3A_1204 = tpu.memref_slice %arg6[%dma_start3A_1201, %dma_start3A_1202, %dma_start3A_1203] : memref<6x256x32xf32, #tpu.memory_space<vmem>> -> memref<1x128x32xf32, #tpu.memory_space<vmem>>
        %dma_start3A_1205 = tpu.memref_squeeze %dma_start3A_1204 : memref<1x128x32xf32, #tpu.memory_space<vmem>> -> memref<128x32xf32, #tpu.memory_space<vmem>>
        %dma_start3A_1206 = arith.constant 0 : i32
        %dma_start3A_1207 = tpu.memref_slice %arg5[%dma_start3A_1200, %add3A_1199, %dma_start3A_1206] : memref<2x100x256xi32, #tpu.memory_space<vmem>> -> memref<1x1x128xi32, #tpu.memory_space<vmem>>
        %dma_start3A_1208 = tpu.memref_squeeze %dma_start3A_1207 : memref<1x1x128xi32, #tpu.memory_space<vmem>> -> memref<128xi32, #tpu.memory_space<vmem>>
        %dma_start3A_1209 = arith.constant 0 : i32
        %dma_start3A_1210 = arith.constant 0 : i32
        %dma_start3A_1211 = tpu.memref_slice %arg2[%dma_start3A_1209, %dma_start3A_1210] : memref<1000001x32xf32, #tpu.memory_space<hbm>> -> memref<1000001x32xf32, #tpu.memory_space<hbm>>
        tpu.enqueue_indirect_dma source(%dma_start3A_1211 : memref<1000001x32xf32, #tpu.memory_space<hbm>>) target(%dma_start3A_1205 : memref<128x32xf32, #tpu.memory_space<vmem>>) offsets(%dma_start3A_1208 : memref<128xi32, #tpu.memory_space<vmem>>) semaphore(%arg7 : memref<!tpu.dma_semaphore, #tpu.memory_space<semaphore_mem>>)
        %dma_start3A_1212 = arith.constant 1 : i32
        %dma_start3A_1213 = arith.constant 0 : i32
        %dma_start3A_1214 = arith.constant 128 : i32
        %dma_start3A_1215 = arith.constant 0 : i32
        %dma_start3A_1216 = tpu.memref_slice %arg6[%dma_start3A_1213, %dma_start3A_1214, %dma_start3A_1215] : memref<6x256x32xf32, #tpu.memory_space<vmem>> -> memref<1x128x32xf32, #tpu.memory_space<vmem>>
        %dma_start3A_1217 = tpu.memref_squeeze %dma_start3A_1216 : memref<1x128x32xf32, #tpu.memory_space<vmem>> -> memref<128x32xf32, #tpu.memory_space<vmem>>
        %dma_start3A_1218 = arith.constant 128 : i32
        %dma_start3A_1219 = tpu.memref_slice %arg5[%dma_start3A_1212, %add3A_1199, %dma_start3A_1218] : memref<2x100x256xi32, #tpu.memory_space<vmem>> -> memref<1x1x128xi32, #tpu.memory_space<vmem>>
        %dma_start3A_1220 = tpu.memref_squeeze %dma_start3A_1219 : memref<1x1x128xi32, #tpu.memory_space<vmem>> -> memref<128xi32, #tpu.memory_space<vmem>>
        %dma_start3A_1221 = arith.constant 0 : i32
        %dma_start3A_1222 = arith.constant 0 : i32
        %dma_start3A_1223 = tpu.memref_slice %arg2[%dma_start3A_1221, %dma_start3A_1222] : memref<1000001x32xf32, #tpu.memory_space<hbm>> -> memref<1000001x32xf32, #tpu.memory_space<hbm>>
        tpu.enqueue_indirect_dma source(%dma_start3A_1223 : memref<1000001x32xf32, #tpu.memory_space<hbm>>) target(%dma_start3A_1217 : memref<128x32xf32, #tpu.memory_space<vmem>>) offsets(%dma_start3A_1220 : memref<128xi32, #tpu.memory_space<vmem>>) semaphore(%arg7 : memref<!tpu.dma_semaphore, #tpu.memory_space<semaphore_mem>>)
      } else {
      }
      %add3A_873 = arith.constant 1 : i32
      %add3A_874 = arith.addi %add3A_811, %add3A_873 : i32
      %dma_wait3A_875 = arith.constant 1 : i32
      %dma_wait3A_876 = arith.constant 4 : i32
      %dma_wait3A_877 = arith.constant 0 : i32
      %dma_wait3A_878 = arith.constant 0 : i32
      %dma_wait3A_879 = tpu.memref_slice %arg6[%dma_wait3A_876, %dma_wait3A_877, %dma_wait3A_878] : memref<6x256x32xf32, #tpu.memory_space<vmem>> -> memref<1x128x32xf32, #tpu.memory_space<vmem>>
      %dma_wait3A_880 = tpu.memref_squeeze %dma_wait3A_879 : memref<1x128x32xf32, #tpu.memory_space<vmem>> -> memref<128x32xf32, #tpu.memory_space<vmem>>
      %dma_wait3A_881 = arith.constant 0 : i32
      %dma_wait3A_882 = tpu.memref_slice %arg5[%dma_wait3A_875, %add3A_874, %dma_wait3A_881] : memref<2x100x256xi32, #tpu.memory_space<vmem>> -> memref<1x1x128xi32, #tpu.memory_space<vmem>>
      %dma_wait3A_883 = tpu.memref_squeeze %dma_wait3A_882 : memref<1x1x128xi32, #tpu.memory_space<vmem>> -> memref<128xi32, #tpu.memory_space<vmem>>
      %dma_wait3A_884 = arith.constant 0 : i32
      %dma_wait3A_885 = arith.constant 0 : i32
      %dma_wait3A_886 = tpu.memref_slice %arg2[%dma_wait3A_884, %dma_wait3A_885] : memref<1000001x32xf32, #tpu.memory_space<hbm>> -> memref<1000001x32xf32, #tpu.memory_space<hbm>>
      tpu.wait_indirect_dma semaphore(%arg11 : memref<!tpu.dma_semaphore, #tpu.memory_space<semaphore_mem>>) src(%dma_wait3A_886 : memref<1000001x32xf32, #tpu.memory_space<hbm>>) dst(%dma_wait3A_880 : memref<128x32xf32, #tpu.memory_space<vmem>>)
      %dma_wait3A_887 = arith.constant 1 : i32
      %dma_wait3A_888 = arith.constant 4 : i32
      %dma_wait3A_889 = arith.constant 128 : i32
      %dma_wait3A_890 = arith.constant 0 : i32
      %dma_wait3A_891 = tpu.memref_slice %arg6[%dma_wait3A_888, %dma_wait3A_889, %dma_wait3A_890] : memref<6x256x32xf32, #tpu.memory_space<vmem>> -> memref<1x128x32xf32, #tpu.memory_space<vmem>>
      %dma_wait3A_892 = tpu.memref_squeeze %dma_wait3A_891 : memref<1x128x32xf32, #tpu.memory_space<vmem>> -> memref<128x32xf32, #tpu.memory_space<vmem>>
      %dma_wait3A_893 = arith.constant 128 : i32
      %dma_wait3A_894 = tpu.memref_slice %arg5[%dma_wait3A_887, %add3A_874, %dma_wait3A_893] : memref<2x100x256xi32, #tpu.memory_space<vmem>> -> memref<1x1x128xi32, #tpu.memory_space<vmem>>
      %dma_wait3A_895 = tpu.memref_squeeze %dma_wait3A_894 : memref<1x1x128xi32, #tpu.memory_space<vmem>> -> memref<128xi32, #tpu.memory_space<vmem>>
      %dma_wait3A_896 = arith.constant 0 : i32
      %dma_wait3A_897 = arith.constant 0 : i32
      %dma_wait3A_898 = tpu.memref_slice %arg2[%dma_wait3A_896, %dma_wait3A_897] : memref<1000001x32xf32, #tpu.memory_space<hbm>> -> memref<1000001x32xf32, #tpu.memory_space<hbm>>
      tpu.wait_indirect_dma semaphore(%arg11 : memref<!tpu.dma_semaphore, #tpu.memory_space<semaphore_mem>>) src(%dma_wait3A_898 : memref<1000001x32xf32, #tpu.memory_space<hbm>>) dst(%dma_wait3A_892 : memref<128x32xf32, #tpu.memory_space<vmem>>)
      %dma_start3A_899 = arith.constant 4 : i32
      %dma_start3A_900 = arith.constant 0 : i32
      %dma_start3A_901 = arith.constant 0 : i32
      %dma_start3A_902 = tpu.memref_slice %arg6[%dma_start3A_899, %dma_start3A_900, %dma_start3A_901] : memref<6x256x32xf32, #tpu.memory_space<vmem>> -> memref<1x256x32xf32, #tpu.memory_space<vmem>>
      %dma_start3A_903 = tpu.memref_squeeze %dma_start3A_902 : memref<1x256x32xf32, #tpu.memory_space<vmem>> -> memref<256x32xf32, #tpu.memory_space<vmem>>
      %dma_start3A_904 = arith.constant 0 : i32
      %dma_start3A_905 = tpu.memref_slice %arg4[%add3A_874, %add3A_405, %dma_start3A_904] : memref<100x16384x32xf32, #tpu.memory_space<hbm>> -> memref<1x256x32xf32, #tpu.memory_space<hbm>>
      %dma_start3A_906 = tpu.memref_squeeze %dma_start3A_905 : memref<1x256x32xf32, #tpu.memory_space<hbm>> -> memref<256x32xf32, #tpu.memory_space<hbm>>
      %dma_start3A_907 = arith.constant 0 : i32
      %dma_start3A_908 = tpu.memref_slice %arg4[%add3A_874, %add3A_405, %dma_start3A_907] : memref<100x16384x32xf32, #tpu.memory_space<hbm>> -> memref<1x256x32xf32, #tpu.memory_space<hbm>>
      %dma_start3A_909 = tpu.memref_squeeze %dma_start3A_908 : memref<1x256x32xf32, #tpu.memory_space<hbm>> -> memref<256x32xf32, #tpu.memory_space<hbm>>
      %dma_start3A_910 = arith.constant 0 : i32
      %dma_start3A_911 = arith.constant 0 : i32
      %dma_start3A_912 = tpu.memref_slice %arg6[%dma_start3A_899, %dma_start3A_910, %dma_start3A_911] : memref<6x256x32xf32, #tpu.memory_space<vmem>> -> memref<1x256x32xf32, #tpu.memory_space<vmem>>
      %dma_start3A_913 = tpu.memref_squeeze %dma_start3A_912 : memref<1x256x32xf32, #tpu.memory_space<vmem>> -> memref<256x32xf32, #tpu.memory_space<vmem>>
      tpu.enqueue_dma source(%dma_start3A_913 : memref<256x32xf32, #tpu.memory_space<vmem>>) target(%dma_start3A_909 : memref<256x32xf32, #tpu.memory_space<hbm>>) target_semaphore(%arg17 : memref<!tpu.dma_semaphore, #tpu.memory_space<semaphore_mem>>)
      %sub3A_914 = arith.constant 3 : i32
      %sub3A_915 = arith.subi %add3A_874, %sub3A_914 : i32
      %dma_wait3A_916 = arith.constant 1 : i32
      %dma_wait3A_917 = arith.constant 0 : i32
      %dma_wait3A_918 = arith.constant 0 : i32
      %dma_wait3A_919 = tpu.memref_slice %arg6[%dma_wait3A_916, %dma_wait3A_917, %dma_wait3A_918] : memref<6x256x32xf32, #tpu.memory_space<vmem>> -> memref<1x256x32xf32, #tpu.memory_space<vmem>>
      %dma_wait3A_920 = tpu.memref_squeeze %dma_wait3A_919 : memref<1x256x32xf32, #tpu.memory_space<vmem>> -> memref<256x32xf32, #tpu.memory_space<vmem>>
      %dma_wait3A_921 = arith.constant 0 : i32
      %dma_wait3A_922 = tpu.memref_slice %arg4[%sub3A_915, %add3A_405, %dma_wait3A_921] : memref<100x16384x32xf32, #tpu.memory_space<hbm>> -> memref<1x256x32xf32, #tpu.memory_space<hbm>>
      %dma_wait3A_923 = tpu.memref_squeeze %dma_wait3A_922 : memref<1x256x32xf32, #tpu.memory_space<hbm>> -> memref<256x32xf32, #tpu.memory_space<hbm>>
      %dma_wait3A_924 = arith.constant 0 : i32
      %dma_wait3A_925 = tpu.memref_slice %arg4[%sub3A_915, %add3A_405, %dma_wait3A_924] : memref<100x16384x32xf32, #tpu.memory_space<hbm>> -> memref<1x256x32xf32, #tpu.memory_space<hbm>>
      %dma_wait3A_926 = tpu.memref_squeeze %dma_wait3A_925 : memref<1x256x32xf32, #tpu.memory_space<hbm>> -> memref<256x32xf32, #tpu.memory_space<hbm>>
      %dma_wait3A_927 = arith.constant 0 : i32
      %dma_wait3A_928 = arith.constant 0 : i32
      %dma_wait3A_929 = tpu.memref_slice %arg6[%dma_wait3A_916, %dma_wait3A_927, %dma_wait3A_928] : memref<6x256x32xf32, #tpu.memory_space<vmem>> -> memref<1x256x32xf32, #tpu.memory_space<vmem>>
      %dma_wait3A_930 = tpu.memref_squeeze %dma_wait3A_929 : memref<1x256x32xf32, #tpu.memory_space<vmem>> -> memref<256x32xf32, #tpu.memory_space<vmem>>
      tpu.wait_dma2 semaphore(%arg14 : memref<!tpu.dma_semaphore, #tpu.memory_space<semaphore_mem>>) src(%dma_wait3A_930 : memref<256x32xf32, #tpu.memory_space<vmem>>) dst(%dma_wait3A_926 : memref<256x32xf32, #tpu.memory_space<hbm>>)
      %add3A_931 = arith.constant 3 : i32
      %add3A_932 = arith.addi %add3A_874, %add3A_931 : i32
      %lt3A_933 = arith.constant 100 : i32
      %lt3A_934 = arith.cmpi slt, %add3A_932, %lt3A_933 : i32
      %convert_element_type3A_935 = arith.extui %lt3A_934 : i1 to i32
      %cond3A_936 = arith.constant 0 : i32
      %cond3A_937 = arith.cmpi ne, %convert_element_type3A_935, %cond3A_936 : i32
      scf.if %cond3A_937 {
        %add3A_1198 = arith.constant 3 : i32
        %add3A_1199 = arith.addi %add3A_874, %add3A_1198 : i32
        %dma_start3A_1200 = arith.constant 1 : i32
        %dma_start3A_1201 = arith.constant 1 : i32
        %dma_start3A_1202 = arith.constant 0 : i32
        %dma_start3A_1203 = arith.constant 0 : i32
        %dma_start3A_1204 = tpu.memref_slice %arg6[%dma_start3A_1201, %dma_start3A_1202, %dma_start3A_1203] : memref<6x256x32xf32, #tpu.memory_space<vmem>> -> memref<1x128x32xf32, #tpu.memory_space<vmem>>
        %dma_start3A_1205 = tpu.memref_squeeze %dma_start3A_1204 : memref<1x128x32xf32, #tpu.memory_space<vmem>> -> memref<128x32xf32, #tpu.memory_space<vmem>>
        %dma_start3A_1206 = arith.constant 0 : i32
        %dma_start3A_1207 = tpu.memref_slice %arg5[%dma_start3A_1200, %add3A_1199, %dma_start3A_1206] : memref<2x100x256xi32, #tpu.memory_space<vmem>> -> memref<1x1x128xi32, #tpu.memory_space<vmem>>
        %dma_start3A_1208 = tpu.memref_squeeze %dma_start3A_1207 : memref<1x1x128xi32, #tpu.memory_space<vmem>> -> memref<128xi32, #tpu.memory_space<vmem>>
        %dma_start3A_1209 = arith.constant 0 : i32
        %dma_start3A_1210 = arith.constant 0 : i32
        %dma_start3A_1211 = tpu.memref_slice %arg2[%dma_start3A_1209, %dma_start3A_1210] : memref<1000001x32xf32, #tpu.memory_space<hbm>> -> memref<1000001x32xf32, #tpu.memory_space<hbm>>
        tpu.enqueue_indirect_dma source(%dma_start3A_1211 : memref<1000001x32xf32, #tpu.memory_space<hbm>>) target(%dma_start3A_1205 : memref<128x32xf32, #tpu.memory_space<vmem>>) offsets(%dma_start3A_1208 : memref<128xi32, #tpu.memory_space<vmem>>) semaphore(%arg8 : memref<!tpu.dma_semaphore, #tpu.memory_space<semaphore_mem>>)
        %dma_start3A_1212 = arith.constant 1 : i32
        %dma_start3A_1213 = arith.constant 1 : i32
        %dma_start3A_1214 = arith.constant 128 : i32
        %dma_start3A_1215 = arith.constant 0 : i32
        %dma_start3A_1216 = tpu.memref_slice %arg6[%dma_start3A_1213, %dma_start3A_1214, %dma_start3A_1215] : memref<6x256x32xf32, #tpu.memory_space<vmem>> -> memref<1x128x32xf32, #tpu.memory_space<vmem>>
        %dma_start3A_1217 = tpu.memref_squeeze %dma_start3A_1216 : memref<1x128x32xf32, #tpu.memory_space<vmem>> -> memref<128x32xf32, #tpu.memory_space<vmem>>
        %dma_start3A_1218 = arith.constant 128 : i32
        %dma_start3A_1219 = tpu.memref_slice %arg5[%dma_start3A_1212, %add3A_1199, %dma_start3A_1218] : memref<2x100x256xi32, #tpu.memory_space<vmem>> -> memref<1x1x128xi32, #tpu.memory_space<vmem>>
        %dma_start3A_1220 = tpu.memref_squeeze %dma_start3A_1219 : memref<1x1x128xi32, #tpu.memory_space<vmem>> -> memref<128xi32, #tpu.memory_space<vmem>>
        %dma_start3A_1221 = arith.constant 0 : i32
        %dma_start3A_1222 = arith.constant 0 : i32
        %dma_start3A_1223 = tpu.memref_slice %arg2[%dma_start3A_1221, %dma_start3A_1222] : memref<1000001x32xf32, #tpu.memory_space<hbm>> -> memref<1000001x32xf32, #tpu.memory_space<hbm>>
        tpu.enqueue_indirect_dma source(%dma_start3A_1223 : memref<1000001x32xf32, #tpu.memory_space<hbm>>) target(%dma_start3A_1217 : memref<128x32xf32, #tpu.memory_space<vmem>>) offsets(%dma_start3A_1220 : memref<128xi32, #tpu.memory_space<vmem>>) semaphore(%arg8 : memref<!tpu.dma_semaphore, #tpu.memory_space<semaphore_mem>>)
      } else {
      }
      %add3A_938 = arith.constant 2 : i32
      %add3A_939 = arith.addi %add3A_811, %add3A_938 : i32
      %dma_wait3A_940 = arith.constant 1 : i32
      %dma_wait3A_941 = arith.constant 5 : i32
      %dma_wait3A_942 = arith.constant 0 : i32
      %dma_wait3A_943 = arith.constant 0 : i32
      %dma_wait3A_944 = tpu.memref_slice %arg6[%dma_wait3A_941, %dma_wait3A_942, %dma_wait3A_943] : memref<6x256x32xf32, #tpu.memory_space<vmem>> -> memref<1x128x32xf32, #tpu.memory_space<vmem>>
      %dma_wait3A_945 = tpu.memref_squeeze %dma_wait3A_944 : memref<1x128x32xf32, #tpu.memory_space<vmem>> -> memref<128x32xf32, #tpu.memory_space<vmem>>
      %dma_wait3A_946 = arith.constant 0 : i32
      %dma_wait3A_947 = tpu.memref_slice %arg5[%dma_wait3A_940, %add3A_939, %dma_wait3A_946] : memref<2x100x256xi32, #tpu.memory_space<vmem>> -> memref<1x1x128xi32, #tpu.memory_space<vmem>>
      %dma_wait3A_948 = tpu.memref_squeeze %dma_wait3A_947 : memref<1x1x128xi32, #tpu.memory_space<vmem>> -> memref<128xi32, #tpu.memory_space<vmem>>
      %dma_wait3A_949 = arith.constant 0 : i32
      %dma_wait3A_950 = arith.constant 0 : i32
      %dma_wait3A_951 = tpu.memref_slice %arg2[%dma_wait3A_949, %dma_wait3A_950] : memref<1000001x32xf32, #tpu.memory_space<hbm>> -> memref<1000001x32xf32, #tpu.memory_space<hbm>>
      tpu.wait_indirect_dma semaphore(%arg12 : memref<!tpu.dma_semaphore, #tpu.memory_space<semaphore_mem>>) src(%dma_wait3A_951 : memref<1000001x32xf32, #tpu.memory_space<hbm>>) dst(%dma_wait3A_945 : memref<128x32xf32, #tpu.memory_space<vmem>>)
      %dma_wait3A_952 = arith.constant 1 : i32
      %dma_wait3A_953 = arith.constant 5 : i32
      %dma_wait3A_954 = arith.constant 128 : i32
      %dma_wait3A_955 = arith.constant 0 : i32
      %dma_wait3A_956 = tpu.memref_slice %arg6[%dma_wait3A_953, %dma_wait3A_954, %dma_wait3A_955] : memref<6x256x32xf32, #tpu.memory_space<vmem>> -> memref<1x128x32xf32, #tpu.memory_space<vmem>>
      %dma_wait3A_957 = tpu.memref_squeeze %dma_wait3A_956 : memref<1x128x32xf32, #tpu.memory_space<vmem>> -> memref<128x32xf32, #tpu.memory_space<vmem>>
      %dma_wait3A_958 = arith.constant 128 : i32
      %dma_wait3A_959 = tpu.memref_slice %arg5[%dma_wait3A_952, %add3A_939, %dma_wait3A_958] : memref<2x100x256xi32, #tpu.memory_space<vmem>> -> memref<1x1x128xi32, #tpu.memory_space<vmem>>
      %dma_wait3A_960 = tpu.memref_squeeze %dma_wait3A_959 : memref<1x1x128xi32, #tpu.memory_space<vmem>> -> memref<128xi32, #tpu.memory_space<vmem>>
      %dma_wait3A_961 = arith.constant 0 : i32
      %dma_wait3A_962 = arith.constant 0 : i32
      %dma_wait3A_963 = tpu.memref_slice %arg2[%dma_wait3A_961, %dma_wait3A_962] : memref<1000001x32xf32, #tpu.memory_space<hbm>> -> memref<1000001x32xf32, #tpu.memory_space<hbm>>
      tpu.wait_indirect_dma semaphore(%arg12 : memref<!tpu.dma_semaphore, #tpu.memory_space<semaphore_mem>>) src(%dma_wait3A_963 : memref<1000001x32xf32, #tpu.memory_space<hbm>>) dst(%dma_wait3A_957 : memref<128x32xf32, #tpu.memory_space<vmem>>)
      %dma_start3A_964 = arith.constant 5 : i32
      %dma_start3A_965 = arith.constant 0 : i32
      %dma_start3A_966 = arith.constant 0 : i32
      %dma_start3A_967 = tpu.memref_slice %arg6[%dma_start3A_964, %dma_start3A_965, %dma_start3A_966] : memref<6x256x32xf32, #tpu.memory_space<vmem>> -> memref<1x256x32xf32, #tpu.memory_space<vmem>>
      %dma_start3A_968 = tpu.memref_squeeze %dma_start3A_967 : memref<1x256x32xf32, #tpu.memory_space<vmem>> -> memref<256x32xf32, #tpu.memory_space<vmem>>
      %dma_start3A_969 = arith.constant 0 : i32
      %dma_start3A_970 = tpu.memref_slice %arg4[%add3A_939, %add3A_405, %dma_start3A_969] : memref<100x16384x32xf32, #tpu.memory_space<hbm>> -> memref<1x256x32xf32, #tpu.memory_space<hbm>>
      %dma_start3A_971 = tpu.memref_squeeze %dma_start3A_970 : memref<1x256x32xf32, #tpu.memory_space<hbm>> -> memref<256x32xf32, #tpu.memory_space<hbm>>
      %dma_start3A_972 = arith.constant 0 : i32
      %dma_start3A_973 = tpu.memref_slice %arg4[%add3A_939, %add3A_405, %dma_start3A_972] : memref<100x16384x32xf32, #tpu.memory_space<hbm>> -> memref<1x256x32xf32, #tpu.memory_space<hbm>>
      %dma_start3A_974 = tpu.memref_squeeze %dma_start3A_973 : memref<1x256x32xf32, #tpu.memory_space<hbm>> -> memref<256x32xf32, #tpu.memory_space<hbm>>
      %dma_start3A_975 = arith.constant 0 : i32
      %dma_start3A_976 = arith.constant 0 : i32
      %dma_start3A_977 = tpu.memref_slice %arg6[%dma_start3A_964, %dma_start3A_975, %dma_start3A_976] : memref<6x256x32xf32, #tpu.memory_space<vmem>> -> memref<1x256x32xf32, #tpu.memory_space<vmem>>
      %dma_start3A_978 = tpu.memref_squeeze %dma_start3A_977 : memref<1x256x32xf32, #tpu.memory_space<vmem>> -> memref<256x32xf32, #tpu.memory_space<vmem>>
      tpu.enqueue_dma source(%dma_start3A_978 : memref<256x32xf32, #tpu.memory_space<vmem>>) target(%dma_start3A_974 : memref<256x32xf32, #tpu.memory_space<hbm>>) target_semaphore(%arg18 : memref<!tpu.dma_semaphore, #tpu.memory_space<semaphore_mem>>)
      %sub3A_979 = arith.constant 3 : i32
      %sub3A_980 = arith.subi %add3A_939, %sub3A_979 : i32
      %dma_wait3A_981 = arith.constant 2 : i32
      %dma_wait3A_982 = arith.constant 0 : i32
      %dma_wait3A_983 = arith.constant 0 : i32
      %dma_wait3A_984 = tpu.memref_slice %arg6[%dma_wait3A_981, %dma_wait3A_982, %dma_wait3A_983] : memref<6x256x32xf32, #tpu.memory_space<vmem>> -> memref<1x256x32xf32, #tpu.memory_space<vmem>>
      %dma_wait3A_985 = tpu.memref_squeeze %dma_wait3A_984 : memref<1x256x32xf32, #tpu.memory_space<vmem>> -> memref<256x32xf32, #tpu.memory_space<vmem>>
      %dma_wait3A_986 = arith.constant 0 : i32
      %dma_wait3A_987 = tpu.memref_slice %arg4[%sub3A_980, %add3A_405, %dma_wait3A_986] : memref<100x16384x32xf32, #tpu.memory_space<hbm>> -> memref<1x256x32xf32, #tpu.memory_space<hbm>>
      %dma_wait3A_988 = tpu.memref_squeeze %dma_wait3A_987 : memref<1x256x32xf32, #tpu.memory_space<hbm>> -> memref<256x32xf32, #tpu.memory_space<hbm>>
      %dma_wait3A_989 = arith.constant 0 : i32
      %dma_wait3A_990 = tpu.memref_slice %arg4[%sub3A_980, %add3A_405, %dma_wait3A_989] : memref<100x16384x32xf32, #tpu.memory_space<hbm>> -> memref<1x256x32xf32, #tpu.memory_space<hbm>>
      %dma_wait3A_991 = tpu.memref_squeeze %dma_wait3A_990 : memref<1x256x32xf32, #tpu.memory_space<hbm>> -> memref<256x32xf32, #tpu.memory_space<hbm>>
      %dma_wait3A_992 = arith.constant 0 : i32
      %dma_wait3A_993 = arith.constant 0 : i32
      %dma_wait3A_994 = tpu.memref_slice %arg6[%dma_wait3A_981, %dma_wait3A_992, %dma_wait3A_993] : memref<6x256x32xf32, #tpu.memory_space<vmem>> -> memref<1x256x32xf32, #tpu.memory_space<vmem>>
      %dma_wait3A_995 = tpu.memref_squeeze %dma_wait3A_994 : memref<1x256x32xf32, #tpu.memory_space<vmem>> -> memref<256x32xf32, #tpu.memory_space<vmem>>
      tpu.wait_dma2 semaphore(%arg15 : memref<!tpu.dma_semaphore, #tpu.memory_space<semaphore_mem>>) src(%dma_wait3A_995 : memref<256x32xf32, #tpu.memory_space<vmem>>) dst(%dma_wait3A_991 : memref<256x32xf32, #tpu.memory_space<hbm>>)
      %add3A_996 = arith.constant 3 : i32
      %add3A_997 = arith.addi %add3A_939, %add3A_996 : i32
      %lt3A_998 = arith.constant 100 : i32
      %lt3A_999 = arith.cmpi slt, %add3A_997, %lt3A_998 : i32
      %convert_element_type3A_1000 = arith.extui %lt3A_999 : i1 to i32
      %cond3A_1001 = arith.constant 0 : i32
      %cond3A_1002 = arith.cmpi ne, %convert_element_type3A_1000, %cond3A_1001 : i32
      scf.if %cond3A_1002 {
        %add3A_1198 = arith.constant 3 : i32
        %add3A_1199 = arith.addi %add3A_939, %add3A_1198 : i32
        %dma_start3A_1200 = arith.constant 1 : i32
        %dma_start3A_1201 = arith.constant 2 : i32
        %dma_start3A_1202 = arith.constant 0 : i32
        %dma_start3A_1203 = arith.constant 0 : i32
        %dma_start3A_1204 = tpu.memref_slice %arg6[%dma_start3A_1201, %dma_start3A_1202, %dma_start3A_1203] : memref<6x256x32xf32, #tpu.memory_space<vmem>> -> memref<1x128x32xf32, #tpu.memory_space<vmem>>
        %dma_start3A_1205 = tpu.memref_squeeze %dma_start3A_1204 : memref<1x128x32xf32, #tpu.memory_space<vmem>> -> memref<128x32xf32, #tpu.memory_space<vmem>>
        %dma_start3A_1206 = arith.constant 0 : i32
        %dma_start3A_1207 = tpu.memref_slice %arg5[%dma_start3A_1200, %add3A_1199, %dma_start3A_1206] : memref<2x100x256xi32, #tpu.memory_space<vmem>> -> memref<1x1x128xi32, #tpu.memory_space<vmem>>
        %dma_start3A_1208 = tpu.memref_squeeze %dma_start3A_1207 : memref<1x1x128xi32, #tpu.memory_space<vmem>> -> memref<128xi32, #tpu.memory_space<vmem>>
        %dma_start3A_1209 = arith.constant 0 : i32
        %dma_start3A_1210 = arith.constant 0 : i32
        %dma_start3A_1211 = tpu.memref_slice %arg2[%dma_start3A_1209, %dma_start3A_1210] : memref<1000001x32xf32, #tpu.memory_space<hbm>> -> memref<1000001x32xf32, #tpu.memory_space<hbm>>
        tpu.enqueue_indirect_dma source(%dma_start3A_1211 : memref<1000001x32xf32, #tpu.memory_space<hbm>>) target(%dma_start3A_1205 : memref<128x32xf32, #tpu.memory_space<vmem>>) offsets(%dma_start3A_1208 : memref<128xi32, #tpu.memory_space<vmem>>) semaphore(%arg9 : memref<!tpu.dma_semaphore, #tpu.memory_space<semaphore_mem>>)
        %dma_start3A_1212 = arith.constant 1 : i32
        %dma_start3A_1213 = arith.constant 2 : i32
        %dma_start3A_1214 = arith.constant 128 : i32
        %dma_start3A_1215 = arith.constant 0 : i32
        %dma_start3A_1216 = tpu.memref_slice %arg6[%dma_start3A_1213, %dma_start3A_1214, %dma_start3A_1215] : memref<6x256x32xf32, #tpu.memory_space<vmem>> -> memref<1x128x32xf32, #tpu.memory_space<vmem>>
        %dma_start3A_1217 = tpu.memref_squeeze %dma_start3A_1216 : memref<1x128x32xf32, #tpu.memory_space<vmem>> -> memref<128x32xf32, #tpu.memory_space<vmem>>
        %dma_start3A_1218 = arith.constant 128 : i32
        %dma_start3A_1219 = tpu.memref_slice %arg5[%dma_start3A_1212, %add3A_1199, %dma_start3A_1218] : memref<2x100x256xi32, #tpu.memory_space<vmem>> -> memref<1x1x128xi32, #tpu.memory_space<vmem>>
        %dma_start3A_1220 = tpu.memref_squeeze %dma_start3A_1219 : memref<1x1x128xi32, #tpu.memory_space<vmem>> -> memref<128xi32, #tpu.memory_space<vmem>>
        %dma_start3A_1221 = arith.constant 0 : i32
        %dma_start3A_1222 = arith.constant 0 : i32
        %dma_start3A_1223 = tpu.memref_slice %arg2[%dma_start3A_1221, %dma_start3A_1222] : memref<1000001x32xf32, #tpu.memory_space<hbm>> -> memref<1000001x32xf32, #tpu.memory_space<hbm>>
        tpu.enqueue_indirect_dma source(%dma_start3A_1223 : memref<1000001x32xf32, #tpu.memory_space<hbm>>) target(%dma_start3A_1217 : memref<128x32xf32, #tpu.memory_space<vmem>>) offsets(%dma_start3A_1220 : memref<128xi32, #tpu.memory_space<vmem>>) semaphore(%arg9 : memref<!tpu.dma_semaphore, #tpu.memory_space<semaphore_mem>>)
      } else {
      }
      %add3A_1003 = arith.constant 3 : i32
      %add3A_1004 = arith.addi %add3A_811, %add3A_1003 : i32
      %dma_wait3A_1005 = arith.constant 1 : i32
      %dma_wait3A_1006 = arith.constant 0 : i32
      %dma_wait3A_1007 = arith.constant 0 : i32
      %dma_wait3A_1008 = arith.constant 0 : i32
      %dma_wait3A_1009 = tpu.memref_slice %arg6[%dma_wait3A_1006, %dma_wait3A_1007, %dma_wait3A_1008] : memref<6x256x32xf32, #tpu.memory_space<vmem>> -> memref<1x128x32xf32, #tpu.memory_space<vmem>>
      %dma_wait3A_1010 = tpu.memref_squeeze %dma_wait3A_1009 : memref<1x128x32xf32, #tpu.memory_space<vmem>> -> memref<128x32xf32, #tpu.memory_space<vmem>>
      %dma_wait3A_1011 = arith.constant 0 : i32
      %dma_wait3A_1012 = tpu.memref_slice %arg5[%dma_wait3A_1005, %add3A_1004, %dma_wait3A_1011] : memref<2x100x256xi32, #tpu.memory_space<vmem>> -> memref<1x1x128xi32, #tpu.memory_space<vmem>>
      %dma_wait3A_1013 = tpu.memref_squeeze %dma_wait3A_1012 : memref<1x1x128xi32, #tpu.memory_space<vmem>> -> memref<128xi32, #tpu.memory_space<vmem>>
      %dma_wait3A_1014 = arith.constant 0 : i32
      %dma_wait3A_1015 = arith.constant 0 : i32
      %dma_wait3A_1016 = tpu.memref_slice %arg2[%dma_wait3A_1014, %dma_wait3A_1015] : memref<1000001x32xf32, #tpu.memory_space<hbm>> -> memref<1000001x32xf32, #tpu.memory_space<hbm>>
      tpu.wait_indirect_dma semaphore(%arg7 : memref<!tpu.dma_semaphore, #tpu.memory_space<semaphore_mem>>) src(%dma_wait3A_1016 : memref<1000001x32xf32, #tpu.memory_space<hbm>>) dst(%dma_wait3A_1010 : memref<128x32xf32, #tpu.memory_space<vmem>>)
      %dma_wait3A_1017 = arith.constant 1 : i32
      %dma_wait3A_1018 = arith.constant 0 : i32
      %dma_wait3A_1019 = arith.constant 128 : i32
      %dma_wait3A_1020 = arith.constant 0 : i32
      %dma_wait3A_1021 = tpu.memref_slice %arg6[%dma_wait3A_1018, %dma_wait3A_1019, %dma_wait3A_1020] : memref<6x256x32xf32, #tpu.memory_space<vmem>> -> memref<1x128x32xf32, #tpu.memory_space<vmem>>
      %dma_wait3A_1022 = tpu.memref_squeeze %dma_wait3A_1021 : memref<1x128x32xf32, #tpu.memory_space<vmem>> -> memref<128x32xf32, #tpu.memory_space<vmem>>
      %dma_wait3A_1023 = arith.constant 128 : i32
      %dma_wait3A_1024 = tpu.memref_slice %arg5[%dma_wait3A_1017, %add3A_1004, %dma_wait3A_1023] : memref<2x100x256xi32, #tpu.memory_space<vmem>> -> memref<1x1x128xi32, #tpu.memory_space<vmem>>
      %dma_wait3A_1025 = tpu.memref_squeeze %dma_wait3A_1024 : memref<1x1x128xi32, #tpu.memory_space<vmem>> -> memref<128xi32, #tpu.memory_space<vmem>>
      %dma_wait3A_1026 = arith.constant 0 : i32
      %dma_wait3A_1027 = arith.constant 0 : i32
      %dma_wait3A_1028 = tpu.memref_slice %arg2[%dma_wait3A_1026, %dma_wait3A_1027] : memref<1000001x32xf32, #tpu.memory_space<hbm>> -> memref<1000001x32xf32, #tpu.memory_space<hbm>>
      tpu.wait_indirect_dma semaphore(%arg7 : memref<!tpu.dma_semaphore, #tpu.memory_space<semaphore_mem>>) src(%dma_wait3A_1028 : memref<1000001x32xf32, #tpu.memory_space<hbm>>) dst(%dma_wait3A_1022 : memref<128x32xf32, #tpu.memory_space<vmem>>)
      %dma_start3A_1029 = arith.constant 0 : i32
      %dma_start3A_1030 = arith.constant 0 : i32
      %dma_start3A_1031 = arith.constant 0 : i32
      %dma_start3A_1032 = tpu.memref_slice %arg6[%dma_start3A_1029, %dma_start3A_1030, %dma_start3A_1031] : memref<6x256x32xf32, #tpu.memory_space<vmem>> -> memref<1x256x32xf32, #tpu.memory_space<vmem>>
      %dma_start3A_1033 = tpu.memref_squeeze %dma_start3A_1032 : memref<1x256x32xf32, #tpu.memory_space<vmem>> -> memref<256x32xf32, #tpu.memory_space<vmem>>
      %dma_start3A_1034 = arith.constant 0 : i32
      %dma_start3A_1035 = tpu.memref_slice %arg4[%add3A_1004, %add3A_405, %dma_start3A_1034] : memref<100x16384x32xf32, #tpu.memory_space<hbm>> -> memref<1x256x32xf32, #tpu.memory_space<hbm>>
      %dma_start3A_1036 = tpu.memref_squeeze %dma_start3A_1035 : memref<1x256x32xf32, #tpu.memory_space<hbm>> -> memref<256x32xf32, #tpu.memory_space<hbm>>
      %dma_start3A_1037 = arith.constant 0 : i32
      %dma_start3A_1038 = tpu.memref_slice %arg4[%add3A_1004, %add3A_405, %dma_start3A_1037] : memref<100x16384x32xf32, #tpu.memory_space<hbm>> -> memref<1x256x32xf32, #tpu.memory_space<hbm>>
      %dma_start3A_1039 = tpu.memref_squeeze %dma_start3A_1038 : memref<1x256x32xf32, #tpu.memory_space<hbm>> -> memref<256x32xf32, #tpu.memory_space<hbm>>
      %dma_start3A_1040 = arith.constant 0 : i32
      %dma_start3A_1041 = arith.constant 0 : i32
      %dma_start3A_1042 = tpu.memref_slice %arg6[%dma_start3A_1029, %dma_start3A_1040, %dma_start3A_1041] : memref<6x256x32xf32, #tpu.memory_space<vmem>> -> memref<1x256x32xf32, #tpu.memory_space<vmem>>
      %dma_start3A_1043 = tpu.memref_squeeze %dma_start3A_1042 : memref<1x256x32xf32, #tpu.memory_space<vmem>> -> memref<256x32xf32, #tpu.memory_space<vmem>>
      tpu.enqueue_dma source(%dma_start3A_1043 : memref<256x32xf32, #tpu.memory_space<vmem>>) target(%dma_start3A_1039 : memref<256x32xf32, #tpu.memory_space<hbm>>) target_semaphore(%arg13 : memref<!tpu.dma_semaphore, #tpu.memory_space<semaphore_mem>>)
      %sub3A_1044 = arith.constant 3 : i32
      %sub3A_1045 = arith.subi %add3A_1004, %sub3A_1044 : i32
      %dma_wait3A_1046 = arith.constant 3 : i32
      %dma_wait3A_1047 = arith.constant 0 : i32
      %dma_wait3A_1048 = arith.constant 0 : i32
      %dma_wait3A_1049 = tpu.memref_slice %arg6[%dma_wait3A_1046, %dma_wait3A_1047, %dma_wait3A_1048] : memref<6x256x32xf32, #tpu.memory_space<vmem>> -> memref<1x256x32xf32, #tpu.memory_space<vmem>>
      %dma_wait3A_1050 = tpu.memref_squeeze %dma_wait3A_1049 : memref<1x256x32xf32, #tpu.memory_space<vmem>> -> memref<256x32xf32, #tpu.memory_space<vmem>>
      %dma_wait3A_1051 = arith.constant 0 : i32
      %dma_wait3A_1052 = tpu.memref_slice %arg4[%sub3A_1045, %add3A_405, %dma_wait3A_1051] : memref<100x16384x32xf32, #tpu.memory_space<hbm>> -> memref<1x256x32xf32, #tpu.memory_space<hbm>>
      %dma_wait3A_1053 = tpu.memref_squeeze %dma_wait3A_1052 : memref<1x256x32xf32, #tpu.memory_space<hbm>> -> memref<256x32xf32, #tpu.memory_space<hbm>>
      %dma_wait3A_1054 = arith.constant 0 : i32
      %dma_wait3A_1055 = tpu.memref_slice %arg4[%sub3A_1045, %add3A_405, %dma_wait3A_1054] : memref<100x16384x32xf32, #tpu.memory_space<hbm>> -> memref<1x256x32xf32, #tpu.memory_space<hbm>>
      %dma_wait3A_1056 = tpu.memref_squeeze %dma_wait3A_1055 : memref<1x256x32xf32, #tpu.memory_space<hbm>> -> memref<256x32xf32, #tpu.memory_space<hbm>>
      %dma_wait3A_1057 = arith.constant 0 : i32
      %dma_wait3A_1058 = arith.constant 0 : i32
      %dma_wait3A_1059 = tpu.memref_slice %arg6[%dma_wait3A_1046, %dma_wait3A_1057, %dma_wait3A_1058] : memref<6x256x32xf32, #tpu.memory_space<vmem>> -> memref<1x256x32xf32, #tpu.memory_space<vmem>>
      %dma_wait3A_1060 = tpu.memref_squeeze %dma_wait3A_1059 : memref<1x256x32xf32, #tpu.memory_space<vmem>> -> memref<256x32xf32, #tpu.memory_space<vmem>>
      tpu.wait_dma2 semaphore(%arg16 : memref<!tpu.dma_semaphore, #tpu.memory_space<semaphore_mem>>) src(%dma_wait3A_1060 : memref<256x32xf32, #tpu.memory_space<vmem>>) dst(%dma_wait3A_1056 : memref<256x32xf32, #tpu.memory_space<hbm>>)
      %add3A_1061 = arith.constant 3 : i32
      %add3A_1062 = arith.addi %add3A_1004, %add3A_1061 : i32
      %lt3A_1063 = arith.constant 100 : i32
      %lt3A_1064 = arith.cmpi slt, %add3A_1062, %lt3A_1063 : i32
      %convert_element_type3A_1065 = arith.extui %lt3A_1064 : i1 to i32
      %cond3A_1066 = arith.constant 0 : i32
      %cond3A_1067 = arith.cmpi ne, %convert_element_type3A_1065, %cond3A_1066 : i32
      scf.if %cond3A_1067 {
        %add3A_1198 = arith.constant 3 : i32
        %add3A_1199 = arith.addi %add3A_1004, %add3A_1198 : i32
        %dma_start3A_1200 = arith.constant 1 : i32
        %dma_start3A_1201 = arith.constant 3 : i32
        %dma_start3A_1202 = arith.constant 0 : i32
        %dma_start3A_1203 = arith.constant 0 : i32
        %dma_start3A_1204 = tpu.memref_slice %arg6[%dma_start3A_1201, %dma_start3A_1202, %dma_start3A_1203] : memref<6x256x32xf32, #tpu.memory_space<vmem>> -> memref<1x128x32xf32, #tpu.memory_space<vmem>>
        %dma_start3A_1205 = tpu.memref_squeeze %dma_start3A_1204 : memref<1x128x32xf32, #tpu.memory_space<vmem>> -> memref<128x32xf32, #tpu.memory_space<vmem>>
        %dma_start3A_1206 = arith.constant 0 : i32
        %dma_start3A_1207 = tpu.memref_slice %arg5[%dma_start3A_1200, %add3A_1199, %dma_start3A_1206] : memref<2x100x256xi32, #tpu.memory_space<vmem>> -> memref<1x1x128xi32, #tpu.memory_space<vmem>>
        %dma_start3A_1208 = tpu.memref_squeeze %dma_start3A_1207 : memref<1x1x128xi32, #tpu.memory_space<vmem>> -> memref<128xi32, #tpu.memory_space<vmem>>
        %dma_start3A_1209 = arith.constant 0 : i32
        %dma_start3A_1210 = arith.constant 0 : i32
        %dma_start3A_1211 = tpu.memref_slice %arg2[%dma_start3A_1209, %dma_start3A_1210] : memref<1000001x32xf32, #tpu.memory_space<hbm>> -> memref<1000001x32xf32, #tpu.memory_space<hbm>>
        tpu.enqueue_indirect_dma source(%dma_start3A_1211 : memref<1000001x32xf32, #tpu.memory_space<hbm>>) target(%dma_start3A_1205 : memref<128x32xf32, #tpu.memory_space<vmem>>) offsets(%dma_start3A_1208 : memref<128xi32, #tpu.memory_space<vmem>>) semaphore(%arg10 : memref<!tpu.dma_semaphore, #tpu.memory_space<semaphore_mem>>)
        %dma_start3A_1212 = arith.constant 1 : i32
        %dma_start3A_1213 = arith.constant 3 : i32
        %dma_start3A_1214 = arith.constant 128 : i32
        %dma_start3A_1215 = arith.constant 0 : i32
        %dma_start3A_1216 = tpu.memref_slice %arg6[%dma_start3A_1213, %dma_start3A_1214, %dma_start3A_1215] : memref<6x256x32xf32, #tpu.memory_space<vmem>> -> memref<1x128x32xf32, #tpu.memory_space<vmem>>
        %dma_start3A_1217 = tpu.memref_squeeze %dma_start3A_1216 : memref<1x128x32xf32, #tpu.memory_space<vmem>> -> memref<128x32xf32, #tpu.memory_space<vmem>>
        %dma_start3A_1218 = arith.constant 128 : i32
        %dma_start3A_1219 = tpu.memref_slice %arg5[%dma_start3A_1212, %add3A_1199, %dma_start3A_1218] : memref<2x100x256xi32, #tpu.memory_space<vmem>> -> memref<1x1x128xi32, #tpu.memory_space<vmem>>
        %dma_start3A_1220 = tpu.memref_squeeze %dma_start3A_1219 : memref<1x1x128xi32, #tpu.memory_space<vmem>> -> memref<128xi32, #tpu.memory_space<vmem>>
        %dma_start3A_1221 = arith.constant 0 : i32
        %dma_start3A_1222 = arith.constant 0 : i32
        %dma_start3A_1223 = tpu.memref_slice %arg2[%dma_start3A_1221, %dma_start3A_1222] : memref<1000001x32xf32, #tpu.memory_space<hbm>> -> memref<1000001x32xf32, #tpu.memory_space<hbm>>
        tpu.enqueue_indirect_dma source(%dma_start3A_1223 : memref<1000001x32xf32, #tpu.memory_space<hbm>>) target(%dma_start3A_1217 : memref<128x32xf32, #tpu.memory_space<vmem>>) offsets(%dma_start3A_1220 : memref<128xi32, #tpu.memory_space<vmem>>) semaphore(%arg10 : memref<!tpu.dma_semaphore, #tpu.memory_space<semaphore_mem>>)
      } else {
      }
      %add3A_1068 = arith.constant 4 : i32
      %add3A_1069 = arith.addi %add3A_811, %add3A_1068 : i32
      %dma_wait3A_1070 = arith.constant 1 : i32
      %dma_wait3A_1071 = arith.constant 1 : i32
      %dma_wait3A_1072 = arith.constant 0 : i32
      %dma_wait3A_1073 = arith.constant 0 : i32
      %dma_wait3A_1074 = tpu.memref_slice %arg6[%dma_wait3A_1071, %dma_wait3A_1072, %dma_wait3A_1073] : memref<6x256x32xf32, #tpu.memory_space<vmem>> -> memref<1x128x32xf32, #tpu.memory_space<vmem>>
      %dma_wait3A_1075 = tpu.memref_squeeze %dma_wait3A_1074 : memref<1x128x32xf32, #tpu.memory_space<vmem>> -> memref<128x32xf32, #tpu.memory_space<vmem>>
      %dma_wait3A_1076 = arith.constant 0 : i32
      %dma_wait3A_1077 = tpu.memref_slice %arg5[%dma_wait3A_1070, %add3A_1069, %dma_wait3A_1076] : memref<2x100x256xi32, #tpu.memory_space<vmem>> -> memref<1x1x128xi32, #tpu.memory_space<vmem>>
      %dma_wait3A_1078 = tpu.memref_squeeze %dma_wait3A_1077 : memref<1x1x128xi32, #tpu.memory_space<vmem>> -> memref<128xi32, #tpu.memory_space<vmem>>
      %dma_wait3A_1079 = arith.constant 0 : i32
      %dma_wait3A_1080 = arith.constant 0 : i32
      %dma_wait3A_1081 = tpu.memref_slice %arg2[%dma_wait3A_1079, %dma_wait3A_1080] : memref<1000001x32xf32, #tpu.memory_space<hbm>> -> memref<1000001x32xf32, #tpu.memory_space<hbm>>
      tpu.wait_indirect_dma semaphore(%arg8 : memref<!tpu.dma_semaphore, #tpu.memory_space<semaphore_mem>>) src(%dma_wait3A_1081 : memref<1000001x32xf32, #tpu.memory_space<hbm>>) dst(%dma_wait3A_1075 : memref<128x32xf32, #tpu.memory_space<vmem>>)
      %dma_wait3A_1082 = arith.constant 1 : i32
      %dma_wait3A_1083 = arith.constant 1 : i32
      %dma_wait3A_1084 = arith.constant 128 : i32
      %dma_wait3A_1085 = arith.constant 0 : i32
      %dma_wait3A_1086 = tpu.memref_slice %arg6[%dma_wait3A_1083, %dma_wait3A_1084, %dma_wait3A_1085] : memref<6x256x32xf32, #tpu.memory_space<vmem>> -> memref<1x128x32xf32, #tpu.memory_space<vmem>>
      %dma_wait3A_1087 = tpu.memref_squeeze %dma_wait3A_1086 : memref<1x128x32xf32, #tpu.memory_space<vmem>> -> memref<128x32xf32, #tpu.memory_space<vmem>>
      %dma_wait3A_1088 = arith.constant 128 : i32
      %dma_wait3A_1089 = tpu.memref_slice %arg5[%dma_wait3A_1082, %add3A_1069, %dma_wait3A_1088] : memref<2x100x256xi32, #tpu.memory_space<vmem>> -> memref<1x1x128xi32, #tpu.memory_space<vmem>>
      %dma_wait3A_1090 = tpu.memref_squeeze %dma_wait3A_1089 : memref<1x1x128xi32, #tpu.memory_space<vmem>> -> memref<128xi32, #tpu.memory_space<vmem>>
      %dma_wait3A_1091 = arith.constant 0 : i32
      %dma_wait3A_1092 = arith.constant 0 : i32
      %dma_wait3A_1093 = tpu.memref_slice %arg2[%dma_wait3A_1091, %dma_wait3A_1092] : memref<1000001x32xf32, #tpu.memory_space<hbm>> -> memref<1000001x32xf32, #tpu.memory_space<hbm>>
      tpu.wait_indirect_dma semaphore(%arg8 : memref<!tpu.dma_semaphore, #tpu.memory_space<semaphore_mem>>) src(%dma_wait3A_1093 : memref<1000001x32xf32, #tpu.memory_space<hbm>>) dst(%dma_wait3A_1087 : memref<128x32xf32, #tpu.memory_space<vmem>>)
      %dma_start3A_1094 = arith.constant 1 : i32
      %dma_start3A_1095 = arith.constant 0 : i32
      %dma_start3A_1096 = arith.constant 0 : i32
      %dma_start3A_1097 = tpu.memref_slice %arg6[%dma_start3A_1094, %dma_start3A_1095, %dma_start3A_1096] : memref<6x256x32xf32, #tpu.memory_space<vmem>> -> memref<1x256x32xf32, #tpu.memory_space<vmem>>
      %dma_start3A_1098 = tpu.memref_squeeze %dma_start3A_1097 : memref<1x256x32xf32, #tpu.memory_space<vmem>> -> memref<256x32xf32, #tpu.memory_space<vmem>>
      %dma_start3A_1099 = arith.constant 0 : i32
      %dma_start3A_1100 = tpu.memref_slice %arg4[%add3A_1069, %add3A_405, %dma_start3A_1099] : memref<100x16384x32xf32, #tpu.memory_space<hbm>> -> memref<1x256x32xf32, #tpu.memory_space<hbm>>
      %dma_start3A_1101 = tpu.memref_squeeze %dma_start3A_1100 : memref<1x256x32xf32, #tpu.memory_space<hbm>> -> memref<256x32xf32, #tpu.memory_space<hbm>>
      %dma_start3A_1102 = arith.constant 0 : i32
      %dma_start3A_1103 = tpu.memref_slice %arg4[%add3A_1069, %add3A_405, %dma_start3A_1102] : memref<100x16384x32xf32, #tpu.memory_space<hbm>> -> memref<1x256x32xf32, #tpu.memory_space<hbm>>
      %dma_start3A_1104 = tpu.memref_squeeze %dma_start3A_1103 : memref<1x256x32xf32, #tpu.memory_space<hbm>> -> memref<256x32xf32, #tpu.memory_space<hbm>>
      %dma_start3A_1105 = arith.constant 0 : i32
      %dma_start3A_1106 = arith.constant 0 : i32
      %dma_start3A_1107 = tpu.memref_slice %arg6[%dma_start3A_1094, %dma_start3A_1105, %dma_start3A_1106] : memref<6x256x32xf32, #tpu.memory_space<vmem>> -> memref<1x256x32xf32, #tpu.memory_space<vmem>>
      %dma_start3A_1108 = tpu.memref_squeeze %dma_start3A_1107 : memref<1x256x32xf32, #tpu.memory_space<vmem>> -> memref<256x32xf32, #tpu.memory_space<vmem>>
      tpu.enqueue_dma source(%dma_start3A_1108 : memref<256x32xf32, #tpu.memory_space<vmem>>) target(%dma_start3A_1104 : memref<256x32xf32, #tpu.memory_space<hbm>>) target_semaphore(%arg14 : memref<!tpu.dma_semaphore, #tpu.memory_space<semaphore_mem>>)
      %sub3A_1109 = arith.constant 3 : i32
      %sub3A_1110 = arith.subi %add3A_1069, %sub3A_1109 : i32
      %dma_wait3A_1111 = arith.constant 4 : i32
      %dma_wait3A_1112 = arith.constant 0 : i32
      %dma_wait3A_1113 = arith.constant 0 : i32
      %dma_wait3A_1114 = tpu.memref_slice %arg6[%dma_wait3A_1111, %dma_wait3A_1112, %dma_wait3A_1113] : memref<6x256x32xf32, #tpu.memory_space<vmem>> -> memref<1x256x32xf32, #tpu.memory_space<vmem>>
      %dma_wait3A_1115 = tpu.memref_squeeze %dma_wait3A_1114 : memref<1x256x32xf32, #tpu.memory_space<vmem>> -> memref<256x32xf32, #tpu.memory_space<vmem>>
      %dma_wait3A_1116 = arith.constant 0 : i32
      %dma_wait3A_1117 = tpu.memref_slice %arg4[%sub3A_1110, %add3A_405, %dma_wait3A_1116] : memref<100x16384x32xf32, #tpu.memory_space<hbm>> -> memref<1x256x32xf32, #tpu.memory_space<hbm>>
      %dma_wait3A_1118 = tpu.memref_squeeze %dma_wait3A_1117 : memref<1x256x32xf32, #tpu.memory_space<hbm>> -> memref<256x32xf32, #tpu.memory_space<hbm>>
      %dma_wait3A_1119 = arith.constant 0 : i32
      %dma_wait3A_1120 = tpu.memref_slice %arg4[%sub3A_1110, %add3A_405, %dma_wait3A_1119] : memref<100x16384x32xf32, #tpu.memory_space<hbm>> -> memref<1x256x32xf32, #tpu.memory_space<hbm>>
      %dma_wait3A_1121 = tpu.memref_squeeze %dma_wait3A_1120 : memref<1x256x32xf32, #tpu.memory_space<hbm>> -> memref<256x32xf32, #tpu.memory_space<hbm>>
      %dma_wait3A_1122 = arith.constant 0 : i32
      %dma_wait3A_1123 = arith.constant 0 : i32
      %dma_wait3A_1124 = tpu.memref_slice %arg6[%dma_wait3A_1111, %dma_wait3A_1122, %dma_wait3A_1123] : memref<6x256x32xf32, #tpu.memory_space<vmem>> -> memref<1x256x32xf32, #tpu.memory_space<vmem>>
      %dma_wait3A_1125 = tpu.memref_squeeze %dma_wait3A_1124 : memref<1x256x32xf32, #tpu.memory_space<vmem>> -> memref<256x32xf32, #tpu.memory_space<vmem>>
      tpu.wait_dma2 semaphore(%arg17 : memref<!tpu.dma_semaphore, #tpu.memory_space<semaphore_mem>>) src(%dma_wait3A_1125 : memref<256x32xf32, #tpu.memory_space<vmem>>) dst(%dma_wait3A_1121 : memref<256x32xf32, #tpu.memory_space<hbm>>)
      %add3A_1126 = arith.constant 3 : i32
      %add3A_1127 = arith.addi %add3A_1069, %add3A_1126 : i32
      %lt3A_1128 = arith.constant 100 : i32
      %lt3A_1129 = arith.cmpi slt, %add3A_1127, %lt3A_1128 : i32
      %convert_element_type3A_1130 = arith.extui %lt3A_1129 : i1 to i32
      %cond3A_1131 = arith.constant 0 : i32
      %cond3A_1132 = arith.cmpi ne, %convert_element_type3A_1130, %cond3A_1131 : i32
      scf.if %cond3A_1132 {
        %add3A_1198 = arith.constant 3 : i32
        %add3A_1199 = arith.addi %add3A_1069, %add3A_1198 : i32
        %dma_start3A_1200 = arith.constant 1 : i32
        %dma_start3A_1201 = arith.constant 4 : i32
        %dma_start3A_1202 = arith.constant 0 : i32
        %dma_start3A_1203 = arith.constant 0 : i32
        %dma_start3A_1204 = tpu.memref_slice %arg6[%dma_start3A_1201, %dma_start3A_1202, %dma_start3A_1203] : memref<6x256x32xf32, #tpu.memory_space<vmem>> -> memref<1x128x32xf32, #tpu.memory_space<vmem>>
        %dma_start3A_1205 = tpu.memref_squeeze %dma_start3A_1204 : memref<1x128x32xf32, #tpu.memory_space<vmem>> -> memref<128x32xf32, #tpu.memory_space<vmem>>
        %dma_start3A_1206 = arith.constant 0 : i32
        %dma_start3A_1207 = tpu.memref_slice %arg5[%dma_start3A_1200, %add3A_1199, %dma_start3A_1206] : memref<2x100x256xi32, #tpu.memory_space<vmem>> -> memref<1x1x128xi32, #tpu.memory_space<vmem>>
        %dma_start3A_1208 = tpu.memref_squeeze %dma_start3A_1207 : memref<1x1x128xi32, #tpu.memory_space<vmem>> -> memref<128xi32, #tpu.memory_space<vmem>>
        %dma_start3A_1209 = arith.constant 0 : i32
        %dma_start3A_1210 = arith.constant 0 : i32
        %dma_start3A_1211 = tpu.memref_slice %arg2[%dma_start3A_1209, %dma_start3A_1210] : memref<1000001x32xf32, #tpu.memory_space<hbm>> -> memref<1000001x32xf32, #tpu.memory_space<hbm>>
        tpu.enqueue_indirect_dma source(%dma_start3A_1211 : memref<1000001x32xf32, #tpu.memory_space<hbm>>) target(%dma_start3A_1205 : memref<128x32xf32, #tpu.memory_space<vmem>>) offsets(%dma_start3A_1208 : memref<128xi32, #tpu.memory_space<vmem>>) semaphore(%arg11 : memref<!tpu.dma_semaphore, #tpu.memory_space<semaphore_mem>>)
        %dma_start3A_1212 = arith.constant 1 : i32
        %dma_start3A_1213 = arith.constant 4 : i32
        %dma_start3A_1214 = arith.constant 128 : i32
        %dma_start3A_1215 = arith.constant 0 : i32
        %dma_start3A_1216 = tpu.memref_slice %arg6[%dma_start3A_1213, %dma_start3A_1214, %dma_start3A_1215] : memref<6x256x32xf32, #tpu.memory_space<vmem>> -> memref<1x128x32xf32, #tpu.memory_space<vmem>>
        %dma_start3A_1217 = tpu.memref_squeeze %dma_start3A_1216 : memref<1x128x32xf32, #tpu.memory_space<vmem>> -> memref<128x32xf32, #tpu.memory_space<vmem>>
        %dma_start3A_1218 = arith.constant 128 : i32
        %dma_start3A_1219 = tpu.memref_slice %arg5[%dma_start3A_1212, %add3A_1199, %dma_start3A_1218] : memref<2x100x256xi32, #tpu.memory_space<vmem>> -> memref<1x1x128xi32, #tpu.memory_space<vmem>>
        %dma_start3A_1220 = tpu.memref_squeeze %dma_start3A_1219 : memref<1x1x128xi32, #tpu.memory_space<vmem>> -> memref<128xi32, #tpu.memory_space<vmem>>
        %dma_start3A_1221 = arith.constant 0 : i32
        %dma_start3A_1222 = arith.constant 0 : i32
        %dma_start3A_1223 = tpu.memref_slice %arg2[%dma_start3A_1221, %dma_start3A_1222] : memref<1000001x32xf32, #tpu.memory_space<hbm>> -> memref<1000001x32xf32, #tpu.memory_space<hbm>>
        tpu.enqueue_indirect_dma source(%dma_start3A_1223 : memref<1000001x32xf32, #tpu.memory_space<hbm>>) target(%dma_start3A_1217 : memref<128x32xf32, #tpu.memory_space<vmem>>) offsets(%dma_start3A_1220 : memref<128xi32, #tpu.memory_space<vmem>>) semaphore(%arg11 : memref<!tpu.dma_semaphore, #tpu.memory_space<semaphore_mem>>)
      } else {
      }
      %add3A_1133 = arith.constant 5 : i32
      %add3A_1134 = arith.addi %add3A_811, %add3A_1133 : i32
      %dma_wait3A_1135 = arith.constant 1 : i32
      %dma_wait3A_1136 = arith.constant 2 : i32
      %dma_wait3A_1137 = arith.constant 0 : i32
      %dma_wait3A_1138 = arith.constant 0 : i32
      %dma_wait3A_1139 = tpu.memref_slice %arg6[%dma_wait3A_1136, %dma_wait3A_1137, %dma_wait3A_1138] : memref<6x256x32xf32, #tpu.memory_space<vmem>> -> memref<1x128x32xf32, #tpu.memory_space<vmem>>
      %dma_wait3A_1140 = tpu.memref_squeeze %dma_wait3A_1139 : memref<1x128x32xf32, #tpu.memory_space<vmem>> -> memref<128x32xf32, #tpu.memory_space<vmem>>
      %dma_wait3A_1141 = arith.constant 0 : i32
      %dma_wait3A_1142 = tpu.memref_slice %arg5[%dma_wait3A_1135, %add3A_1134, %dma_wait3A_1141] : memref<2x100x256xi32, #tpu.memory_space<vmem>> -> memref<1x1x128xi32, #tpu.memory_space<vmem>>
      %dma_wait3A_1143 = tpu.memref_squeeze %dma_wait3A_1142 : memref<1x1x128xi32, #tpu.memory_space<vmem>> -> memref<128xi32, #tpu.memory_space<vmem>>
      %dma_wait3A_1144 = arith.constant 0 : i32
      %dma_wait3A_1145 = arith.constant 0 : i32
      %dma_wait3A_1146 = tpu.memref_slice %arg2[%dma_wait3A_1144, %dma_wait3A_1145] : memref<1000001x32xf32, #tpu.memory_space<hbm>> -> memref<1000001x32xf32, #tpu.memory_space<hbm>>
      tpu.wait_indirect_dma semaphore(%arg9 : memref<!tpu.dma_semaphore, #tpu.memory_space<semaphore_mem>>) src(%dma_wait3A_1146 : memref<1000001x32xf32, #tpu.memory_space<hbm>>) dst(%dma_wait3A_1140 : memref<128x32xf32, #tpu.memory_space<vmem>>)
      %dma_wait3A_1147 = arith.constant 1 : i32
      %dma_wait3A_1148 = arith.constant 2 : i32
      %dma_wait3A_1149 = arith.constant 128 : i32
      %dma_wait3A_1150 = arith.constant 0 : i32
      %dma_wait3A_1151 = tpu.memref_slice %arg6[%dma_wait3A_1148, %dma_wait3A_1149, %dma_wait3A_1150] : memref<6x256x32xf32, #tpu.memory_space<vmem>> -> memref<1x128x32xf32, #tpu.memory_space<vmem>>
      %dma_wait3A_1152 = tpu.memref_squeeze %dma_wait3A_1151 : memref<1x128x32xf32, #tpu.memory_space<vmem>> -> memref<128x32xf32, #tpu.memory_space<vmem>>
      %dma_wait3A_1153 = arith.constant 128 : i32
      %dma_wait3A_1154 = tpu.memref_slice %arg5[%dma_wait3A_1147, %add3A_1134, %dma_wait3A_1153] : memref<2x100x256xi32, #tpu.memory_space<vmem>> -> memref<1x1x128xi32, #tpu.memory_space<vmem>>
      %dma_wait3A_1155 = tpu.memref_squeeze %dma_wait3A_1154 : memref<1x1x128xi32, #tpu.memory_space<vmem>> -> memref<128xi32, #tpu.memory_space<vmem>>
      %dma_wait3A_1156 = arith.constant 0 : i32
      %dma_wait3A_1157 = arith.constant 0 : i32
      %dma_wait3A_1158 = tpu.memref_slice %arg2[%dma_wait3A_1156, %dma_wait3A_1157] : memref<1000001x32xf32, #tpu.memory_space<hbm>> -> memref<1000001x32xf32, #tpu.memory_space<hbm>>
      tpu.wait_indirect_dma semaphore(%arg9 : memref<!tpu.dma_semaphore, #tpu.memory_space<semaphore_mem>>) src(%dma_wait3A_1158 : memref<1000001x32xf32, #tpu.memory_space<hbm>>) dst(%dma_wait3A_1152 : memref<128x32xf32, #tpu.memory_space<vmem>>)
      %dma_start3A_1159 = arith.constant 2 : i32
      %dma_start3A_1160 = arith.constant 0 : i32
      %dma_start3A_1161 = arith.constant 0 : i32
      %dma_start3A_1162 = tpu.memref_slice %arg6[%dma_start3A_1159, %dma_start3A_1160, %dma_start3A_1161] : memref<6x256x32xf32, #tpu.memory_space<vmem>> -> memref<1x256x32xf32, #tpu.memory_space<vmem>>
      %dma_start3A_1163 = tpu.memref_squeeze %dma_start3A_1162 : memref<1x256x32xf32, #tpu.memory_space<vmem>> -> memref<256x32xf32, #tpu.memory_space<vmem>>
      %dma_start3A_1164 = arith.constant 0 : i32
      %dma_start3A_1165 = tpu.memref_slice %arg4[%add3A_1134, %add3A_405, %dma_start3A_1164] : memref<100x16384x32xf32, #tpu.memory_space<hbm>> -> memref<1x256x32xf32, #tpu.memory_space<hbm>>
      %dma_start3A_1166 = tpu.memref_squeeze %dma_start3A_1165 : memref<1x256x32xf32, #tpu.memory_space<hbm>> -> memref<256x32xf32, #tpu.memory_space<hbm>>
      %dma_start3A_1167 = arith.constant 0 : i32
      %dma_start3A_1168 = tpu.memref_slice %arg4[%add3A_1134, %add3A_405, %dma_start3A_1167] : memref<100x16384x32xf32, #tpu.memory_space<hbm>> -> memref<1x256x32xf32, #tpu.memory_space<hbm>>
      %dma_start3A_1169 = tpu.memref_squeeze %dma_start3A_1168 : memref<1x256x32xf32, #tpu.memory_space<hbm>> -> memref<256x32xf32, #tpu.memory_space<hbm>>
      %dma_start3A_1170 = arith.constant 0 : i32
      %dma_start3A_1171 = arith.constant 0 : i32
      %dma_start3A_1172 = tpu.memref_slice %arg6[%dma_start3A_1159, %dma_start3A_1170, %dma_start3A_1171] : memref<6x256x32xf32, #tpu.memory_space<vmem>> -> memref<1x256x32xf32, #tpu.memory_space<vmem>>
      %dma_start3A_1173 = tpu.memref_squeeze %dma_start3A_1172 : memref<1x256x32xf32, #tpu.memory_space<vmem>> -> memref<256x32xf32, #tpu.memory_space<vmem>>
      tpu.enqueue_dma source(%dma_start3A_1173 : memref<256x32xf32, #tpu.memory_space<vmem>>) target(%dma_start3A_1169 : memref<256x32xf32, #tpu.memory_space<hbm>>) target_semaphore(%arg15 : memref<!tpu.dma_semaphore, #tpu.memory_space<semaphore_mem>>)
      %sub3A_1174 = arith.constant 3 : i32
      %sub3A_1175 = arith.subi %add3A_1134, %sub3A_1174 : i32
      %dma_wait3A_1176 = arith.constant 5 : i32
      %dma_wait3A_1177 = arith.constant 0 : i32
      %dma_wait3A_1178 = arith.constant 0 : i32
      %dma_wait3A_1179 = tpu.memref_slice %arg6[%dma_wait3A_1176, %dma_wait3A_1177, %dma_wait3A_1178] : memref<6x256x32xf32, #tpu.memory_space<vmem>> -> memref<1x256x32xf32, #tpu.memory_space<vmem>>
      %dma_wait3A_1180 = tpu.memref_squeeze %dma_wait3A_1179 : memref<1x256x32xf32, #tpu.memory_space<vmem>> -> memref<256x32xf32, #tpu.memory_space<vmem>>
      %dma_wait3A_1181 = arith.constant 0 : i32
      %dma_wait3A_1182 = tpu.memref_slice %arg4[%sub3A_1175, %add3A_405, %dma_wait3A_1181] : memref<100x16384x32xf32, #tpu.memory_space<hbm>> -> memref<1x256x32xf32, #tpu.memory_space<hbm>>
      %dma_wait3A_1183 = tpu.memref_squeeze %dma_wait3A_1182 : memref<1x256x32xf32, #tpu.memory_space<hbm>> -> memref<256x32xf32, #tpu.memory_space<hbm>>
      %dma_wait3A_1184 = arith.constant 0 : i32
      %dma_wait3A_1185 = tpu.memref_slice %arg4[%sub3A_1175, %add3A_405, %dma_wait3A_1184] : memref<100x16384x32xf32, #tpu.memory_space<hbm>> -> memref<1x256x32xf32, #tpu.memory_space<hbm>>
      %dma_wait3A_1186 = tpu.memref_squeeze %dma_wait3A_1185 : memref<1x256x32xf32, #tpu.memory_space<hbm>> -> memref<256x32xf32, #tpu.memory_space<hbm>>
      %dma_wait3A_1187 = arith.constant 0 : i32
      %dma_wait3A_1188 = arith.constant 0 : i32
      %dma_wait3A_1189 = tpu.memref_slice %arg6[%dma_wait3A_1176, %dma_wait3A_1187, %dma_wait3A_1188] : memref<6x256x32xf32, #tpu.memory_space<vmem>> -> memref<1x256x32xf32, #tpu.memory_space<vmem>>
      %dma_wait3A_1190 = tpu.memref_squeeze %dma_wait3A_1189 : memref<1x256x32xf32, #tpu.memory_space<vmem>> -> memref<256x32xf32, #tpu.memory_space<vmem>>
      tpu.wait_dma2 semaphore(%arg18 : memref<!tpu.dma_semaphore, #tpu.memory_space<semaphore_mem>>) src(%dma_wait3A_1190 : memref<256x32xf32, #tpu.memory_space<vmem>>) dst(%dma_wait3A_1186 : memref<256x32xf32, #tpu.memory_space<hbm>>)
      %add3A_1191 = arith.constant 3 : i32
      %add3A_1192 = arith.addi %add3A_1134, %add3A_1191 : i32
      %lt3A_1193 = arith.constant 100 : i32
      %lt3A_1194 = arith.cmpi slt, %add3A_1192, %lt3A_1193 : i32
      %convert_element_type3A_1195 = arith.extui %lt3A_1194 : i1 to i32
      %cond3A_1196 = arith.constant 0 : i32
      %cond3A_1197 = arith.cmpi ne, %convert_element_type3A_1195, %cond3A_1196 : i32
      scf.if %cond3A_1197 {
        %add3A_1198 = arith.constant 3 : i32
        %add3A_1199 = arith.addi %add3A_1134, %add3A_1198 : i32
        %dma_start3A_1200 = arith.constant 1 : i32
        %dma_start3A_1201 = arith.constant 5 : i32
        %dma_start3A_1202 = arith.constant 0 : i32
        %dma_start3A_1203 = arith.constant 0 : i32
        %dma_start3A_1204 = tpu.memref_slice %arg6[%dma_start3A_1201, %dma_start3A_1202, %dma_start3A_1203] : memref<6x256x32xf32, #tpu.memory_space<vmem>> -> memref<1x128x32xf32, #tpu.memory_space<vmem>>
        %dma_start3A_1205 = tpu.memref_squeeze %dma_start3A_1204 : memref<1x128x32xf32, #tpu.memory_space<vmem>> -> memref<128x32xf32, #tpu.memory_space<vmem>>
        %dma_start3A_1206 = arith.constant 0 : i32
        %dma_start3A_1207 = tpu.memref_slice %arg5[%dma_start3A_1200, %add3A_1199, %dma_start3A_1206] : memref<2x100x256xi32, #tpu.memory_space<vmem>> -> memref<1x1x128xi32, #tpu.memory_space<vmem>>
        %dma_start3A_1208 = tpu.memref_squeeze %dma_start3A_1207 : memref<1x1x128xi32, #tpu.memory_space<vmem>> -> memref<128xi32, #tpu.memory_space<vmem>>
        %dma_start3A_1209 = arith.constant 0 : i32
        %dma_start3A_1210 = arith.constant 0 : i32
        %dma_start3A_1211 = tpu.memref_slice %arg2[%dma_start3A_1209, %dma_start3A_1210] : memref<1000001x32xf32, #tpu.memory_space<hbm>> -> memref<1000001x32xf32, #tpu.memory_space<hbm>>
        tpu.enqueue_indirect_dma source(%dma_start3A_1211 : memref<1000001x32xf32, #tpu.memory_space<hbm>>) target(%dma_start3A_1205 : memref<128x32xf32, #tpu.memory_space<vmem>>) offsets(%dma_start3A_1208 : memref<128xi32, #tpu.memory_space<vmem>>) semaphore(%arg12 : memref<!tpu.dma_semaphore, #tpu.memory_space<semaphore_mem>>)
        %dma_start3A_1212 = arith.constant 1 : i32
        %dma_start3A_1213 = arith.constant 5 : i32
        %dma_start3A_1214 = arith.constant 128 : i32
        %dma_start3A_1215 = arith.constant 0 : i32
        %dma_start3A_1216 = tpu.memref_slice %arg6[%dma_start3A_1213, %dma_start3A_1214, %dma_start3A_1215] : memref<6x256x32xf32, #tpu.memory_space<vmem>> -> memref<1x128x32xf32, #tpu.memory_space<vmem>>
        %dma_start3A_1217 = tpu.memref_squeeze %dma_start3A_1216 : memref<1x128x32xf32, #tpu.memory_space<vmem>> -> memref<128x32xf32, #tpu.memory_space<vmem>>
        %dma_start3A_1218 = arith.constant 128 : i32
        %dma_start3A_1219 = tpu.memref_slice %arg5[%dma_start3A_1212, %add3A_1199, %dma_start3A_1218] : memref<2x100x256xi32, #tpu.memory_space<vmem>> -> memref<1x1x128xi32, #tpu.memory_space<vmem>>
        %dma_start3A_1220 = tpu.memref_squeeze %dma_start3A_1219 : memref<1x1x128xi32, #tpu.memory_space<vmem>> -> memref<128xi32, #tpu.memory_space<vmem>>
        %dma_start3A_1221 = arith.constant 0 : i32
        %dma_start3A_1222 = arith.constant 0 : i32
        %dma_start3A_1223 = tpu.memref_slice %arg2[%dma_start3A_1221, %dma_start3A_1222] : memref<1000001x32xf32, #tpu.memory_space<hbm>> -> memref<1000001x32xf32, #tpu.memory_space<hbm>>
        tpu.enqueue_indirect_dma source(%dma_start3A_1223 : memref<1000001x32xf32, #tpu.memory_space<hbm>>) target(%dma_start3A_1217 : memref<128x32xf32, #tpu.memory_space<vmem>>) offsets(%dma_start3A_1220 : memref<128xi32, #tpu.memory_space<vmem>>) semaphore(%arg12 : memref<!tpu.dma_semaphore, #tpu.memory_space<semaphore_mem>>)
      } else {
      }
    }
    %scan3A_700 = arith.constant 16 : i32
    %dma_wait3A_701 = arith.constant 1 : i32
    %dma_wait3A_702 = arith.constant 99 : i32
    %dma_wait3A_703 = arith.constant 3 : i32
    %dma_wait3A_704 = arith.constant 0 : i32
    %dma_wait3A_705 = arith.constant 0 : i32
    %dma_wait3A_706 = tpu.memref_slice %arg6[%dma_wait3A_703, %dma_wait3A_704, %dma_wait3A_705] : memref<6x256x32xf32, #tpu.memory_space<vmem>> -> memref<1x128x32xf32, #tpu.memory_space<vmem>>
    %dma_wait3A_707 = tpu.memref_squeeze %dma_wait3A_706 : memref<1x128x32xf32, #tpu.memory_space<vmem>> -> memref<128x32xf32, #tpu.memory_space<vmem>>
    %dma_wait3A_708 = arith.constant 0 : i32
    %dma_wait3A_709 = tpu.memref_slice %arg5[%dma_wait3A_701, %dma_wait3A_702, %dma_wait3A_708] : memref<2x100x256xi32, #tpu.memory_space<vmem>> -> memref<1x1x128xi32, #tpu.memory_space<vmem>>
    %dma_wait3A_710 = tpu.memref_squeeze %dma_wait3A_709 : memref<1x1x128xi32, #tpu.memory_space<vmem>> -> memref<128xi32, #tpu.memory_space<vmem>>
    %dma_wait3A_711 = arith.constant 0 : i32
    %dma_wait3A_712 = arith.constant 0 : i32
    %dma_wait3A_713 = tpu.memref_slice %arg2[%dma_wait3A_711, %dma_wait3A_712] : memref<1000001x32xf32, #tpu.memory_space<hbm>> -> memref<1000001x32xf32, #tpu.memory_space<hbm>>
    tpu.wait_indirect_dma semaphore(%arg10 : memref<!tpu.dma_semaphore, #tpu.memory_space<semaphore_mem>>) src(%dma_wait3A_713 : memref<1000001x32xf32, #tpu.memory_space<hbm>>) dst(%dma_wait3A_707 : memref<128x32xf32, #tpu.memory_space<vmem>>)
    %dma_wait3A_714 = arith.constant 1 : i32
    %dma_wait3A_715 = arith.constant 99 : i32
    %dma_wait3A_716 = arith.constant 3 : i32
    %dma_wait3A_717 = arith.constant 128 : i32
    %dma_wait3A_718 = arith.constant 0 : i32
    %dma_wait3A_719 = tpu.memref_slice %arg6[%dma_wait3A_716, %dma_wait3A_717, %dma_wait3A_718] : memref<6x256x32xf32, #tpu.memory_space<vmem>> -> memref<1x128x32xf32, #tpu.memory_space<vmem>>
    %dma_wait3A_720 = tpu.memref_squeeze %dma_wait3A_719 : memref<1x128x32xf32, #tpu.memory_space<vmem>> -> memref<128x32xf32, #tpu.memory_space<vmem>>
    %dma_wait3A_721 = arith.constant 128 : i32
    %dma_wait3A_722 = tpu.memref_slice %arg5[%dma_wait3A_714, %dma_wait3A_715, %dma_wait3A_721] : memref<2x100x256xi32, #tpu.memory_space<vmem>> -> memref<1x1x128xi32, #tpu.memory_space<vmem>>
    %dma_wait3A_723 = tpu.memref_squeeze %dma_wait3A_722 : memref<1x1x128xi32, #tpu.memory_space<vmem>> -> memref<128xi32, #tpu.memory_space<vmem>>
    %dma_wait3A_724 = arith.constant 0 : i32
    %dma_wait3A_725 = arith.constant 0 : i32
    %dma_wait3A_726 = tpu.memref_slice %arg2[%dma_wait3A_724, %dma_wait3A_725] : memref<1000001x32xf32, #tpu.memory_space<hbm>> -> memref<1000001x32xf32, #tpu.memory_space<hbm>>
    tpu.wait_indirect_dma semaphore(%arg10 : memref<!tpu.dma_semaphore, #tpu.memory_space<semaphore_mem>>) src(%dma_wait3A_726 : memref<1000001x32xf32, #tpu.memory_space<hbm>>) dst(%dma_wait3A_720 : memref<128x32xf32, #tpu.memory_space<vmem>>)
    %dma_start3A_727 = arith.constant 3 : i32
    %dma_start3A_728 = arith.constant 99 : i32
    %dma_start3A_729 = arith.constant 0 : i32
    %dma_start3A_730 = arith.constant 0 : i32
    %dma_start3A_731 = tpu.memref_slice %arg6[%dma_start3A_727, %dma_start3A_729, %dma_start3A_730] : memref<6x256x32xf32, #tpu.memory_space<vmem>> -> memref<1x256x32xf32, #tpu.memory_space<vmem>>
    %dma_start3A_732 = tpu.memref_squeeze %dma_start3A_731 : memref<1x256x32xf32, #tpu.memory_space<vmem>> -> memref<256x32xf32, #tpu.memory_space<vmem>>
    %dma_start3A_733 = arith.constant 0 : i32
    %dma_start3A_734 = tpu.memref_slice %arg4[%dma_start3A_728, %add3A_405, %dma_start3A_733] : memref<100x16384x32xf32, #tpu.memory_space<hbm>> -> memref<1x256x32xf32, #tpu.memory_space<hbm>>
    %dma_start3A_735 = tpu.memref_squeeze %dma_start3A_734 : memref<1x256x32xf32, #tpu.memory_space<hbm>> -> memref<256x32xf32, #tpu.memory_space<hbm>>
    %dma_start3A_736 = arith.constant 0 : i32
    %dma_start3A_737 = tpu.memref_slice %arg4[%dma_start3A_728, %add3A_405, %dma_start3A_736] : memref<100x16384x32xf32, #tpu.memory_space<hbm>> -> memref<1x256x32xf32, #tpu.memory_space<hbm>>
    %dma_start3A_738 = tpu.memref_squeeze %dma_start3A_737 : memref<1x256x32xf32, #tpu.memory_space<hbm>> -> memref<256x32xf32, #tpu.memory_space<hbm>>
    %dma_start3A_739 = arith.constant 0 : i32
    %dma_start3A_740 = arith.constant 0 : i32
    %dma_start3A_741 = tpu.memref_slice %arg6[%dma_start3A_727, %dma_start3A_739, %dma_start3A_740] : memref<6x256x32xf32, #tpu.memory_space<vmem>> -> memref<1x256x32xf32, #tpu.memory_space<vmem>>
    %dma_start3A_742 = tpu.memref_squeeze %dma_start3A_741 : memref<1x256x32xf32, #tpu.memory_space<vmem>> -> memref<256x32xf32, #tpu.memory_space<vmem>>
    tpu.enqueue_dma source(%dma_start3A_742 : memref<256x32xf32, #tpu.memory_space<vmem>>) target(%dma_start3A_738 : memref<256x32xf32, #tpu.memory_space<hbm>>) target_semaphore(%arg16 : memref<!tpu.dma_semaphore, #tpu.memory_space<semaphore_mem>>)
    %dma_wait3A_743 = arith.constant 0 : i32
    %dma_wait3A_744 = arith.constant 96 : i32
    %dma_wait3A_745 = arith.constant 0 : i32
    %dma_wait3A_746 = arith.constant 0 : i32
    %dma_wait3A_747 = tpu.memref_slice %arg6[%dma_wait3A_743, %dma_wait3A_745, %dma_wait3A_746] : memref<6x256x32xf32, #tpu.memory_space<vmem>> -> memref<1x256x32xf32, #tpu.memory_space<vmem>>
    %dma_wait3A_748 = tpu.memref_squeeze %dma_wait3A_747 : memref<1x256x32xf32, #tpu.memory_space<vmem>> -> memref<256x32xf32, #tpu.memory_space<vmem>>
    %dma_wait3A_749 = arith.constant 0 : i32
    %dma_wait3A_750 = tpu.memref_slice %arg4[%dma_wait3A_744, %add3A_405, %dma_wait3A_749] : memref<100x16384x32xf32, #tpu.memory_space<hbm>> -> memref<1x256x32xf32, #tpu.memory_space<hbm>>
    %dma_wait3A_751 = tpu.memref_squeeze %dma_wait3A_750 : memref<1x256x32xf32, #tpu.memory_space<hbm>> -> memref<256x32xf32, #tpu.memory_space<hbm>>
    %dma_wait3A_752 = arith.constant 0 : i32
    %dma_wait3A_753 = tpu.memref_slice %arg4[%dma_wait3A_744, %add3A_405, %dma_wait3A_752] : memref<100x16384x32xf32, #tpu.memory_space<hbm>> -> memref<1x256x32xf32, #tpu.memory_space<hbm>>
    %dma_wait3A_754 = tpu.memref_squeeze %dma_wait3A_753 : memref<1x256x32xf32, #tpu.memory_space<hbm>> -> memref<256x32xf32, #tpu.memory_space<hbm>>
    %dma_wait3A_755 = arith.constant 0 : i32
    %dma_wait3A_756 = arith.constant 0 : i32
    %dma_wait3A_757 = tpu.memref_slice %arg6[%dma_wait3A_743, %dma_wait3A_755, %dma_wait3A_756] : memref<6x256x32xf32, #tpu.memory_space<vmem>> -> memref<1x256x32xf32, #tpu.memory_space<vmem>>
    %dma_wait3A_758 = tpu.memref_squeeze %dma_wait3A_757 : memref<1x256x32xf32, #tpu.memory_space<vmem>> -> memref<256x32xf32, #tpu.memory_space<vmem>>
    tpu.wait_dma2 semaphore(%arg13 : memref<!tpu.dma_semaphore, #tpu.memory_space<semaphore_mem>>) src(%dma_wait3A_758 : memref<256x32xf32, #tpu.memory_space<vmem>>) dst(%dma_wait3A_754 : memref<256x32xf32, #tpu.memory_space<hbm>>)
    %dma_wait3A_759 = arith.constant 1 : i32
    %dma_wait3A_760 = arith.constant 97 : i32
    %dma_wait3A_761 = arith.constant 0 : i32
    %dma_wait3A_762 = arith.constant 0 : i32
    %dma_wait3A_763 = tpu.memref_slice %arg6[%dma_wait3A_759, %dma_wait3A_761, %dma_wait3A_762] : memref<6x256x32xf32, #tpu.memory_space<vmem>> -> memref<1x256x32xf32, #tpu.memory_space<vmem>>
    %dma_wait3A_764 = tpu.memref_squeeze %dma_wait3A_763 : memref<1x256x32xf32, #tpu.memory_space<vmem>> -> memref<256x32xf32, #tpu.memory_space<vmem>>
    %dma_wait3A_765 = arith.constant 0 : i32
    %dma_wait3A_766 = tpu.memref_slice %arg4[%dma_wait3A_760, %add3A_405, %dma_wait3A_765] : memref<100x16384x32xf32, #tpu.memory_space<hbm>> -> memref<1x256x32xf32, #tpu.memory_space<hbm>>
    %dma_wait3A_767 = tpu.memref_squeeze %dma_wait3A_766 : memref<1x256x32xf32, #tpu.memory_space<hbm>> -> memref<256x32xf32, #tpu.memory_space<hbm>>
    %dma_wait3A_768 = arith.constant 0 : i32
    %dma_wait3A_769 = tpu.memref_slice %arg4[%dma_wait3A_760, %add3A_405, %dma_wait3A_768] : memref<100x16384x32xf32, #tpu.memory_space<hbm>> -> memref<1x256x32xf32, #tpu.memory_space<hbm>>
    %dma_wait3A_770 = tpu.memref_squeeze %dma_wait3A_769 : memref<1x256x32xf32, #tpu.memory_space<hbm>> -> memref<256x32xf32, #tpu.memory_space<hbm>>
    %dma_wait3A_771 = arith.constant 0 : i32
    %dma_wait3A_772 = arith.constant 0 : i32
    %dma_wait3A_773 = tpu.memref_slice %arg6[%dma_wait3A_759, %dma_wait3A_771, %dma_wait3A_772] : memref<6x256x32xf32, #tpu.memory_space<vmem>> -> memref<1x256x32xf32, #tpu.memory_space<vmem>>
    %dma_wait3A_774 = tpu.memref_squeeze %dma_wait3A_773 : memref<1x256x32xf32, #tpu.memory_space<vmem>> -> memref<256x32xf32, #tpu.memory_space<vmem>>
    tpu.wait_dma2 semaphore(%arg14 : memref<!tpu.dma_semaphore, #tpu.memory_space<semaphore_mem>>) src(%dma_wait3A_774 : memref<256x32xf32, #tpu.memory_space<vmem>>) dst(%dma_wait3A_770 : memref<256x32xf32, #tpu.memory_space<hbm>>)
    %dma_wait3A_775 = arith.constant 2 : i32
    %dma_wait3A_776 = arith.constant 98 : i32
    %dma_wait3A_777 = arith.constant 0 : i32
    %dma_wait3A_778 = arith.constant 0 : i32
    %dma_wait3A_779 = tpu.memref_slice %arg6[%dma_wait3A_775, %dma_wait3A_777, %dma_wait3A_778] : memref<6x256x32xf32, #tpu.memory_space<vmem>> -> memref<1x256x32xf32, #tpu.memory_space<vmem>>
    %dma_wait3A_780 = tpu.memref_squeeze %dma_wait3A_779 : memref<1x256x32xf32, #tpu.memory_space<vmem>> -> memref<256x32xf32, #tpu.memory_space<vmem>>
    %dma_wait3A_781 = arith.constant 0 : i32
    %dma_wait3A_782 = tpu.memref_slice %arg4[%dma_wait3A_776, %add3A_405, %dma_wait3A_781] : memref<100x16384x32xf32, #tpu.memory_space<hbm>> -> memref<1x256x32xf32, #tpu.memory_space<hbm>>
    %dma_wait3A_783 = tpu.memref_squeeze %dma_wait3A_782 : memref<1x256x32xf32, #tpu.memory_space<hbm>> -> memref<256x32xf32, #tpu.memory_space<hbm>>
    %dma_wait3A_784 = arith.constant 0 : i32
    %dma_wait3A_785 = tpu.memref_slice %arg4[%dma_wait3A_776, %add3A_405, %dma_wait3A_784] : memref<100x16384x32xf32, #tpu.memory_space<hbm>> -> memref<1x256x32xf32, #tpu.memory_space<hbm>>
    %dma_wait3A_786 = tpu.memref_squeeze %dma_wait3A_785 : memref<1x256x32xf32, #tpu.memory_space<hbm>> -> memref<256x32xf32, #tpu.memory_space<hbm>>
    %dma_wait3A_787 = arith.constant 0 : i32
    %dma_wait3A_788 = arith.constant 0 : i32
    %dma_wait3A_789 = tpu.memref_slice %arg6[%dma_wait3A_775, %dma_wait3A_787, %dma_wait3A_788] : memref<6x256x32xf32, #tpu.memory_space<vmem>> -> memref<1x256x32xf32, #tpu.memory_space<vmem>>
    %dma_wait3A_790 = tpu.memref_squeeze %dma_wait3A_789 : memref<1x256x32xf32, #tpu.memory_space<vmem>> -> memref<256x32xf32, #tpu.memory_space<vmem>>
    tpu.wait_dma2 semaphore(%arg15 : memref<!tpu.dma_semaphore, #tpu.memory_space<semaphore_mem>>) src(%dma_wait3A_790 : memref<256x32xf32, #tpu.memory_space<vmem>>) dst(%dma_wait3A_786 : memref<256x32xf32, #tpu.memory_space<hbm>>)
    %dma_wait3A_791 = arith.constant 3 : i32
    %dma_wait3A_792 = arith.constant 99 : i32
    %dma_wait3A_793 = arith.constant 0 : i32
    %dma_wait3A_794 = arith.constant 0 : i32
    %dma_wait3A_795 = tpu.memref_slice %arg6[%dma_wait3A_791, %dma_wait3A_793, %dma_wait3A_794] : memref<6x256x32xf32, #tpu.memory_space<vmem>> -> memref<1x256x32xf32, #tpu.memory_space<vmem>>
    %dma_wait3A_796 = tpu.memref_squeeze %dma_wait3A_795 : memref<1x256x32xf32, #tpu.memory_space<vmem>> -> memref<256x32xf32, #tpu.memory_space<vmem>>
    %dma_wait3A_797 = arith.constant 0 : i32
    %dma_wait3A_798 = tpu.memref_slice %arg4[%dma_wait3A_792, %add3A_405, %dma_wait3A_797] : memref<100x16384x32xf32, #tpu.memory_space<hbm>> -> memref<1x256x32xf32, #tpu.memory_space<hbm>>
    %dma_wait3A_799 = tpu.memref_squeeze %dma_wait3A_798 : memref<1x256x32xf32, #tpu.memory_space<hbm>> -> memref<256x32xf32, #tpu.memory_space<hbm>>
    %dma_wait3A_800 = arith.constant 0 : i32
    %dma_wait3A_801 = tpu.memref_slice %arg4[%dma_wait3A_792, %add3A_405, %dma_wait3A_800] : memref<100x16384x32xf32, #tpu.memory_space<hbm>> -> memref<1x256x32xf32, #tpu.memory_space<hbm>>
    %dma_wait3A_802 = tpu.memref_squeeze %dma_wait3A_801 : memref<1x256x32xf32, #tpu.memory_space<hbm>> -> memref<256x32xf32, #tpu.memory_space<hbm>>
    %dma_wait3A_803 = arith.constant 0 : i32
    %dma_wait3A_804 = arith.constant 0 : i32
    %dma_wait3A_805 = tpu.memref_slice %arg6[%dma_wait3A_791, %dma_wait3A_803, %dma_wait3A_804] : memref<6x256x32xf32, #tpu.memory_space<vmem>> -> memref<1x256x32xf32, #tpu.memory_space<vmem>>
    %dma_wait3A_806 = tpu.memref_squeeze %dma_wait3A_805 : memref<1x256x32xf32, #tpu.memory_space<vmem>> -> memref<256x32xf32, #tpu.memory_space<vmem>>
    tpu.wait_dma2 semaphore(%arg16 : memref<!tpu.dma_semaphore, #tpu.memory_space<semaphore_mem>>) src(%dma_wait3A_806 : memref<256x32xf32, #tpu.memory_space<vmem>>) dst(%dma_wait3A_802 : memref<256x32xf32, #tpu.memory_space<hbm>>)
    return
  }
}

</mosaic_0001>

<sc_bundles>
// kernel: kernel.3.cloned.1.call-start
scs
__scs_entry_jumppad:
0x0: {  	(pc) =	sbr.rel $0x88, $3  }
0x1: {  	(tag) =	ssettag $0x0;
	lr =	simm.s32 $0x1  }
0x2: {  	[smem:$0x3F9F] =	sst lr;
	_ =	strace $0xD0000000  }
0x3: {  	_ = 	snop  }
0x4: {  	_ = 	snop  }
0x5: {  	_ = 	snop  }
0x6: {  	_ = 	snop  }
0x7: {  	_ = 	snop  }
__scs_overlays_trampoline_lowered:
0x8: {  	[smem:$0x3FAE] =	sst s0  }
0x9: {  	[smem:$0x3FAF] =	sst s1  }
0xa: {  	[smem:$0x3FB0] =	sst s2  }
0xb: {  	[smem:$0x3FB1] =	sst s3  }
0xc: {  	[smem:$0x3FB2] =	sst s4  }
0xd: {  	[smem:$0x3FB3] =	sst s5  }
0xe: {  	[smem:$0x3FB4] =	sst s6  }
0xf: {  	[smem:$0x3FB5] =	sst s7  }
0x10: {  	[smem:$0x3FB6] =	sst s8  }
0x11: {  	[smem:$0x3FB7] =	sst s9;
	s0 =	simm.s32 @!p0 $0x0  }
0x12: {  	s1 =	sld [smem:$0x3F9D];
	s0 =	simm.s32 @p0 $0x1  }
0x13: {  	[smem:$0x3FB8] =	sst s0;
	s0 =	simm.s32 @!p1 $0x0  }
0x14: {  	s2 =	sld [smem:$0x3F9C];
	s0 =	simm.s32 @p1 $0x1  }
0x15: {  	[smem:$0x3FB9] =	sst s0;
	s0 =	simm.s32 @!p2 $0x0  }
0x16: {  	s3 =	sld [smem:$0x3FDB];
	s0 =	simm.s32 @p2 $0x1  }
0x17: {  	s4 =	simm.s32 $0x1BF5;
	[smem:$0x3FBB] =	sst s0  }
0x18: {  	s0 =	sld [smem:$0x3F9E];
	_ =	swait.ge [sflag:s4], $0x0  }
0x19: {  	s7 =	sld [smem:$0x3F9F]  }
0x1a: {  	s8 =	sadd.s32 $0xFFFFE003, lr  }
0x1b: {  	s9 =	sadd.s32 $0xFFFFFEF7, lr;
	s5 =	simm.s32 $0xFFFFFFFF;
	p2 =	slt.u32 s8, $0xFFFFF086  }
0x1c: {  	p1 =	slt.u32 s9, $0xF7A;
	s5 =	simm.s32 @!p2 $0x0  }
0x1d: {  	s5 =	simm.s32 @p1 $0x1;
	p0 =	seq.s32 s7, s2  }
0x1e: {  	s7 =	smul.u32 @!p0 $0xF7A, s2;
	p2 =	seq.s32 @!p0 s5, $0x0  }
0x1f: {  	s9 =	smul.u32 $0xF7A, s1;
	s8 =	simm.s32 @!p0 $0x1BF5;
	p2 =	por !p2, p0  }
0x20: {  	[sflag:s8] =	ssyncset.s32 @!p0 $0xFFFFF086;
	s6 =	sadd.s32 @!p0 s3, s7;
	s7 =	simm.s32 @!p0 $0x108  }
0x21: {  	s3 =	sadd.s32 s3, s9;
	s6 =	sadd.s32 @!p0 $0x88, s6;
	s7 =	simm.s32 @p2 $0x1082  }
0x22: {  	[simem:s7], [sflag:s8] =	dma.local @!p0 [hbm:s6], $0xF7A  }
0x23: {  	s9 =	sor.u32 $0xD0000000, s2;
	s6 =	simm.s32 $0x108;
	_ =	swait.ge @!p0 [sflag:s8], $0x0  }
0x24: {  	s3 =	sadd.s32 $0x88, s3;
	s6 =	simm.s32 @!p1 $0x1082;
	[sflag:s4] =	ssyncset.s32 $0xFFFFF086  }
0x25: {  	[simem:s6], [sflag:s4] =	dma.local [hbm:s3], $0xF7A  }
0x26: {  	[smem:$0x3F9F] =	sst s1;
	(tag) =	ssettag s2;
	_ =	strace s9  }
0x27: {  	s1 =	sld [smem:$0x3FAF]  }
0x28: {  	s2 =	sld [smem:$0x3FB0]  }
0x29: {  	s4 =	sld [smem:$0x3FB2]  }
0x2a: {  	p0 =	seq.s32 s5, $0x0;
	s5 =	sld [smem:$0x3FB3]  }
0x2b: {  	s6 =	sld [smem:$0x3FB4]  }
0x2c: {  	s7 =	sld [smem:$0x3FB5]  }
0x2d: {  	s3 =	simm.s32 $0x108;
	s8 =	sld [smem:$0x3FB6]  }
0x2e: {  	s3 =	simm.s32 @!p0 $0x1082;
	s9 =	sld [smem:$0x3FB7]  }
0x2f: {  	lr =	sadd.s32 s0, s3;
	s0 =	sld [smem:$0x3FAE]  }
0x30: {  	s3 =	sld [smem:$0x3FB1]  }
0x31: {  	[smem:$0x3FBA] =	sst s10  }
0x32: {  	s10 =	sld [smem:$0x3FB8];
	_ =	sdelay $0x3  }
0x33: {  	p0 =	seq.s32 s10, $0x1;
	s10 =	sld [smem:$0x3FBA];
	_ =	sdelay $0x3  }
0x34: {  	[smem:$0x3FBA] =	sst s10  }
0x35: {  	s10 =	sld [smem:$0x3FB9];
	_ =	sdelay $0x3  }
0x36: {  	p1 =	seq.s32 s10, $0x1;
	s10 =	sld [smem:$0x3FBA];
	_ =	sdelay $0x3  }
0x37: {  	[smem:$0x3FBA] =	sst s10  }
0x38: {  	s10 =	sld [smem:$0x3FBB]  }
0x39: {  	_ = 	snop;
	(pc) =	sbr.ind lr, $3  }
0x3a: {  	_ = 	snop  }
0x3b: {  	_ = 	snop  }
0x3c: {  	p2 =	seq.s32 s10, $0x1;
	s10 =	sld [smem:$0x3FBA]  }
0x3d: {  	_ =	shalt  }
0x3e: {  	_ =	shalt  }
0x3f: {  	_ =	shalt  }
0x40: {  	_ =	shalt  }
0x41: {  	_ =	shalt  }
0x42: {  	_ =	shalt  }
0x43: {  	_ =	shalt  }
0x44: {  	_ =	shalt  }
0x45: {  	_ =	shalt  }
0x46: {  	_ =	shalt  }
0x47: {  	_ =	shalt  }
0x48: {  	_ =	shalt  }
0x49: {  	_ =	shalt  }
0x4a: {  	_ =	shalt  }
0x4b: {  	_ =	shalt  }
0x4c: {  	_ =	shalt  }
0x4d: {  	_ =	shalt  }
0x4e: {  	_ =	shalt  }
0x4f: {  	_ =	shalt  }
0x50: {  	_ =	shalt  }
0x51: {  	_ =	shalt  }
0x52: {  	_ =	shalt  }
0x53: {  	_ =	shalt  }
0x54: {  	_ =	shalt  }
0x55: {  	_ =	shalt  }
0x56: {  	_ =	shalt  }
0x57: {  	_ =	shalt  }
0x58: {  	_ =	shalt  }
0x59: {  	_ =	shalt  }
0x5a: {  	_ =	shalt  }
0x5b: {  	_ =	shalt  }
0x5c: {  	_ =	shalt  }
0x5d: {  	_ =	shalt  }
0x5e: {  	_ =	shalt  }
0x5f: {  	_ =	shalt  }
0x60: {  	_ =	shalt  }
0x61: {  	_ =	shalt  }
0x62: {  	_ =	shalt  }
0x63: {  	_ =	shalt  }
0x64: {  	_ =	shalt  }
0x65: {  	_ =	shalt  }
0x66: {  	_ =	shalt  }
0x67: {  	_ =	shalt  }
0x68: {  	_ =	shalt  }
0x69: {  	_ =	shalt  }
0x6a: {  	_ =	shalt  }
0x6b: {  	_ =	shalt  }
0x6c: {  	_ =	shalt  }
0x6d: {  	_ =	shalt  }
0x6e: {  	_ =	shalt  }
0x6f: {  	_ =	shalt  }
0x70: {  	_ =	shalt  }
0x71: {  	_ =	shalt  }
0x72: {  	_ =	shalt  }
0x73: {  	_ =	shalt  }
0x74: {  	_ =	shalt  }
0x75: {  	_ =	shalt  }
0x76: {  	_ =	shalt  }
0x77: {  	_ =	shalt  }
0x78: {  	_ =	shalt  }
0x79: {  	_ =	shalt  }
0x7a: {  	_ =	shalt  }
0x7b: {  	_ =	shalt  }
0x7c: {  	_ =	shalt  }
0x7d: {  	_ =	shalt  }
0x7e: {  	_ =	shalt  }
0x7f: {  	_ =	shalt  }
0x80: {  	_ =	shalt  }
0x81: {  	_ =	shalt  }
0x82: {  	_ =	shalt  }
0x83: {  	_ =	shalt  }
0x84: {  	_ =	shalt  }
0x85: {  	_ =	shalt  }
0x86: {  	_ =	shalt  }
0x87: {  	_ =	shalt  }
.Lfunc_end0:
.L_simem_size_0:
called_computation.1_lowered:
.L_overlay_start_0:
0x88: {  	s2 =	sld [smem:$0x3FD9]  }
0x89: {  	s3 =	sld [smem:$0x3FFE];
	_ =	sdelay $0x1  }
0x8a: {  	s1 =	srdreg.scid  }
0x8b: {  	s0 =	sand.u32 $0x1, s1  }
0x8c: {  	s17 =	sshll.u32 s0, $0xA;
	s2 =	sadd.s32 s3, s2  }
0x8d: {  	s2 =	sadd.s32 s2, s17  }
0x8e: {  	[smem:$0x3FC6] =	sst s2  }
0x8f: {  	_ = 	snop  }
0x90: {  	s2 =	sld [smem:$0x3FD0];
	(tm) =	ssettm $0x1  }
0x91: {  	s18 =	sld [smem:$0x3FFB];
	_ =	sdelay $0x3  }
0x92: {  	_ =	strace s18  }
0x93: {  	s3 =	sld [smem:$0x3FFC];
	_ =	sdelay $0x3  }
0x94: {  	_ =	strace s3  }
0x95: {  	s3 =	sld [smem:$0x3FFD];
	_ =	sdelay $0x3  }
0x96: {  	_ =	strace s3  }
0x97: {  	_ =	strace $0x8FFFFFFF  }
0x98: {  	s19 =	sld [smem:$0x3FDB];
	_ =	sdelay $0x1  }
0x99: {  	s4 =	simm.s32 $_scs_section_size  }
0x9a: {  	s5 =	simm.s32 $_size__tile_overlayer_lowered;
	s6 =	simm.s32 $_tile_overlayer_lowered  }
0x9b: {  	s22 =	simm.s32 $0x1BFF;
	s21 =	sshll.u32 s6, $0x1;
	s3 =	sadd.s32 s4, s19  }
0x9c: {  	s7 =	simm.s32 $0x0;
	s20 =	sshll.u32 s5, $0x1;
	s5 =	sadd.s32 s21, s3  }
0x9d: {  	[timem:s7], [sflag:s22] =	dma.local [hbm:s5], s20  }
0x9e: {  	_ =	swait.ge [sflag:s22], s20  }
0x9f: {  	s4 =	ssub.s32 $0x0, s20;
	[sflag:s22] =	ssyncset.done $0x0  }
0xa0: {  	[sflag:s22] =	ssyncadd.s32 s4;
	_ =	sdelay $0x1  }
0xa1: {  	s23 =	simm.s32 $0x1B8B  }
0xa2: {  	_ =	swait.ge [sflag:s23], $0x1  }
0xa3: {  	[sflag:s23] =	ssyncset.done $0x0  }
0xa4: {  	s25 =	simm.s32 $0x1B8E;
	s24 =	sld [smem:$0x3FFE];
	[sflag:s23] =	ssyncadd.s32 $0xFFFFFFFF  }
0xa5: {  	s26 =	simm.s32 $execute0_lowered;
	[smem:$0x3FD2] =	sst s25  }
0xa6: {  	s5 =	sshll.u32 s26, $0x1;
	_ =	strace $0x80000046;
	[dreg:$0x1] =	wrdreg $0xFFFFFFFF  }
0xa7: {  	s28 =	simm.s32 $_size_execute0_lowered;
	s3 =	sadd.s32 s3, s5;
	[dreg:$0x0] =	wrdreg $0x0  }
0xa8: {  	s5 =	sshll.u32 s28, $0x1;
	[dreg:$0x2] =	wrdreg s3  }
0xa9: {  	[dreg:$0x3] =	wrdreg s5  }
0xaa: {  	[dreg:$0x4] =	wrdreg $0xC0  }
0xab: {  	_ =	task [dreg:s7], $0x5FFFF  }
0xac: {  	[dreg:$0x1] =	wrdreg $0xFFFFFFFF  }
0xad: {  	[dreg:$0x0] =	wrdreg $0x60  }
0xae: {  	[dreg:$0x2] =	wrdreg s24  }
0xaf: {  	[dreg:$0x3] =	wrdreg s2  }
0xb0: {  	[dreg:$0x4] =	wrdreg $0x9  }
0xb1: {  	_ =	task.clear_ibuf [dreg:s7], $0x5FFFF;
	_ =	strace $0x90000046  }
0xb2: {  	s29 =	simm.s32 $0x9;
	_ =	strace $0x80000048  }
0xb3: {  	_ =	swait.ge [sflag:s29], $0x1  }
0xb4: {  	[sflag:s29] =	ssyncadd.s32 $0xFFFFFFFF  }
0xb5: {  	_ =	strace $0x90000048  }
0xb6: {  	_ =	sfence  }
0xb7: {  	s30 =	sld [smem:$0x0];
	_ =	sdelay $0x2  }
0xb8: {  	s31 =	sshll.u32 s1, $0xD;
	s1 =	sshrl.u32 s1, $0x2  }
0xb9: {  	s3 =	sand.u32 $0x4000, s31;
	s1 =	sadd.s32 s1, s30  }
0xba: {  	s0 =	sor.u32 s3, s0;
	s1 =	sshll.u32 s1, $0x11  }
0xbb: {  	s0 =	sor.u32 s1, s0  }
0xbc: {  	s0 =	sadd.s32 $0x8F2B, s0  }
0xbd: {  	[sflag:s0] =	ssyncadd.remote.s32 $0x1  }
0xbe: {  	_ =	sfence.sel $0xFFFF  }
0xbf: {  	[dreg:$0x0] =	wrdreg $0xFFFFFFFF;
	(pc) =	sbr.abs _section_cstart, $3  }
0xc0: {  	[dreg:$0x1] =	wrdreg $0xFFFFFFFF  }
0xc1: {  	_ =	task.clear_ibuf [dreg:s7], $0x2FFFF;
	_ =	strace $0x9FFFFFFF  }
0xc2: {  	(tm) =	ssettm $0x7FFFFFFF  }
0xc3: {  	_ =	shalt  }
tec
execute0_lowered:
.L_overlay_start_1:
0x0: {  	(tag) =	ssettag $0x1  }
0x1: {  	s0 =	rddreg [dreg:$0x0]  }
0x2: {  	s11 =	rddreg [dreg:$0x1];
	s3 =	simm.s32 $0x0  }
0x3: {  	s1 =	srdreg.scid;
	s12 =	stileid.u32;
	s30 =	simm.s32 $0x5  }
0x4: {  	[smem:$0x7FF] =	sst s3;
	s1 =	sand.u32 $0x1, s1;
	s5 =	sshll.u32 s12, $0xA  }
0x5: {  	s4 =	sadd.s32 $0xF74E00, s0;
	s0 =	sadd.s32 $0x800, s0;
	s23 =	sadd.s32 $0x10000, s11  }
0x6: {  	s25 =	sadd.s32 $0x20000, s11;
	s9 =	sadd.s32 $0x630000, s11;
	s28 =	sshll.u32 s12, $0xF  }
0x7: {  	_ =	strace $0x80000047;
	s2 =	ssub.s32 $0x2, s1;
	s6 =	sshll.u32 s1, $0x9  }
0x8: {  	s1 =	sshll.u32 s1, $0xE;
	s7 =	sshrl.u32 s2, $0x1;
	s5 =	sor.u32 s6, s5  }
0x9: {  	s1 =	sor.u32 s1, s28;
	s2 =	ssub.s32 s2, s7;
	s6 =	sshrl.u32 s5, $0x3  }
0xa: {  	s22 =	sshll.u32 s5, $0x2;
	s5 =	sor.u32 $0x100, s5;
	s12 =	sor.u32 $0x180000, s1  }
0xb: {  	s14 =	sor.u32 $0x400000, s1;
	s16 =	sor.u32 $0x380000, s1;
	s18 =	sor.u32 $0x282000, s1  }
0xc: {  	s20 =	sor.u32 $0x202000, s1;
	s28 =	sor.u32 $0x300000, s1;
	s6 =	sadd.s32 s0, s6  }
0xd: {  	s8 =	sadd.s32 s11, s22;
	s24 =	sadd.s32 s22, s23;
	[dreg:$0x16] =	wrdreg s28  }
0xe: {  	s10 =	sshrl.u32 s5, $0x3;
	s13 =	sadd.s32 s22, s25;
	[dreg:$0x3] =	wrdreg s6  }
0xf: {  	s26 =	sshll.u32 s5, $0x2;
	s2 =	smax.u32 s2, $0x1;
	[dreg:$0x4] =	wrdreg s8  }
0x10: {  	s15 =	sshrl.u32 s14, $0x3;
	s17 =	sshrl.u32 s16, $0x3;
	[dreg:$0x5] =	wrdreg s24  }
0x11: {  	s19 =	sshrl.u32 s18, $0x3;
	s21 =	sshrl.u32 s20, $0x3;
	[dreg:$0x6] =	wrdreg s13  }
0x12: {  	s16 =	simm.s32 $0x3;
	s6 =	sadd.s32 s22, s9;
	[dreg:$0xd] =	wrdreg s2  }
0x13: {  	s14 =	simm.s32 $0x16800;
	s0 =	sadd.s32 s0, s10;
	[dreg:$0x7] =	wrdreg s6  }
0x14: {  	s20 =	simm.s32 $0x7;
	s29 =	sadd.s32 s11, s26;
	[dreg:$0x8] =	wrdreg s0  }
0x15: {  	s31 =	sadd.s32 s26, s23;
	s7 =	sadd.s32 s26, s25;
	[dreg:$0x9] =	wrdreg s29  }
0x16: {  	s8 =	sor.u32 $0x280000, s1;
	s13 =	sshrl.u32 s12, $0x3;
	[dreg:$0xa] =	wrdreg s31  }
0x17: {  	s22 =	sor.u32 $0x182000, s1;
	s24 =	sor.u32 $0x402000, s1;
	[dreg:$0xb] =	wrdreg s7  }
0x18: {  	s0 =	sadd.s32 s26, s9;
	s9 =	sor.u32 $0x200000, s1;
	s23 =	sshrl.u32 s22, $0x3  }
0x19: {  	s25 =	sshrl.u32 s24, $0x3;
	s26 =	sor.u32 $0x382000, s1;
	s1 =	sor.u32 $0x302000, s1  }
0x1a: {  	s6 =	simm.s32 $0xE800;
	s22 =	simm.s32 $0x6;
	s24 =	simm.s32 $0xA  }
0x1b: {  	[dreg:$0xc] =	wrdreg s0;
	s0 =	sshrl.u32 s8, $0x3;
	s10 =	sshrl.u32 s9, $0x3  }
0x1c: {  	s2 =	sshrl.u32 s26, $0x3;
	s31 =	sshrl.u32 s1, $0x3;
	s0 =	sadd.s32 s0, s11  }
0x1d: {  	s8 =	simm.s32 $0x10800;
	s29 =	sadd.s32 s2, s11;
	[dreg:$0xe] =	wrdreg s0  }
0x1e: {  	s26 =	simm.s32 $0xC;
	s0 =	sadd.s32 s10, s11;
	[dreg:$0x18] =	wrdreg s29  }
0x1f: {  	s2 =	simm.s32 $0x0;
	[dreg:$0xf] =	wrdreg s0;
	s0 =	sadd.s32 s13, s11  }
0x20: {  	s10 =	simm.s32 $0x1;
	[dreg:$0x10] =	wrdreg s0;
	s0 =	sadd.s32 s15, s11  }
0x21: {  	s13 =	simm.s32 $0x2;
	[dreg:$0x11] =	wrdreg s0;
	s0 =	sadd.s32 s17, s11  }
0x22: {  	[dreg:$0x12] =	wrdreg s0;
	s0 =	sadd.s32 s19, s11;
	s19 =	simm.s32 $0x4  }
.Ltmp0:
0x23: {  	[dreg:$0x13] =	wrdreg s0;
	s0 =	sadd.s32 s21, s11;
	(pc) =	sbr.rel .LBB2_1-.Ltmp0, $4  }
0x24: {  	s21 =	simm.s32 $0x8;
	[dreg:$0x14] =	wrdreg s0;
	s0 =	sadd.s32 s23, s11  }
0x25: {  	s23 =	simm.s32 $0x9;
	[dreg:$0x15] =	wrdreg s0;
	s0 =	sadd.s32 s25, s11  }
0x26: {  	s25 =	simm.s32 $0xB;
	[dreg:$0x17] =	wrdreg s0;
	s0 =	sadd.s32 s31, s11  }
0x27: {  	s11 =	simm.s32 $0x12800;
	[dreg:$0x19] =	wrdreg s0;
	s0 =	simm.s32 $0x80  }
.LBB2_11:
0x28: {  	_ =	swait.ge [sflag:s19], $0x1000  }
0x29: {  	[sflag:s19] =	ssyncset.done $0x0  }
0x2a: {  	[sflag:s19] =	ssyncadd.s32 $0xFFFFF000  }
0x2b: {  	_ =	swait.ge [sflag:s19], $0x1000  }
0x2c: {  	[sflag:s19] =	ssyncset.done $0x0  }
0x2d: {  	s1 =	rddreg [dreg:$0xc];
	[sflag:s19] =	ssyncadd.s32 $0xFFFFF000  }
0x2e: {  	[hbm4b:s1+s3] =	stream.linear.scatter [tilespmem:s11], [sflag:$0xA], $0x2000, $0x38;
	[tilespmem:$0x18800] =	vst v63  }
0x2f: {  	_ =	swait.ge [sflag:s20], $0x2000  }
0x30: {  	[sflag:s20] =	ssyncset.done $0x0  }
0x31: {  	[sflag:s20] =	ssyncadd.s32 $0xFFFFE000  }
0x32: {  	_ =	swait.ge [sflag:s21], $0x2000  }
0x33: {  	[sflag:s21] =	ssyncset.done $0x0  }
0x34: {  	[sflag:s21] =	ssyncadd.s32 $0xFFFFE000  }
0x35: {  	_ =	swait.ge [sflag:s23], $0x2000  }
0x36: {  	[sflag:s23] =	ssyncset.done $0x0  }
0x37: {  	[sflag:s23] =	ssyncadd.s32 $0xFFFFE000  }
0x38: {  	_ =	swait.ge [sflag:s24], $0x2000  }
0x39: {  	s2 =	rddreg [dreg:$0x1a]  }
0x3a: {  	s31 =	rddreg [dreg:$0xd];
	s2 =	sadd.s32 $0x1, s2  }
0x3b: {  	p0 =	sne.s32 s2, s31  }
.Ltmp1:
0x3c: {  	_ = 	snop;
	(pc) =	sbr.rel @!p0 .LBB2_12-.Ltmp1, $3  }
0x3d: {  	_ =	sdelay $0x1  }
0x3e: {  	[sflag:s24] =	ssyncset.done $0x0  }
0x3f: {  	s14 =	simm.s32 $0x16800;
	[sflag:s24] =	ssyncadd.s32 $0xFFFFE000  }
.LBB2_1:
0x40: {  	[dreg:$0x1a] =	wrdreg s2  }
0x41: {  	s1 =	rddreg [dreg:$0x3]  }
0x42: {  	s5 =	simm.s32 $0x100;
	s7 =	simm.s32 $0x4000;
	s31 =	simm.s32 $0xD  }
0x43: {  	[tilespmem:s3], [sflag:$0xD] =	stream.strided.gather [hbm4b:s1+s5], $0x6400, s7, s5, $0x38;
	[tilespmem:$0x18800] =	vst v63  }
0x44: {  	_ =	swait.ge [sflag:s31], $0x6400  }
0x45: {  	[sflag:s31] =	ssyncset.done $0x0  }
0x46: {  	s28 =	simm.s32 $0x0;
	[sflag:s31] =	ssyncadd.s32 $0xFFFF9C00  }
0x47: {  	v0 =	vld [tilespmem:s28+$0x0]  }
0x48: {  	v1 =	vld [tilespmem:s28+$0x10]  }
0x49: {  	v2 =	vld [tilespmem:s28+$0x20]  }
0x4a: {  	v3 =	vld [tilespmem:s28+$0x30]  }
0x4b: {  	v4 =	vld [tilespmem:s28+$0x40]  }
0x4c: {  	v5 =	vld [tilespmem:s28+$0x50];
	vm0 =	vlt.s32 v0, $0x0  }
0x4d: {  	v6 =	vld [tilespmem:s28+$0x60];
	v0 =	vsel vm0, $0xF4240, v0;
	vm0 =	vlt.s32 v1, $0x0  }
0x4e: {  	v7 =	vld [tilespmem:s28+$0x70];
	[tilespmem:s28+$0x0] =	vst v0;
	v0 =	vsel vm0, $0xF4240, v1;
	vm0 =	vlt.s32 v2, $0x0  }
0x4f: {  	v8 =	vld [tilespmem:s28+$0x80];
	[tilespmem:s28+$0x10] =	vst v0;
	v0 =	vsel vm0, $0xF4240, v2;
	vm0 =	vlt.s32 v3, $0x0  }
0x50: {  	v1 =	vld [tilespmem:s28+$0x90];
	[tilespmem:s28+$0x20] =	vst v0;
	v0 =	vsel vm0, $0xF4240, v3;
	vm0 =	vlt.s32 v4, $0x0  }
0x51: {  	[tilespmem:s28+$0x30] =	vst v0;
	v2 =	vsel vm0, $0xF4240, v4;
	v0 =	vld [tilespmem:s28+$0xA0];
	vm0 =	vlt.s32 v5, $0x0  }
0x52: {  	[tilespmem:s28+$0x40] =	vst v2;
	v3 =	vsel vm0, $0xF4240, v5;
	v2 =	vld [tilespmem:s28+$0xB0];
	vm0 =	vlt.s32 v6, $0x0  }
0x53: {  	[tilespmem:s28+$0x50] =	vst v3;
	v4 =	vsel vm0, $0xF4240, v6;
	v3 =	vld [tilespmem:s28+$0xC0];
	vm0 =	vlt.s32 v7, $0x0  }
0x54: {  	[tilespmem:s28+$0x60] =	vst v4;
	v5 =	vsel vm0, $0xF4240, v7;
	v4 =	vld [tilespmem:s28+$0xD0];
	vm0 =	vlt.s32 v8, $0x0  }
0x55: {  	s1 =	simm.s32 $0x400;
	[tilespmem:s28+$0x70] =	vst v5;
	v6 =	vsel vm0, $0xF4240, v8;
	vm0 =	vlt.s32 v1, $0x0;
	v5 =	vld [tilespmem:s28+$0xE0]  }
.LBB2_2:
0x56: {  	s5 =	sshra.s32 s1, $0x2;
	p0 =	sne.s32 s1, $0x18C00;
	[tilespmem:s28+$0x80] =	vst v6;
	v1 =	vsel vm0, $0xF4240, v1;
	vm0 =	vlt.s32 v0, $0x0;
	v6 =	vld [tilespmem:s28+$0xF0]  }
0x57: {  	v7 =	vld [tilespmem:s5+$0x0];
	[tilespmem:s28+$0x90] =	vst v1;
	v0 =	vsel vm0, $0xF4240, v0;
	vm0 =	vlt.s32 v2, $0x0  }
0x58: {  	v1 =	vld [tilespmem:s5+$0x10];
	[tilespmem:s28+$0xA0] =	vst v0;
	v0 =	vsel vm0, $0xF4240, v2;
	vm0 =	vlt.s32 v3, $0x0  }
0x59: {  	v2 =	vld [tilespmem:s5+$0x20];
	[tilespmem:s28+$0xB0] =	vst v0;
	v0 =	vsel vm0, $0xF4240, v3;
	vm0 =	vlt.s32 v4, $0x0  }
0x5a: {  	v3 =	vld [tilespmem:s5+$0x30];
	[tilespmem:s28+$0xC0] =	vst v0;
	v0 =	vsel vm0, $0xF4240, v4;
	vm0 =	vlt.s32 v5, $0x0  }
0x5b: {  	v4 =	vld [tilespmem:s5+$0x40];
	[tilespmem:s28+$0xD0] =	vst v0;
	v0 =	vsel vm0, $0xF4240, v5;
	vm0 =	vlt.s32 v6, $0x0  }
0x5c: {  	vm1 =	vlt.s32 v7, $0x0;
	v5 =	vld [tilespmem:s5+$0x50];
	[tilespmem:s28+$0xE0] =	vst v0;
	v0 =	vsel vm0, $0xF4240, v6  }
0x5d: {  	v6 =	vsel vm1, $0xF4240, v7;
	vm0 =	vlt.s32 v1, $0x0;
	v7 =	vld [tilespmem:s5+$0x60];
	[tilespmem:s28+$0xF0] =	vst v0;
	s28 =	smov.u32 s5  }
0x5e: {  	[tilespmem:s28+$0x0] =	vst v6;
	v0 =	vsel vm0, $0xF4240, v1;
	vm0 =	vlt.s32 v2, $0x0;
	v6 =	vld [tilespmem:s28+$0x70]  }
0x5f: {  	[tilespmem:s28+$0x10] =	vst v0;
	v0 =	vsel vm0, $0xF4240, v2;
	vm0 =	vlt.s32 v3, $0x0;
	v8 =	vld [tilespmem:s28+$0x80]  }
0x60: {  	[tilespmem:s28+$0x20] =	vst v0;
	v0 =	vsel vm0, $0xF4240, v3;
	vm0 =	vlt.s32 v4, $0x0;
	v1 =	vld [tilespmem:s28+$0x90]  }
.Ltmp2:
0x61: {  	[tilespmem:s28+$0x30] =	vst v0;
	v2 =	vsel vm0, $0xF4240, v4;
	vm0 =	vlt.s32 v5, $0x0;
	v0 =	vld [tilespmem:s28+$0xA0];
	(pc) =	sbr.rel @p0 .LBB2_2-.Ltmp2, $4  }
0x62: {  	[tilespmem:s28+$0x40] =	vst v2;
	v3 =	vsel vm0, $0xF4240, v5;
	vm0 =	vlt.s32 v7, $0x0;
	v2 =	vld [tilespmem:s28+$0xB0]  }
0x63: {  	[tilespmem:s28+$0x50] =	vst v3;
	v4 =	vsel vm0, $0xF4240, v7;
	vm0 =	vlt.s32 v6, $0x0;
	v3 =	vld [tilespmem:s28+$0xC0]  }
0x64: {  	[tilespmem:s28+$0x60] =	vst v4;
	v5 =	vsel vm0, $0xF4240, v6;
	vm0 =	vlt.s32 v8, $0x0;
	v4 =	vld [tilespmem:s28+$0xD0]  }
0x65: {  	s1 =	sadd.s32 $0x400, s1;
	[tilespmem:s28+$0x70] =	vst v5;
	v6 =	vsel vm0, $0xF4240, v8;
	vm0 =	vlt.s32 v1, $0x0;
	v5 =	vld [tilespmem:s28+$0xE0]  }
0x66: {  	[tilespmem:s28+$0x80] =	vst v6;
	v1 =	vsel vm0, $0xF4240, v1;
	vm10 =	vlt.s32 v0, $0x0;
	v58 =	vld [tilespmem:s28+$0xF0]  }
0x67: {  	[tilespmem:s28+$0x90] =	vst v1;
	v0 =	vsel vm10, $0xF4240, v0;
	vm11 =	vlt.s32 v2, $0x0  }
0x68: {  	[tilespmem:s28+$0xA0] =	vst v0;
	v59 =	vsel vm11, $0xF4240, v2;
	vm12 =	vlt.s32 v3, $0x0  }
0x69: {  	[tilespmem:s28+$0xB0] =	vst v59;
	v60 =	vsel vm12, $0xF4240, v3;
	vm13 =	vlt.s32 v4, $0x0  }
0x6a: {  	[tilespmem:s28+$0xC0] =	vst v60;
	v61 =	vsel vm13, $0xF4240, v4;
	vm14 =	vlt.s32 v5, $0x0  }
0x6b: {  	[tilespmem:s28+$0xD0] =	vst v61;
	v62 =	vsel vm14, $0xF4240, v5;
	vm15 =	vlt.s32 v58, $0x0  }
0x6c: {  	[tilespmem:s28+$0xE0] =	vst v62;
	v63 =	vsel vm15, $0xF4240, v58  }
0x6d: {  	s2 =	simm.s32 $0xC800;
	[tilespmem:s28+$0xF0] =	vst v63;
	s28 =	simm.s32 $0x0  }
0x6e: {  	[tilespmem:s2], [sflag:$0x1] =	stream.indirect.gather [hbm4b:s4+s0], $0x20, s28, s0, $0xb8;
	[tilespmem:$0x18800] =	vst v63  }
0x6f: {  	s1 =	simm.s32 $0xD800  }
0x70: {  	[tilespmem:s1], [sflag:$0x1] =	stream.indirect.gather [hbm4b:s4+s0], $0x20, s0, s0, $0xb8;
	[tilespmem:$0x18800] =	vst v63  }
0x71: {  	s9 =	simm.s32 $0x100  }
0x72: {  	[tilespmem:s6], [sflag:$0x2] =	stream.indirect.gather [hbm4b:s4+s0], $0x20, s9, s0, $0xb8;
	[tilespmem:$0x18800] =	vst v63  }
0x73: {  	s12 =	simm.s32 $0x180;
	s5 =	simm.s32 $0xF800  }
0x74: {  	[tilespmem:s5], [sflag:$0x2] =	stream.indirect.gather [hbm4b:s4+s0], $0x20, s12, s0, $0xb8;
	[tilespmem:$0x18800] =	vst v63  }
0x75: {  	s15 =	simm.s32 $0x200  }
0x76: {  	[tilespmem:s8], [sflag:$0x3] =	stream.indirect.gather [hbm4b:s4+s0], $0x20, s15, s0, $0xb8;
	[tilespmem:$0x18800] =	vst v63  }
0x77: {  	s17 =	simm.s32 $0x280;
	s18 =	simm.s32 $0x11800  }
0x78: {  	[tilespmem:s18], [sflag:$0x3] =	stream.indirect.gather [hbm4b:s4+s0], $0x20, s17, s0, $0xb8;
	[tilespmem:$0x18800] =	vst v63  }
0x79: {  	_ =	swait.ge [sflag:s10], $0x1000  }
0x7a: {  	[sflag:s10] =	ssyncset.done $0x0  }
0x7b: {  	[sflag:s10] =	ssyncadd.s32 $0xFFFFF000  }
0x7c: {  	_ =	swait.ge [sflag:s10], $0x1000  }
0x7d: {  	[sflag:s10] =	ssyncset.done $0x0  }
0x7e: {  	s7 =	rddreg [dreg:$0x4];
	[sflag:s10] =	ssyncadd.s32 $0xFFFFF000  }
0x7f: {  	[hbm4b:s7+s28] =	stream.linear.scatter [tilespmem:s2], [sflag:$0x7], $0x2000, $0x38;
	[tilespmem:$0x18800] =	vst v63  }
0x80: {  	s9 =	simm.s32 $0x300  }
0x81: {  	[tilespmem:s11], [sflag:$0x4] =	stream.indirect.gather [hbm4b:s4+s0], $0x20, s9, s0, $0xb8;
	[tilespmem:$0x18800] =	vst v63  }
0x82: {  	s12 =	simm.s32 $0x380;
	s15 =	simm.s32 $0x13800  }
0x83: {  	[tilespmem:s15], [sflag:$0x4] =	stream.indirect.gather [hbm4b:s4+s0], $0x20, s12, s0, $0xb8;
	[tilespmem:$0x18800] =	vst v63  }
0x84: {  	_ =	swait.ge [sflag:s13], $0x1000  }
0x85: {  	[sflag:s13] =	ssyncset.done $0x0  }
0x86: {  	[sflag:s13] =	ssyncadd.s32 $0xFFFFF000  }
0x87: {  	_ =	swait.ge [sflag:s13], $0x1000  }
0x88: {  	[sflag:s13] =	ssyncset.done $0x0  }
0x89: {  	s17 =	rddreg [dreg:$0x5];
	[sflag:s13] =	ssyncadd.s32 $0xFFFFF000  }
0x8a: {  	[hbm4b:s17+s28] =	stream.linear.scatter [tilespmem:s6], [sflag:$0x8], $0x2000, $0x38;
	[tilespmem:$0x18800] =	vst v63  }
0x8b: {  	s18 =	simm.s32 $0x400;
	s2 =	simm.s32 $0x14800  }
0x8c: {  	[tilespmem:s2], [sflag:$0x5] =	stream.indirect.gather [hbm4b:s4+s0], $0x20, s18, s0, $0xb8;
	[tilespmem:$0x18800] =	vst v63  }
0x8d: {  	s7 =	simm.s32 $0x480;
	s9 =	simm.s32 $0x15800  }
0x8e: {  	[tilespmem:s9], [sflag:$0x5] =	stream.indirect.gather [hbm4b:s4+s0], $0x20, s7, s0, $0xb8;
	[tilespmem:$0x18800] =	vst v63  }
0x8f: {  	_ =	swait.ge [sflag:s16], $0x1000  }
0x90: {  	[sflag:s16] =	ssyncset.done $0x0  }
0x91: {  	[sflag:s16] =	ssyncadd.s32 $0xFFFFF000  }
0x92: {  	_ =	swait.ge [sflag:s16], $0x1000  }
0x93: {  	s12 =	rddreg [dreg:$0x6]  }
0x94: {  	s29 =	rddreg [dreg:$0x16]  }
0x95: {  	[sflag:s16] =	ssyncset.done $0x0;
	s31 =	rddreg [dreg:$0x12]  }
0x96: {  	s1 =	rddreg [dreg:$0x10];
	[sflag:s16] =	ssyncadd.s32 $0xFFFFF000  }
0x97: {  	[hbm4b:s12+s28] =	stream.linear.scatter [tilespmem:s8], [sflag:$0x9], $0x2000, $0x38;
	[tilespmem:$0x18800] =	vst v63  }
0x98: {  	s15 =	simm.s32 $0x500;
	s5 =	rddreg [dreg:$0xf]  }
0x99: {  	[tilespmem:s14], [sflag:$0x6] =	stream.indirect.gather [hbm4b:s4+s0], $0x20, s15, s0, $0xb8;
	[tilespmem:$0x18800] =	vst v63  }
0x9a: {  	s17 =	simm.s32 $0x580;
	s18 =	simm.s32 $0x17800;
	s15 =	rddreg [dreg:$0x11]  }
0x9b: {  	[tilespmem:s18], [sflag:$0x6] =	stream.indirect.gather [hbm4b:s4+s0], $0x20, s17, s0, $0xb8;
	[tilespmem:$0x18800] =	vst v63  }
0x9c: {  	s18 =	rddreg [dreg:$0xe]  }
.LBB2_4:
0x9d: {  	_ =	swait.ge [sflag:s19], $0x1000  }
0x9e: {  	[sflag:s19] =	ssyncset.done $0x0  }
0x9f: {  	[sflag:s19] =	ssyncadd.s32 $0xFFFFF000  }
0xa0: {  	_ =	swait.ge [sflag:s19], $0x1000  }
0xa1: {  	[sflag:s19] =	ssyncset.done $0x0  }
0xa2: {  	[sflag:s19] =	ssyncadd.s32 $0xFFFFF000  }
0xa3: {  	[hbm4b:s1+s3] =	stream.linear.scatter [tilespmem:s11], [sflag:$0xA], $0x2000, $0x38;
	[tilespmem:$0x18800] =	vst v63  }
0xa4: {  	_ =	swait.ge [sflag:s20], $0x2000  }
0xa5: {  	s7 =	sshra.s32 s28, $0x2;
	[sflag:s20] =	ssyncset.done $0x0  }
0xa6: {  	s2 =	simm.s32 $0xC800;
	s9 =	sadd.s32 $0x600, s7;
	[sflag:s20] =	ssyncadd.s32 $0xFFFFE000  }
0xa7: {  	[tilespmem:s2], [sflag:$0x1] =	stream.indirect.gather [hbm4b:s4+s0], $0x20, s9, s0, $0xb8;
	[tilespmem:$0x18800] =	vst v63  }
0xa8: {  	s12 =	simm.s32 $0xD800;
	s17 =	sadd.s32 $0x680, s7  }
0xa9: {  	[tilespmem:s12], [sflag:$0x1] =	stream.indirect.gather [hbm4b:s4+s0], $0x20, s17, s0, $0xb8;
	[tilespmem:$0x18800] =	vst v63  }
0xaa: {  	_ =	swait.ge [sflag:s30], $0x1000  }
0xab: {  	[sflag:s30] =	ssyncset.done $0x0  }
0xac: {  	[sflag:s30] =	ssyncadd.s32 $0xFFFFF000  }
0xad: {  	_ =	swait.ge [sflag:s30], $0x1000  }
0xae: {  	[sflag:s30] =	ssyncset.done $0x0  }
0xaf: {  	s12 =	simm.s32 $0x14800;
	[sflag:s30] =	ssyncadd.s32 $0xFFFFF000  }
0xb0: {  	[hbm4b:s5+s3] =	stream.linear.scatter [tilespmem:s12], [sflag:$0xB], $0x2000, $0x38;
	[tilespmem:$0x18800] =	vst v63  }
0xb1: {  	_ =	swait.ge [sflag:s21], $0x2000  }
0xb2: {  	[sflag:s21] =	ssyncset.done $0x0  }
0xb3: {  	s17 =	sadd.s32 $0x700, s7;
	[sflag:s21] =	ssyncadd.s32 $0xFFFFE000  }
0xb4: {  	[tilespmem:s6], [sflag:$0x2] =	stream.indirect.gather [hbm4b:s4+s0], $0x20, s17, s0, $0xb8;
	[tilespmem:$0x18800] =	vst v63  }
0xb5: {  	s12 =	sadd.s32 $0x780, s7;
	s17 =	simm.s32 $0xF800  }
0xb6: {  	[tilespmem:s17], [sflag:$0x2] =	stream.indirect.gather [hbm4b:s4+s0], $0x20, s12, s0, $0xb8;
	[tilespmem:$0x18800] =	vst v63  }
0xb7: {  	_ =	swait.ge [sflag:s22], $0x1000  }
0xb8: {  	[sflag:s22] =	ssyncset.done $0x0  }
0xb9: {  	[sflag:s22] =	ssyncadd.s32 $0xFFFFF000  }
0xba: {  	_ =	swait.ge [sflag:s22], $0x1000  }
0xbb: {  	[sflag:s22] =	ssyncset.done $0x0  }
0xbc: {  	[sflag:s22] =	ssyncadd.s32 $0xFFFFF000  }
0xbd: {  	[hbm4b:s18+s3] =	stream.linear.scatter [tilespmem:s14], [sflag:$0xC], $0x2000, $0x38;
	[tilespmem:$0x18800] =	vst v63  }
0xbe: {  	_ =	swait.ge [sflag:s23], $0x2000  }
0xbf: {  	[sflag:s23] =	ssyncset.done $0x0  }
0xc0: {  	s12 =	sadd.s32 $0x800, s7;
	[sflag:s23] =	ssyncadd.s32 $0xFFFFE000  }
0xc1: {  	[tilespmem:s8], [sflag:$0x3] =	stream.indirect.gather [hbm4b:s4+s0], $0x20, s12, s0, $0xb8;
	[tilespmem:$0x18800] =	vst v63  }
0xc2: {  	s17 =	simm.s32 $0x11800;
	s14 =	sadd.s32 $0x880, s7  }
0xc3: {  	[tilespmem:s17], [sflag:$0x3] =	stream.indirect.gather [hbm4b:s4+s0], $0x20, s14, s0, $0xb8;
	[tilespmem:$0x18800] =	vst v63  }
0xc4: {  	_ =	swait.ge [sflag:s10], $0x1000  }
0xc5: {  	[sflag:s10] =	ssyncset.done $0x0  }
0xc6: {  	[sflag:s10] =	ssyncadd.s32 $0xFFFFF000  }
0xc7: {  	_ =	swait.ge [sflag:s10], $0x1000  }
0xc8: {  	[sflag:s10] =	ssyncset.done $0x0  }
0xc9: {  	[sflag:s10] =	ssyncadd.s32 $0xFFFFF000  }
0xca: {  	s14 =	sshrl.u32 s29, $0x3;
	s17 =	rddreg [dreg:$0x1]  }
0xcb: {  	s9 =	sadd.s32 s17, s14  }
0xcc: {  	[hbm4b:s9+s3] =	stream.linear.scatter [tilespmem:s2], [sflag:$0x7], $0x2000, $0x38;
	[tilespmem:$0x18800] =	vst v63  }
0xcd: {  	_ =	swait.ge [sflag:s24], $0x2000  }
0xce: {  	[sflag:s24] =	ssyncset.done $0x0  }
0xcf: {  	s12 =	sadd.s32 $0x900, s7;
	[sflag:s24] =	ssyncadd.s32 $0xFFFFE000  }
0xd0: {  	[tilespmem:s11], [sflag:$0x4] =	stream.indirect.gather [hbm4b:s4+s0], $0x20, s12, s0, $0xb8;
	[tilespmem:$0x18800] =	vst v63  }
0xd1: {  	s14 =	sadd.s32 $0x980, s7;
	s17 =	simm.s32 $0x13800  }
0xd2: {  	[tilespmem:s17], [sflag:$0x4] =	stream.indirect.gather [hbm4b:s4+s0], $0x20, s14, s0, $0xb8;
	[tilespmem:$0x18800] =	vst v63  }
0xd3: {  	_ =	swait.ge [sflag:s13], $0x1000  }
0xd4: {  	[sflag:s13] =	ssyncset.done $0x0  }
0xd5: {  	[sflag:s13] =	ssyncadd.s32 $0xFFFFF000  }
0xd6: {  	_ =	swait.ge [sflag:s13], $0x1000  }
0xd7: {  	[sflag:s13] =	ssyncset.done $0x0  }
0xd8: {  	p0 =	seq.s32 s28, $0x16800;
	[sflag:s13] =	ssyncadd.s32 $0xFFFFF000  }
0xd9: {  	[hbm4b:s31+s3] =	stream.linear.scatter [tilespmem:s6], [sflag:$0x8], $0x2000, $0x38;
	[tilespmem:$0x18800] =	vst v63  }
0xda: {  	s9 =	sshra.s32 @!p0 s28, $0x2;
	_ =	swait.ge [sflag:s25], $0x2000  }
0xdb: {  	s12 =	sadd.s32 @!p0 $0xA00, s9;
	[sflag:s25] =	ssyncset.done $0x0  }
0xdc: {  	s14 =	simm.s32 @!p0 $0x80;
	s17 =	simm.s32 @!p0 $0x14800;
	[sflag:s25] =	ssyncadd.s32 $0xFFFFE000  }
0xdd: {  	[tilespmem:s17], [sflag:$0x5] =	stream.indirect.gather @!p0 [hbm4b:s4+s14], $0x20, s12, s14, $0xb8;
	[tilespmem:$0x18800] =	vst v63  }
0xde: {  	s9 =	sadd.s32 @!p0 $0xA80, s9;
	s12 =	simm.s32 @!p0 $0x15800  }
0xdf: {  	[tilespmem:s12], [sflag:$0x5] =	stream.indirect.gather @!p0 [hbm4b:s4+s14], $0x20, s9, s14, $0xb8;
	[tilespmem:$0x18800] =	vst v63  }
0xe0: {  	_ =	swait.ge [sflag:s16], $0x1000  }
0xe1: {  	[sflag:s16] =	ssyncset.done $0x0  }
0xe2: {  	[sflag:s16] =	ssyncadd.s32 $0xFFFFF000  }
0xe3: {  	_ =	swait.ge [sflag:s16], $0x1000  }
0xe4: {  	[sflag:s16] =	ssyncset.done $0x0  }
.Ltmp3:
0xe5: {  	[sflag:s16] =	ssyncadd.s32 $0xFFFFF000;
	(pc) =	sbr.rel @p0 .LBB2_6-.Ltmp3, $4  }
0xe6: {  	[hbm4b:s15+s3] =	stream.linear.scatter [tilespmem:s8], [sflag:$0x9], $0x2000, $0x38;
	[tilespmem:$0x18800] =	vst v63  }
0xe7: {  	_ =	swait.ge [sflag:s26], $0x2000  }
0xe8: {  	[sflag:s26] =	ssyncset.done $0x0  }
0xe9: {  	s2 =	simm.s32 $0x16800;
	[sflag:s26] =	ssyncadd.s32 $0xFFFFE000  }
0xea: {  	s9 =	sadd.s32 $0xB00, s7;
	s14 =	sadd.s32 $0xB80, s7;
	s17 =	simm.s32 $0x17800  }
.Ltmp4:
0xeb: {  	s28 =	sadd.s32 $0x1800, s28;
	s18 =	sadd.s32 $0x60000, s18;
	(pc) =	sbr.rel .LBB2_4-.Ltmp4, $4  }
0xec: {  	[tilespmem:s2], [sflag:$0x6] =	stream.indirect.gather [hbm4b:s4+s0], $0x20, s9, s0, $0xb8;
	[tilespmem:$0x18800] =	vst v63  }
0xed: {  	s5 =	sadd.s32 $0x60000, s5;
	s1 =	sadd.s32 $0x60000, s1;
	s15 =	sadd.s32 $0x60000, s15  }
0xee: {  	[tilespmem:s17], [sflag:$0x6] =	stream.indirect.gather [hbm4b:s4+s0], $0x20, s14, s0, $0xb8;
	[tilespmem:$0x18800] =	vst v63  }
0xef: {  	s31 =	sadd.s32 $0x60000, s31;
	s29 =	sadd.s32 $0x300000, s29;
	s14 =	simm.s32 $0x16800  }
.LBB2_6:
0xf0: {  	_ =	swait.ge [sflag:s19], $0x1000  }
0xf1: {  	[sflag:s19] =	ssyncset.done $0x0  }
0xf2: {  	[sflag:s19] =	ssyncadd.s32 $0xFFFFF000  }
0xf3: {  	_ =	swait.ge [sflag:s19], $0x1000  }
0xf4: {  	[sflag:s19] =	ssyncset.done $0x0  }
0xf5: {  	s1 =	simm.s32 $0x0;
	s5 =	rddreg [dreg:$0x7];
	[sflag:s19] =	ssyncadd.s32 $0xFFFFF000  }
0xf6: {  	[hbm4b:s5+s1] =	stream.linear.scatter [tilespmem:s11], [sflag:$0xA], $0x2000, $0x38;
	[tilespmem:$0x18800] =	vst v63  }
0xf7: {  	_ =	swait.ge [sflag:s20], $0x2000  }
0xf8: {  	[sflag:s20] =	ssyncset.done $0x0  }
0xf9: {  	[sflag:s20] =	ssyncadd.s32 $0xFFFFE000  }
0xfa: {  	_ =	swait.ge [sflag:s21], $0x2000  }
0xfb: {  	[sflag:s21] =	ssyncset.done $0x0  }
0xfc: {  	[sflag:s21] =	ssyncadd.s32 $0xFFFFE000  }
0xfd: {  	_ =	swait.ge [sflag:s23], $0x2000  }
0xfe: {  	[sflag:s23] =	ssyncset.done $0x0  }
0xff: {  	[sflag:s23] =	ssyncadd.s32 $0xFFFFE000  }
0x100: {  	s29 =	simm.s32 $0x100;
	_ =	swait.ge [sflag:s24], $0x2000  }
0x101: {  	s7 =	simm.s32 $0x4000;
	s2 =	simm.s32 $0x6400;
	[sflag:s24] =	ssyncset.done $0x0  }
0x102: {  	s31 =	simm.s32 $0xD;
	s18 =	rddreg [dreg:$0x8];
	[sflag:s24] =	ssyncadd.s32 $0xFFFFE000  }
0x103: {  	[tilespmem:s2], [sflag:$0xD] =	stream.strided.gather [hbm4b:s18+s29], $0x6400, s7, s29, $0x38;
	[tilespmem:$0x18800] =	vst v63  }
0x104: {  	_ =	swait.ge [sflag:s31], $0x6400  }
0x105: {  	[sflag:s31] =	ssyncset.done $0x0  }
0x106: {  	s28 =	simm.s32 $0x0;
	[sflag:s31] =	ssyncadd.s32 $0xFFFF9C00  }
0x107: {  	v0 =	vld [tilespmem:s28+$0x6400]  }
0x108: {  	v1 =	vld [tilespmem:s28+$0x6410]  }
0x109: {  	v2 =	vld [tilespmem:s28+$0x6420]  }
0x10a: {  	v3 =	vld [tilespmem:s28+$0x6430]  }
0x10b: {  	v4 =	vld [tilespmem:s28+$0x6440]  }
0x10c: {  	v5 =	vld [tilespmem:s28+$0x6450];
	vm0 =	vlt.s32 v0, $0x0  }
0x10d: {  	v6 =	vld [tilespmem:s28+$0x6460];
	v0 =	vsel vm0, $0xF4240, v0;
	vm0 =	vlt.s32 v1, $0x0  }
0x10e: {  	v7 =	vld [tilespmem:s28+$0x6470];
	[tilespmem:s28+$0x6400] =	vst v0;
	v0 =	vsel vm0, $0xF4240, v1;
	vm0 =	vlt.s32 v2, $0x0  }
0x10f: {  	v8 =	vld [tilespmem:s28+$0x6480];
	[tilespmem:s28+$0x6410] =	vst v0;
	v0 =	vsel vm0, $0xF4240, v2;
	vm0 =	vlt.s32 v3, $0x0  }
0x110: {  	v1 =	vld [tilespmem:s28+$0x6490];
	[tilespmem:s28+$0x6420] =	vst v0;
	v0 =	vsel vm0, $0xF4240, v3;
	vm0 =	vlt.s32 v4, $0x0  }
0x111: {  	[tilespmem:s28+$0x6430] =	vst v0;
	v2 =	vsel vm0, $0xF4240, v4;
	v0 =	vld [tilespmem:s28+$0x64A0];
	vm0 =	vlt.s32 v5, $0x0  }
0x112: {  	[tilespmem:s28+$0x6440] =	vst v2;
	v3 =	vsel vm0, $0xF4240, v5;
	v2 =	vld [tilespmem:s28+$0x64B0];
	vm0 =	vlt.s32 v6, $0x0  }
0x113: {  	[tilespmem:s28+$0x6450] =	vst v3;
	v4 =	vsel vm0, $0xF4240, v6;
	v3 =	vld [tilespmem:s28+$0x64C0];
	vm0 =	vlt.s32 v7, $0x0  }
0x114: {  	[tilespmem:s28+$0x6460] =	vst v4;
	v5 =	vsel vm0, $0xF4240, v7;
	v4 =	vld [tilespmem:s28+$0x64D0];
	vm0 =	vlt.s32 v8, $0x0  }
0x115: {  	s1 =	simm.s32 $0x400;
	[tilespmem:s28+$0x6470] =	vst v5;
	v6 =	vsel vm0, $0xF4240, v8;
	vm0 =	vlt.s32 v1, $0x0;
	v5 =	vld [tilespmem:s28+$0x64E0]  }
.LBB2_7:
0x116: {  	s5 =	sshra.s32 s1, $0x2;
	p0 =	sne.s32 s1, $0x18C00;
	[tilespmem:s28+$0x6480] =	vst v6;
	v1 =	vsel vm0, $0xF4240, v1;
	vm0 =	vlt.s32 v0, $0x0;
	v6 =	vld [tilespmem:s28+$0x64F0]  }
0x117: {  	v7 =	vld [tilespmem:s5+$0x6400];
	[tilespmem:s28+$0x6490] =	vst v1;
	v0 =	vsel vm0, $0xF4240, v0;
	vm0 =	vlt.s32 v2, $0x0  }
0x118: {  	v1 =	vld [tilespmem:s5+$0x6410];
	[tilespmem:s28+$0x64A0] =	vst v0;
	v0 =	vsel vm0, $0xF4240, v2;
	vm0 =	vlt.s32 v3, $0x0  }
0x119: {  	v2 =	vld [tilespmem:s5+$0x6420];
	[tilespmem:s28+$0x64B0] =	vst v0;
	v0 =	vsel vm0, $0xF4240, v3;
	vm0 =	vlt.s32 v4, $0x0  }
0x11a: {  	v3 =	vld [tilespmem:s5+$0x6430];
	[tilespmem:s28+$0x64C0] =	vst v0;
	v0 =	vsel vm0, $0xF4240, v4;
	vm0 =	vlt.s32 v5, $0x0  }
0x11b: {  	v4 =	vld [tilespmem:s5+$0x6440];
	[tilespmem:s28+$0x64D0] =	vst v0;
	v0 =	vsel vm0, $0xF4240, v5;
	vm0 =	vlt.s32 v6, $0x0  }
0x11c: {  	vm1 =	vlt.s32 v7, $0x0;
	v5 =	vld [tilespmem:s5+$0x6450];
	[tilespmem:s28+$0x64E0] =	vst v0;
	v0 =	vsel vm0, $0xF4240, v6  }
0x11d: {  	v6 =	vsel vm1, $0xF4240, v7;
	vm0 =	vlt.s32 v1, $0x0;
	v7 =	vld [tilespmem:s5+$0x6460];
	[tilespmem:s28+$0x64F0] =	vst v0;
	s28 =	smov.u32 s5  }
0x11e: {  	[tilespmem:s28+$0x6400] =	vst v6;
	v0 =	vsel vm0, $0xF4240, v1;
	vm0 =	vlt.s32 v2, $0x0;
	v6 =	vld [tilespmem:s28+$0x6470]  }
0x11f: {  	[tilespmem:s28+$0x6410] =	vst v0;
	v0 =	vsel vm0, $0xF4240, v2;
	vm0 =	vlt.s32 v3, $0x0;
	v8 =	vld [tilespmem:s28+$0x6480]  }
0x120: {  	[tilespmem:s28+$0x6420] =	vst v0;
	v0 =	vsel vm0, $0xF4240, v3;
	vm0 =	vlt.s32 v4, $0x0;
	v1 =	vld [tilespmem:s28+$0x6490]  }
.Ltmp5:
0x121: {  	[tilespmem:s28+$0x6430] =	vst v0;
	v2 =	vsel vm0, $0xF4240, v4;
	vm0 =	vlt.s32 v5, $0x0;
	v0 =	vld [tilespmem:s28+$0x64A0];
	(pc) =	sbr.rel @p0 .LBB2_7-.Ltmp5, $4  }
0x122: {  	[tilespmem:s28+$0x6440] =	vst v2;
	v3 =	vsel vm0, $0xF4240, v5;
	vm0 =	vlt.s32 v7, $0x0;
	v2 =	vld [tilespmem:s28+$0x64B0]  }
0x123: {  	[tilespmem:s28+$0x6450] =	vst v3;
	v4 =	vsel vm0, $0xF4240, v7;
	vm0 =	vlt.s32 v6, $0x0;
	v3 =	vld [tilespmem:s28+$0x64C0]  }
0x124: {  	[tilespmem:s28+$0x6460] =	vst v4;
	v5 =	vsel vm0, $0xF4240, v6;
	vm0 =	vlt.s32 v8, $0x0;
	v4 =	vld [tilespmem:s28+$0x64D0]  }
0x125: {  	s1 =	sadd.s32 $0x400, s1;
	[tilespmem:s28+$0x6470] =	vst v5;
	v6 =	vsel vm0, $0xF4240, v8;
	vm0 =	vlt.s32 v1, $0x0;
	v5 =	vld [tilespmem:s28+$0x64E0]  }
0x126: {  	[tilespmem:s28+$0x6480] =	vst v6;
	v1 =	vsel vm0, $0xF4240, v1;
	vm10 =	vlt.s32 v0, $0x0;
	v58 =	vld [tilespmem:s28+$0x64F0]  }
0x127: {  	[tilespmem:s28+$0x6490] =	vst v1;
	v0 =	vsel vm10, $0xF4240, v0;
	vm11 =	vlt.s32 v2, $0x0  }
0x128: {  	[tilespmem:s28+$0x64A0] =	vst v0;
	v59 =	vsel vm11, $0xF4240, v2;
	vm12 =	vlt.s32 v3, $0x0  }
0x129: {  	[tilespmem:s28+$0x64B0] =	vst v59;
	v60 =	vsel vm12, $0xF4240, v3;
	vm13 =	vlt.s32 v4, $0x0  }
0x12a: {  	[tilespmem:s28+$0x64C0] =	vst v60;
	v61 =	vsel vm13, $0xF4240, v4;
	vm14 =	vlt.s32 v5, $0x0  }
0x12b: {  	[tilespmem:s28+$0x64D0] =	vst v61;
	v62 =	vsel vm14, $0xF4240, v5;
	vm15 =	vlt.s32 v58, $0x0  }
0x12c: {  	[tilespmem:s28+$0x64E0] =	vst v62;
	v63 =	vsel vm15, $0xF4240, v58  }
0x12d: {  	s2 =	simm.s32 $0xC800;
	s1 =	simm.s32 $0x6400;
	[tilespmem:s28+$0x64F0] =	vst v63  }
0x12e: {  	[tilespmem:s2], [sflag:$0x1] =	stream.indirect.gather [hbm4b:s4+s0], $0x20, s1, s0, $0xb8;
	[tilespmem:$0x18800] =	vst v63  }
0x12f: {  	s14 =	simm.s32 $0xD800;
	s5 =	simm.s32 $0x6480  }
0x130: {  	[tilespmem:s14], [sflag:$0x1] =	stream.indirect.gather [hbm4b:s4+s0], $0x20, s5, s0, $0xb8;
	[tilespmem:$0x18800] =	vst v63  }
0x131: {  	s15 =	simm.s32 $0x6500  }
0x132: {  	[tilespmem:s6], [sflag:$0x2] =	stream.indirect.gather [hbm4b:s4+s0], $0x20, s15, s0, $0xb8;
	[tilespmem:$0x18800] =	vst v63  }
0x133: {  	s17 =	simm.s32 $0xF800;
	s18 =	simm.s32 $0x6580  }
0x134: {  	[tilespmem:s17], [sflag:$0x2] =	stream.indirect.gather [hbm4b:s4+s0], $0x20, s18, s0, $0xb8;
	[tilespmem:$0x18800] =	vst v63  }
0x135: {  	s7 =	simm.s32 $0x6600  }
0x136: {  	[tilespmem:s8], [sflag:$0x3] =	stream.indirect.gather [hbm4b:s4+s0], $0x20, s7, s0, $0xb8;
	[tilespmem:$0x18800] =	vst v63  }
0x137: {  	s9 =	simm.s32 $0x11800;
	s12 =	simm.s32 $0x6680  }
0x138: {  	[tilespmem:s9], [sflag:$0x3] =	stream.indirect.gather [hbm4b:s4+s0], $0x20, s12, s0, $0xb8;
	[tilespmem:$0x18800] =	vst v63  }
0x139: {  	_ =	swait.ge [sflag:s10], $0x1000  }
0x13a: {  	[sflag:s10] =	ssyncset.done $0x0  }
0x13b: {  	[sflag:s10] =	ssyncadd.s32 $0xFFFFF000  }
0x13c: {  	_ =	swait.ge [sflag:s10], $0x1000  }
0x13d: {  	[sflag:s10] =	ssyncset.done $0x0  }
0x13e: {  	s28 =	simm.s32 $0x0;
	s14 =	rddreg [dreg:$0x9];
	[sflag:s10] =	ssyncadd.s32 $0xFFFFF000  }
0x13f: {  	[hbm4b:s14+s28] =	stream.linear.scatter [tilespmem:s2], [sflag:$0x7], $0x2000, $0x38;
	[tilespmem:$0x18800] =	vst v63  }
0x140: {  	s15 =	simm.s32 $0x6700  }
0x141: {  	[tilespmem:s11], [sflag:$0x4] =	stream.indirect.gather [hbm4b:s4+s0], $0x20, s15, s0, $0xb8;
	[tilespmem:$0x18800] =	vst v63  }
0x142: {  	s17 =	simm.s32 $0x13800;
	s18 =	simm.s32 $0x6780  }
0x143: {  	[tilespmem:s17], [sflag:$0x4] =	stream.indirect.gather [hbm4b:s4+s0], $0x20, s18, s0, $0xb8;
	[tilespmem:$0x18800] =	vst v63  }
0x144: {  	_ =	swait.ge [sflag:s13], $0x1000  }
0x145: {  	[sflag:s13] =	ssyncset.done $0x0  }
0x146: {  	[sflag:s13] =	ssyncadd.s32 $0xFFFFF000  }
0x147: {  	_ =	swait.ge [sflag:s13], $0x1000  }
0x148: {  	[sflag:s13] =	ssyncset.done $0x0  }
0x149: {  	s2 =	rddreg [dreg:$0xa];
	[sflag:s13] =	ssyncadd.s32 $0xFFFFF000  }
0x14a: {  	[hbm4b:s2+s28] =	stream.linear.scatter [tilespmem:s6], [sflag:$0x8], $0x2000, $0x38;
	[tilespmem:$0x18800] =	vst v63  }
0x14b: {  	s5 =	simm.s32 $0x14800;
	s7 =	simm.s32 $0x6800  }
0x14c: {  	[tilespmem:s5], [sflag:$0x5] =	stream.indirect.gather [hbm4b:s4+s0], $0x20, s7, s0, $0xb8;
	[tilespmem:$0x18800] =	vst v63  }
0x14d: {  	s9 =	simm.s32 $0x15800;
	s12 =	simm.s32 $0x6880  }
0x14e: {  	[tilespmem:s9], [sflag:$0x5] =	stream.indirect.gather [hbm4b:s4+s0], $0x20, s12, s0, $0xb8;
	[tilespmem:$0x18800] =	vst v63  }
0x14f: {  	_ =	swait.ge [sflag:s16], $0x1000  }
0x150: {  	[sflag:s16] =	ssyncset.done $0x0  }
0x151: {  	[sflag:s16] =	ssyncadd.s32 $0xFFFFF000  }
0x152: {  	_ =	swait.ge [sflag:s16], $0x1000  }
0x153: {  	s14 =	rddreg [dreg:$0xb]  }
0x154: {  	s1 =	rddreg [dreg:$0x18]  }
0x155: {  	[sflag:s16] =	ssyncset.done $0x0;
	s5 =	rddreg [dreg:$0x17]  }
0x156: {  	s29 =	rddreg [dreg:$0x14];
	[sflag:s16] =	ssyncadd.s32 $0xFFFFF000  }
0x157: {  	[hbm4b:s14+s28] =	stream.linear.scatter [tilespmem:s8], [sflag:$0x9], $0x2000, $0x38;
	[tilespmem:$0x18800] =	vst v63  }
0x158: {  	s15 =	simm.s32 $0x6900;
	s31 =	rddreg [dreg:$0x13];
	s14 =	simm.s32 $0x16800  }
0x159: {  	[tilespmem:s14], [sflag:$0x6] =	stream.indirect.gather [hbm4b:s4+s0], $0x20, s15, s0, $0xb8;
	[tilespmem:$0x18800] =	vst v63  }
0x15a: {  	s17 =	simm.s32 $0x17800;
	s18 =	simm.s32 $0x6980;
	s15 =	rddreg [dreg:$0x19]  }
0x15b: {  	[tilespmem:s17], [sflag:$0x6] =	stream.indirect.gather [hbm4b:s4+s0], $0x20, s18, s0, $0xb8;
	[tilespmem:$0x18800] =	vst v63  }
0x15c: {  	s18 =	rddreg [dreg:$0x15]  }
.LBB2_9:
0x15d: {  	_ =	swait.ge [sflag:s19], $0x1000  }
0x15e: {  	[sflag:s19] =	ssyncset.done $0x0  }
0x15f: {  	[sflag:s19] =	ssyncadd.s32 $0xFFFFF000  }
0x160: {  	_ =	swait.ge [sflag:s19], $0x1000  }
0x161: {  	[sflag:s19] =	ssyncset.done $0x0  }
0x162: {  	[sflag:s19] =	ssyncadd.s32 $0xFFFFF000  }
0x163: {  	[hbm4b:s18+s3] =	stream.linear.scatter [tilespmem:s11], [sflag:$0xA], $0x2000, $0x38;
	[tilespmem:$0x18800] =	vst v63  }
0x164: {  	_ =	swait.ge [sflag:s20], $0x2000  }
0x165: {  	s7 =	sshra.s32 s28, $0x2;
	[sflag:s20] =	ssyncset.done $0x0  }
0x166: {  	s2 =	simm.s32 $0xC800;
	s9 =	sadd.s32 $0x6A00, s7;
	[sflag:s20] =	ssyncadd.s32 $0xFFFFE000  }
0x167: {  	[tilespmem:s2], [sflag:$0x1] =	stream.indirect.gather [hbm4b:s4+s0], $0x20, s9, s0, $0xb8;
	[tilespmem:$0x18800] =	vst v63  }
0x168: {  	s12 =	simm.s32 $0xD800;
	s17 =	sadd.s32 $0x6A80, s7  }
0x169: {  	[tilespmem:s12], [sflag:$0x1] =	stream.indirect.gather [hbm4b:s4+s0], $0x20, s17, s0, $0xb8;
	[tilespmem:$0x18800] =	vst v63  }
0x16a: {  	_ =	swait.ge [sflag:s30], $0x1000  }
0x16b: {  	[sflag:s30] =	ssyncset.done $0x0  }
0x16c: {  	[sflag:s30] =	ssyncadd.s32 $0xFFFFF000  }
0x16d: {  	_ =	swait.ge [sflag:s30], $0x1000  }
0x16e: {  	[sflag:s30] =	ssyncset.done $0x0  }
0x16f: {  	s12 =	simm.s32 $0x14800;
	[sflag:s30] =	ssyncadd.s32 $0xFFFFF000  }
0x170: {  	[hbm4b:s29+s3] =	stream.linear.scatter [tilespmem:s12], [sflag:$0xB], $0x2000, $0x38;
	[tilespmem:$0x18800] =	vst v63  }
0x171: {  	_ =	swait.ge [sflag:s21], $0x2000  }
0x172: {  	[sflag:s21] =	ssyncset.done $0x0  }
0x173: {  	s17 =	sadd.s32 $0x6B00, s7;
	[sflag:s21] =	ssyncadd.s32 $0xFFFFE000  }
0x174: {  	[tilespmem:s6], [sflag:$0x2] =	stream.indirect.gather [hbm4b:s4+s0], $0x20, s17, s0, $0xb8;
	[tilespmem:$0x18800] =	vst v63  }
0x175: {  	s12 =	sadd.s32 $0x6B80, s7;
	s17 =	simm.s32 $0xF800  }
0x176: {  	[tilespmem:s17], [sflag:$0x2] =	stream.indirect.gather [hbm4b:s4+s0], $0x20, s12, s0, $0xb8;
	[tilespmem:$0x18800] =	vst v63  }
0x177: {  	_ =	swait.ge [sflag:s22], $0x1000  }
0x178: {  	[sflag:s22] =	ssyncset.done $0x0  }
0x179: {  	[sflag:s22] =	ssyncadd.s32 $0xFFFFF000  }
0x17a: {  	_ =	swait.ge [sflag:s22], $0x1000  }
0x17b: {  	[sflag:s22] =	ssyncset.done $0x0  }
0x17c: {  	[sflag:s22] =	ssyncadd.s32 $0xFFFFF000  }
0x17d: {  	[hbm4b:s31+s3] =	stream.linear.scatter [tilespmem:s14], [sflag:$0xC], $0x2000, $0x38;
	[tilespmem:$0x18800] =	vst v63  }
0x17e: {  	_ =	swait.ge [sflag:s23], $0x2000  }
0x17f: {  	[sflag:s23] =	ssyncset.done $0x0  }
0x180: {  	s12 =	sadd.s32 $0x6C00, s7;
	[sflag:s23] =	ssyncadd.s32 $0xFFFFE000  }
0x181: {  	[tilespmem:s8], [sflag:$0x3] =	stream.indirect.gather [hbm4b:s4+s0], $0x20, s12, s0, $0xb8;
	[tilespmem:$0x18800] =	vst v63  }
0x182: {  	s17 =	simm.s32 $0x11800;
	s14 =	sadd.s32 $0x6C80, s7  }
0x183: {  	[tilespmem:s17], [sflag:$0x3] =	stream.indirect.gather [hbm4b:s4+s0], $0x20, s14, s0, $0xb8;
	[tilespmem:$0x18800] =	vst v63  }
0x184: {  	_ =	swait.ge [sflag:s10], $0x1000  }
0x185: {  	[sflag:s10] =	ssyncset.done $0x0  }
0x186: {  	[sflag:s10] =	ssyncadd.s32 $0xFFFFF000  }
0x187: {  	_ =	swait.ge [sflag:s10], $0x1000  }
0x188: {  	[sflag:s10] =	ssyncset.done $0x0  }
0x189: {  	[sflag:s10] =	ssyncadd.s32 $0xFFFFF000  }
0x18a: {  	[hbm4b:s15+s3] =	stream.linear.scatter [tilespmem:s2], [sflag:$0x7], $0x2000, $0x38;
	[tilespmem:$0x18800] =	vst v63  }
0x18b: {  	_ =	swait.ge [sflag:s24], $0x2000  }
0x18c: {  	[sflag:s24] =	ssyncset.done $0x0  }
0x18d: {  	s12 =	sadd.s32 $0x6D00, s7;
	[sflag:s24] =	ssyncadd.s32 $0xFFFFE000  }
0x18e: {  	[tilespmem:s11], [sflag:$0x4] =	stream.indirect.gather [hbm4b:s4+s0], $0x20, s12, s0, $0xb8;
	[tilespmem:$0x18800] =	vst v63  }
0x18f: {  	s14 =	sadd.s32 $0x6D80, s7;
	s17 =	simm.s32 $0x13800  }
0x190: {  	[tilespmem:s17], [sflag:$0x4] =	stream.indirect.gather [hbm4b:s4+s0], $0x20, s14, s0, $0xb8;
	[tilespmem:$0x18800] =	vst v63  }
0x191: {  	_ =	swait.ge [sflag:s13], $0x1000  }
0x192: {  	[sflag:s13] =	ssyncset.done $0x0  }
0x193: {  	[sflag:s13] =	ssyncadd.s32 $0xFFFFF000  }
0x194: {  	_ =	swait.ge [sflag:s13], $0x1000  }
0x195: {  	[sflag:s13] =	ssyncset.done $0x0  }
0x196: {  	p0 =	seq.s32 s28, $0x16800;
	[sflag:s13] =	ssyncadd.s32 $0xFFFFF000  }
0x197: {  	[hbm4b:s1+s3] =	stream.linear.scatter [tilespmem:s6], [sflag:$0x8], $0x2000, $0x38;
	[tilespmem:$0x18800] =	vst v63  }
0x198: {  	s9 =	sshra.s32 @!p0 s28, $0x2;
	_ =	swait.ge [sflag:s25], $0x2000  }
0x199: {  	s12 =	sadd.s32 @!p0 $0x6E00, s9;
	[sflag:s25] =	ssyncset.done $0x0  }
0x19a: {  	s14 =	simm.s32 @!p0 $0x80;
	s17 =	simm.s32 @!p0 $0x14800;
	[sflag:s25] =	ssyncadd.s32 $0xFFFFE000  }
0x19b: {  	[tilespmem:s17], [sflag:$0x5] =	stream.indirect.gather @!p0 [hbm4b:s4+s14], $0x20, s12, s14, $0xb8;
	[tilespmem:$0x18800] =	vst v63  }
0x19c: {  	s9 =	sadd.s32 @!p0 $0x6E80, s9;
	s12 =	simm.s32 @!p0 $0x15800  }
0x19d: {  	[tilespmem:s12], [sflag:$0x5] =	stream.indirect.gather @!p0 [hbm4b:s4+s14], $0x20, s9, s14, $0xb8;
	[tilespmem:$0x18800] =	vst v63  }
0x19e: {  	_ =	swait.ge [sflag:s16], $0x1000  }
0x19f: {  	[sflag:s16] =	ssyncset.done $0x0  }
0x1a0: {  	[sflag:s16] =	ssyncadd.s32 $0xFFFFF000  }
0x1a1: {  	_ =	swait.ge [sflag:s16], $0x1000  }
0x1a2: {  	[sflag:s16] =	ssyncset.done $0x0  }
.Ltmp6:
0x1a3: {  	[sflag:s16] =	ssyncadd.s32 $0xFFFFF000;
	(pc) =	sbr.rel @p0 .LBB2_11-.Ltmp6, $4  }
0x1a4: {  	[hbm4b:s5+s3] =	stream.linear.scatter [tilespmem:s8], [sflag:$0x9], $0x2000, $0x38;
	[tilespmem:$0x18800] =	vst v63  }
0x1a5: {  	_ =	swait.ge [sflag:s26], $0x2000  }
0x1a6: {  	[sflag:s26] =	ssyncset.done $0x0  }
0x1a7: {  	s2 =	simm.s32 $0x16800;
	[sflag:s26] =	ssyncadd.s32 $0xFFFFE000  }
0x1a8: {  	s9 =	sadd.s32 $0x6F00, s7;
	s14 =	sadd.s32 $0x6F80, s7;
	s17 =	simm.s32 $0x17800  }
.Ltmp7:
0x1a9: {  	s28 =	sadd.s32 $0x1800, s28;
	s31 =	sadd.s32 $0x60000, s31;
	(pc) =	sbr.rel .LBB2_9-.Ltmp7, $4  }
0x1aa: {  	[tilespmem:s2], [sflag:$0x6] =	stream.indirect.gather [hbm4b:s4+s0], $0x20, s9, s0, $0xb8;
	[tilespmem:$0x18800] =	vst v63  }
0x1ab: {  	s29 =	sadd.s32 $0x60000, s29;
	s18 =	sadd.s32 $0x60000, s18;
	s5 =	sadd.s32 $0x60000, s5  }
0x1ac: {  	[tilespmem:s17], [sflag:$0x6] =	stream.indirect.gather [hbm4b:s4+s0], $0x20, s14, s0, $0xb8;
	[tilespmem:$0x18800] =	vst v63  }
0x1ad: {  	s1 =	sadd.s32 $0x60000, s1;
	s15 =	sadd.s32 $0x60000, s15;
	s14 =	simm.s32 $0x16800  }
.LBB2_12:
0x1ae: {  	_ =	sfence.sel $0x180000  }
0x1af: {  	[bflag:$0x0] =	sbarrier.arrive $0xFFFF  }
0x1b0: {  	_ =	strace $0x90000047  }
0x1b1: {  	s0 =	stileid.u32;
	[bflag:$0x2] =	sbarrier.arrive $0xFFFF  }
0x1b2: {  	p0 =	sne.s32 s0, $0x0;
	s0 =	rddreg [dreg:$0x2]  }
0x1b3: {  	s0 =	sadd.s32 @!p0 $0x100000, s0  }
0x1b4: {  	[sflag:s0] =	ssyncadd.tile.s32 @!p0 $0x1;
	_ =	shalt  }
.Lfunc_end2:
_tile_overlayer_lowered:
.L_overlay_start_2:
0x1b5: {  	(tag) =	ssettag $0x2  }
0x1b6: {  	s0 =	rddreg [dreg:$0x0];
	s2 =	stileid.u32  }
0x1b7: {  	s1 =	rddreg [dreg:$0x1];
	p0 =	sne.s32 s2, $0x0  }
0x1b8: {  	s3 =	rddreg [dreg:$0x2];
	[bflag:$0x3] =	sbarrier.arrive $0xFFFF;
	s2 =	simm.s32 @!p0 $0x1C0D  }
0x1b9: {  	[timem:s3], [sflag:s2] =	dma.local @!p0 [hbm:s0], s1  }
0x1ba: {  	s0 =	simm.s32 @!p0 $0xD  }
0x1bb: {  	_ =	swait.ge @!p0 [sflag:s0], s1  }
0x1bc: {  	s1 =	ssub.s32 @!p0 $0x0, s1;
	[sflag:s0] =	ssyncset.done @!p0 $0x0  }
0x1bd: {  	[sflag:s0] =	ssyncadd.s32 @!p0 s1  }
0x1be: {  	[bflag:$0x3] =	sbarrier.arrive $0xFFFF  }
0x1bf: {  	_ =	shalt  }

// kernel: sparse-core-data-format-call.cloned.1.call-start
scs
called_computation_lowered:
.L_overlay_start_0:
0x0: {  	s2 =	sld [smem:$0x3FD9]  }
0x1: {  	s3 =	sld [smem:$0x3FFE];
	_ =	sdelay $0x1  }
0x2: {  	s1 =	srdreg.scid  }
0x3: {  	s0 =	sand.u32 $0x1, s1  }
0x4: {  	s18 =	sshll.u32 s0, $0xA;
	s2 =	sadd.s32 s3, s2  }
0x5: {  	s2 =	sadd.s32 s2, s18  }
0x6: {  	[smem:$0x3FC6] =	sst s2  }
0x7: {  	_ = 	snop  }
0x8: {  	s2 =	sld [smem:$0x3FD0];
	(tm) =	ssettm $0x1  }
0x9: {  	s19 =	sld [smem:$0x3FFB];
	_ =	sdelay $0x3  }
0xa: {  	_ =	strace s19  }
0xb: {  	s3 =	sld [smem:$0x3FFC];
	_ =	sdelay $0x3  }
0xc: {  	_ =	strace s3  }
0xd: {  	s3 =	sld [smem:$0x3FFD];
	_ =	sdelay $0x3  }
0xe: {  	_ =	strace s3  }
0xf: {  	_ =	strace $0x8FFFFFFF  }
0x10: {  	s20 =	sld [smem:$0x3FDB];
	_ =	sdelay $0x1  }
0x11: {  	s4 =	simm.s32 $_scs_section_size  }
0x12: {  	s5 =	simm.s32 $_size__tile_overlayer_lowered;
	s6 =	simm.s32 $_tile_overlayer_lowered  }
0x13: {  	s23 =	simm.s32 $0x1BFF;
	s22 =	sshll.u32 s6, $0x1;
	s3 =	sadd.s32 s4, s20  }
0x14: {  	s7 =	simm.s32 $0x0;
	s21 =	sshll.u32 s5, $0x1;
	s5 =	sadd.s32 s22, s3  }
0x15: {  	[timem:s7], [sflag:s23] =	dma.local [hbm:s5], s21  }
0x16: {  	_ =	swait.ge [sflag:s23], s21  }
0x17: {  	s4 =	ssub.s32 $0x0, s21;
	[sflag:s23] =	ssyncset.done $0x0  }
0x18: {  	[sflag:s23] =	ssyncadd.s32 s4;
	_ =	sdelay $0x1  }
0x19: {  	s24 =	simm.s32 $0x1B8B  }
0x1a: {  	_ =	swait.ge [sflag:s24], $0x1  }
0x1b: {  	[sflag:s24] =	ssyncset.done $0x0  }
0x1c: {  	s26 =	simm.s32 $0x1B8E;
	s25 =	sld [smem:$0x3FFE];
	[sflag:s24] =	ssyncadd.s32 $0xFFFFFFFF  }
0x1d: {  	s27 =	simm.s32 $execute0_lowered;
	[smem:$0x3FD2] =	sst s26  }
0x1e: {  	s5 =	sshll.u32 s27, $0x1;
	_ =	strace $0x80000049;
	[dreg:$0x1] =	wrdreg $0xFFFFFFFF  }
0x1f: {  	s28 =	simm.s32 $_size_execute0_lowered;
	s3 =	sadd.s32 s3, s5;
	[dreg:$0x0] =	wrdreg $0x0  }
0x20: {  	s5 =	sshll.u32 s28, $0x1;
	[dreg:$0x2] =	wrdreg s3  }
0x21: {  	[dreg:$0x3] =	wrdreg s5  }
0x22: {  	[dreg:$0x4] =	wrdreg $0xC0  }
0x23: {  	_ =	task [dreg:s7], $0x5FFFF  }
0x24: {  	[dreg:$0x1] =	wrdreg $0xFFFFFFFF  }
0x25: {  	[dreg:$0x0] =	wrdreg $0x60  }
0x26: {  	[dreg:$0x2] =	wrdreg s25  }
0x27: {  	[dreg:$0x3] =	wrdreg s2  }
0x28: {  	[dreg:$0x4] =	wrdreg $0x9  }
0x29: {  	_ =	task.clear_ibuf [dreg:s7], $0x5FFFF;
	_ =	strace $0x90000049  }
0x2a: {  	s29 =	simm.s32 $0x9;
	_ =	strace $0x8000004B  }
0x2b: {  	_ =	swait.ge [sflag:s29], $0x1  }
0x2c: {  	[sflag:s29] =	ssyncadd.s32 $0xFFFFFFFF  }
0x2d: {  	_ =	strace $0x9000004B  }
0x2e: {  	_ =	sfence  }
0x2f: {  	s30 =	sld [smem:$0x0];
	_ =	sdelay $0x2  }
0x30: {  	s31 =	sshll.u32 s1, $0xD;
	s1 =	sshrl.u32 s1, $0x2  }
0x31: {  	s3 =	sand.u32 $0x4000, s31;
	s1 =	sadd.s32 s1, s30  }
0x32: {  	s0 =	sor.u32 s3, s0;
	s1 =	sshll.u32 s1, $0x11  }
0x33: {  	s0 =	sor.u32 s1, s0  }
0x34: {  	s0 =	sadd.s32 $0x8F2B, s0  }
0x35: {  	[sflag:s0] =	ssyncadd.remote.s32 $0x1  }
0x36: {  	_ =	sfence.sel $0xFFFF  }
0x37: {  	[dreg:$0x0] =	wrdreg $0xFFFFFFFF;
	(pc) =	sbr.abs _section_cstart, $3  }
0x38: {  	[dreg:$0x1] =	wrdreg $0xFFFFFFFF  }
0x39: {  	_ =	task.clear_ibuf [dreg:s7], $0x2FFFF;
	_ =	strace $0x9FFFFFFF  }
0x3a: {  	(tm) =	ssettm $0x7FFFFFFF  }
0x3b: {  	_ =	shalt  }
tec
execute0_lowered:
.L_overlay_start_1:
0x0: {  	(tag) =	ssettag $0x1  }
0x1: {  	s0 =	srdreg.scid  }
0x2: {  	s1 =	sshll.u32 s0, $0x4  }
0x3: {  	s9 =	rddreg [dreg:$0x0];
	s0 =	stileid.u32;
	s1 =	sand.u32 $0x10, s1  }
0x4: {  	s3 =	rddreg [dreg:$0x1];
	s5 =	simm.s32 $0x1;
	s1 =	sor.u32 s0, s1  }
0x5: {  	s7 =	simm.s32 $0x2;
	s15 =	simm.s32 $0x0;
	s2 =	sshll.u32 s1, $0x7  }
0x6: {  	s11 =	simm.s32 $0x20000;
	s16 =	simm.s32 $0x0;
	s4 =	ssub.s32 $0x4000, s2  }
0x7: {  	s13 =	simm.s32 $0x0;
	s14 =	simm.s32 $0x0;
	s31 =	sand.u32 $0xF80, s4  }
0x8: {  	s8 =	sadd.s32 $0x80800, s9;
	s1 =	rddreg [dreg:$0x2];
	p0 =	sne.s32 s31, $0x0  }
.Ltmp0:
0x9: {  	s6 =	sshrl.u32 s4, $0xC;
	s5 =	simm.s32 @!p0 $0x0;
	(pc) =	sbr.rel .LBB1_1-.Ltmp0, $4  }
0xa: {  	_ =	strace $0x8000004A;
	s4 =	simm.s32 $0x1;
	s5 =	sadd.s32 s5, s6  }
0xb: {  	s12 =	smov.u32 s2;
	[sflag:s4] =	ssyncpa.u1 $0x0;
	s5 =	smul.u32 $0x19, s5  }
0xc: {  	[sflag:s7] =	ssyncpa.u1 $0x0;
	s7 =	sadd.s32 $0x40800, s9;
	p0 =	por $0x0, $0x0  }
0xd: {  	s6 =	sadd.s32 $0x800, s9;
	s9 =	sadd.s32 $0xC0800, s9;
	s10 =	sadd.s32 $0x1, s5  }
.LBB1_7:
0xe: {  	s17 =	sadd.s32 $0x1000, s12  }
0xf: {  	s15 =	sadd.s32 $0x4, s13;
	s19 =	smov.u32 s13;
	p2 =	sgt.s32 s17, $0x3FFF  }
0x10: {  	s19 =	smov.u32 @p2 s15  }
0x11: {  	s17 =	smov.u32 @p2 s2;
	p2 =	sgt.s32 s19, $0x63  }
0x12: {  	s19 =	simm.s32 @p2 $0x0;
	p2 =	sne.s32 s14, s10  }
.Ltmp1:
0x13: {  	p1 =	slt.u32 s14, $0x2;
	(pc) =	sbr.rel @!p2 .LBB1_8-.Ltmp1, $4  }
0x14: {  	s18 =	simm.s32 @!p1 $0x2  }
0x15: {  	s16 =	smov.u32 s13;
	p0 =	por !p0, !p0;
	_ =	swait.ge @!p1 [sflag:s18], $0x4000  }
0x16: {  	s15 =	smov.u32 s12;
	[sflag:s18] =	ssyncset.done @!p1 $0x0;
	s12 =	smov.u32 s17  }
0x17: {  	s14 =	sadd.s32 $0x1, s14;
	[sflag:s18] =	ssyncadd.s32 @!p1 $0xFFFFC000;
	s13 =	smov.u32 s19  }
.LBB1_1:
0x18: {  	p1 =	sge.u32 s14, s5  }
0x19: {  	s17 =	sxor.u32 @!p1 $0xFFFFFFFF, s14  }
0x1a: {  	s18 =	sshll.u32 @!p1 s13, $0x12;
	s19 =	sshll.u32 @!p1 s12, $0x4;
	s21 =	simm.s32 @!p1 $0x20  }
0x1b: {  	s17 =	sshll.u32 @!p1 s17, $0xE;
	s19 =	sand.u32 @!p1 $0x3FFF0, s19;
	s20 =	sadd.s32 @!p1 s6, s18  }
0x1c: {  	s22 =	simm.s32 @!p1 $0x80;
	s17 =	sand.u32 @!p1 $0x4000, s17;
	s20 =	sadd.s32 @!p1 s19, s20  }
0x1d: {  	[tilespmem:s17], [sflag:$0x1] =	stream.strided.gather @!p1 [hbm4b:s20+s21], $0x1000, s22, s21, $0x38;
	[tilespmem:$0x10100] =	vst v63  }
0x1e: {  	s20 =	sadd.s32 @!p1 s18, s7  }
0x1f: {  	s23 =	sor.u32 @!p1 $0x1000, s17;
	s20 =	sadd.s32 @!p1 s19, s20  }
0x20: {  	[tilespmem:s23], [sflag:$0x1] =	stream.strided.gather @!p1 [hbm4b:s20+s21], $0x1000, s22, s21, $0x38;
	[tilespmem:$0x10100] =	vst v63  }
0x21: {  	s20 =	sadd.s32 @!p1 s18, s8  }
0x22: {  	s23 =	sor.u32 @!p1 $0x2000, s17;
	s18 =	sadd.s32 @!p1 s18, s9;
	s20 =	sadd.s32 @!p1 s19, s20  }
0x23: {  	[tilespmem:s23], [sflag:$0x1] =	stream.strided.gather @!p1 [hbm4b:s20+s21], $0x1000, s22, s21, $0x38;
	[tilespmem:$0x10100] =	vst v63  }
0x24: {  	s31 =	sadd.s32 $0xFFFFFFFF, s14;
	s17 =	sor.u32 @!p1 $0x3000, s17;
	s18 =	sadd.s32 @!p1 s19, s18  }
0x25: {  	[tilespmem:s17], [sflag:$0x1] =	stream.strided.gather @!p1 [hbm4b:s18+s21], $0x1000, s22, s21, $0x38;
	[tilespmem:$0x10100] =	vst v63  }
0x26: {  	p1 =	sge.u32 s31, s5  }
.Ltmp2:
0x27: {  	_ = 	snop;
	(pc) =	sbr.rel @p1 .LBB1_7-.Ltmp2, $1  }
0x28: {  	_ =	sdelay $0x3  }
0x29: {  	s17 =	simm.s32 $0x1;
	s19 =	sand.u32 $0x1, s14  }
0x2a: {  	_ =	swait.ge [sflag:s4], $0x4000;
	s17 =	simm.s32 @!p0 $0x0;
	s20 =	smul.u32 $0x10200, s19  }
0x2b: {  	[sflag:s4] =	ssyncset.done $0x0;
	s18 =	smul.u32 $0x10200, s17  }
0x2c: {  	s17 =	sshll.u32 s17, $0xE;
	[sflag:s4] =	ssyncadd.s32 $0xFFFFC000  }
0x2d: {  	s19 =	sor.u32 $0x10, s17;
	s31 =	sshrl.u32 s20, $0x2;
	s18 =	sshrl.u32 s18, $0x2  }
0x2e: {  	s20 =	simm.s32 $0x0;
	s17 =	sor.u32 $0x8000, s31;
	s18 =	sor.u32 $0x8000, s18  }
.LBB1_3:
0x2f: {  	v1 =	vld [tilespmem:s19+$0x0]  }
0x30: {  	v0 =	vld [tilespmem:s19+$0xFFFFFFF0];
	_ =	sdelay $0x2  }
0x31: {  	s23 =	sadd.s32 $0x0, s18  }
0x32: {  	s21 =	simm.s32 $0x4;
	s22 =	sadd.s32 $0x20, s19;
	[tilespmem:s23+$0x810 ss:$0x81] =	vst.msk $0xffff, v1  }
.LBB1_4:
0x33: {  	v1 =	vld [tilespmem:s22+$0x0];
	p1 =	sne.s32 s21, $0x1FC;
	[tilespmem:s23+$0x0 ss:$0x81] =	vst.msk $0xffff, v0;
	s23 =	smov.u32 s21;
	s21 =	sadd.s32 $0x4, s21  }
.Ltmp3:
0x34: {  	v0 =	vld [tilespmem:s22+$0xFFFFFFF0];
	(pc) =	sbr.rel @p1 .LBB1_4-.Ltmp3, $4  }
0x35: {  	_ = 	snop  }
0x36: {  	s23 =	sshra.s32 s23, $0x2  }
0x37: {  	s23 =	sadd.s32 s23, s18  }
0x38: {  	s22 =	sadd.s32 $0x20, s22;
	[tilespmem:s23+$0x810 ss:$0x81] =	vst.msk $0xffff, v1  }
0x39: {  	s20 =	sadd.s32 $0x1, s20  }
0x3a: {  	p1 =	sne.s32 s20, $0x4  }
.Ltmp4:
0x3b: {  	_ = 	snop;
	(pc) =	sbr.rel @p1 .LBB1_3-.Ltmp4, $2  }
0x3c: {  	_ =	sdelay $0x2  }
0x3d: {  	[tilespmem:s23+$0x0 ss:$0x81] =	vst.msk $0xffff, v0;
	s18 =	sadd.s32 $0x1020, s18;
	s19 =	sadd.s32 $0x1000, s19  }
0x3e: {  	s18 =	sshll.u32 s15, $0x3;
	s19 =	sand.u32 $0x78, s15;
	s16 =	sshll.u32 s16, $0x10  }
.Ltmp5:
0x3f: {  	s30 =	sand.u32 $0xF800, s15;
	s18 =	sand.u32 $0x3C00, s18;
	(pc) =	sbr.rel .LBB1_7-.Ltmp5, $4  }
0x40: {  	s31 =	sand.u32 $0x7, s15;
	s16 =	sadd.s32 s3, s16;
	s18 =	sor.u32 s19, s18  }
0x41: {  	s15 =	sshll.u32 s31, $0x12;
	s16 =	sadd.s32 s30, s16;
	s18 =	sshrl.u32 s18, $0x3  }
0x42: {  	s15 =	sor.u32 $0x400, s15;
	s16 =	sadd.s32 s18, s16  }
0x43: {  	[hbm4b:s16+s15] =	stream.strided.scatter [tilespmem:s17], [sflag:$0x2], $0x4000, s11, s15, $0x20;
	[tilespmem:$0x10100] =	vst v63  }
.LBB1_8:
0x44: {  	_ =	sfence.sel $0x180000  }
0x45: {  	s2 =	simm.s32 $0x1;
	[bflag:$0x0] =	sbarrier.arrive $0xFFFF  }
0x46: {  	s31 =	simm.s32 $0x2;
	[sflag:s2] =	ssyncpa.u1 $0x1  }
0x47: {  	[sflag:s31] =	ssyncpa.u1 $0x1  }
0x48: {  	p0 =	sne.s32 s0, $0x0;
	_ =	strace $0x9000004A  }
0x49: {  	s0 =	sadd.s32 @!p0 $0x100000, s1;
	[bflag:$0x2] =	sbarrier.arrive $0xFFFF  }
0x4a: {  	[sflag:s0] =	ssyncadd.tile.s32 @!p0 $0x1;
	_ =	shalt  }
.Lfunc_end1:
_tile_overlayer_lowered:
.L_overlay_start_2:
0x4b: {  	(tag) =	ssettag $0x2  }
0x4c: {  	s0 =	rddreg [dreg:$0x0];
	s2 =	stileid.u32  }
0x4d: {  	s1 =	rddreg [dreg:$0x1];
	p0 =	sne.s32 s2, $0x0  }
0x4e: {  	s3 =	rddreg [dreg:$0x2];
	[bflag:$0x3] =	sbarrier.arrive $0xFFFF;
	s2 =	simm.s32 @!p0 $0x1C01  }
0x4f: {  	[timem:s3], [sflag:s2] =	dma.local @!p0 [hbm:s0], s1  }
0x50: {  	s0 =	simm.s32 @!p0 $0x1  }
0x51: {  	_ =	swait.ge @!p0 [sflag:s0], s1  }
0x52: {  	s1 =	ssub.s32 @!p0 $0x0, s1;
	[sflag:s0] =	ssyncset.done @!p0 $0x0  }
0x53: {  	[sflag:s0] =	ssyncadd.s32 @!p0 s1  }
0x54: {  	[bflag:$0x3] =	sbarrier.arrive $0xFFFF  }
0x55: {  	_ =	shalt  }

</sc_bundles>
